<compile_context>
chip_gen: v7x
topology: tpu7x:2x2x1
jax: 0.10.2.dev20260603
libtpu: 0.0.44.dev20260713+nightly
codegen_flags: <defaults>
</compile_context>

<pallas_src>
import functools

import jax
import jax.numpy as jnp
from jax import lax
from jax.experimental import pallas as pl
from jax.experimental.pallas import tpu as pltpu
from jax.experimental.pallas import tpu_sc as plsc

F = 16
NC = 2
NS = 16
NW = NC * NS
SUB = 128
NB = 4


def _mesh():
    return plsc.VectorSubcoreMesh(core_axis_name="c", subcore_axis_name="s",
                                  num_cores=NC, num_subcores=NS)


def _sc_degree(n_pad, nsub, k0):
    rpt = n_pad // NS
    k1 = 2 * nsub - k0

    @functools.partial(
        pl.kernel,
        out_type=jax.ShapeDtypeStruct((NC, n_pad, F), jnp.float32),
        mesh=_mesh(),
        compiler_params=pltpu.CompilerParams(use_tc_tiling_on_sc=False),
        scratch_types=[
            pltpu.VMEM((max(2 * nsub - k0, k0), SUB), jnp.int32),
            pltpu.VMEM((SUB, F), jnp.float32),
            pltpu.VMEM_SHARED((n_pad, F), jnp.float32),
            pltpu.SemaphoreType.DMA,
        ],
    )
    def deg_kernel(dst_hbm, ones_hbm, zeros_hbm, out_hbm, didx_v, ones_v, acc_sh,
                   sem):
        c = lax.axis_index("c")
        s = lax.axis_index("s")
        nsub_c = jnp.where(c == 0, k0, k1)
        base = c * NS * k0 + s * nsub_c
        kmax = max(k0, k1)
        pltpu.sync_copy(dst_hbm.at[pl.ds(base, kmax)], didx_v)
        pltpu.sync_copy(ones_hbm, ones_v)
        pltpu.sync_copy(zeros_hbm.at[pl.ds(s * rpt, rpt)],
                        acc_sh.at[pl.ds(s * rpt, rpt)])
        plsc.subcore_barrier()

        def body(j, carry):
            pltpu.async_copy(ones_v, acc_sh.at[didx_v.at[j]], sem, add=True)
            return carry

        lax.fori_loop(0, nsub_c, body, 0)

        def drain(j, carry):
            pltpu.make_async_copy(ones_v, acc_sh.at[didx_v.at[0]], sem).wait()
            return carry

        lax.fori_loop(0, nsub_c, drain, 0)
        plsc.subcore_barrier()
        pltpu.sync_copy(acc_sh.at[pl.ds(s * rpt, rpt)],
                        out_hbm.at[c, pl.ds(s * rpt, rpt)])

    return deg_kernel


def _sc_scatter(n, n_pad, nsub, k0):
    rpt = n_pad // NS
    k1 = 2 * nsub - k0
    kmax = max(k0, k1)

    @functools.partial(
        pl.kernel,
        out_type=jax.ShapeDtypeStruct((NC, n_pad, F), jnp.float32),
        mesh=_mesh(),
        compiler_params=pltpu.CompilerParams(use_tc_tiling_on_sc=False),
        scratch_types=[
            pltpu.VMEM((max(2 * nsub - k0, k0), SUB), jnp.int32),
            pltpu.VMEM((max(2 * nsub - k0, k0), SUB), jnp.int32),
            pltpu.VMEM((2 * NB, SUB, F), jnp.float32),
            pltpu.VMEM_SHARED((n_pad, F), jnp.float32),
            pltpu.SemaphoreType.DMA,
            pltpu.SemaphoreType.DMA,
        ],
    )
    def scat_kernel(src_hbm, dst_hbm, rows_hbm, zeros_hbm, out_hbm,
                    sidx_v, didx_v, rows_v, acc_sh, gsem, ssem):
        c = lax.axis_index("c")
        s = lax.axis_index("s")
        T = 2 * NB
        nsub_c = jnp.where(c == 0, k0, k1)
        base = c * NS * k0 + s * nsub_c
        pltpu.sync_copy(src_hbm.at[pl.ds(base, kmax)], sidx_v)
        pltpu.sync_copy(dst_hbm.at[pl.ds(base, kmax)], didx_v)
        pltpu.sync_copy(zeros_hbm.at[pl.ds(s * rpt, rpt)],
                        acc_sh.at[pl.ds(s * rpt, rpt)])
        plsc.subcore_barrier()

        def wait_gather(j, b):
            pltpu.make_async_copy(rows_hbm.at[sidx_v.at[j]],
                                  rows_v.at[b], gsem).wait()

        def wait_scatter(b):
            pltpu.make_async_copy(rows_v.at[b],
                                  acc_sh.at[didx_v.at[0]], ssem).wait()

        for b in range(NB):
            pltpu.async_copy(rows_hbm.at[sidx_v.at[b]], rows_v.at[b], gsem)
        for b in range(T):
            wait_gather(b, b)
            pltpu.async_copy(rows_v.at[b], acc_sh.at[didx_v.at[b]], ssem,
                             add=True)
            if b >= NB:
                wait_scatter(b - NB)
            pltpu.async_copy(rows_hbm.at[sidx_v.at[b + NB]],
                             rows_v.at[(b + NB) % T], gsem)

        def body(jo, carry):
            for b in range(T):
                j = jo * T + b
                wait_gather(j, b)
                pltpu.async_copy(rows_v.at[b], acc_sh.at[didx_v.at[j]], ssem,
                                 add=True)
                wait_scatter((b + NB) % T)
                jn = jnp.minimum(j + NB, nsub_c - 1)
                pltpu.async_copy(rows_hbm.at[sidx_v.at[jn]],
                                 rows_v.at[(b + NB) % T], gsem)
            return carry

        lax.fori_loop(1, nsub_c // T, body, 0)
        for b in range(NB):
            wait_scatter(b)
            wait_gather(0, b)
        plsc.subcore_barrier()
        pltpu.sync_copy(acc_sh.at[pl.ds(s * rpt, rpt)],
                        out_hbm.at[c, pl.ds(s * rpt, rpt)])

    return scat_kernel


def _tc0_body(x_ref, w1_ref, xw_ref):
    n = x_ref.shape[0]
    n_pad = xw_ref.shape[0]
    xw_ref[pl.ds(0, n), :] = jnp.dot(x_ref[...], w1_ref[...],
                                     preferred_element_type=jnp.float32)
    xw_ref[pl.ds(n, n_pad - n), :] = jnp.zeros((n_pad - n, xw_ref.shape[1]),
                                               jnp.float32)


def _tc1_body(p_ref, xw_ref, xw1s_ref, dis_ref):
    deg = p_ref[0] + p_ref[1] + 1.0
    dis = lax.rsqrt(deg)
    dis_ref[...] = dis
    xw1s_ref[...] = xw_ref[...] * dis


def _tc2_body(p_ref, xw1s, dis, b1, w2_ref, out_ref):
    h = jnp.maximum(dis[...] * (p_ref[0] + p_ref[1] + xw1s[...]) + b1[...],
                    0.0)
    hw = jnp.dot(h, w2_ref[...], preferred_element_type=jnp.float32)
    out_ref[...] = hw * dis[...]


def _tc3_body(p_ref, hw2s, dis, b2, out_ref):
    n = out_ref.shape[0]
    logits = (dis[pl.ds(0, n), :]
              * (p_ref[0, pl.ds(0, n), :] + p_ref[1, pl.ds(0, n), :]
                 + hw2s[pl.ds(0, n), :])
              + b2[...])
    m = jnp.max(logits, axis=1, keepdims=True)
    lse = jnp.log(jnp.sum(jnp.exp(logits - m), axis=1, keepdims=True)) + m
    out_ref[...] = logits - lse


def kernel(x, edge_index, W1, b1, W2, b2):
    n, d = x.shape
    f = W1.shape[1]
    e = edge_index.shape[1]
    assert f == F and W2.shape[1] == F

    e_pad = -(-e // (NW * SUB * 8)) * (NW * SUB * 8)
    nsub = e_pad // (NW * SUB)
    n_pad = -(-(n + 1) // (NS * 8)) * (NS * 8)
    src = edge_index[0]
    dst = edge_index[1]
    if e_pad > e:
        src = jnp.concatenate([src, jnp.zeros((e_pad - e,), src.dtype)])
        dst = jnp.concatenate([dst, jnp.full((e_pad - e,), n, dst.dtype)])
    src2d = src.reshape(NW * nsub, SUB).astype(jnp.int32)
    dst2d = dst.reshape(NW * nsub, SUB).astype(jnp.int32)
    zeros = jnp.zeros((n_pad, F), jnp.float32)
    ones = jnp.ones((SUB, F), jnp.float32)

    tc0 = pl.pallas_call(
        _tc0_body,
        out_shape=jax.ShapeDtypeStruct((n_pad, F), jnp.float32),
    )
    xw1 = tc0(x, W1)

    k0 = max(8, int(round(0.55 * 2 * nsub / 8)) * 8)
    degp = _sc_degree(n_pad, nsub, k0)(dst2d, ones, zeros)

    tc1 = pl.pallas_call(
        _tc1_body,
        out_shape=[jax.ShapeDtypeStruct((n_pad, F), jnp.float32),
                   jax.ShapeDtypeStruct((n_pad, F), jnp.float32)],
    )
    xw1s, dis = tc1(degp, xw1)

    scat = _sc_scatter(n, n_pad, nsub, k0)
    s1 = scat(src2d, dst2d, xw1s, zeros)

    tc2 = pl.pallas_call(
        _tc2_body,
        out_shape=jax.ShapeDtypeStruct((n_pad, F), jnp.float32),
    )
    hw2s = tc2(s1, xw1s, dis, b1.reshape(1, F), W2)

    s2 = scat(src2d, dst2d, hw2s, zeros)

    tc3 = pl.pallas_call(
        _tc3_body,
        out_shape=jax.ShapeDtypeStruct((n, F), jnp.float32),
    )
    return tc3(s2, hw2s, dis, b2.reshape(1, F))

# --- scband reference (transcript-rebuilt; emitter-appended) ---
"""Pipeline reference for scband-net-20804821582362 (READ-ONLY COPY).

The authoritative reference and input builder live on the scoring server;
editing this copy changes nothing except your own understanding.
"""

import jax, jax.numpy as jnp
import numpy as np

N = 10000
E = 320000
D = 128
H = 16
C = 16


def setup_inputs(seed: int = 0) -> dict:
    key = jax.random.key(seed)
    k1, k2, k3, k4 = jax.random.split(key, 4)
    x = jax.random.normal(k1, (N, D), dtype=jnp.float32)
    edge_index = jax.random.randint(k2, (2, E), 0, N, dtype=jnp.int64)
    W1 = jax.random.normal(k3, (D, H), dtype=jnp.float32) * 0.05
    b1 = jnp.zeros((H,), dtype=jnp.float32)
    W2 = jax.random.normal(k4, (H, C), dtype=jnp.float32) * 0.05
    b2 = jnp.zeros((C,), dtype=jnp.float32)
    return {"x": x, "edge_index": edge_index, "W1": W1, "b1": b1, "W2": W2, "b2": b2}


def _gcn_conv(x, src, dst, W, b, num_nodes):
    # GCNConv: x' = D^{-1/2} (A + I) D^{-1/2} (x W) + b
    xw = x @ W
    deg = jax.ops.segment_sum(jnp.ones_like(dst, dtype=xw.dtype), dst, num_segments=num_nodes)
    deg_inv_sqrt = jnp.where(deg > 0, 1.0 / jnp.sqrt(deg), 0.0)
    norm = deg_inv_sqrt[src] * deg_inv_sqrt[dst]
    msgs = xw[src] * norm[:, None]
    out = jax.ops.segment_sum(msgs, dst, num_segments=num_nodes)
    return out + b


def reference(x, edge_index, W1, b1, W2, b2):
    num_nodes = x.shape[0]
    # add self loops (as in PyG GCNConv default)
    loop = jnp.arange(num_nodes, dtype=edge_index.dtype)
    src = jnp.concatenate([edge_index[0], loop])
    dst = jnp.concatenate([edge_index[1], loop])
    h = _gcn_conv(x, src, dst, W1, b1, num_nodes)
    h = jax.nn.relu(h)
    # dropout is identity in eval mode
    out = _gcn_conv(h, src, dst, W2, b2, num_nodes)
    return jax.nn.log_softmax(out, axis=1)

if __name__ == "__main__":
    import jax
    _d = setup_inputs()
    print(jax.jit(kernel)(*tuple(_d.values())))

</pallas_src>

<mosaic_0001>
#map = affine_map<(d0, d1) -> (0, 0)>
#map1 = affine_map<(d0, d1) -> (0, 0, 0)>
module attributes {stable_mosaic.version = 14 : i64} {
  func.func @scat_kernel(%arg0: i32, %arg1: i32, %arg2: memref<2560x128xi32, #tpu.memory_space<hbm>>, %arg3: memref<2560x128xi32, #tpu.memory_space<hbm>>, %arg4: memref<10112x16xf32, #tpu.memory_space<hbm>>, %arg5: memref<10112x16xf32, #tpu.memory_space<hbm>>, %arg6: memref<2x10112x16xf32, #tpu.memory_space<hbm>>, %arg7: memref<88x128xi32, #tpu.memory_space<vmem>>, %arg8: memref<88x128xi32, #tpu.memory_space<vmem>>, %arg9: memref<8x128x16xf32, #tpu.memory_space<vmem>>, %arg10: memref<10112x16xf32, #tpu.memory_space<vmem_shared>>, %arg11: memref<!tpu.dma_semaphore, #tpu.memory_space<semaphore_mem>>, %arg12: memref<!tpu.dma_semaphore, #tpu.memory_space<semaphore_mem>>) attributes {dimension_semantics = [#tpu.dimension_semantics<core_parallel>, #tpu.dimension_semantics<subcore_parallel>], iteration_bounds = array<i64: 2, 16>, scalar_prefetch = 0 : i64, scratch_operands = 6 : i64, tpu.core_type = #tpu.core_type<sc_vector_subcore>, window_params = [{transform_indices = #map}, {transform_indices = #map}, {transform_indices = #map}, {transform_indices = #map}, {transform_indices = #map1}]} {
    %eq3A = arith.constant 0 : i32
    %eq3A_0 = arith.cmpi eq, %arg0, %eq3A : i32
    %jit3A = arith.constant 88 : i32
    %jit3A_1 = arith.constant 72 : i32
    %select_n3A = arith.select %eq3A_0, %jit3A, %jit3A_1 : i32
    %mul3A = arith.constant 16 : i32
    %mul3A_2 = arith.muli %arg0, %mul3A : i32
    %mul3A_3 = arith.constant 88 : i32
    %mul3A_4 = arith.muli %mul3A_2, %mul3A_3 : i32
    %mul3A_5 = arith.muli %arg1, %select_n3A : i32
    %add3A = arith.addi %mul3A_4, %mul3A_5 : i32
    "tpu.region"() ({
      %run_scoped3A = tpu.sem_alloc : memref<!tpu.dma_semaphore, #tpu.memory_space<semaphore_mem>>
      %dma_start3A_520 = arith.constant 0 : i32
      %dma_start3A_521 = tpu.memref_slice %arg2[%add3A, %dma_start3A_520] : memref<2560x128xi32, #tpu.memory_space<hbm>> -> memref<88x128xi32, #tpu.memory_space<hbm>>
      %dma_start3A_522 = arith.constant 0 : i32
      %dma_start3A_523 = tpu.memref_slice %arg2[%add3A, %dma_start3A_522] : memref<2560x128xi32, #tpu.memory_space<hbm>> -> memref<88x128xi32, #tpu.memory_space<hbm>>
      tpu.enqueue_dma source(%dma_start3A_523 : memref<88x128xi32, #tpu.memory_space<hbm>>) target(%arg7 : memref<88x128xi32, #tpu.memory_space<vmem>>) target_semaphore(%run_scoped3A : memref<!tpu.dma_semaphore, #tpu.memory_space<semaphore_mem>>)
      %dma_wait3A_524 = arith.constant 0 : i32
      %dma_wait3A_525 = tpu.memref_slice %arg2[%add3A, %dma_wait3A_524] : memref<2560x128xi32, #tpu.memory_space<hbm>> -> memref<88x128xi32, #tpu.memory_space<hbm>>
      %dma_wait3A_526 = arith.constant 0 : i32
      %dma_wait3A_527 = tpu.memref_slice %arg2[%add3A, %dma_wait3A_526] : memref<2560x128xi32, #tpu.memory_space<hbm>> -> memref<88x128xi32, #tpu.memory_space<hbm>>
      tpu.wait_dma2 semaphore(%run_scoped3A : memref<!tpu.dma_semaphore, #tpu.memory_space<semaphore_mem>>) src(%dma_wait3A_527 : memref<88x128xi32, #tpu.memory_space<hbm>>) dst(%arg7 : memref<88x128xi32, #tpu.memory_space<vmem>>)
      tpu.yield
    }) : () -> ()
    "tpu.region"() ({
      %run_scoped3A = tpu.sem_alloc : memref<!tpu.dma_semaphore, #tpu.memory_space<semaphore_mem>>
      %dma_start3A_520 = arith.constant 0 : i32
      %dma_start3A_521 = tpu.memref_slice %arg3[%add3A, %dma_start3A_520] : memref<2560x128xi32, #tpu.memory_space<hbm>> -> memref<88x128xi32, #tpu.memory_space<hbm>>
      %dma_start3A_522 = arith.constant 0 : i32
      %dma_start3A_523 = tpu.memref_slice %arg3[%add3A, %dma_start3A_522] : memref<2560x128xi32, #tpu.memory_space<hbm>> -> memref<88x128xi32, #tpu.memory_space<hbm>>
      tpu.enqueue_dma source(%dma_start3A_523 : memref<88x128xi32, #tpu.memory_space<hbm>>) target(%arg8 : memref<88x128xi32, #tpu.memory_space<vmem>>) target_semaphore(%run_scoped3A : memref<!tpu.dma_semaphore, #tpu.memory_space<semaphore_mem>>)
      %dma_wait3A_524 = arith.constant 0 : i32
      %dma_wait3A_525 = tpu.memref_slice %arg3[%add3A, %dma_wait3A_524] : memref<2560x128xi32, #tpu.memory_space<hbm>> -> memref<88x128xi32, #tpu.memory_space<hbm>>
      %dma_wait3A_526 = arith.constant 0 : i32
      %dma_wait3A_527 = tpu.memref_slice %arg3[%add3A, %dma_wait3A_526] : memref<2560x128xi32, #tpu.memory_space<hbm>> -> memref<88x128xi32, #tpu.memory_space<hbm>>
      tpu.wait_dma2 semaphore(%run_scoped3A : memref<!tpu.dma_semaphore, #tpu.memory_space<semaphore_mem>>) src(%dma_wait3A_527 : memref<88x128xi32, #tpu.memory_space<hbm>>) dst(%arg8 : memref<88x128xi32, #tpu.memory_space<vmem>>)
      tpu.yield
    }) : () -> ()
    %mul3A_6 = arith.constant 632 : i32
    %mul3A_7 = arith.muli %arg1, %mul3A_6 : i32
    %mul3A_8 = arith.constant 632 : i32
    %mul3A_9 = arith.muli %arg1, %mul3A_8 : i32
    "tpu.region"() ({
      %run_scoped3A = tpu.sem_alloc : memref<!tpu.dma_semaphore, #tpu.memory_space<semaphore_mem>>
      %dma_start3A_520 = arith.constant 0 : i32
      %dma_start3A_521 = tpu.memref_slice %arg10[%mul3A_9, %dma_start3A_520] : memref<10112x16xf32, #tpu.memory_space<vmem_shared>> -> memref<632x16xf32, #tpu.memory_space<vmem_shared>>
      %dma_start3A_522 = arith.constant 0 : i32
      %dma_start3A_523 = tpu.memref_slice %arg5[%mul3A_7, %dma_start3A_522] : memref<10112x16xf32, #tpu.memory_space<hbm>> -> memref<632x16xf32, #tpu.memory_space<hbm>>
      tpu.enqueue_dma source(%dma_start3A_523 : memref<632x16xf32, #tpu.memory_space<hbm>>) target(%dma_start3A_521 : memref<632x16xf32, #tpu.memory_space<vmem_shared>>) target_semaphore(%run_scoped3A : memref<!tpu.dma_semaphore, #tpu.memory_space<semaphore_mem>>)
      %dma_wait3A_524 = arith.constant 0 : i32
      %dma_wait3A_525 = tpu.memref_slice %arg10[%mul3A_9, %dma_wait3A_524] : memref<10112x16xf32, #tpu.memory_space<vmem_shared>> -> memref<632x16xf32, #tpu.memory_space<vmem_shared>>
      %dma_wait3A_526 = arith.constant 0 : i32
      %dma_wait3A_527 = tpu.memref_slice %arg5[%mul3A_7, %dma_wait3A_526] : memref<10112x16xf32, #tpu.memory_space<hbm>> -> memref<632x16xf32, #tpu.memory_space<hbm>>
      tpu.wait_dma2 semaphore(%run_scoped3A : memref<!tpu.dma_semaphore, #tpu.memory_space<semaphore_mem>>) src(%dma_wait3A_527 : memref<632x16xf32, #tpu.memory_space<hbm>>) dst(%dma_wait3A_525 : memref<632x16xf32, #tpu.memory_space<vmem_shared>>)
      tpu.yield
    }) : () -> ()
    %barrier3A = arith.constant 0 : index
    tpu.barrier barrier_id(%barrier3A)
    %dma_start3A = arith.constant 0 : i32
    %dma_start3A_10 = arith.constant 0 : i32
    %dma_start3A_11 = arith.constant 0 : i32
    %dma_start3A_12 = arith.constant 0 : i32
    %dma_start3A_13 = tpu.memref_slice %arg9[%dma_start3A_10, %dma_start3A_11, %dma_start3A_12] : memref<8x128x16xf32, #tpu.memory_space<vmem>> -> memref<1x128x16xf32, #tpu.memory_space<vmem>>
    %dma_start3A_14 = tpu.memref_squeeze %dma_start3A_13 : memref<1x128x16xf32, #tpu.memory_space<vmem>> -> memref<128x16xf32, #tpu.memory_space<vmem>>
    %dma_start3A_15 = arith.constant 0 : i32
    %dma_start3A_16 = tpu.memref_slice %arg7[%dma_start3A, %dma_start3A_15] : memref<88x128xi32, #tpu.memory_space<vmem>> -> memref<1x128xi32, #tpu.memory_space<vmem>>
    %dma_start3A_17 = tpu.memref_squeeze %dma_start3A_16 : memref<1x128xi32, #tpu.memory_space<vmem>> -> memref<128xi32, #tpu.memory_space<vmem>>
    %dma_start3A_18 = arith.constant 0 : i32
    %dma_start3A_19 = arith.constant 0 : i32
    %dma_start3A_20 = tpu.memref_slice %arg4[%dma_start3A_18, %dma_start3A_19] : memref<10112x16xf32, #tpu.memory_space<hbm>> -> memref<10112x16xf32, #tpu.memory_space<hbm>>
    tpu.enqueue_indirect_dma source(%dma_start3A_20 : memref<10112x16xf32, #tpu.memory_space<hbm>>) target(%dma_start3A_14 : memref<128x16xf32, #tpu.memory_space<vmem>>) offsets(%dma_start3A_17 : memref<128xi32, #tpu.memory_space<vmem>>) semaphore(%arg11 : memref<!tpu.dma_semaphore, #tpu.memory_space<semaphore_mem>>)
    %dma_start3A_21 = arith.constant 1 : i32
    %dma_start3A_22 = arith.constant 1 : i32
    %dma_start3A_23 = arith.constant 0 : i32
    %dma_start3A_24 = arith.constant 0 : i32
    %dma_start3A_25 = tpu.memref_slice %arg9[%dma_start3A_22, %dma_start3A_23, %dma_start3A_24] : memref<8x128x16xf32, #tpu.memory_space<vmem>> -> memref<1x128x16xf32, #tpu.memory_space<vmem>>
    %dma_start3A_26 = tpu.memref_squeeze %dma_start3A_25 : memref<1x128x16xf32, #tpu.memory_space<vmem>> -> memref<128x16xf32, #tpu.memory_space<vmem>>
    %dma_start3A_27 = arith.constant 0 : i32
    %dma_start3A_28 = tpu.memref_slice %arg7[%dma_start3A_21, %dma_start3A_27] : memref<88x128xi32, #tpu.memory_space<vmem>> -> memref<1x128xi32, #tpu.memory_space<vmem>>
    %dma_start3A_29 = tpu.memref_squeeze %dma_start3A_28 : memref<1x128xi32, #tpu.memory_space<vmem>> -> memref<128xi32, #tpu.memory_space<vmem>>
    %dma_start3A_30 = arith.constant 0 : i32
    %dma_start3A_31 = arith.constant 0 : i32
    %dma_start3A_32 = tpu.memref_slice %arg4[%dma_start3A_30, %dma_start3A_31] : memref<10112x16xf32, #tpu.memory_space<hbm>> -> memref<10112x16xf32, #tpu.memory_space<hbm>>
    tpu.enqueue_indirect_dma source(%dma_start3A_32 : memref<10112x16xf32, #tpu.memory_space<hbm>>) target(%dma_start3A_26 : memref<128x16xf32, #tpu.memory_space<vmem>>) offsets(%dma_start3A_29 : memref<128xi32, #tpu.memory_space<vmem>>) semaphore(%arg11 : memref<!tpu.dma_semaphore, #tpu.memory_space<semaphore_mem>>)
    %dma_start3A_33 = arith.constant 2 : i32
    %dma_start3A_34 = arith.constant 2 : i32
    %dma_start3A_35 = arith.constant 0 : i32
    %dma_start3A_36 = arith.constant 0 : i32
    %dma_start3A_37 = tpu.memref_slice %arg9[%dma_start3A_34, %dma_start3A_35, %dma_start3A_36] : memref<8x128x16xf32, #tpu.memory_space<vmem>> -> memref<1x128x16xf32, #tpu.memory_space<vmem>>
    %dma_start3A_38 = tpu.memref_squeeze %dma_start3A_37 : memref<1x128x16xf32, #tpu.memory_space<vmem>> -> memref<128x16xf32, #tpu.memory_space<vmem>>
    %dma_start3A_39 = arith.constant 0 : i32
    %dma_start3A_40 = tpu.memref_slice %arg7[%dma_start3A_33, %dma_start3A_39] : memref<88x128xi32, #tpu.memory_space<vmem>> -> memref<1x128xi32, #tpu.memory_space<vmem>>
    %dma_start3A_41 = tpu.memref_squeeze %dma_start3A_40 : memref<1x128xi32, #tpu.memory_space<vmem>> -> memref<128xi32, #tpu.memory_space<vmem>>
    %dma_start3A_42 = arith.constant 0 : i32
    %dma_start3A_43 = arith.constant 0 : i32
    %dma_start3A_44 = tpu.memref_slice %arg4[%dma_start3A_42, %dma_start3A_43] : memref<10112x16xf32, #tpu.memory_space<hbm>> -> memref<10112x16xf32, #tpu.memory_space<hbm>>
    tpu.enqueue_indirect_dma source(%dma_start3A_44 : memref<10112x16xf32, #tpu.memory_space<hbm>>) target(%dma_start3A_38 : memref<128x16xf32, #tpu.memory_space<vmem>>) offsets(%dma_start3A_41 : memref<128xi32, #tpu.memory_space<vmem>>) semaphore(%arg11 : memref<!tpu.dma_semaphore, #tpu.memory_space<semaphore_mem>>)
    %dma_start3A_45 = arith.constant 3 : i32
    %dma_start3A_46 = arith.constant 3 : i32
    %dma_start3A_47 = arith.constant 0 : i32
    %dma_start3A_48 = arith.constant 0 : i32
    %dma_start3A_49 = tpu.memref_slice %arg9[%dma_start3A_46, %dma_start3A_47, %dma_start3A_48] : memref<8x128x16xf32, #tpu.memory_space<vmem>> -> memref<1x128x16xf32, #tpu.memory_space<vmem>>
    %dma_start3A_50 = tpu.memref_squeeze %dma_start3A_49 : memref<1x128x16xf32, #tpu.memory_space<vmem>> -> memref<128x16xf32, #tpu.memory_space<vmem>>
    %dma_start3A_51 = arith.constant 0 : i32
    %dma_start3A_52 = tpu.memref_slice %arg7[%dma_start3A_45, %dma_start3A_51] : memref<88x128xi32, #tpu.memory_space<vmem>> -> memref<1x128xi32, #tpu.memory_space<vmem>>
    %dma_start3A_53 = tpu.memref_squeeze %dma_start3A_52 : memref<1x128xi32, #tpu.memory_space<vmem>> -> memref<128xi32, #tpu.memory_space<vmem>>
    %dma_start3A_54 = arith.constant 0 : i32
    %dma_start3A_55 = arith.constant 0 : i32
    %dma_start3A_56 = tpu.memref_slice %arg4[%dma_start3A_54, %dma_start3A_55] : memref<10112x16xf32, #tpu.memory_space<hbm>> -> memref<10112x16xf32, #tpu.memory_space<hbm>>
    tpu.enqueue_indirect_dma source(%dma_start3A_56 : memref<10112x16xf32, #tpu.memory_space<hbm>>) target(%dma_start3A_50 : memref<128x16xf32, #tpu.memory_space<vmem>>) offsets(%dma_start3A_53 : memref<128xi32, #tpu.memory_space<vmem>>) semaphore(%arg11 : memref<!tpu.dma_semaphore, #tpu.memory_space<semaphore_mem>>)
    %dma_wait3A = arith.constant 0 : i32
    %dma_wait3A_57 = arith.constant 0 : i32
    %dma_wait3A_58 = arith.constant 0 : i32
    %dma_wait3A_59 = arith.constant 0 : i32
    %dma_wait3A_60 = tpu.memref_slice %arg9[%dma_wait3A_57, %dma_wait3A_58, %dma_wait3A_59] : memref<8x128x16xf32, #tpu.memory_space<vmem>> -> memref<1x128x16xf32, #tpu.memory_space<vmem>>
    %dma_wait3A_61 = tpu.memref_squeeze %dma_wait3A_60 : memref<1x128x16xf32, #tpu.memory_space<vmem>> -> memref<128x16xf32, #tpu.memory_space<vmem>>
    %dma_wait3A_62 = arith.constant 0 : i32
    %dma_wait3A_63 = tpu.memref_slice %arg7[%dma_wait3A, %dma_wait3A_62] : memref<88x128xi32, #tpu.memory_space<vmem>> -> memref<1x128xi32, #tpu.memory_space<vmem>>
    %dma_wait3A_64 = tpu.memref_squeeze %dma_wait3A_63 : memref<1x128xi32, #tpu.memory_space<vmem>> -> memref<128xi32, #tpu.memory_space<vmem>>
    %dma_wait3A_65 = arith.constant 0 : i32
    %dma_wait3A_66 = arith.constant 0 : i32
    %dma_wait3A_67 = tpu.memref_slice %arg4[%dma_wait3A_65, %dma_wait3A_66] : memref<10112x16xf32, #tpu.memory_space<hbm>> -> memref<10112x16xf32, #tpu.memory_space<hbm>>
    tpu.wait_indirect_dma semaphore(%arg11 : memref<!tpu.dma_semaphore, #tpu.memory_space<semaphore_mem>>) src(%dma_wait3A_67 : memref<10112x16xf32, #tpu.memory_space<hbm>>) dst(%dma_wait3A_61 : memref<128x16xf32, #tpu.memory_space<vmem>>)
    %dma_start3A_68 = arith.constant 0 : i32
    %dma_start3A_69 = arith.constant 0 : i32
    %dma_start3A_70 = arith.constant 0 : i32
    %dma_start3A_71 = arith.constant 0 : i32
    %dma_start3A_72 = tpu.memref_slice %arg9[%dma_start3A_68, %dma_start3A_70, %dma_start3A_71] : memref<8x128x16xf32, #tpu.memory_space<vmem>> -> memref<1x128x16xf32, #tpu.memory_space<vmem>>
    %dma_start3A_73 = tpu.memref_squeeze %dma_start3A_72 : memref<1x128x16xf32, #tpu.memory_space<vmem>> -> memref<128x16xf32, #tpu.memory_space<vmem>>
    %dma_start3A_74 = arith.constant 0 : i32
    %dma_start3A_75 = tpu.memref_slice %arg8[%dma_start3A_69, %dma_start3A_74] : memref<88x128xi32, #tpu.memory_space<vmem>> -> memref<1x128xi32, #tpu.memory_space<vmem>>
    %dma_start3A_76 = tpu.memref_squeeze %dma_start3A_75 : memref<1x128xi32, #tpu.memory_space<vmem>> -> memref<128xi32, #tpu.memory_space<vmem>>
    %dma_start3A_77 = arith.constant 0 : i32
    %dma_start3A_78 = arith.constant 0 : i32
    %dma_start3A_79 = tpu.memref_slice %arg10[%dma_start3A_77, %dma_start3A_78] : memref<10112x16xf32, #tpu.memory_space<vmem_shared>> -> memref<10112x16xf32, #tpu.memory_space<vmem_shared>>
    tpu.enqueue_indirect_dma source(%dma_start3A_73 : memref<128x16xf32, #tpu.memory_space<vmem>>) target(%dma_start3A_79 : memref<10112x16xf32, #tpu.memory_space<vmem_shared>>) offsets(%dma_start3A_76 : memref<128xi32, #tpu.memory_space<vmem>>) semaphore(%arg12 : memref<!tpu.dma_semaphore, #tpu.memory_space<semaphore_mem>>) {add = true}
    %dma_start3A_80 = arith.constant 4 : i32
    %dma_start3A_81 = arith.constant 4 : i32
    %dma_start3A_82 = arith.constant 0 : i32
    %dma_start3A_83 = arith.constant 0 : i32
    %dma_start3A_84 = tpu.memref_slice %arg9[%dma_start3A_81, %dma_start3A_82, %dma_start3A_83] : memref<8x128x16xf32, #tpu.memory_space<vmem>> -> memref<1x128x16xf32, #tpu.memory_space<vmem>>
    %dma_start3A_85 = tpu.memref_squeeze %dma_start3A_84 : memref<1x128x16xf32, #tpu.memory_space<vmem>> -> memref<128x16xf32, #tpu.memory_space<vmem>>
    %dma_start3A_86 = arith.constant 0 : i32
    %dma_start3A_87 = tpu.memref_slice %arg7[%dma_start3A_80, %dma_start3A_86] : memref<88x128xi32, #tpu.memory_space<vmem>> -> memref<1x128xi32, #tpu.memory_space<vmem>>
    %dma_start3A_88 = tpu.memref_squeeze %dma_start3A_87 : memref<1x128xi32, #tpu.memory_space<vmem>> -> memref<128xi32, #tpu.memory_space<vmem>>
    %dma_start3A_89 = arith.constant 0 : i32
    %dma_start3A_90 = arith.constant 0 : i32
    %dma_start3A_91 = tpu.memref_slice %arg4[%dma_start3A_89, %dma_start3A_90] : memref<10112x16xf32, #tpu.memory_space<hbm>> -> memref<10112x16xf32, #tpu.memory_space<hbm>>
    tpu.enqueue_indirect_dma source(%dma_start3A_91 : memref<10112x16xf32, #tpu.memory_space<hbm>>) target(%dma_start3A_85 : memref<128x16xf32, #tpu.memory_space<vmem>>) offsets(%dma_start3A_88 : memref<128xi32, #tpu.memory_space<vmem>>) semaphore(%arg11 : memref<!tpu.dma_semaphore, #tpu.memory_space<semaphore_mem>>)
    %dma_wait3A_92 = arith.constant 1 : i32
    %dma_wait3A_93 = arith.constant 1 : i32
    %dma_wait3A_94 = arith.constant 0 : i32
    %dma_wait3A_95 = arith.constant 0 : i32
    %dma_wait3A_96 = tpu.memref_slice %arg9[%dma_wait3A_93, %dma_wait3A_94, %dma_wait3A_95] : memref<8x128x16xf32, #tpu.memory_space<vmem>> -> memref<1x128x16xf32, #tpu.memory_space<vmem>>
    %dma_wait3A_97 = tpu.memref_squeeze %dma_wait3A_96 : memref<1x128x16xf32, #tpu.memory_space<vmem>> -> memref<128x16xf32, #tpu.memory_space<vmem>>
    %dma_wait3A_98 = arith.constant 0 : i32
    %dma_wait3A_99 = tpu.memref_slice %arg7[%dma_wait3A_92, %dma_wait3A_98] : memref<88x128xi32, #tpu.memory_space<vmem>> -> memref<1x128xi32, #tpu.memory_space<vmem>>
    %dma_wait3A_100 = tpu.memref_squeeze %dma_wait3A_99 : memref<1x128xi32, #tpu.memory_space<vmem>> -> memref<128xi32, #tpu.memory_space<vmem>>
    %dma_wait3A_101 = arith.constant 0 : i32
    %dma_wait3A_102 = arith.constant 0 : i32
    %dma_wait3A_103 = tpu.memref_slice %arg4[%dma_wait3A_101, %dma_wait3A_102] : memref<10112x16xf32, #tpu.memory_space<hbm>> -> memref<10112x16xf32, #tpu.memory_space<hbm>>
    tpu.wait_indirect_dma semaphore(%arg11 : memref<!tpu.dma_semaphore, #tpu.memory_space<semaphore_mem>>) src(%dma_wait3A_103 : memref<10112x16xf32, #tpu.memory_space<hbm>>) dst(%dma_wait3A_97 : memref<128x16xf32, #tpu.memory_space<vmem>>)
    %dma_start3A_104 = arith.constant 1 : i32
    %dma_start3A_105 = arith.constant 1 : i32
    %dma_start3A_106 = arith.constant 0 : i32
    %dma_start3A_107 = arith.constant 0 : i32
    %dma_start3A_108 = tpu.memref_slice %arg9[%dma_start3A_104, %dma_start3A_106, %dma_start3A_107] : memref<8x128x16xf32, #tpu.memory_space<vmem>> -> memref<1x128x16xf32, #tpu.memory_space<vmem>>
    %dma_start3A_109 = tpu.memref_squeeze %dma_start3A_108 : memref<1x128x16xf32, #tpu.memory_space<vmem>> -> memref<128x16xf32, #tpu.memory_space<vmem>>
    %dma_start3A_110 = arith.constant 0 : i32
    %dma_start3A_111 = tpu.memref_slice %arg8[%dma_start3A_105, %dma_start3A_110] : memref<88x128xi32, #tpu.memory_space<vmem>> -> memref<1x128xi32, #tpu.memory_space<vmem>>
    %dma_start3A_112 = tpu.memref_squeeze %dma_start3A_111 : memref<1x128xi32, #tpu.memory_space<vmem>> -> memref<128xi32, #tpu.memory_space<vmem>>
    %dma_start3A_113 = arith.constant 0 : i32
    %dma_start3A_114 = arith.constant 0 : i32
    %dma_start3A_115 = tpu.memref_slice %arg10[%dma_start3A_113, %dma_start3A_114] : memref<10112x16xf32, #tpu.memory_space<vmem_shared>> -> memref<10112x16xf32, #tpu.memory_space<vmem_shared>>
    tpu.enqueue_indirect_dma source(%dma_start3A_109 : memref<128x16xf32, #tpu.memory_space<vmem>>) target(%dma_start3A_115 : memref<10112x16xf32, #tpu.memory_space<vmem_shared>>) offsets(%dma_start3A_112 : memref<128xi32, #tpu.memory_space<vmem>>) semaphore(%arg12 : memref<!tpu.dma_semaphore, #tpu.memory_space<semaphore_mem>>) {add = true}
    %dma_start3A_116 = arith.constant 5 : i32
    %dma_start3A_117 = arith.constant 5 : i32
    %dma_start3A_118 = arith.constant 0 : i32
    %dma_start3A_119 = arith.constant 0 : i32
    %dma_start3A_120 = tpu.memref_slice %arg9[%dma_start3A_117, %dma_start3A_118, %dma_start3A_119] : memref<8x128x16xf32, #tpu.memory_space<vmem>> -> memref<1x128x16xf32, #tpu.memory_space<vmem>>
    %dma_start3A_121 = tpu.memref_squeeze %dma_start3A_120 : memref<1x128x16xf32, #tpu.memory_space<vmem>> -> memref<128x16xf32, #tpu.memory_space<vmem>>
    %dma_start3A_122 = arith.constant 0 : i32
    %dma_start3A_123 = tpu.memref_slice %arg7[%dma_start3A_116, %dma_start3A_122] : memref<88x128xi32, #tpu.memory_space<vmem>> -> memref<1x128xi32, #tpu.memory_space<vmem>>
    %dma_start3A_124 = tpu.memref_squeeze %dma_start3A_123 : memref<1x128xi32, #tpu.memory_space<vmem>> -> memref<128xi32, #tpu.memory_space<vmem>>
    %dma_start3A_125 = arith.constant 0 : i32
    %dma_start3A_126 = arith.constant 0 : i32
    %dma_start3A_127 = tpu.memref_slice %arg4[%dma_start3A_125, %dma_start3A_126] : memref<10112x16xf32, #tpu.memory_space<hbm>> -> memref<10112x16xf32, #tpu.memory_space<hbm>>
    tpu.enqueue_indirect_dma source(%dma_start3A_127 : memref<10112x16xf32, #tpu.memory_space<hbm>>) target(%dma_start3A_121 : memref<128x16xf32, #tpu.memory_space<vmem>>) offsets(%dma_start3A_124 : memref<128xi32, #tpu.memory_space<vmem>>) semaphore(%arg11 : memref<!tpu.dma_semaphore, #tpu.memory_space<semaphore_mem>>)
    %dma_wait3A_128 = arith.constant 2 : i32
    %dma_wait3A_129 = arith.constant 2 : i32
    %dma_wait3A_130 = arith.constant 0 : i32
    %dma_wait3A_131 = arith.constant 0 : i32
    %dma_wait3A_132 = tpu.memref_slice %arg9[%dma_wait3A_129, %dma_wait3A_130, %dma_wait3A_131] : memref<8x128x16xf32, #tpu.memory_space<vmem>> -> memref<1x128x16xf32, #tpu.memory_space<vmem>>
    %dma_wait3A_133 = tpu.memref_squeeze %dma_wait3A_132 : memref<1x128x16xf32, #tpu.memory_space<vmem>> -> memref<128x16xf32, #tpu.memory_space<vmem>>
    %dma_wait3A_134 = arith.constant 0 : i32
    %dma_wait3A_135 = tpu.memref_slice %arg7[%dma_wait3A_128, %dma_wait3A_134] : memref<88x128xi32, #tpu.memory_space<vmem>> -> memref<1x128xi32, #tpu.memory_space<vmem>>
    %dma_wait3A_136 = tpu.memref_squeeze %dma_wait3A_135 : memref<1x128xi32, #tpu.memory_space<vmem>> -> memref<128xi32, #tpu.memory_space<vmem>>
    %dma_wait3A_137 = arith.constant 0 : i32
    %dma_wait3A_138 = arith.constant 0 : i32
    %dma_wait3A_139 = tpu.memref_slice %arg4[%dma_wait3A_137, %dma_wait3A_138] : memref<10112x16xf32, #tpu.memory_space<hbm>> -> memref<10112x16xf32, #tpu.memory_space<hbm>>
    tpu.wait_indirect_dma semaphore(%arg11 : memref<!tpu.dma_semaphore, #tpu.memory_space<semaphore_mem>>) src(%dma_wait3A_139 : memref<10112x16xf32, #tpu.memory_space<hbm>>) dst(%dma_wait3A_133 : memref<128x16xf32, #tpu.memory_space<vmem>>)
    %dma_start3A_140 = arith.constant 2 : i32
    %dma_start3A_141 = arith.constant 2 : i32
    %dma_start3A_142 = arith.constant 0 : i32
    %dma_start3A_143 = arith.constant 0 : i32
    %dma_start3A_144 = tpu.memref_slice %arg9[%dma_start3A_140, %dma_start3A_142, %dma_start3A_143] : memref<8x128x16xf32, #tpu.memory_space<vmem>> -> memref<1x128x16xf32, #tpu.memory_space<vmem>>
    %dma_start3A_145 = tpu.memref_squeeze %dma_start3A_144 : memref<1x128x16xf32, #tpu.memory_space<vmem>> -> memref<128x16xf32, #tpu.memory_space<vmem>>
    %dma_start3A_146 = arith.constant 0 : i32
    %dma_start3A_147 = tpu.memref_slice %arg8[%dma_start3A_141, %dma_start3A_146] : memref<88x128xi32, #tpu.memory_space<vmem>> -> memref<1x128xi32, #tpu.memory_space<vmem>>
    %dma_start3A_148 = tpu.memref_squeeze %dma_start3A_147 : memref<1x128xi32, #tpu.memory_space<vmem>> -> memref<128xi32, #tpu.memory_space<vmem>>
    %dma_start3A_149 = arith.constant 0 : i32
    %dma_start3A_150 = arith.constant 0 : i32
    %dma_start3A_151 = tpu.memref_slice %arg10[%dma_start3A_149, %dma_start3A_150] : memref<10112x16xf32, #tpu.memory_space<vmem_shared>> -> memref<10112x16xf32, #tpu.memory_space<vmem_shared>>
    tpu.enqueue_indirect_dma source(%dma_start3A_145 : memref<128x16xf32, #tpu.memory_space<vmem>>) target(%dma_start3A_151 : memref<10112x16xf32, #tpu.memory_space<vmem_shared>>) offsets(%dma_start3A_148 : memref<128xi32, #tpu.memory_space<vmem>>) semaphore(%arg12 : memref<!tpu.dma_semaphore, #tpu.memory_space<semaphore_mem>>) {add = true}
    %dma_start3A_152 = arith.constant 6 : i32
    %dma_start3A_153 = arith.constant 6 : i32
    %dma_start3A_154 = arith.constant 0 : i32
    %dma_start3A_155 = arith.constant 0 : i32
    %dma_start3A_156 = tpu.memref_slice %arg9[%dma_start3A_153, %dma_start3A_154, %dma_start3A_155] : memref<8x128x16xf32, #tpu.memory_space<vmem>> -> memref<1x128x16xf32, #tpu.memory_space<vmem>>
    %dma_start3A_157 = tpu.memref_squeeze %dma_start3A_156 : memref<1x128x16xf32, #tpu.memory_space<vmem>> -> memref<128x16xf32, #tpu.memory_space<vmem>>
    %dma_start3A_158 = arith.constant 0 : i32
    %dma_start3A_159 = tpu.memref_slice %arg7[%dma_start3A_152, %dma_start3A_158] : memref<88x128xi32, #tpu.memory_space<vmem>> -> memref<1x128xi32, #tpu.memory_space<vmem>>
    %dma_start3A_160 = tpu.memref_squeeze %dma_start3A_159 : memref<1x128xi32, #tpu.memory_space<vmem>> -> memref<128xi32, #tpu.memory_space<vmem>>
    %dma_start3A_161 = arith.constant 0 : i32
    %dma_start3A_162 = arith.constant 0 : i32
    %dma_start3A_163 = tpu.memref_slice %arg4[%dma_start3A_161, %dma_start3A_162] : memref<10112x16xf32, #tpu.memory_space<hbm>> -> memref<10112x16xf32, #tpu.memory_space<hbm>>
    tpu.enqueue_indirect_dma source(%dma_start3A_163 : memref<10112x16xf32, #tpu.memory_space<hbm>>) target(%dma_start3A_157 : memref<128x16xf32, #tpu.memory_space<vmem>>) offsets(%dma_start3A_160 : memref<128xi32, #tpu.memory_space<vmem>>) semaphore(%arg11 : memref<!tpu.dma_semaphore, #tpu.memory_space<semaphore_mem>>)
    %dma_wait3A_164 = arith.constant 3 : i32
    %dma_wait3A_165 = arith.constant 3 : i32
    %dma_wait3A_166 = arith.constant 0 : i32
    %dma_wait3A_167 = arith.constant 0 : i32
    %dma_wait3A_168 = tpu.memref_slice %arg9[%dma_wait3A_165, %dma_wait3A_166, %dma_wait3A_167] : memref<8x128x16xf32, #tpu.memory_space<vmem>> -> memref<1x128x16xf32, #tpu.memory_space<vmem>>
    %dma_wait3A_169 = tpu.memref_squeeze %dma_wait3A_168 : memref<1x128x16xf32, #tpu.memory_space<vmem>> -> memref<128x16xf32, #tpu.memory_space<vmem>>
    %dma_wait3A_170 = arith.constant 0 : i32
    %dma_wait3A_171 = tpu.memref_slice %arg7[%dma_wait3A_164, %dma_wait3A_170] : memref<88x128xi32, #tpu.memory_space<vmem>> -> memref<1x128xi32, #tpu.memory_space<vmem>>
    %dma_wait3A_172 = tpu.memref_squeeze %dma_wait3A_171 : memref<1x128xi32, #tpu.memory_space<vmem>> -> memref<128xi32, #tpu.memory_space<vmem>>
    %dma_wait3A_173 = arith.constant 0 : i32
    %dma_wait3A_174 = arith.constant 0 : i32
    %dma_wait3A_175 = tpu.memref_slice %arg4[%dma_wait3A_173, %dma_wait3A_174] : memref<10112x16xf32, #tpu.memory_space<hbm>> -> memref<10112x16xf32, #tpu.memory_space<hbm>>
    tpu.wait_indirect_dma semaphore(%arg11 : memref<!tpu.dma_semaphore, #tpu.memory_space<semaphore_mem>>) src(%dma_wait3A_175 : memref<10112x16xf32, #tpu.memory_space<hbm>>) dst(%dma_wait3A_169 : memref<128x16xf32, #tpu.memory_space<vmem>>)
    %dma_start3A_176 = arith.constant 3 : i32
    %dma_start3A_177 = arith.constant 3 : i32
    %dma_start3A_178 = arith.constant 0 : i32
    %dma_start3A_179 = arith.constant 0 : i32
    %dma_start3A_180 = tpu.memref_slice %arg9[%dma_start3A_176, %dma_start3A_178, %dma_start3A_179] : memref<8x128x16xf32, #tpu.memory_space<vmem>> -> memref<1x128x16xf32, #tpu.memory_space<vmem>>
    %dma_start3A_181 = tpu.memref_squeeze %dma_start3A_180 : memref<1x128x16xf32, #tpu.memory_space<vmem>> -> memref<128x16xf32, #tpu.memory_space<vmem>>
    %dma_start3A_182 = arith.constant 0 : i32
    %dma_start3A_183 = tpu.memref_slice %arg8[%dma_start3A_177, %dma_start3A_182] : memref<88x128xi32, #tpu.memory_space<vmem>> -> memref<1x128xi32, #tpu.memory_space<vmem>>
    %dma_start3A_184 = tpu.memref_squeeze %dma_start3A_183 : memref<1x128xi32, #tpu.memory_space<vmem>> -> memref<128xi32, #tpu.memory_space<vmem>>
    %dma_start3A_185 = arith.constant 0 : i32
    %dma_start3A_186 = arith.constant 0 : i32
    %dma_start3A_187 = tpu.memref_slice %arg10[%dma_start3A_185, %dma_start3A_186] : memref<10112x16xf32, #tpu.memory_space<vmem_shared>> -> memref<10112x16xf32, #tpu.memory_space<vmem_shared>>
    tpu.enqueue_indirect_dma source(%dma_start3A_181 : memref<128x16xf32, #tpu.memory_space<vmem>>) target(%dma_start3A_187 : memref<10112x16xf32, #tpu.memory_space<vmem_shared>>) offsets(%dma_start3A_184 : memref<128xi32, #tpu.memory_space<vmem>>) semaphore(%arg12 : memref<!tpu.dma_semaphore, #tpu.memory_space<semaphore_mem>>) {add = true}
    %dma_start3A_188 = arith.constant 7 : i32
    %dma_start3A_189 = arith.constant 7 : i32
    %dma_start3A_190 = arith.constant 0 : i32
    %dma_start3A_191 = arith.constant 0 : i32
    %dma_start3A_192 = tpu.memref_slice %arg9[%dma_start3A_189, %dma_start3A_190, %dma_start3A_191] : memref<8x128x16xf32, #tpu.memory_space<vmem>> -> memref<1x128x16xf32, #tpu.memory_space<vmem>>
    %dma_start3A_193 = tpu.memref_squeeze %dma_start3A_192 : memref<1x128x16xf32, #tpu.memory_space<vmem>> -> memref<128x16xf32, #tpu.memory_space<vmem>>
    %dma_start3A_194 = arith.constant 0 : i32
    %dma_start3A_195 = tpu.memref_slice %arg7[%dma_start3A_188, %dma_start3A_194] : memref<88x128xi32, #tpu.memory_space<vmem>> -> memref<1x128xi32, #tpu.memory_space<vmem>>
    %dma_start3A_196 = tpu.memref_squeeze %dma_start3A_195 : memref<1x128xi32, #tpu.memory_space<vmem>> -> memref<128xi32, #tpu.memory_space<vmem>>
    %dma_start3A_197 = arith.constant 0 : i32
    %dma_start3A_198 = arith.constant 0 : i32
    %dma_start3A_199 = tpu.memref_slice %arg4[%dma_start3A_197, %dma_start3A_198] : memref<10112x16xf32, #tpu.memory_space<hbm>> -> memref<10112x16xf32, #tpu.memory_space<hbm>>
    tpu.enqueue_indirect_dma source(%dma_start3A_199 : memref<10112x16xf32, #tpu.memory_space<hbm>>) target(%dma_start3A_193 : memref<128x16xf32, #tpu.memory_space<vmem>>) offsets(%dma_start3A_196 : memref<128xi32, #tpu.memory_space<vmem>>) semaphore(%arg11 : memref<!tpu.dma_semaphore, #tpu.memory_space<semaphore_mem>>)
    %dma_wait3A_200 = arith.constant 4 : i32
    %dma_wait3A_201 = arith.constant 4 : i32
    %dma_wait3A_202 = arith.constant 0 : i32
    %dma_wait3A_203 = arith.constant 0 : i32
    %dma_wait3A_204 = tpu.memref_slice %arg9[%dma_wait3A_201, %dma_wait3A_202, %dma_wait3A_203] : memref<8x128x16xf32, #tpu.memory_space<vmem>> -> memref<1x128x16xf32, #tpu.memory_space<vmem>>
    %dma_wait3A_205 = tpu.memref_squeeze %dma_wait3A_204 : memref<1x128x16xf32, #tpu.memory_space<vmem>> -> memref<128x16xf32, #tpu.memory_space<vmem>>
    %dma_wait3A_206 = arith.constant 0 : i32
    %dma_wait3A_207 = tpu.memref_slice %arg7[%dma_wait3A_200, %dma_wait3A_206] : memref<88x128xi32, #tpu.memory_space<vmem>> -> memref<1x128xi32, #tpu.memory_space<vmem>>
    %dma_wait3A_208 = tpu.memref_squeeze %dma_wait3A_207 : memref<1x128xi32, #tpu.memory_space<vmem>> -> memref<128xi32, #tpu.memory_space<vmem>>
    %dma_wait3A_209 = arith.constant 0 : i32
    %dma_wait3A_210 = arith.constant 0 : i32
    %dma_wait3A_211 = tpu.memref_slice %arg4[%dma_wait3A_209, %dma_wait3A_210] : memref<10112x16xf32, #tpu.memory_space<hbm>> -> memref<10112x16xf32, #tpu.memory_space<hbm>>
    tpu.wait_indirect_dma semaphore(%arg11 : memref<!tpu.dma_semaphore, #tpu.memory_space<semaphore_mem>>) src(%dma_wait3A_211 : memref<10112x16xf32, #tpu.memory_space<hbm>>) dst(%dma_wait3A_205 : memref<128x16xf32, #tpu.memory_space<vmem>>)
    %dma_start3A_212 = arith.constant 4 : i32
    %dma_start3A_213 = arith.constant 4 : i32
    %dma_start3A_214 = arith.constant 0 : i32
    %dma_start3A_215 = arith.constant 0 : i32
    %dma_start3A_216 = tpu.memref_slice %arg9[%dma_start3A_212, %dma_start3A_214, %dma_start3A_215] : memref<8x128x16xf32, #tpu.memory_space<vmem>> -> memref<1x128x16xf32, #tpu.memory_space<vmem>>
    %dma_start3A_217 = tpu.memref_squeeze %dma_start3A_216 : memref<1x128x16xf32, #tpu.memory_space<vmem>> -> memref<128x16xf32, #tpu.memory_space<vmem>>
    %dma_start3A_218 = arith.constant 0 : i32
    %dma_start3A_219 = tpu.memref_slice %arg8[%dma_start3A_213, %dma_start3A_218] : memref<88x128xi32, #tpu.memory_space<vmem>> -> memref<1x128xi32, #tpu.memory_space<vmem>>
    %dma_start3A_220 = tpu.memref_squeeze %dma_start3A_219 : memref<1x128xi32, #tpu.memory_space<vmem>> -> memref<128xi32, #tpu.memory_space<vmem>>
    %dma_start3A_221 = arith.constant 0 : i32
    %dma_start3A_222 = arith.constant 0 : i32
    %dma_start3A_223 = tpu.memref_slice %arg10[%dma_start3A_221, %dma_start3A_222] : memref<10112x16xf32, #tpu.memory_space<vmem_shared>> -> memref<10112x16xf32, #tpu.memory_space<vmem_shared>>
    tpu.enqueue_indirect_dma source(%dma_start3A_217 : memref<128x16xf32, #tpu.memory_space<vmem>>) target(%dma_start3A_223 : memref<10112x16xf32, #tpu.memory_space<vmem_shared>>) offsets(%dma_start3A_220 : memref<128xi32, #tpu.memory_space<vmem>>) semaphore(%arg12 : memref<!tpu.dma_semaphore, #tpu.memory_space<semaphore_mem>>) {add = true}
    %dma_wait3A_224 = arith.constant 0 : i32
    %dma_wait3A_225 = arith.constant 0 : i32
    %dma_wait3A_226 = arith.constant 0 : i32
    %dma_wait3A_227 = arith.constant 0 : i32
    %dma_wait3A_228 = tpu.memref_slice %arg9[%dma_wait3A_224, %dma_wait3A_226, %dma_wait3A_227] : memref<8x128x16xf32, #tpu.memory_space<vmem>> -> memref<1x128x16xf32, #tpu.memory_space<vmem>>
    %dma_wait3A_229 = tpu.memref_squeeze %dma_wait3A_228 : memref<1x128x16xf32, #tpu.memory_space<vmem>> -> memref<128x16xf32, #tpu.memory_space<vmem>>
    %dma_wait3A_230 = arith.constant 0 : i32
    %dma_wait3A_231 = tpu.memref_slice %arg8[%dma_wait3A_225, %dma_wait3A_230] : memref<88x128xi32, #tpu.memory_space<vmem>> -> memref<1x128xi32, #tpu.memory_space<vmem>>
    %dma_wait3A_232 = tpu.memref_squeeze %dma_wait3A_231 : memref<1x128xi32, #tpu.memory_space<vmem>> -> memref<128xi32, #tpu.memory_space<vmem>>
    %dma_wait3A_233 = arith.constant 0 : i32
    %dma_wait3A_234 = arith.constant 0 : i32
    %dma_wait3A_235 = tpu.memref_slice %arg10[%dma_wait3A_233, %dma_wait3A_234] : memref<10112x16xf32, #tpu.memory_space<vmem_shared>> -> memref<10112x16xf32, #tpu.memory_space<vmem_shared>>
    tpu.wait_indirect_dma semaphore(%arg12 : memref<!tpu.dma_semaphore, #tpu.memory_space<semaphore_mem>>) src(%dma_wait3A_229 : memref<128x16xf32, #tpu.memory_space<vmem>>) dst(%dma_wait3A_235 : memref<10112x16xf32, #tpu.memory_space<vmem_shared>>)
    %dma_start3A_236 = arith.constant 8 : i32
    %dma_start3A_237 = arith.constant 0 : i32
    %dma_start3A_238 = arith.constant 0 : i32
    %dma_start3A_239 = arith.constant 0 : i32
    %dma_start3A_240 = tpu.memref_slice %arg9[%dma_start3A_237, %dma_start3A_238, %dma_start3A_239] : memref<8x128x16xf32, #tpu.memory_space<vmem>> -> memref<1x128x16xf32, #tpu.memory_space<vmem>>
    %dma_start3A_241 = tpu.memref_squeeze %dma_start3A_240 : memref<1x128x16xf32, #tpu.memory_space<vmem>> -> memref<128x16xf32, #tpu.memory_space<vmem>>
    %dma_start3A_242 = arith.constant 0 : i32
    %dma_start3A_243 = tpu.memref_slice %arg7[%dma_start3A_236, %dma_start3A_242] : memref<88x128xi32, #tpu.memory_space<vmem>> -> memref<1x128xi32, #tpu.memory_space<vmem>>
    %dma_start3A_244 = tpu.memref_squeeze %dma_start3A_243 : memref<1x128xi32, #tpu.memory_space<vmem>> -> memref<128xi32, #tpu.memory_space<vmem>>
    %dma_start3A_245 = arith.constant 0 : i32
    %dma_start3A_246 = arith.constant 0 : i32
    %dma_start3A_247 = tpu.memref_slice %arg4[%dma_start3A_245, %dma_start3A_246] : memref<10112x16xf32, #tpu.memory_space<hbm>> -> memref<10112x16xf32, #tpu.memory_space<hbm>>
    tpu.enqueue_indirect_dma source(%dma_start3A_247 : memref<10112x16xf32, #tpu.memory_space<hbm>>) target(%dma_start3A_241 : memref<128x16xf32, #tpu.memory_space<vmem>>) offsets(%dma_start3A_244 : memref<128xi32, #tpu.memory_space<vmem>>) semaphore(%arg11 : memref<!tpu.dma_semaphore, #tpu.memory_space<semaphore_mem>>)
    %dma_wait3A_248 = arith.constant 5 : i32
    %dma_wait3A_249 = arith.constant 5 : i32
    %dma_wait3A_250 = arith.constant 0 : i32
    %dma_wait3A_251 = arith.constant 0 : i32
    %dma_wait3A_252 = tpu.memref_slice %arg9[%dma_wait3A_249, %dma_wait3A_250, %dma_wait3A_251] : memref<8x128x16xf32, #tpu.memory_space<vmem>> -> memref<1x128x16xf32, #tpu.memory_space<vmem>>
    %dma_wait3A_253 = tpu.memref_squeeze %dma_wait3A_252 : memref<1x128x16xf32, #tpu.memory_space<vmem>> -> memref<128x16xf32, #tpu.memory_space<vmem>>
    %dma_wait3A_254 = arith.constant 0 : i32
    %dma_wait3A_255 = tpu.memref_slice %arg7[%dma_wait3A_248, %dma_wait3A_254] : memref<88x128xi32, #tpu.memory_space<vmem>> -> memref<1x128xi32, #tpu.memory_space<vmem>>
    %dma_wait3A_256 = tpu.memref_squeeze %dma_wait3A_255 : memref<1x128xi32, #tpu.memory_space<vmem>> -> memref<128xi32, #tpu.memory_space<vmem>>
    %dma_wait3A_257 = arith.constant 0 : i32
    %dma_wait3A_258 = arith.constant 0 : i32
    %dma_wait3A_259 = tpu.memref_slice %arg4[%dma_wait3A_257, %dma_wait3A_258] : memref<10112x16xf32, #tpu.memory_space<hbm>> -> memref<10112x16xf32, #tpu.memory_space<hbm>>
    tpu.wait_indirect_dma semaphore(%arg11 : memref<!tpu.dma_semaphore, #tpu.memory_space<semaphore_mem>>) src(%dma_wait3A_259 : memref<10112x16xf32, #tpu.memory_space<hbm>>) dst(%dma_wait3A_253 : memref<128x16xf32, #tpu.memory_space<vmem>>)
    %dma_start3A_260 = arith.constant 5 : i32
    %dma_start3A_261 = arith.constant 5 : i32
    %dma_start3A_262 = arith.constant 0 : i32
    %dma_start3A_263 = arith.constant 0 : i32
    %dma_start3A_264 = tpu.memref_slice %arg9[%dma_start3A_260, %dma_start3A_262, %dma_start3A_263] : memref<8x128x16xf32, #tpu.memory_space<vmem>> -> memref<1x128x16xf32, #tpu.memory_space<vmem>>
    %dma_start3A_265 = tpu.memref_squeeze %dma_start3A_264 : memref<1x128x16xf32, #tpu.memory_space<vmem>> -> memref<128x16xf32, #tpu.memory_space<vmem>>
    %dma_start3A_266 = arith.constant 0 : i32
    %dma_start3A_267 = tpu.memref_slice %arg8[%dma_start3A_261, %dma_start3A_266] : memref<88x128xi32, #tpu.memory_space<vmem>> -> memref<1x128xi32, #tpu.memory_space<vmem>>
    %dma_start3A_268 = tpu.memref_squeeze %dma_start3A_267 : memref<1x128xi32, #tpu.memory_space<vmem>> -> memref<128xi32, #tpu.memory_space<vmem>>
    %dma_start3A_269 = arith.constant 0 : i32
    %dma_start3A_270 = arith.constant 0 : i32
    %dma_start3A_271 = tpu.memref_slice %arg10[%dma_start3A_269, %dma_start3A_270] : memref<10112x16xf32, #tpu.memory_space<vmem_shared>> -> memref<10112x16xf32, #tpu.memory_space<vmem_shared>>
    tpu.enqueue_indirect_dma source(%dma_start3A_265 : memref<128x16xf32, #tpu.memory_space<vmem>>) target(%dma_start3A_271 : memref<10112x16xf32, #tpu.memory_space<vmem_shared>>) offsets(%dma_start3A_268 : memref<128xi32, #tpu.memory_space<vmem>>) semaphore(%arg12 : memref<!tpu.dma_semaphore, #tpu.memory_space<semaphore_mem>>) {add = true}
    %dma_wait3A_272 = arith.constant 1 : i32
    %dma_wait3A_273 = arith.constant 0 : i32
    %dma_wait3A_274 = arith.constant 0 : i32
    %dma_wait3A_275 = arith.constant 0 : i32
    %dma_wait3A_276 = tpu.memref_slice %arg9[%dma_wait3A_272, %dma_wait3A_274, %dma_wait3A_275] : memref<8x128x16xf32, #tpu.memory_space<vmem>> -> memref<1x128x16xf32, #tpu.memory_space<vmem>>
    %dma_wait3A_277 = tpu.memref_squeeze %dma_wait3A_276 : memref<1x128x16xf32, #tpu.memory_space<vmem>> -> memref<128x16xf32, #tpu.memory_space<vmem>>
    %dma_wait3A_278 = arith.constant 0 : i32
    %dma_wait3A_279 = tpu.memref_slice %arg8[%dma_wait3A_273, %dma_wait3A_278] : memref<88x128xi32, #tpu.memory_space<vmem>> -> memref<1x128xi32, #tpu.memory_space<vmem>>
    %dma_wait3A_280 = tpu.memref_squeeze %dma_wait3A_279 : memref<1x128xi32, #tpu.memory_space<vmem>> -> memref<128xi32, #tpu.memory_space<vmem>>
    %dma_wait3A_281 = arith.constant 0 : i32
    %dma_wait3A_282 = arith.constant 0 : i32
    %dma_wait3A_283 = tpu.memref_slice %arg10[%dma_wait3A_281, %dma_wait3A_282] : memref<10112x16xf32, #tpu.memory_space<vmem_shared>> -> memref<10112x16xf32, #tpu.memory_space<vmem_shared>>
    tpu.wait_indirect_dma semaphore(%arg12 : memref<!tpu.dma_semaphore, #tpu.memory_space<semaphore_mem>>) src(%dma_wait3A_277 : memref<128x16xf32, #tpu.memory_space<vmem>>) dst(%dma_wait3A_283 : memref<10112x16xf32, #tpu.memory_space<vmem_shared>>)
    %dma_start3A_284 = arith.constant 9 : i32
    %dma_start3A_285 = arith.constant 1 : i32
    %dma_start3A_286 = arith.constant 0 : i32
    %dma_start3A_287 = arith.constant 0 : i32
    %dma_start3A_288 = tpu.memref_slice %arg9[%dma_start3A_285, %dma_start3A_286, %dma_start3A_287] : memref<8x128x16xf32, #tpu.memory_space<vmem>> -> memref<1x128x16xf32, #tpu.memory_space<vmem>>
    %dma_start3A_289 = tpu.memref_squeeze %dma_start3A_288 : memref<1x128x16xf32, #tpu.memory_space<vmem>> -> memref<128x16xf32, #tpu.memory_space<vmem>>
    %dma_start3A_290 = arith.constant 0 : i32
    %dma_start3A_291 = tpu.memref_slice %arg7[%dma_start3A_284, %dma_start3A_290] : memref<88x128xi32, #tpu.memory_space<vmem>> -> memref<1x128xi32, #tpu.memory_space<vmem>>
    %dma_start3A_292 = tpu.memref_squeeze %dma_start3A_291 : memref<1x128xi32, #tpu.memory_space<vmem>> -> memref<128xi32, #tpu.memory_space<vmem>>
    %dma_start3A_293 = arith.constant 0 : i32
    %dma_start3A_294 = arith.constant 0 : i32
    %dma_start3A_295 = tpu.memref_slice %arg4[%dma_start3A_293, %dma_start3A_294] : memref<10112x16xf32, #tpu.memory_space<hbm>> -> memref<10112x16xf32, #tpu.memory_space<hbm>>
    tpu.enqueue_indirect_dma source(%dma_start3A_295 : memref<10112x16xf32, #tpu.memory_space<hbm>>) target(%dma_start3A_289 : memref<128x16xf32, #tpu.memory_space<vmem>>) offsets(%dma_start3A_292 : memref<128xi32, #tpu.memory_space<vmem>>) semaphore(%arg11 : memref<!tpu.dma_semaphore, #tpu.memory_space<semaphore_mem>>)
    %dma_wait3A_296 = arith.constant 6 : i32
    %dma_wait3A_297 = arith.constant 6 : i32
    %dma_wait3A_298 = arith.constant 0 : i32
    %dma_wait3A_299 = arith.constant 0 : i32
    %dma_wait3A_300 = tpu.memref_slice %arg9[%dma_wait3A_297, %dma_wait3A_298, %dma_wait3A_299] : memref<8x128x16xf32, #tpu.memory_space<vmem>> -> memref<1x128x16xf32, #tpu.memory_space<vmem>>
    %dma_wait3A_301 = tpu.memref_squeeze %dma_wait3A_300 : memref<1x128x16xf32, #tpu.memory_space<vmem>> -> memref<128x16xf32, #tpu.memory_space<vmem>>
    %dma_wait3A_302 = arith.constant 0 : i32
    %dma_wait3A_303 = tpu.memref_slice %arg7[%dma_wait3A_296, %dma_wait3A_302] : memref<88x128xi32, #tpu.memory_space<vmem>> -> memref<1x128xi32, #tpu.memory_space<vmem>>
    %dma_wait3A_304 = tpu.memref_squeeze %dma_wait3A_303 : memref<1x128xi32, #tpu.memory_space<vmem>> -> memref<128xi32, #tpu.memory_space<vmem>>
    %dma_wait3A_305 = arith.constant 0 : i32
    %dma_wait3A_306 = arith.constant 0 : i32
    %dma_wait3A_307 = tpu.memref_slice %arg4[%dma_wait3A_305, %dma_wait3A_306] : memref<10112x16xf32, #tpu.memory_space<hbm>> -> memref<10112x16xf32, #tpu.memory_space<hbm>>
    tpu.wait_indirect_dma semaphore(%arg11 : memref<!tpu.dma_semaphore, #tpu.memory_space<semaphore_mem>>) src(%dma_wait3A_307 : memref<10112x16xf32, #tpu.memory_space<hbm>>) dst(%dma_wait3A_301 : memref<128x16xf32, #tpu.memory_space<vmem>>)
    %dma_start3A_308 = arith.constant 6 : i32
    %dma_start3A_309 = arith.constant 6 : i32
    %dma_start3A_310 = arith.constant 0 : i32
    %dma_start3A_311 = arith.constant 0 : i32
    %dma_start3A_312 = tpu.memref_slice %arg9[%dma_start3A_308, %dma_start3A_310, %dma_start3A_311] : memref<8x128x16xf32, #tpu.memory_space<vmem>> -> memref<1x128x16xf32, #tpu.memory_space<vmem>>
    %dma_start3A_313 = tpu.memref_squeeze %dma_start3A_312 : memref<1x128x16xf32, #tpu.memory_space<vmem>> -> memref<128x16xf32, #tpu.memory_space<vmem>>
    %dma_start3A_314 = arith.constant 0 : i32
    %dma_start3A_315 = tpu.memref_slice %arg8[%dma_start3A_309, %dma_start3A_314] : memref<88x128xi32, #tpu.memory_space<vmem>> -> memref<1x128xi32, #tpu.memory_space<vmem>>
    %dma_start3A_316 = tpu.memref_squeeze %dma_start3A_315 : memref<1x128xi32, #tpu.memory_space<vmem>> -> memref<128xi32, #tpu.memory_space<vmem>>
    %dma_start3A_317 = arith.constant 0 : i32
    %dma_start3A_318 = arith.constant 0 : i32
    %dma_start3A_319 = tpu.memref_slice %arg10[%dma_start3A_317, %dma_start3A_318] : memref<10112x16xf32, #tpu.memory_space<vmem_shared>> -> memref<10112x16xf32, #tpu.memory_space<vmem_shared>>
    tpu.enqueue_indirect_dma source(%dma_start3A_313 : memref<128x16xf32, #tpu.memory_space<vmem>>) target(%dma_start3A_319 : memref<10112x16xf32, #tpu.memory_space<vmem_shared>>) offsets(%dma_start3A_316 : memref<128xi32, #tpu.memory_space<vmem>>) semaphore(%arg12 : memref<!tpu.dma_semaphore, #tpu.memory_space<semaphore_mem>>) {add = true}
    %dma_wait3A_320 = arith.constant 2 : i32
    %dma_wait3A_321 = arith.constant 0 : i32
    %dma_wait3A_322 = arith.constant 0 : i32
    %dma_wait3A_323 = arith.constant 0 : i32
    %dma_wait3A_324 = tpu.memref_slice %arg9[%dma_wait3A_320, %dma_wait3A_322, %dma_wait3A_323] : memref<8x128x16xf32, #tpu.memory_space<vmem>> -> memref<1x128x16xf32, #tpu.memory_space<vmem>>
    %dma_wait3A_325 = tpu.memref_squeeze %dma_wait3A_324 : memref<1x128x16xf32, #tpu.memory_space<vmem>> -> memref<128x16xf32, #tpu.memory_space<vmem>>
    %dma_wait3A_326 = arith.constant 0 : i32
    %dma_wait3A_327 = tpu.memref_slice %arg8[%dma_wait3A_321, %dma_wait3A_326] : memref<88x128xi32, #tpu.memory_space<vmem>> -> memref<1x128xi32, #tpu.memory_space<vmem>>
    %dma_wait3A_328 = tpu.memref_squeeze %dma_wait3A_327 : memref<1x128xi32, #tpu.memory_space<vmem>> -> memref<128xi32, #tpu.memory_space<vmem>>
    %dma_wait3A_329 = arith.constant 0 : i32
    %dma_wait3A_330 = arith.constant 0 : i32
    %dma_wait3A_331 = tpu.memref_slice %arg10[%dma_wait3A_329, %dma_wait3A_330] : memref<10112x16xf32, #tpu.memory_space<vmem_shared>> -> memref<10112x16xf32, #tpu.memory_space<vmem_shared>>
    tpu.wait_indirect_dma semaphore(%arg12 : memref<!tpu.dma_semaphore, #tpu.memory_space<semaphore_mem>>) src(%dma_wait3A_325 : memref<128x16xf32, #tpu.memory_space<vmem>>) dst(%dma_wait3A_331 : memref<10112x16xf32, #tpu.memory_space<vmem_shared>>)
    %dma_start3A_332 = arith.constant 10 : i32
    %dma_start3A_333 = arith.constant 2 : i32
    %dma_start3A_334 = arith.constant 0 : i32
    %dma_start3A_335 = arith.constant 0 : i32
    %dma_start3A_336 = tpu.memref_slice %arg9[%dma_start3A_333, %dma_start3A_334, %dma_start3A_335] : memref<8x128x16xf32, #tpu.memory_space<vmem>> -> memref<1x128x16xf32, #tpu.memory_space<vmem>>
    %dma_start3A_337 = tpu.memref_squeeze %dma_start3A_336 : memref<1x128x16xf32, #tpu.memory_space<vmem>> -> memref<128x16xf32, #tpu.memory_space<vmem>>
    %dma_start3A_338 = arith.constant 0 : i32
    %dma_start3A_339 = tpu.memref_slice %arg7[%dma_start3A_332, %dma_start3A_338] : memref<88x128xi32, #tpu.memory_space<vmem>> -> memref<1x128xi32, #tpu.memory_space<vmem>>
    %dma_start3A_340 = tpu.memref_squeeze %dma_start3A_339 : memref<1x128xi32, #tpu.memory_space<vmem>> -> memref<128xi32, #tpu.memory_space<vmem>>
    %dma_start3A_341 = arith.constant 0 : i32
    %dma_start3A_342 = arith.constant 0 : i32
    %dma_start3A_343 = tpu.memref_slice %arg4[%dma_start3A_341, %dma_start3A_342] : memref<10112x16xf32, #tpu.memory_space<hbm>> -> memref<10112x16xf32, #tpu.memory_space<hbm>>
    tpu.enqueue_indirect_dma source(%dma_start3A_343 : memref<10112x16xf32, #tpu.memory_space<hbm>>) target(%dma_start3A_337 : memref<128x16xf32, #tpu.memory_space<vmem>>) offsets(%dma_start3A_340 : memref<128xi32, #tpu.memory_space<vmem>>) semaphore(%arg11 : memref<!tpu.dma_semaphore, #tpu.memory_space<semaphore_mem>>)
    %dma_wait3A_344 = arith.constant 7 : i32
    %dma_wait3A_345 = arith.constant 7 : i32
    %dma_wait3A_346 = arith.constant 0 : i32
    %dma_wait3A_347 = arith.constant 0 : i32
    %dma_wait3A_348 = tpu.memref_slice %arg9[%dma_wait3A_345, %dma_wait3A_346, %dma_wait3A_347] : memref<8x128x16xf32, #tpu.memory_space<vmem>> -> memref<1x128x16xf32, #tpu.memory_space<vmem>>
    %dma_wait3A_349 = tpu.memref_squeeze %dma_wait3A_348 : memref<1x128x16xf32, #tpu.memory_space<vmem>> -> memref<128x16xf32, #tpu.memory_space<vmem>>
    %dma_wait3A_350 = arith.constant 0 : i32
    %dma_wait3A_351 = tpu.memref_slice %arg7[%dma_wait3A_344, %dma_wait3A_350] : memref<88x128xi32, #tpu.memory_space<vmem>> -> memref<1x128xi32, #tpu.memory_space<vmem>>
    %dma_wait3A_352 = tpu.memref_squeeze %dma_wait3A_351 : memref<1x128xi32, #tpu.memory_space<vmem>> -> memref<128xi32, #tpu.memory_space<vmem>>
    %dma_wait3A_353 = arith.constant 0 : i32
    %dma_wait3A_354 = arith.constant 0 : i32
    %dma_wait3A_355 = tpu.memref_slice %arg4[%dma_wait3A_353, %dma_wait3A_354] : memref<10112x16xf32, #tpu.memory_space<hbm>> -> memref<10112x16xf32, #tpu.memory_space<hbm>>
    tpu.wait_indirect_dma semaphore(%arg11 : memref<!tpu.dma_semaphore, #tpu.memory_space<semaphore_mem>>) src(%dma_wait3A_355 : memref<10112x16xf32, #tpu.memory_space<hbm>>) dst(%dma_wait3A_349 : memref<128x16xf32, #tpu.memory_space<vmem>>)
    %dma_start3A_356 = arith.constant 7 : i32
    %dma_start3A_357 = arith.constant 7 : i32
    %dma_start3A_358 = arith.constant 0 : i32
    %dma_start3A_359 = arith.constant 0 : i32
    %dma_start3A_360 = tpu.memref_slice %arg9[%dma_start3A_356, %dma_start3A_358, %dma_start3A_359] : memref<8x128x16xf32, #tpu.memory_space<vmem>> -> memref<1x128x16xf32, #tpu.memory_space<vmem>>
    %dma_start3A_361 = tpu.memref_squeeze %dma_start3A_360 : memref<1x128x16xf32, #tpu.memory_space<vmem>> -> memref<128x16xf32, #tpu.memory_space<vmem>>
    %dma_start3A_362 = arith.constant 0 : i32
    %dma_start3A_363 = tpu.memref_slice %arg8[%dma_start3A_357, %dma_start3A_362] : memref<88x128xi32, #tpu.memory_space<vmem>> -> memref<1x128xi32, #tpu.memory_space<vmem>>
    %dma_start3A_364 = tpu.memref_squeeze %dma_start3A_363 : memref<1x128xi32, #tpu.memory_space<vmem>> -> memref<128xi32, #tpu.memory_space<vmem>>
    %dma_start3A_365 = arith.constant 0 : i32
    %dma_start3A_366 = arith.constant 0 : i32
    %dma_start3A_367 = tpu.memref_slice %arg10[%dma_start3A_365, %dma_start3A_366] : memref<10112x16xf32, #tpu.memory_space<vmem_shared>> -> memref<10112x16xf32, #tpu.memory_space<vmem_shared>>
    tpu.enqueue_indirect_dma source(%dma_start3A_361 : memref<128x16xf32, #tpu.memory_space<vmem>>) target(%dma_start3A_367 : memref<10112x16xf32, #tpu.memory_space<vmem_shared>>) offsets(%dma_start3A_364 : memref<128xi32, #tpu.memory_space<vmem>>) semaphore(%arg12 : memref<!tpu.dma_semaphore, #tpu.memory_space<semaphore_mem>>) {add = true}
    %dma_wait3A_368 = arith.constant 3 : i32
    %dma_wait3A_369 = arith.constant 0 : i32
    %dma_wait3A_370 = arith.constant 0 : i32
    %dma_wait3A_371 = arith.constant 0 : i32
    %dma_wait3A_372 = tpu.memref_slice %arg9[%dma_wait3A_368, %dma_wait3A_370, %dma_wait3A_371] : memref<8x128x16xf32, #tpu.memory_space<vmem>> -> memref<1x128x16xf32, #tpu.memory_space<vmem>>
    %dma_wait3A_373 = tpu.memref_squeeze %dma_wait3A_372 : memref<1x128x16xf32, #tpu.memory_space<vmem>> -> memref<128x16xf32, #tpu.memory_space<vmem>>
    %dma_wait3A_374 = arith.constant 0 : i32
    %dma_wait3A_375 = tpu.memref_slice %arg8[%dma_wait3A_369, %dma_wait3A_374] : memref<88x128xi32, #tpu.memory_space<vmem>> -> memref<1x128xi32, #tpu.memory_space<vmem>>
    %dma_wait3A_376 = tpu.memref_squeeze %dma_wait3A_375 : memref<1x128xi32, #tpu.memory_space<vmem>> -> memref<128xi32, #tpu.memory_space<vmem>>
    %dma_wait3A_377 = arith.constant 0 : i32
    %dma_wait3A_378 = arith.constant 0 : i32
    %dma_wait3A_379 = tpu.memref_slice %arg10[%dma_wait3A_377, %dma_wait3A_378] : memref<10112x16xf32, #tpu.memory_space<vmem_shared>> -> memref<10112x16xf32, #tpu.memory_space<vmem_shared>>
    tpu.wait_indirect_dma semaphore(%arg12 : memref<!tpu.dma_semaphore, #tpu.memory_space<semaphore_mem>>) src(%dma_wait3A_373 : memref<128x16xf32, #tpu.memory_space<vmem>>) dst(%dma_wait3A_379 : memref<10112x16xf32, #tpu.memory_space<vmem_shared>>)
    %dma_start3A_380 = arith.constant 11 : i32
    %dma_start3A_381 = arith.constant 3 : i32
    %dma_start3A_382 = arith.constant 0 : i32
    %dma_start3A_383 = arith.constant 0 : i32
    %dma_start3A_384 = tpu.memref_slice %arg9[%dma_start3A_381, %dma_start3A_382, %dma_start3A_383] : memref<8x128x16xf32, #tpu.memory_space<vmem>> -> memref<1x128x16xf32, #tpu.memory_space<vmem>>
    %dma_start3A_385 = tpu.memref_squeeze %dma_start3A_384 : memref<1x128x16xf32, #tpu.memory_space<vmem>> -> memref<128x16xf32, #tpu.memory_space<vmem>>
    %dma_start3A_386 = arith.constant 0 : i32
    %dma_start3A_387 = tpu.memref_slice %arg7[%dma_start3A_380, %dma_start3A_386] : memref<88x128xi32, #tpu.memory_space<vmem>> -> memref<1x128xi32, #tpu.memory_space<vmem>>
    %dma_start3A_388 = tpu.memref_squeeze %dma_start3A_387 : memref<1x128xi32, #tpu.memory_space<vmem>> -> memref<128xi32, #tpu.memory_space<vmem>>
    %dma_start3A_389 = arith.constant 0 : i32
    %dma_start3A_390 = arith.constant 0 : i32
    %dma_start3A_391 = tpu.memref_slice %arg4[%dma_start3A_389, %dma_start3A_390] : memref<10112x16xf32, #tpu.memory_space<hbm>> -> memref<10112x16xf32, #tpu.memory_space<hbm>>
    tpu.enqueue_indirect_dma source(%dma_start3A_391 : memref<10112x16xf32, #tpu.memory_space<hbm>>) target(%dma_start3A_385 : memref<128x16xf32, #tpu.memory_space<vmem>>) offsets(%dma_start3A_388 : memref<128xi32, #tpu.memory_space<vmem>>) semaphore(%arg11 : memref<!tpu.dma_semaphore, #tpu.memory_space<semaphore_mem>>)
    %jit3A_392 = arith.constant 8 : i32
    %div3A = arith.divsi %select_n3A, %jit3A_392 : i32
    %sign3A = arith.constant 0 : i32
    %sign3A_393 = arith.cmpi sgt, %select_n3A, %sign3A : i32
    %sign3A_394 = arith.extui %sign3A_393 : i1 to i32
    %sign3A_395 = arith.constant 0 : i32
    %sign3A_396 = arith.cmpi slt, %select_n3A, %sign3A_395 : i32
    %sign3A_397 = arith.extui %sign3A_396 : i1 to i32
    %sign3A_398 = arith.subi %sign3A_394, %sign3A_397 : i32
    %sign3A_399 = arith.constant 0 : i32
    %sign3A_400 = arith.cmpi sgt, %jit3A_392, %sign3A_399 : i32
    %sign3A_401 = arith.extui %sign3A_400 : i1 to i32
    %sign3A_402 = arith.constant 0 : i32
    %sign3A_403 = arith.cmpi slt, %jit3A_392, %sign3A_402 : i32
    %sign3A_404 = arith.extui %sign3A_403 : i1 to i32
    %sign3A_405 = arith.subi %sign3A_401, %sign3A_404 : i32
    %ne3A = arith.cmpi ne, %sign3A_398, %sign3A_405 : i32
    %rem3A = arith.remsi %select_n3A, %jit3A_392 : i32
    %ne3A_406 = arith.constant 0 : i32
    %ne3A_407 = arith.cmpi ne, %rem3A, %ne3A_406 : i32
    %and3A = arith.andi %ne3A, %ne3A_407 : i1
    %sub3A = arith.constant 1 : i32
    %sub3A_408 = arith.subi %div3A, %sub3A : i32
    %select_n3A_409 = arith.select %and3A, %sub3A_408, %div3A : i32
    %while3A = arith.constant 0 : i32
    %while3A_410 = arith.constant 1 : i32
    %while3A_411 = arith.subi %select_n3A_409, %while3A_410 : i32
    %while3A_412 = arith.addi %while3A_410, %while3A_411 : i32
    %while3A_413 = arith.constant 1 : i32
    %while3A_414 = arith.divsi %while3A_411, %while3A_413 : i32
    %while3A_415 = arith.muli %while3A_414, %while3A_413 : i32
    %while3A_416 = arith.addi %while3A_410, %while3A_415 : i32
    %while3A_417 = arith.constant 1 : i32
    scf.for %while3A_520 = %while3A_410 to %while3A_416 step %while3A_417  : i32 {
      %mul3A_521 = arith.constant 8 : i32
      %mul3A_522 = arith.muli %while3A_520, %mul3A_521 : i32
      %add3A_523 = arith.constant 0 : i32
      %add3A_524 = arith.addi %mul3A_522, %add3A_523 : i32
      %dma_wait3A_525 = arith.constant 0 : i32
      %dma_wait3A_526 = arith.constant 0 : i32
      %dma_wait3A_527 = arith.constant 0 : i32
      %dma_wait3A_528 = tpu.memref_slice %arg9[%dma_wait3A_525, %dma_wait3A_526, %dma_wait3A_527] : memref<8x128x16xf32, #tpu.memory_space<vmem>> -> memref<1x128x16xf32, #tpu.memory_space<vmem>>
      %dma_wait3A_529 = tpu.memref_squeeze %dma_wait3A_528 : memref<1x128x16xf32, #tpu.memory_space<vmem>> -> memref<128x16xf32, #tpu.memory_space<vmem>>
      %dma_wait3A_530 = arith.constant 0 : i32
      %dma_wait3A_531 = tpu.memref_slice %arg7[%add3A_524, %dma_wait3A_530] : memref<88x128xi32, #tpu.memory_space<vmem>> -> memref<1x128xi32, #tpu.memory_space<vmem>>
      %dma_wait3A_532 = tpu.memref_squeeze %dma_wait3A_531 : memref<1x128xi32, #tpu.memory_space<vmem>> -> memref<128xi32, #tpu.memory_space<vmem>>
      %dma_wait3A_533 = arith.constant 0 : i32
      %dma_wait3A_534 = arith.constant 0 : i32
      %dma_wait3A_535 = tpu.memref_slice %arg4[%dma_wait3A_533, %dma_wait3A_534] : memref<10112x16xf32, #tpu.memory_space<hbm>> -> memref<10112x16xf32, #tpu.memory_space<hbm>>
      tpu.wait_indirect_dma semaphore(%arg11 : memref<!tpu.dma_semaphore, #tpu.memory_space<semaphore_mem>>) src(%dma_wait3A_535 : memref<10112x16xf32, #tpu.memory_space<hbm>>) dst(%dma_wait3A_529 : memref<128x16xf32, #tpu.memory_space<vmem>>)
      %dma_start3A_536 = arith.constant 0 : i32
      %dma_start3A_537 = arith.constant 0 : i32
      %dma_start3A_538 = arith.constant 0 : i32
      %dma_start3A_539 = tpu.memref_slice %arg9[%dma_start3A_536, %dma_start3A_537, %dma_start3A_538] : memref<8x128x16xf32, #tpu.memory_space<vmem>> -> memref<1x128x16xf32, #tpu.memory_space<vmem>>
      %dma_start3A_540 = tpu.memref_squeeze %dma_start3A_539 : memref<1x128x16xf32, #tpu.memory_space<vmem>> -> memref<128x16xf32, #tpu.memory_space<vmem>>
      %dma_start3A_541 = arith.constant 0 : i32
      %dma_start3A_542 = tpu.memref_slice %arg8[%add3A_524, %dma_start3A_541] : memref<88x128xi32, #tpu.memory_space<vmem>> -> memref<1x128xi32, #tpu.memory_space<vmem>>
      %dma_start3A_543 = tpu.memref_squeeze %dma_start3A_542 : memref<1x128xi32, #tpu.memory_space<vmem>> -> memref<128xi32, #tpu.memory_space<vmem>>
      %dma_start3A_544 = arith.constant 0 : i32
      %dma_start3A_545 = arith.constant 0 : i32
      %dma_start3A_546 = tpu.memref_slice %arg10[%dma_start3A_544, %dma_start3A_545] : memref<10112x16xf32, #tpu.memory_space<vmem_shared>> -> memref<10112x16xf32, #tpu.memory_space<vmem_shared>>
      tpu.enqueue_indirect_dma source(%dma_start3A_540 : memref<128x16xf32, #tpu.memory_space<vmem>>) target(%dma_start3A_546 : memref<10112x16xf32, #tpu.memory_space<vmem_shared>>) offsets(%dma_start3A_543 : memref<128xi32, #tpu.memory_space<vmem>>) semaphore(%arg12 : memref<!tpu.dma_semaphore, #tpu.memory_space<semaphore_mem>>) {add = true}
      %dma_wait3A_547 = arith.constant 4 : i32
      %dma_wait3A_548 = arith.constant 0 : i32
      %dma_wait3A_549 = arith.constant 0 : i32
      %dma_wait3A_550 = arith.constant 0 : i32
      %dma_wait3A_551 = tpu.memref_slice %arg9[%dma_wait3A_547, %dma_wait3A_549, %dma_wait3A_550] : memref<8x128x16xf32, #tpu.memory_space<vmem>> -> memref<1x128x16xf32, #tpu.memory_space<vmem>>
      %dma_wait3A_552 = tpu.memref_squeeze %dma_wait3A_551 : memref<1x128x16xf32, #tpu.memory_space<vmem>> -> memref<128x16xf32, #tpu.memory_space<vmem>>
      %dma_wait3A_553 = arith.constant 0 : i32
      %dma_wait3A_554 = tpu.memref_slice %arg8[%dma_wait3A_548, %dma_wait3A_553] : memref<88x128xi32, #tpu.memory_space<vmem>> -> memref<1x128xi32, #tpu.memory_space<vmem>>
      %dma_wait3A_555 = tpu.memref_squeeze %dma_wait3A_554 : memref<1x128xi32, #tpu.memory_space<vmem>> -> memref<128xi32, #tpu.memory_space<vmem>>
      %dma_wait3A_556 = arith.constant 0 : i32
      %dma_wait3A_557 = arith.constant 0 : i32
      %dma_wait3A_558 = tpu.memref_slice %arg10[%dma_wait3A_556, %dma_wait3A_557] : memref<10112x16xf32, #tpu.memory_space<vmem_shared>> -> memref<10112x16xf32, #tpu.memory_space<vmem_shared>>
      tpu.wait_indirect_dma semaphore(%arg12 : memref<!tpu.dma_semaphore, #tpu.memory_space<semaphore_mem>>) src(%dma_wait3A_552 : memref<128x16xf32, #tpu.memory_space<vmem>>) dst(%dma_wait3A_558 : memref<10112x16xf32, #tpu.memory_space<vmem_shared>>)
      %add3A_559 = arith.constant 4 : i32
      %add3A_560 = arith.addi %add3A_524, %add3A_559 : i32
      %sub3A_561 = arith.constant 1 : i32
      %sub3A_562 = arith.subi %select_n3A, %sub3A_561 : i32
      %min3A = arith.minsi %add3A_560, %sub3A_562 : i32
      %dma_start3A_563 = arith.constant 4 : i32
      %dma_start3A_564 = arith.constant 0 : i32
      %dma_start3A_565 = arith.constant 0 : i32
      %dma_start3A_566 = tpu.memref_slice %arg9[%dma_start3A_563, %dma_start3A_564, %dma_start3A_565] : memref<8x128x16xf32, #tpu.memory_space<vmem>> -> memref<1x128x16xf32, #tpu.memory_space<vmem>>
      %dma_start3A_567 = tpu.memref_squeeze %dma_start3A_566 : memref<1x128x16xf32, #tpu.memory_space<vmem>> -> memref<128x16xf32, #tpu.memory_space<vmem>>
      %dma_start3A_568 = arith.constant 0 : i32
      %dma_start3A_569 = tpu.memref_slice %arg7[%min3A, %dma_start3A_568] : memref<88x128xi32, #tpu.memory_space<vmem>> -> memref<1x128xi32, #tpu.memory_space<vmem>>
      %dma_start3A_570 = tpu.memref_squeeze %dma_start3A_569 : memref<1x128xi32, #tpu.memory_space<vmem>> -> memref<128xi32, #tpu.memory_space<vmem>>
      %dma_start3A_571 = arith.constant 0 : i32
      %dma_start3A_572 = arith.constant 0 : i32
      %dma_start3A_573 = tpu.memref_slice %arg4[%dma_start3A_571, %dma_start3A_572] : memref<10112x16xf32, #tpu.memory_space<hbm>> -> memref<10112x16xf32, #tpu.memory_space<hbm>>
      tpu.enqueue_indirect_dma source(%dma_start3A_573 : memref<10112x16xf32, #tpu.memory_space<hbm>>) target(%dma_start3A_567 : memref<128x16xf32, #tpu.memory_space<vmem>>) offsets(%dma_start3A_570 : memref<128xi32, #tpu.memory_space<vmem>>) semaphore(%arg11 : memref<!tpu.dma_semaphore, #tpu.memory_space<semaphore_mem>>)
      %mul3A_574 = arith.constant 8 : i32
      %mul3A_575 = arith.muli %while3A_520, %mul3A_574 : i32
      %add3A_576 = arith.constant 1 : i32
      %add3A_577 = arith.addi %mul3A_575, %add3A_576 : i32
      %dma_wait3A_578 = arith.constant 1 : i32
      %dma_wait3A_579 = arith.constant 0 : i32
      %dma_wait3A_580 = arith.constant 0 : i32
      %dma_wait3A_581 = tpu.memref_slice %arg9[%dma_wait3A_578, %dma_wait3A_579, %dma_wait3A_580] : memref<8x128x16xf32, #tpu.memory_space<vmem>> -> memref<1x128x16xf32, #tpu.memory_space<vmem>>
      %dma_wait3A_582 = tpu.memref_squeeze %dma_wait3A_581 : memref<1x128x16xf32, #tpu.memory_space<vmem>> -> memref<128x16xf32, #tpu.memory_space<vmem>>
      %dma_wait3A_583 = arith.constant 0 : i32
      %dma_wait3A_584 = tpu.memref_slice %arg7[%add3A_577, %dma_wait3A_583] : memref<88x128xi32, #tpu.memory_space<vmem>> -> memref<1x128xi32, #tpu.memory_space<vmem>>
      %dma_wait3A_585 = tpu.memref_squeeze %dma_wait3A_584 : memref<1x128xi32, #tpu.memory_space<vmem>> -> memref<128xi32, #tpu.memory_space<vmem>>
      %dma_wait3A_586 = arith.constant 0 : i32
      %dma_wait3A_587 = arith.constant 0 : i32
      %dma_wait3A_588 = tpu.memref_slice %arg4[%dma_wait3A_586, %dma_wait3A_587] : memref<10112x16xf32, #tpu.memory_space<hbm>> -> memref<10112x16xf32, #tpu.memory_space<hbm>>
      tpu.wait_indirect_dma semaphore(%arg11 : memref<!tpu.dma_semaphore, #tpu.memory_space<semaphore_mem>>) src(%dma_wait3A_588 : memref<10112x16xf32, #tpu.memory_space<hbm>>) dst(%dma_wait3A_582 : memref<128x16xf32, #tpu.memory_space<vmem>>)
      %dma_start3A_589 = arith.constant 1 : i32
      %dma_start3A_590 = arith.constant 0 : i32
      %dma_start3A_591 = arith.constant 0 : i32
      %dma_start3A_592 = tpu.memref_slice %arg9[%dma_start3A_589, %dma_start3A_590, %dma_start3A_591] : memref<8x128x16xf32, #tpu.memory_space<vmem>> -> memref<1x128x16xf32, #tpu.memory_space<vmem>>
      %dma_start3A_593 = tpu.memref_squeeze %dma_start3A_592 : memref<1x128x16xf32, #tpu.memory_space<vmem>> -> memref<128x16xf32, #tpu.memory_space<vmem>>
      %dma_start3A_594 = arith.constant 0 : i32
      %dma_start3A_595 = tpu.memref_slice %arg8[%add3A_577, %dma_start3A_594] : memref<88x128xi32, #tpu.memory_space<vmem>> -> memref<1x128xi32, #tpu.memory_space<vmem>>
      %dma_start3A_596 = tpu.memref_squeeze %dma_start3A_595 : memref<1x128xi32, #tpu.memory_space<vmem>> -> memref<128xi32, #tpu.memory_space<vmem>>
      %dma_start3A_597 = arith.constant 0 : i32
      %dma_start3A_598 = arith.constant 0 : i32
      %dma_start3A_599 = tpu.memref_slice %arg10[%dma_start3A_597, %dma_start3A_598] : memref<10112x16xf32, #tpu.memory_space<vmem_shared>> -> memref<10112x16xf32, #tpu.memory_space<vmem_shared>>
      tpu.enqueue_indirect_dma source(%dma_start3A_593 : memref<128x16xf32, #tpu.memory_space<vmem>>) target(%dma_start3A_599 : memref<10112x16xf32, #tpu.memory_space<vmem_shared>>) offsets(%dma_start3A_596 : memref<128xi32, #tpu.memory_space<vmem>>) semaphore(%arg12 : memref<!tpu.dma_semaphore, #tpu.memory_space<semaphore_mem>>) {add = true}
      %dma_wait3A_600 = arith.constant 5 : i32
      %dma_wait3A_601 = arith.constant 0 : i32
      %dma_wait3A_602 = arith.constant 0 : i32
      %dma_wait3A_603 = arith.constant 0 : i32
      %dma_wait3A_604 = tpu.memref_slice %arg9[%dma_wait3A_600, %dma_wait3A_602, %dma_wait3A_603] : memref<8x128x16xf32, #tpu.memory_space<vmem>> -> memref<1x128x16xf32, #tpu.memory_space<vmem>>
      %dma_wait3A_605 = tpu.memref_squeeze %dma_wait3A_604 : memref<1x128x16xf32, #tpu.memory_space<vmem>> -> memref<128x16xf32, #tpu.memory_space<vmem>>
      %dma_wait3A_606 = arith.constant 0 : i32
      %dma_wait3A_607 = tpu.memref_slice %arg8[%dma_wait3A_601, %dma_wait3A_606] : memref<88x128xi32, #tpu.memory_space<vmem>> -> memref<1x128xi32, #tpu.memory_space<vmem>>
      %dma_wait3A_608 = tpu.memref_squeeze %dma_wait3A_607 : memref<1x128xi32, #tpu.memory_space<vmem>> -> memref<128xi32, #tpu.memory_space<vmem>>
      %dma_wait3A_609 = arith.constant 0 : i32
      %dma_wait3A_610 = arith.constant 0 : i32
      %dma_wait3A_611 = tpu.memref_slice %arg10[%dma_wait3A_609, %dma_wait3A_610] : memref<10112x16xf32, #tpu.memory_space<vmem_shared>> -> memref<10112x16xf32, #tpu.memory_space<vmem_shared>>
      tpu.wait_indirect_dma semaphore(%arg12 : memref<!tpu.dma_semaphore, #tpu.memory_space<semaphore_mem>>) src(%dma_wait3A_605 : memref<128x16xf32, #tpu.memory_space<vmem>>) dst(%dma_wait3A_611 : memref<10112x16xf32, #tpu.memory_space<vmem_shared>>)
      %add3A_612 = arith.constant 4 : i32
      %add3A_613 = arith.addi %add3A_577, %add3A_612 : i32
      %sub3A_614 = arith.constant 1 : i32
      %sub3A_615 = arith.subi %select_n3A, %sub3A_614 : i32
      %min3A_616 = arith.minsi %add3A_613, %sub3A_615 : i32
      %dma_start3A_617 = arith.constant 5 : i32
      %dma_start3A_618 = arith.constant 0 : i32
      %dma_start3A_619 = arith.constant 0 : i32
      %dma_start3A_620 = tpu.memref_slice %arg9[%dma_start3A_617, %dma_start3A_618, %dma_start3A_619] : memref<8x128x16xf32, #tpu.memory_space<vmem>> -> memref<1x128x16xf32, #tpu.memory_space<vmem>>
      %dma_start3A_621 = tpu.memref_squeeze %dma_start3A_620 : memref<1x128x16xf32, #tpu.memory_space<vmem>> -> memref<128x16xf32, #tpu.memory_space<vmem>>
      %dma_start3A_622 = arith.constant 0 : i32
      %dma_start3A_623 = tpu.memref_slice %arg7[%min3A_616, %dma_start3A_622] : memref<88x128xi32, #tpu.memory_space<vmem>> -> memref<1x128xi32, #tpu.memory_space<vmem>>
      %dma_start3A_624 = tpu.memref_squeeze %dma_start3A_623 : memref<1x128xi32, #tpu.memory_space<vmem>> -> memref<128xi32, #tpu.memory_space<vmem>>
      %dma_start3A_625 = arith.constant 0 : i32
      %dma_start3A_626 = arith.constant 0 : i32
      %dma_start3A_627 = tpu.memref_slice %arg4[%dma_start3A_625, %dma_start3A_626] : memref<10112x16xf32, #tpu.memory_space<hbm>> -> memref<10112x16xf32, #tpu.memory_space<hbm>>
      tpu.enqueue_indirect_dma source(%dma_start3A_627 : memref<10112x16xf32, #tpu.memory_space<hbm>>) target(%dma_start3A_621 : memref<128x16xf32, #tpu.memory_space<vmem>>) offsets(%dma_start3A_624 : memref<128xi32, #tpu.memory_space<vmem>>) semaphore(%arg11 : memref<!tpu.dma_semaphore, #tpu.memory_space<semaphore_mem>>)
      %mul3A_628 = arith.constant 8 : i32
      %mul3A_629 = arith.muli %while3A_520, %mul3A_628 : i32
      %add3A_630 = arith.constant 2 : i32
      %add3A_631 = arith.addi %mul3A_629, %add3A_630 : i32
      %dma_wait3A_632 = arith.constant 2 : i32
      %dma_wait3A_633 = arith.constant 0 : i32
      %dma_wait3A_634 = arith.constant 0 : i32
      %dma_wait3A_635 = tpu.memref_slice %arg9[%dma_wait3A_632, %dma_wait3A_633, %dma_wait3A_634] : memref<8x128x16xf32, #tpu.memory_space<vmem>> -> memref<1x128x16xf32, #tpu.memory_space<vmem>>
      %dma_wait3A_636 = tpu.memref_squeeze %dma_wait3A_635 : memref<1x128x16xf32, #tpu.memory_space<vmem>> -> memref<128x16xf32, #tpu.memory_space<vmem>>
      %dma_wait3A_637 = arith.constant 0 : i32
      %dma_wait3A_638 = tpu.memref_slice %arg7[%add3A_631, %dma_wait3A_637] : memref<88x128xi32, #tpu.memory_space<vmem>> -> memref<1x128xi32, #tpu.memory_space<vmem>>
      %dma_wait3A_639 = tpu.memref_squeeze %dma_wait3A_638 : memref<1x128xi32, #tpu.memory_space<vmem>> -> memref<128xi32, #tpu.memory_space<vmem>>
      %dma_wait3A_640 = arith.constant 0 : i32
      %dma_wait3A_641 = arith.constant 0 : i32
      %dma_wait3A_642 = tpu.memref_slice %arg4[%dma_wait3A_640, %dma_wait3A_641] : memref<10112x16xf32, #tpu.memory_space<hbm>> -> memref<10112x16xf32, #tpu.memory_space<hbm>>
      tpu.wait_indirect_dma semaphore(%arg11 : memref<!tpu.dma_semaphore, #tpu.memory_space<semaphore_mem>>) src(%dma_wait3A_642 : memref<10112x16xf32, #tpu.memory_space<hbm>>) dst(%dma_wait3A_636 : memref<128x16xf32, #tpu.memory_space<vmem>>)
      %dma_start3A_643 = arith.constant 2 : i32
      %dma_start3A_644 = arith.constant 0 : i32
      %dma_start3A_645 = arith.constant 0 : i32
      %dma_start3A_646 = tpu.memref_slice %arg9[%dma_start3A_643, %dma_start3A_644, %dma_start3A_645] : memref<8x128x16xf32, #tpu.memory_space<vmem>> -> memref<1x128x16xf32, #tpu.memory_space<vmem>>
      %dma_start3A_647 = tpu.memref_squeeze %dma_start3A_646 : memref<1x128x16xf32, #tpu.memory_space<vmem>> -> memref<128x16xf32, #tpu.memory_space<vmem>>
      %dma_start3A_648 = arith.constant 0 : i32
      %dma_start3A_649 = tpu.memref_slice %arg8[%add3A_631, %dma_start3A_648] : memref<88x128xi32, #tpu.memory_space<vmem>> -> memref<1x128xi32, #tpu.memory_space<vmem>>
      %dma_start3A_650 = tpu.memref_squeeze %dma_start3A_649 : memref<1x128xi32, #tpu.memory_space<vmem>> -> memref<128xi32, #tpu.memory_space<vmem>>
      %dma_start3A_651 = arith.constant 0 : i32
      %dma_start3A_652 = arith.constant 0 : i32
      %dma_start3A_653 = tpu.memref_slice %arg10[%dma_start3A_651, %dma_start3A_652] : memref<10112x16xf32, #tpu.memory_space<vmem_shared>> -> memref<10112x16xf32, #tpu.memory_space<vmem_shared>>
      tpu.enqueue_indirect_dma source(%dma_start3A_647 : memref<128x16xf32, #tpu.memory_space<vmem>>) target(%dma_start3A_653 : memref<10112x16xf32, #tpu.memory_space<vmem_shared>>) offsets(%dma_start3A_650 : memref<128xi32, #tpu.memory_space<vmem>>) semaphore(%arg12 : memref<!tpu.dma_semaphore, #tpu.memory_space<semaphore_mem>>) {add = true}
      %dma_wait3A_654 = arith.constant 6 : i32
      %dma_wait3A_655 = arith.constant 0 : i32
      %dma_wait3A_656 = arith.constant 0 : i32
      %dma_wait3A_657 = arith.constant 0 : i32
      %dma_wait3A_658 = tpu.memref_slice %arg9[%dma_wait3A_654, %dma_wait3A_656, %dma_wait3A_657] : memref<8x128x16xf32, #tpu.memory_space<vmem>> -> memref<1x128x16xf32, #tpu.memory_space<vmem>>
      %dma_wait3A_659 = tpu.memref_squeeze %dma_wait3A_658 : memref<1x128x16xf32, #tpu.memory_space<vmem>> -> memref<128x16xf32, #tpu.memory_space<vmem>>
      %dma_wait3A_660 = arith.constant 0 : i32
      %dma_wait3A_661 = tpu.memref_slice %arg8[%dma_wait3A_655, %dma_wait3A_660] : memref<88x128xi32, #tpu.memory_space<vmem>> -> memref<1x128xi32, #tpu.memory_space<vmem>>
      %dma_wait3A_662 = tpu.memref_squeeze %dma_wait3A_661 : memref<1x128xi32, #tpu.memory_space<vmem>> -> memref<128xi32, #tpu.memory_space<vmem>>
      %dma_wait3A_663 = arith.constant 0 : i32
      %dma_wait3A_664 = arith.constant 0 : i32
      %dma_wait3A_665 = tpu.memref_slice %arg10[%dma_wait3A_663, %dma_wait3A_664] : memref<10112x16xf32, #tpu.memory_space<vmem_shared>> -> memref<10112x16xf32, #tpu.memory_space<vmem_shared>>
      tpu.wait_indirect_dma semaphore(%arg12 : memref<!tpu.dma_semaphore, #tpu.memory_space<semaphore_mem>>) src(%dma_wait3A_659 : memref<128x16xf32, #tpu.memory_space<vmem>>) dst(%dma_wait3A_665 : memref<10112x16xf32, #tpu.memory_space<vmem_shared>>)
      %add3A_666 = arith.constant 4 : i32
      %add3A_667 = arith.addi %add3A_631, %add3A_666 : i32
      %sub3A_668 = arith.constant 1 : i32
      %sub3A_669 = arith.subi %select_n3A, %sub3A_668 : i32
      %min3A_670 = arith.minsi %add3A_667, %sub3A_669 : i32
      %dma_start3A_671 = arith.constant 6 : i32
      %dma_start3A_672 = arith.constant 0 : i32
      %dma_start3A_673 = arith.constant 0 : i32
      %dma_start3A_674 = tpu.memref_slice %arg9[%dma_start3A_671, %dma_start3A_672, %dma_start3A_673] : memref<8x128x16xf32, #tpu.memory_space<vmem>> -> memref<1x128x16xf32, #tpu.memory_space<vmem>>
      %dma_start3A_675 = tpu.memref_squeeze %dma_start3A_674 : memref<1x128x16xf32, #tpu.memory_space<vmem>> -> memref<128x16xf32, #tpu.memory_space<vmem>>
      %dma_start3A_676 = arith.constant 0 : i32
      %dma_start3A_677 = tpu.memref_slice %arg7[%min3A_670, %dma_start3A_676] : memref<88x128xi32, #tpu.memory_space<vmem>> -> memref<1x128xi32, #tpu.memory_space<vmem>>
      %dma_start3A_678 = tpu.memref_squeeze %dma_start3A_677 : memref<1x128xi32, #tpu.memory_space<vmem>> -> memref<128xi32, #tpu.memory_space<vmem>>
      %dma_start3A_679 = arith.constant 0 : i32
      %dma_start3A_680 = arith.constant 0 : i32
      %dma_start3A_681 = tpu.memref_slice %arg4[%dma_start3A_679, %dma_start3A_680] : memref<10112x16xf32, #tpu.memory_space<hbm>> -> memref<10112x16xf32, #tpu.memory_space<hbm>>
      tpu.enqueue_indirect_dma source(%dma_start3A_681 : memref<10112x16xf32, #tpu.memory_space<hbm>>) target(%dma_start3A_675 : memref<128x16xf32, #tpu.memory_space<vmem>>) offsets(%dma_start3A_678 : memref<128xi32, #tpu.memory_space<vmem>>) semaphore(%arg11 : memref<!tpu.dma_semaphore, #tpu.memory_space<semaphore_mem>>)
      %mul3A_682 = arith.constant 8 : i32
      %mul3A_683 = arith.muli %while3A_520, %mul3A_682 : i32
      %add3A_684 = arith.constant 3 : i32
      %add3A_685 = arith.addi %mul3A_683, %add3A_684 : i32
      %dma_wait3A_686 = arith.constant 3 : i32
      %dma_wait3A_687 = arith.constant 0 : i32
      %dma_wait3A_688 = arith.constant 0 : i32
      %dma_wait3A_689 = tpu.memref_slice %arg9[%dma_wait3A_686, %dma_wait3A_687, %dma_wait3A_688] : memref<8x128x16xf32, #tpu.memory_space<vmem>> -> memref<1x128x16xf32, #tpu.memory_space<vmem>>
      %dma_wait3A_690 = tpu.memref_squeeze %dma_wait3A_689 : memref<1x128x16xf32, #tpu.memory_space<vmem>> -> memref<128x16xf32, #tpu.memory_space<vmem>>
      %dma_wait3A_691 = arith.constant 0 : i32
      %dma_wait3A_692 = tpu.memref_slice %arg7[%add3A_685, %dma_wait3A_691] : memref<88x128xi32, #tpu.memory_space<vmem>> -> memref<1x128xi32, #tpu.memory_space<vmem>>
      %dma_wait3A_693 = tpu.memref_squeeze %dma_wait3A_692 : memref<1x128xi32, #tpu.memory_space<vmem>> -> memref<128xi32, #tpu.memory_space<vmem>>
      %dma_wait3A_694 = arith.constant 0 : i32
      %dma_wait3A_695 = arith.constant 0 : i32
      %dma_wait3A_696 = tpu.memref_slice %arg4[%dma_wait3A_694, %dma_wait3A_695] : memref<10112x16xf32, #tpu.memory_space<hbm>> -> memref<10112x16xf32, #tpu.memory_space<hbm>>
      tpu.wait_indirect_dma semaphore(%arg11 : memref<!tpu.dma_semaphore, #tpu.memory_space<semaphore_mem>>) src(%dma_wait3A_696 : memref<10112x16xf32, #tpu.memory_space<hbm>>) dst(%dma_wait3A_690 : memref<128x16xf32, #tpu.memory_space<vmem>>)
      %dma_start3A_697 = arith.constant 3 : i32
      %dma_start3A_698 = arith.constant 0 : i32
      %dma_start3A_699 = arith.constant 0 : i32
      %dma_start3A_700 = tpu.memref_slice %arg9[%dma_start3A_697, %dma_start3A_698, %dma_start3A_699] : memref<8x128x16xf32, #tpu.memory_space<vmem>> -> memref<1x128x16xf32, #tpu.memory_space<vmem>>
      %dma_start3A_701 = tpu.memref_squeeze %dma_start3A_700 : memref<1x128x16xf32, #tpu.memory_space<vmem>> -> memref<128x16xf32, #tpu.memory_space<vmem>>
      %dma_start3A_702 = arith.constant 0 : i32
      %dma_start3A_703 = tpu.memref_slice %arg8[%add3A_685, %dma_start3A_702] : memref<88x128xi32, #tpu.memory_space<vmem>> -> memref<1x128xi32, #tpu.memory_space<vmem>>
      %dma_start3A_704 = tpu.memref_squeeze %dma_start3A_703 : memref<1x128xi32, #tpu.memory_space<vmem>> -> memref<128xi32, #tpu.memory_space<vmem>>
      %dma_start3A_705 = arith.constant 0 : i32
      %dma_start3A_706 = arith.constant 0 : i32
      %dma_start3A_707 = tpu.memref_slice %arg10[%dma_start3A_705, %dma_start3A_706] : memref<10112x16xf32, #tpu.memory_space<vmem_shared>> -> memref<10112x16xf32, #tpu.memory_space<vmem_shared>>
      tpu.enqueue_indirect_dma source(%dma_start3A_701 : memref<128x16xf32, #tpu.memory_space<vmem>>) target(%dma_start3A_707 : memref<10112x16xf32, #tpu.memory_space<vmem_shared>>) offsets(%dma_start3A_704 : memref<128xi32, #tpu.memory_space<vmem>>) semaphore(%arg12 : memref<!tpu.dma_semaphore, #tpu.memory_space<semaphore_mem>>) {add = true}
      %dma_wait3A_708 = arith.constant 7 : i32
      %dma_wait3A_709 = arith.constant 0 : i32
      %dma_wait3A_710 = arith.constant 0 : i32
      %dma_wait3A_711 = arith.constant 0 : i32
      %dma_wait3A_712 = tpu.memref_slice %arg9[%dma_wait3A_708, %dma_wait3A_710, %dma_wait3A_711] : memref<8x128x16xf32, #tpu.memory_space<vmem>> -> memref<1x128x16xf32, #tpu.memory_space<vmem>>
      %dma_wait3A_713 = tpu.memref_squeeze %dma_wait3A_712 : memref<1x128x16xf32, #tpu.memory_space<vmem>> -> memref<128x16xf32, #tpu.memory_space<vmem>>
      %dma_wait3A_714 = arith.constant 0 : i32
      %dma_wait3A_715 = tpu.memref_slice %arg8[%dma_wait3A_709, %dma_wait3A_714] : memref<88x128xi32, #tpu.memory_space<vmem>> -> memref<1x128xi32, #tpu.memory_space<vmem>>
      %dma_wait3A_716 = tpu.memref_squeeze %dma_wait3A_715 : memref<1x128xi32, #tpu.memory_space<vmem>> -> memref<128xi32, #tpu.memory_space<vmem>>
      %dma_wait3A_717 = arith.constant 0 : i32
      %dma_wait3A_718 = arith.constant 0 : i32
      %dma_wait3A_719 = tpu.memref_slice %arg10[%dma_wait3A_717, %dma_wait3A_718] : memref<10112x16xf32, #tpu.memory_space<vmem_shared>> -> memref<10112x16xf32, #tpu.memory_space<vmem_shared>>
      tpu.wait_indirect_dma semaphore(%arg12 : memref<!tpu.dma_semaphore, #tpu.memory_space<semaphore_mem>>) src(%dma_wait3A_713 : memref<128x16xf32, #tpu.memory_space<vmem>>) dst(%dma_wait3A_719 : memref<10112x16xf32, #tpu.memory_space<vmem_shared>>)
      %add3A_720 = arith.constant 4 : i32
      %add3A_721 = arith.addi %add3A_685, %add3A_720 : i32
      %sub3A_722 = arith.constant 1 : i32
      %sub3A_723 = arith.subi %select_n3A, %sub3A_722 : i32
      %min3A_724 = arith.minsi %add3A_721, %sub3A_723 : i32
      %dma_start3A_725 = arith.constant 7 : i32
      %dma_start3A_726 = arith.constant 0 : i32
      %dma_start3A_727 = arith.constant 0 : i32
      %dma_start3A_728 = tpu.memref_slice %arg9[%dma_start3A_725, %dma_start3A_726, %dma_start3A_727] : memref<8x128x16xf32, #tpu.memory_space<vmem>> -> memref<1x128x16xf32, #tpu.memory_space<vmem>>
      %dma_start3A_729 = tpu.memref_squeeze %dma_start3A_728 : memref<1x128x16xf32, #tpu.memory_space<vmem>> -> memref<128x16xf32, #tpu.memory_space<vmem>>
      %dma_start3A_730 = arith.constant 0 : i32
      %dma_start3A_731 = tpu.memref_slice %arg7[%min3A_724, %dma_start3A_730] : memref<88x128xi32, #tpu.memory_space<vmem>> -> memref<1x128xi32, #tpu.memory_space<vmem>>
      %dma_start3A_732 = tpu.memref_squeeze %dma_start3A_731 : memref<1x128xi32, #tpu.memory_space<vmem>> -> memref<128xi32, #tpu.memory_space<vmem>>
      %dma_start3A_733 = arith.constant 0 : i32
      %dma_start3A_734 = arith.constant 0 : i32
      %dma_start3A_735 = tpu.memref_slice %arg4[%dma_start3A_733, %dma_start3A_734] : memref<10112x16xf32, #tpu.memory_space<hbm>> -> memref<10112x16xf32, #tpu.memory_space<hbm>>
      tpu.enqueue_indirect_dma source(%dma_start3A_735 : memref<10112x16xf32, #tpu.memory_space<hbm>>) target(%dma_start3A_729 : memref<128x16xf32, #tpu.memory_space<vmem>>) offsets(%dma_start3A_732 : memref<128xi32, #tpu.memory_space<vmem>>) semaphore(%arg11 : memref<!tpu.dma_semaphore, #tpu.memory_space<semaphore_mem>>)
      %mul3A_736 = arith.constant 8 : i32
      %mul3A_737 = arith.muli %while3A_520, %mul3A_736 : i32
      %add3A_738 = arith.constant 4 : i32
      %add3A_739 = arith.addi %mul3A_737, %add3A_738 : i32
      %dma_wait3A_740 = arith.constant 4 : i32
      %dma_wait3A_741 = arith.constant 0 : i32
      %dma_wait3A_742 = arith.constant 0 : i32
      %dma_wait3A_743 = tpu.memref_slice %arg9[%dma_wait3A_740, %dma_wait3A_741, %dma_wait3A_742] : memref<8x128x16xf32, #tpu.memory_space<vmem>> -> memref<1x128x16xf32, #tpu.memory_space<vmem>>
      %dma_wait3A_744 = tpu.memref_squeeze %dma_wait3A_743 : memref<1x128x16xf32, #tpu.memory_space<vmem>> -> memref<128x16xf32, #tpu.memory_space<vmem>>
      %dma_wait3A_745 = arith.constant 0 : i32
      %dma_wait3A_746 = tpu.memref_slice %arg7[%add3A_739, %dma_wait3A_745] : memref<88x128xi32, #tpu.memory_space<vmem>> -> memref<1x128xi32, #tpu.memory_space<vmem>>
      %dma_wait3A_747 = tpu.memref_squeeze %dma_wait3A_746 : memref<1x128xi32, #tpu.memory_space<vmem>> -> memref<128xi32, #tpu.memory_space<vmem>>
      %dma_wait3A_748 = arith.constant 0 : i32
      %dma_wait3A_749 = arith.constant 0 : i32
      %dma_wait3A_750 = tpu.memref_slice %arg4[%dma_wait3A_748, %dma_wait3A_749] : memref<10112x16xf32, #tpu.memory_space<hbm>> -> memref<10112x16xf32, #tpu.memory_space<hbm>>
      tpu.wait_indirect_dma semaphore(%arg11 : memref<!tpu.dma_semaphore, #tpu.memory_space<semaphore_mem>>) src(%dma_wait3A_750 : memref<10112x16xf32, #tpu.memory_space<hbm>>) dst(%dma_wait3A_744 : memref<128x16xf32, #tpu.memory_space<vmem>>)
      %dma_start3A_751 = arith.constant 4 : i32
      %dma_start3A_752 = arith.constant 0 : i32
      %dma_start3A_753 = arith.constant 0 : i32
      %dma_start3A_754 = tpu.memref_slice %arg9[%dma_start3A_751, %dma_start3A_752, %dma_start3A_753] : memref<8x128x16xf32, #tpu.memory_space<vmem>> -> memref<1x128x16xf32, #tpu.memory_space<vmem>>
      %dma_start3A_755 = tpu.memref_squeeze %dma_start3A_754 : memref<1x128x16xf32, #tpu.memory_space<vmem>> -> memref<128x16xf32, #tpu.memory_space<vmem>>
      %dma_start3A_756 = arith.constant 0 : i32
      %dma_start3A_757 = tpu.memref_slice %arg8[%add3A_739, %dma_start3A_756] : memref<88x128xi32, #tpu.memory_space<vmem>> -> memref<1x128xi32, #tpu.memory_space<vmem>>
      %dma_start3A_758 = tpu.memref_squeeze %dma_start3A_757 : memref<1x128xi32, #tpu.memory_space<vmem>> -> memref<128xi32, #tpu.memory_space<vmem>>
      %dma_start3A_759 = arith.constant 0 : i32
      %dma_start3A_760 = arith.constant 0 : i32
      %dma_start3A_761 = tpu.memref_slice %arg10[%dma_start3A_759, %dma_start3A_760] : memref<10112x16xf32, #tpu.memory_space<vmem_shared>> -> memref<10112x16xf32, #tpu.memory_space<vmem_shared>>
      tpu.enqueue_indirect_dma source(%dma_start3A_755 : memref<128x16xf32, #tpu.memory_space<vmem>>) target(%dma_start3A_761 : memref<10112x16xf32, #tpu.memory_space<vmem_shared>>) offsets(%dma_start3A_758 : memref<128xi32, #tpu.memory_space<vmem>>) semaphore(%arg12 : memref<!tpu.dma_semaphore, #tpu.memory_space<semaphore_mem>>) {add = true}
      %dma_wait3A_762 = arith.constant 0 : i32
      %dma_wait3A_763 = arith.constant 0 : i32
      %dma_wait3A_764 = arith.constant 0 : i32
      %dma_wait3A_765 = arith.constant 0 : i32
      %dma_wait3A_766 = tpu.memref_slice %arg9[%dma_wait3A_762, %dma_wait3A_764, %dma_wait3A_765] : memref<8x128x16xf32, #tpu.memory_space<vmem>> -> memref<1x128x16xf32, #tpu.memory_space<vmem>>
      %dma_wait3A_767 = tpu.memref_squeeze %dma_wait3A_766 : memref<1x128x16xf32, #tpu.memory_space<vmem>> -> memref<128x16xf32, #tpu.memory_space<vmem>>
      %dma_wait3A_768 = arith.constant 0 : i32
      %dma_wait3A_769 = tpu.memref_slice %arg8[%dma_wait3A_763, %dma_wait3A_768] : memref<88x128xi32, #tpu.memory_space<vmem>> -> memref<1x128xi32, #tpu.memory_space<vmem>>
      %dma_wait3A_770 = tpu.memref_squeeze %dma_wait3A_769 : memref<1x128xi32, #tpu.memory_space<vmem>> -> memref<128xi32, #tpu.memory_space<vmem>>
      %dma_wait3A_771 = arith.constant 0 : i32
      %dma_wait3A_772 = arith.constant 0 : i32
      %dma_wait3A_773 = tpu.memref_slice %arg10[%dma_wait3A_771, %dma_wait3A_772] : memref<10112x16xf32, #tpu.memory_space<vmem_shared>> -> memref<10112x16xf32, #tpu.memory_space<vmem_shared>>
      tpu.wait_indirect_dma semaphore(%arg12 : memref<!tpu.dma_semaphore, #tpu.memory_space<semaphore_mem>>) src(%dma_wait3A_767 : memref<128x16xf32, #tpu.memory_space<vmem>>) dst(%dma_wait3A_773 : memref<10112x16xf32, #tpu.memory_space<vmem_shared>>)
      %add3A_774 = arith.constant 4 : i32
      %add3A_775 = arith.addi %add3A_739, %add3A_774 : i32
      %sub3A_776 = arith.constant 1 : i32
      %sub3A_777 = arith.subi %select_n3A, %sub3A_776 : i32
      %min3A_778 = arith.minsi %add3A_775, %sub3A_777 : i32
      %dma_start3A_779 = arith.constant 0 : i32
      %dma_start3A_780 = arith.constant 0 : i32
      %dma_start3A_781 = arith.constant 0 : i32
      %dma_start3A_782 = tpu.memref_slice %arg9[%dma_start3A_779, %dma_start3A_780, %dma_start3A_781] : memref<8x128x16xf32, #tpu.memory_space<vmem>> -> memref<1x128x16xf32, #tpu.memory_space<vmem>>
      %dma_start3A_783 = tpu.memref_squeeze %dma_start3A_782 : memref<1x128x16xf32, #tpu.memory_space<vmem>> -> memref<128x16xf32, #tpu.memory_space<vmem>>
      %dma_start3A_784 = arith.constant 0 : i32
      %dma_start3A_785 = tpu.memref_slice %arg7[%min3A_778, %dma_start3A_784] : memref<88x128xi32, #tpu.memory_space<vmem>> -> memref<1x128xi32, #tpu.memory_space<vmem>>
      %dma_start3A_786 = tpu.memref_squeeze %dma_start3A_785 : memref<1x128xi32, #tpu.memory_space<vmem>> -> memref<128xi32, #tpu.memory_space<vmem>>
      %dma_start3A_787 = arith.constant 0 : i32
      %dma_start3A_788 = arith.constant 0 : i32
      %dma_start3A_789 = tpu.memref_slice %arg4[%dma_start3A_787, %dma_start3A_788] : memref<10112x16xf32, #tpu.memory_space<hbm>> -> memref<10112x16xf32, #tpu.memory_space<hbm>>
      tpu.enqueue_indirect_dma source(%dma_start3A_789 : memref<10112x16xf32, #tpu.memory_space<hbm>>) target(%dma_start3A_783 : memref<128x16xf32, #tpu.memory_space<vmem>>) offsets(%dma_start3A_786 : memref<128xi32, #tpu.memory_space<vmem>>) semaphore(%arg11 : memref<!tpu.dma_semaphore, #tpu.memory_space<semaphore_mem>>)
      %mul3A_790 = arith.constant 8 : i32
      %mul3A_791 = arith.muli %while3A_520, %mul3A_790 : i32
      %add3A_792 = arith.constant 5 : i32
      %add3A_793 = arith.addi %mul3A_791, %add3A_792 : i32
      %dma_wait3A_794 = arith.constant 5 : i32
      %dma_wait3A_795 = arith.constant 0 : i32
      %dma_wait3A_796 = arith.constant 0 : i32
      %dma_wait3A_797 = tpu.memref_slice %arg9[%dma_wait3A_794, %dma_wait3A_795, %dma_wait3A_796] : memref<8x128x16xf32, #tpu.memory_space<vmem>> -> memref<1x128x16xf32, #tpu.memory_space<vmem>>
      %dma_wait3A_798 = tpu.memref_squeeze %dma_wait3A_797 : memref<1x128x16xf32, #tpu.memory_space<vmem>> -> memref<128x16xf32, #tpu.memory_space<vmem>>
      %dma_wait3A_799 = arith.constant 0 : i32
      %dma_wait3A_800 = tpu.memref_slice %arg7[%add3A_793, %dma_wait3A_799] : memref<88x128xi32, #tpu.memory_space<vmem>> -> memref<1x128xi32, #tpu.memory_space<vmem>>
      %dma_wait3A_801 = tpu.memref_squeeze %dma_wait3A_800 : memref<1x128xi32, #tpu.memory_space<vmem>> -> memref<128xi32, #tpu.memory_space<vmem>>
      %dma_wait3A_802 = arith.constant 0 : i32
      %dma_wait3A_803 = arith.constant 0 : i32
      %dma_wait3A_804 = tpu.memref_slice %arg4[%dma_wait3A_802, %dma_wait3A_803] : memref<10112x16xf32, #tpu.memory_space<hbm>> -> memref<10112x16xf32, #tpu.memory_space<hbm>>
      tpu.wait_indirect_dma semaphore(%arg11 : memref<!tpu.dma_semaphore, #tpu.memory_space<semaphore_mem>>) src(%dma_wait3A_804 : memref<10112x16xf32, #tpu.memory_space<hbm>>) dst(%dma_wait3A_798 : memref<128x16xf32, #tpu.memory_space<vmem>>)
      %dma_start3A_805 = arith.constant 5 : i32
      %dma_start3A_806 = arith.constant 0 : i32
      %dma_start3A_807 = arith.constant 0 : i32
      %dma_start3A_808 = tpu.memref_slice %arg9[%dma_start3A_805, %dma_start3A_806, %dma_start3A_807] : memref<8x128x16xf32, #tpu.memory_space<vmem>> -> memref<1x128x16xf32, #tpu.memory_space<vmem>>
      %dma_start3A_809 = tpu.memref_squeeze %dma_start3A_808 : memref<1x128x16xf32, #tpu.memory_space<vmem>> -> memref<128x16xf32, #tpu.memory_space<vmem>>
      %dma_start3A_810 = arith.constant 0 : i32
      %dma_start3A_811 = tpu.memref_slice %arg8[%add3A_793, %dma_start3A_810] : memref<88x128xi32, #tpu.memory_space<vmem>> -> memref<1x128xi32, #tpu.memory_space<vmem>>
      %dma_start3A_812 = tpu.memref_squeeze %dma_start3A_811 : memref<1x128xi32, #tpu.memory_space<vmem>> -> memref<128xi32, #tpu.memory_space<vmem>>
      %dma_start3A_813 = arith.constant 0 : i32
      %dma_start3A_814 = arith.constant 0 : i32
      %dma_start3A_815 = tpu.memref_slice %arg10[%dma_start3A_813, %dma_start3A_814] : memref<10112x16xf32, #tpu.memory_space<vmem_shared>> -> memref<10112x16xf32, #tpu.memory_space<vmem_shared>>
      tpu.enqueue_indirect_dma source(%dma_start3A_809 : memref<128x16xf32, #tpu.memory_space<vmem>>) target(%dma_start3A_815 : memref<10112x16xf32, #tpu.memory_space<vmem_shared>>) offsets(%dma_start3A_812 : memref<128xi32, #tpu.memory_space<vmem>>) semaphore(%arg12 : memref<!tpu.dma_semaphore, #tpu.memory_space<semaphore_mem>>) {add = true}
      %dma_wait3A_816 = arith.constant 1 : i32
      %dma_wait3A_817 = arith.constant 0 : i32
      %dma_wait3A_818 = arith.constant 0 : i32
      %dma_wait3A_819 = arith.constant 0 : i32
      %dma_wait3A_820 = tpu.memref_slice %arg9[%dma_wait3A_816, %dma_wait3A_818, %dma_wait3A_819] : memref<8x128x16xf32, #tpu.memory_space<vmem>> -> memref<1x128x16xf32, #tpu.memory_space<vmem>>
      %dma_wait3A_821 = tpu.memref_squeeze %dma_wait3A_820 : memref<1x128x16xf32, #tpu.memory_space<vmem>> -> memref<128x16xf32, #tpu.memory_space<vmem>>
      %dma_wait3A_822 = arith.constant 0 : i32
      %dma_wait3A_823 = tpu.memref_slice %arg8[%dma_wait3A_817, %dma_wait3A_822] : memref<88x128xi32, #tpu.memory_space<vmem>> -> memref<1x128xi32, #tpu.memory_space<vmem>>
      %dma_wait3A_824 = tpu.memref_squeeze %dma_wait3A_823 : memref<1x128xi32, #tpu.memory_space<vmem>> -> memref<128xi32, #tpu.memory_space<vmem>>
      %dma_wait3A_825 = arith.constant 0 : i32
      %dma_wait3A_826 = arith.constant 0 : i32
      %dma_wait3A_827 = tpu.memref_slice %arg10[%dma_wait3A_825, %dma_wait3A_826] : memref<10112x16xf32, #tpu.memory_space<vmem_shared>> -> memref<10112x16xf32, #tpu.memory_space<vmem_shared>>
      tpu.wait_indirect_dma semaphore(%arg12 : memref<!tpu.dma_semaphore, #tpu.memory_space<semaphore_mem>>) src(%dma_wait3A_821 : memref<128x16xf32, #tpu.memory_space<vmem>>) dst(%dma_wait3A_827 : memref<10112x16xf32, #tpu.memory_space<vmem_shared>>)
      %add3A_828 = arith.constant 4 : i32
      %add3A_829 = arith.addi %add3A_793, %add3A_828 : i32
      %sub3A_830 = arith.constant 1 : i32
      %sub3A_831 = arith.subi %select_n3A, %sub3A_830 : i32
      %min3A_832 = arith.minsi %add3A_829, %sub3A_831 : i32
      %dma_start3A_833 = arith.constant 1 : i32
      %dma_start3A_834 = arith.constant 0 : i32
      %dma_start3A_835 = arith.constant 0 : i32
      %dma_start3A_836 = tpu.memref_slice %arg9[%dma_start3A_833, %dma_start3A_834, %dma_start3A_835] : memref<8x128x16xf32, #tpu.memory_space<vmem>> -> memref<1x128x16xf32, #tpu.memory_space<vmem>>
      %dma_start3A_837 = tpu.memref_squeeze %dma_start3A_836 : memref<1x128x16xf32, #tpu.memory_space<vmem>> -> memref<128x16xf32, #tpu.memory_space<vmem>>
      %dma_start3A_838 = arith.constant 0 : i32
      %dma_start3A_839 = tpu.memref_slice %arg7[%min3A_832, %dma_start3A_838] : memref<88x128xi32, #tpu.memory_space<vmem>> -> memref<1x128xi32, #tpu.memory_space<vmem>>
      %dma_start3A_840 = tpu.memref_squeeze %dma_start3A_839 : memref<1x128xi32, #tpu.memory_space<vmem>> -> memref<128xi32, #tpu.memory_space<vmem>>
      %dma_start3A_841 = arith.constant 0 : i32
      %dma_start3A_842 = arith.constant 0 : i32
      %dma_start3A_843 = tpu.memref_slice %arg4[%dma_start3A_841, %dma_start3A_842] : memref<10112x16xf32, #tpu.memory_space<hbm>> -> memref<10112x16xf32, #tpu.memory_space<hbm>>
      tpu.enqueue_indirect_dma source(%dma_start3A_843 : memref<10112x16xf32, #tpu.memory_space<hbm>>) target(%dma_start3A_837 : memref<128x16xf32, #tpu.memory_space<vmem>>) offsets(%dma_start3A_840 : memref<128xi32, #tpu.memory_space<vmem>>) semaphore(%arg11 : memref<!tpu.dma_semaphore, #tpu.memory_space<semaphore_mem>>)
      %mul3A_844 = arith.constant 8 : i32
      %mul3A_845 = arith.muli %while3A_520, %mul3A_844 : i32
      %add3A_846 = arith.constant 6 : i32
      %add3A_847 = arith.addi %mul3A_845, %add3A_846 : i32
      %dma_wait3A_848 = arith.constant 6 : i32
      %dma_wait3A_849 = arith.constant 0 : i32
      %dma_wait3A_850 = arith.constant 0 : i32
      %dma_wait3A_851 = tpu.memref_slice %arg9[%dma_wait3A_848, %dma_wait3A_849, %dma_wait3A_850] : memref<8x128x16xf32, #tpu.memory_space<vmem>> -> memref<1x128x16xf32, #tpu.memory_space<vmem>>
      %dma_wait3A_852 = tpu.memref_squeeze %dma_wait3A_851 : memref<1x128x16xf32, #tpu.memory_space<vmem>> -> memref<128x16xf32, #tpu.memory_space<vmem>>
      %dma_wait3A_853 = arith.constant 0 : i32
      %dma_wait3A_854 = tpu.memref_slice %arg7[%add3A_847, %dma_wait3A_853] : memref<88x128xi32, #tpu.memory_space<vmem>> -> memref<1x128xi32, #tpu.memory_space<vmem>>
      %dma_wait3A_855 = tpu.memref_squeeze %dma_wait3A_854 : memref<1x128xi32, #tpu.memory_space<vmem>> -> memref<128xi32, #tpu.memory_space<vmem>>
      %dma_wait3A_856 = arith.constant 0 : i32
      %dma_wait3A_857 = arith.constant 0 : i32
      %dma_wait3A_858 = tpu.memref_slice %arg4[%dma_wait3A_856, %dma_wait3A_857] : memref<10112x16xf32, #tpu.memory_space<hbm>> -> memref<10112x16xf32, #tpu.memory_space<hbm>>
      tpu.wait_indirect_dma semaphore(%arg11 : memref<!tpu.dma_semaphore, #tpu.memory_space<semaphore_mem>>) src(%dma_wait3A_858 : memref<10112x16xf32, #tpu.memory_space<hbm>>) dst(%dma_wait3A_852 : memref<128x16xf32, #tpu.memory_space<vmem>>)
      %dma_start3A_859 = arith.constant 6 : i32
      %dma_start3A_860 = arith.constant 0 : i32
      %dma_start3A_861 = arith.constant 0 : i32
      %dma_start3A_862 = tpu.memref_slice %arg9[%dma_start3A_859, %dma_start3A_860, %dma_start3A_861] : memref<8x128x16xf32, #tpu.memory_space<vmem>> -> memref<1x128x16xf32, #tpu.memory_space<vmem>>
      %dma_start3A_863 = tpu.memref_squeeze %dma_start3A_862 : memref<1x128x16xf32, #tpu.memory_space<vmem>> -> memref<128x16xf32, #tpu.memory_space<vmem>>
      %dma_start3A_864 = arith.constant 0 : i32
      %dma_start3A_865 = tpu.memref_slice %arg8[%add3A_847, %dma_start3A_864] : memref<88x128xi32, #tpu.memory_space<vmem>> -> memref<1x128xi32, #tpu.memory_space<vmem>>
      %dma_start3A_866 = tpu.memref_squeeze %dma_start3A_865 : memref<1x128xi32, #tpu.memory_space<vmem>> -> memref<128xi32, #tpu.memory_space<vmem>>
      %dma_start3A_867 = arith.constant 0 : i32
      %dma_start3A_868 = arith.constant 0 : i32
      %dma_start3A_869 = tpu.memref_slice %arg10[%dma_start3A_867, %dma_start3A_868] : memref<10112x16xf32, #tpu.memory_space<vmem_shared>> -> memref<10112x16xf32, #tpu.memory_space<vmem_shared>>
      tpu.enqueue_indirect_dma source(%dma_start3A_863 : memref<128x16xf32, #tpu.memory_space<vmem>>) target(%dma_start3A_869 : memref<10112x16xf32, #tpu.memory_space<vmem_shared>>) offsets(%dma_start3A_866 : memref<128xi32, #tpu.memory_space<vmem>>) semaphore(%arg12 : memref<!tpu.dma_semaphore, #tpu.memory_space<semaphore_mem>>) {add = true}
      %dma_wait3A_870 = arith.constant 2 : i32
      %dma_wait3A_871 = arith.constant 0 : i32
      %dma_wait3A_872 = arith.constant 0 : i32
      %dma_wait3A_873 = arith.constant 0 : i32
      %dma_wait3A_874 = tpu.memref_slice %arg9[%dma_wait3A_870, %dma_wait3A_872, %dma_wait3A_873] : memref<8x128x16xf32, #tpu.memory_space<vmem>> -> memref<1x128x16xf32, #tpu.memory_space<vmem>>
      %dma_wait3A_875 = tpu.memref_squeeze %dma_wait3A_874 : memref<1x128x16xf32, #tpu.memory_space<vmem>> -> memref<128x16xf32, #tpu.memory_space<vmem>>
      %dma_wait3A_876 = arith.constant 0 : i32
      %dma_wait3A_877 = tpu.memref_slice %arg8[%dma_wait3A_871, %dma_wait3A_876] : memref<88x128xi32, #tpu.memory_space<vmem>> -> memref<1x128xi32, #tpu.memory_space<vmem>>
      %dma_wait3A_878 = tpu.memref_squeeze %dma_wait3A_877 : memref<1x128xi32, #tpu.memory_space<vmem>> -> memref<128xi32, #tpu.memory_space<vmem>>
      %dma_wait3A_879 = arith.constant 0 : i32
      %dma_wait3A_880 = arith.constant 0 : i32
      %dma_wait3A_881 = tpu.memref_slice %arg10[%dma_wait3A_879, %dma_wait3A_880] : memref<10112x16xf32, #tpu.memory_space<vmem_shared>> -> memref<10112x16xf32, #tpu.memory_space<vmem_shared>>
      tpu.wait_indirect_dma semaphore(%arg12 : memref<!tpu.dma_semaphore, #tpu.memory_space<semaphore_mem>>) src(%dma_wait3A_875 : memref<128x16xf32, #tpu.memory_space<vmem>>) dst(%dma_wait3A_881 : memref<10112x16xf32, #tpu.memory_space<vmem_shared>>)
      %add3A_882 = arith.constant 4 : i32
      %add3A_883 = arith.addi %add3A_847, %add3A_882 : i32
      %sub3A_884 = arith.constant 1 : i32
      %sub3A_885 = arith.subi %select_n3A, %sub3A_884 : i32
      %min3A_886 = arith.minsi %add3A_883, %sub3A_885 : i32
      %dma_start3A_887 = arith.constant 2 : i32
      %dma_start3A_888 = arith.constant 0 : i32
      %dma_start3A_889 = arith.constant 0 : i32
      %dma_start3A_890 = tpu.memref_slice %arg9[%dma_start3A_887, %dma_start3A_888, %dma_start3A_889] : memref<8x128x16xf32, #tpu.memory_space<vmem>> -> memref<1x128x16xf32, #tpu.memory_space<vmem>>
      %dma_start3A_891 = tpu.memref_squeeze %dma_start3A_890 : memref<1x128x16xf32, #tpu.memory_space<vmem>> -> memref<128x16xf32, #tpu.memory_space<vmem>>
      %dma_start3A_892 = arith.constant 0 : i32
      %dma_start3A_893 = tpu.memref_slice %arg7[%min3A_886, %dma_start3A_892] : memref<88x128xi32, #tpu.memory_space<vmem>> -> memref<1x128xi32, #tpu.memory_space<vmem>>
      %dma_start3A_894 = tpu.memref_squeeze %dma_start3A_893 : memref<1x128xi32, #tpu.memory_space<vmem>> -> memref<128xi32, #tpu.memory_space<vmem>>
      %dma_start3A_895 = arith.constant 0 : i32
      %dma_start3A_896 = arith.constant 0 : i32
      %dma_start3A_897 = tpu.memref_slice %arg4[%dma_start3A_895, %dma_start3A_896] : memref<10112x16xf32, #tpu.memory_space<hbm>> -> memref<10112x16xf32, #tpu.memory_space<hbm>>
      tpu.enqueue_indirect_dma source(%dma_start3A_897 : memref<10112x16xf32, #tpu.memory_space<hbm>>) target(%dma_start3A_891 : memref<128x16xf32, #tpu.memory_space<vmem>>) offsets(%dma_start3A_894 : memref<128xi32, #tpu.memory_space<vmem>>) semaphore(%arg11 : memref<!tpu.dma_semaphore, #tpu.memory_space<semaphore_mem>>)
      %mul3A_898 = arith.constant 8 : i32
      %mul3A_899 = arith.muli %while3A_520, %mul3A_898 : i32
      %add3A_900 = arith.constant 7 : i32
      %add3A_901 = arith.addi %mul3A_899, %add3A_900 : i32
      %dma_wait3A_902 = arith.constant 7 : i32
      %dma_wait3A_903 = arith.constant 0 : i32
      %dma_wait3A_904 = arith.constant 0 : i32
      %dma_wait3A_905 = tpu.memref_slice %arg9[%dma_wait3A_902, %dma_wait3A_903, %dma_wait3A_904] : memref<8x128x16xf32, #tpu.memory_space<vmem>> -> memref<1x128x16xf32, #tpu.memory_space<vmem>>
      %dma_wait3A_906 = tpu.memref_squeeze %dma_wait3A_905 : memref<1x128x16xf32, #tpu.memory_space<vmem>> -> memref<128x16xf32, #tpu.memory_space<vmem>>
      %dma_wait3A_907 = arith.constant 0 : i32
      %dma_wait3A_908 = tpu.memref_slice %arg7[%add3A_901, %dma_wait3A_907] : memref<88x128xi32, #tpu.memory_space<vmem>> -> memref<1x128xi32, #tpu.memory_space<vmem>>
      %dma_wait3A_909 = tpu.memref_squeeze %dma_wait3A_908 : memref<1x128xi32, #tpu.memory_space<vmem>> -> memref<128xi32, #tpu.memory_space<vmem>>
      %dma_wait3A_910 = arith.constant 0 : i32
      %dma_wait3A_911 = arith.constant 0 : i32
      %dma_wait3A_912 = tpu.memref_slice %arg4[%dma_wait3A_910, %dma_wait3A_911] : memref<10112x16xf32, #tpu.memory_space<hbm>> -> memref<10112x16xf32, #tpu.memory_space<hbm>>
      tpu.wait_indirect_dma semaphore(%arg11 : memref<!tpu.dma_semaphore, #tpu.memory_space<semaphore_mem>>) src(%dma_wait3A_912 : memref<10112x16xf32, #tpu.memory_space<hbm>>) dst(%dma_wait3A_906 : memref<128x16xf32, #tpu.memory_space<vmem>>)
      %dma_start3A_913 = arith.constant 7 : i32
      %dma_start3A_914 = arith.constant 0 : i32
      %dma_start3A_915 = arith.constant 0 : i32
      %dma_start3A_916 = tpu.memref_slice %arg9[%dma_start3A_913, %dma_start3A_914, %dma_start3A_915] : memref<8x128x16xf32, #tpu.memory_space<vmem>> -> memref<1x128x16xf32, #tpu.memory_space<vmem>>
      %dma_start3A_917 = tpu.memref_squeeze %dma_start3A_916 : memref<1x128x16xf32, #tpu.memory_space<vmem>> -> memref<128x16xf32, #tpu.memory_space<vmem>>
      %dma_start3A_918 = arith.constant 0 : i32
      %dma_start3A_919 = tpu.memref_slice %arg8[%add3A_901, %dma_start3A_918] : memref<88x128xi32, #tpu.memory_space<vmem>> -> memref<1x128xi32, #tpu.memory_space<vmem>>
      %dma_start3A_920 = tpu.memref_squeeze %dma_start3A_919 : memref<1x128xi32, #tpu.memory_space<vmem>> -> memref<128xi32, #tpu.memory_space<vmem>>
      %dma_start3A_921 = arith.constant 0 : i32
      %dma_start3A_922 = arith.constant 0 : i32
      %dma_start3A_923 = tpu.memref_slice %arg10[%dma_start3A_921, %dma_start3A_922] : memref<10112x16xf32, #tpu.memory_space<vmem_shared>> -> memref<10112x16xf32, #tpu.memory_space<vmem_shared>>
      tpu.enqueue_indirect_dma source(%dma_start3A_917 : memref<128x16xf32, #tpu.memory_space<vmem>>) target(%dma_start3A_923 : memref<10112x16xf32, #tpu.memory_space<vmem_shared>>) offsets(%dma_start3A_920 : memref<128xi32, #tpu.memory_space<vmem>>) semaphore(%arg12 : memref<!tpu.dma_semaphore, #tpu.memory_space<semaphore_mem>>) {add = true}
      %dma_wait3A_924 = arith.constant 3 : i32
      %dma_wait3A_925 = arith.constant 0 : i32
      %dma_wait3A_926 = arith.constant 0 : i32
      %dma_wait3A_927 = arith.constant 0 : i32
      %dma_wait3A_928 = tpu.memref_slice %arg9[%dma_wait3A_924, %dma_wait3A_926, %dma_wait3A_927] : memref<8x128x16xf32, #tpu.memory_space<vmem>> -> memref<1x128x16xf32, #tpu.memory_space<vmem>>
      %dma_wait3A_929 = tpu.memref_squeeze %dma_wait3A_928 : memref<1x128x16xf32, #tpu.memory_space<vmem>> -> memref<128x16xf32, #tpu.memory_space<vmem>>
      %dma_wait3A_930 = arith.constant 0 : i32
      %dma_wait3A_931 = tpu.memref_slice %arg8[%dma_wait3A_925, %dma_wait3A_930] : memref<88x128xi32, #tpu.memory_space<vmem>> -> memref<1x128xi32, #tpu.memory_space<vmem>>
      %dma_wait3A_932 = tpu.memref_squeeze %dma_wait3A_931 : memref<1x128xi32, #tpu.memory_space<vmem>> -> memref<128xi32, #tpu.memory_space<vmem>>
      %dma_wait3A_933 = arith.constant 0 : i32
      %dma_wait3A_934 = arith.constant 0 : i32
      %dma_wait3A_935 = tpu.memref_slice %arg10[%dma_wait3A_933, %dma_wait3A_934] : memref<10112x16xf32, #tpu.memory_space<vmem_shared>> -> memref<10112x16xf32, #tpu.memory_space<vmem_shared>>
      tpu.wait_indirect_dma semaphore(%arg12 : memref<!tpu.dma_semaphore, #tpu.memory_space<semaphore_mem>>) src(%dma_wait3A_929 : memref<128x16xf32, #tpu.memory_space<vmem>>) dst(%dma_wait3A_935 : memref<10112x16xf32, #tpu.memory_space<vmem_shared>>)
      %add3A_936 = arith.constant 4 : i32
      %add3A_937 = arith.addi %add3A_901, %add3A_936 : i32
      %sub3A_938 = arith.constant 1 : i32
      %sub3A_939 = arith.subi %select_n3A, %sub3A_938 : i32
      %min3A_940 = arith.minsi %add3A_937, %sub3A_939 : i32
      %dma_start3A_941 = arith.constant 3 : i32
      %dma_start3A_942 = arith.constant 0 : i32
      %dma_start3A_943 = arith.constant 0 : i32
      %dma_start3A_944 = tpu.memref_slice %arg9[%dma_start3A_941, %dma_start3A_942, %dma_start3A_943] : memref<8x128x16xf32, #tpu.memory_space<vmem>> -> memref<1x128x16xf32, #tpu.memory_space<vmem>>
      %dma_start3A_945 = tpu.memref_squeeze %dma_start3A_944 : memref<1x128x16xf32, #tpu.memory_space<vmem>> -> memref<128x16xf32, #tpu.memory_space<vmem>>
      %dma_start3A_946 = arith.constant 0 : i32
      %dma_start3A_947 = tpu.memref_slice %arg7[%min3A_940, %dma_start3A_946] : memref<88x128xi32, #tpu.memory_space<vmem>> -> memref<1x128xi32, #tpu.memory_space<vmem>>
      %dma_start3A_948 = tpu.memref_squeeze %dma_start3A_947 : memref<1x128xi32, #tpu.memory_space<vmem>> -> memref<128xi32, #tpu.memory_space<vmem>>
      %dma_start3A_949 = arith.constant 0 : i32
      %dma_start3A_950 = arith.constant 0 : i32
      %dma_start3A_951 = tpu.memref_slice %arg4[%dma_start3A_949, %dma_start3A_950] : memref<10112x16xf32, #tpu.memory_space<hbm>> -> memref<10112x16xf32, #tpu.memory_space<hbm>>
      tpu.enqueue_indirect_dma source(%dma_start3A_951 : memref<10112x16xf32, #tpu.memory_space<hbm>>) target(%dma_start3A_945 : memref<128x16xf32, #tpu.memory_space<vmem>>) offsets(%dma_start3A_948 : memref<128xi32, #tpu.memory_space<vmem>>) semaphore(%arg11 : memref<!tpu.dma_semaphore, #tpu.memory_space<semaphore_mem>>)
    }
    %while3A_418 = arith.constant 1 : i32
    scf.for %while3A_520 = %while3A_416 to %while3A_412 step %while3A_418  : i32 {
      %mul3A_521 = arith.constant 8 : i32
      %mul3A_522 = arith.muli %while3A_520, %mul3A_521 : i32
      %add3A_523 = arith.constant 0 : i32
      %add3A_524 = arith.addi %mul3A_522, %add3A_523 : i32
      %dma_wait3A_525 = arith.constant 0 : i32
      %dma_wait3A_526 = arith.constant 0 : i32
      %dma_wait3A_527 = arith.constant 0 : i32
      %dma_wait3A_528 = tpu.memref_slice %arg9[%dma_wait3A_525, %dma_wait3A_526, %dma_wait3A_527] : memref<8x128x16xf32, #tpu.memory_space<vmem>> -> memref<1x128x16xf32, #tpu.memory_space<vmem>>
      %dma_wait3A_529 = tpu.memref_squeeze %dma_wait3A_528 : memref<1x128x16xf32, #tpu.memory_space<vmem>> -> memref<128x16xf32, #tpu.memory_space<vmem>>
      %dma_wait3A_530 = arith.constant 0 : i32
      %dma_wait3A_531 = tpu.memref_slice %arg7[%add3A_524, %dma_wait3A_530] : memref<88x128xi32, #tpu.memory_space<vmem>> -> memref<1x128xi32, #tpu.memory_space<vmem>>
      %dma_wait3A_532 = tpu.memref_squeeze %dma_wait3A_531 : memref<1x128xi32, #tpu.memory_space<vmem>> -> memref<128xi32, #tpu.memory_space<vmem>>
      %dma_wait3A_533 = arith.constant 0 : i32
      %dma_wait3A_534 = arith.constant 0 : i32
      %dma_wait3A_535 = tpu.memref_slice %arg4[%dma_wait3A_533, %dma_wait3A_534] : memref<10112x16xf32, #tpu.memory_space<hbm>> -> memref<10112x16xf32, #tpu.memory_space<hbm>>
      tpu.wait_indirect_dma semaphore(%arg11 : memref<!tpu.dma_semaphore, #tpu.memory_space<semaphore_mem>>) src(%dma_wait3A_535 : memref<10112x16xf32, #tpu.memory_space<hbm>>) dst(%dma_wait3A_529 : memref<128x16xf32, #tpu.memory_space<vmem>>)
      %dma_start3A_536 = arith.constant 0 : i32
      %dma_start3A_537 = arith.constant 0 : i32
      %dma_start3A_538 = arith.constant 0 : i32
      %dma_start3A_539 = tpu.memref_slice %arg9[%dma_start3A_536, %dma_start3A_537, %dma_start3A_538] : memref<8x128x16xf32, #tpu.memory_space<vmem>> -> memref<1x128x16xf32, #tpu.memory_space<vmem>>
      %dma_start3A_540 = tpu.memref_squeeze %dma_start3A_539 : memref<1x128x16xf32, #tpu.memory_space<vmem>> -> memref<128x16xf32, #tpu.memory_space<vmem>>
      %dma_start3A_541 = arith.constant 0 : i32
      %dma_start3A_542 = tpu.memref_slice %arg8[%add3A_524, %dma_start3A_541] : memref<88x128xi32, #tpu.memory_space<vmem>> -> memref<1x128xi32, #tpu.memory_space<vmem>>
      %dma_start3A_543 = tpu.memref_squeeze %dma_start3A_542 : memref<1x128xi32, #tpu.memory_space<vmem>> -> memref<128xi32, #tpu.memory_space<vmem>>
      %dma_start3A_544 = arith.constant 0 : i32
      %dma_start3A_545 = arith.constant 0 : i32
      %dma_start3A_546 = tpu.memref_slice %arg10[%dma_start3A_544, %dma_start3A_545] : memref<10112x16xf32, #tpu.memory_space<vmem_shared>> -> memref<10112x16xf32, #tpu.memory_space<vmem_shared>>
      tpu.enqueue_indirect_dma source(%dma_start3A_540 : memref<128x16xf32, #tpu.memory_space<vmem>>) target(%dma_start3A_546 : memref<10112x16xf32, #tpu.memory_space<vmem_shared>>) offsets(%dma_start3A_543 : memref<128xi32, #tpu.memory_space<vmem>>) semaphore(%arg12 : memref<!tpu.dma_semaphore, #tpu.memory_space<semaphore_mem>>) {add = true}
      %dma_wait3A_547 = arith.constant 4 : i32
      %dma_wait3A_548 = arith.constant 0 : i32
      %dma_wait3A_549 = arith.constant 0 : i32
      %dma_wait3A_550 = arith.constant 0 : i32
      %dma_wait3A_551 = tpu.memref_slice %arg9[%dma_wait3A_547, %dma_wait3A_549, %dma_wait3A_550] : memref<8x128x16xf32, #tpu.memory_space<vmem>> -> memref<1x128x16xf32, #tpu.memory_space<vmem>>
      %dma_wait3A_552 = tpu.memref_squeeze %dma_wait3A_551 : memref<1x128x16xf32, #tpu.memory_space<vmem>> -> memref<128x16xf32, #tpu.memory_space<vmem>>
      %dma_wait3A_553 = arith.constant 0 : i32
      %dma_wait3A_554 = tpu.memref_slice %arg8[%dma_wait3A_548, %dma_wait3A_553] : memref<88x128xi32, #tpu.memory_space<vmem>> -> memref<1x128xi32, #tpu.memory_space<vmem>>
      %dma_wait3A_555 = tpu.memref_squeeze %dma_wait3A_554 : memref<1x128xi32, #tpu.memory_space<vmem>> -> memref<128xi32, #tpu.memory_space<vmem>>
      %dma_wait3A_556 = arith.constant 0 : i32
      %dma_wait3A_557 = arith.constant 0 : i32
      %dma_wait3A_558 = tpu.memref_slice %arg10[%dma_wait3A_556, %dma_wait3A_557] : memref<10112x16xf32, #tpu.memory_space<vmem_shared>> -> memref<10112x16xf32, #tpu.memory_space<vmem_shared>>
      tpu.wait_indirect_dma semaphore(%arg12 : memref<!tpu.dma_semaphore, #tpu.memory_space<semaphore_mem>>) src(%dma_wait3A_552 : memref<128x16xf32, #tpu.memory_space<vmem>>) dst(%dma_wait3A_558 : memref<10112x16xf32, #tpu.memory_space<vmem_shared>>)
      %add3A_559 = arith.constant 4 : i32
      %add3A_560 = arith.addi %add3A_524, %add3A_559 : i32
      %sub3A_561 = arith.constant 1 : i32
      %sub3A_562 = arith.subi %select_n3A, %sub3A_561 : i32
      %min3A = arith.minsi %add3A_560, %sub3A_562 : i32
      %dma_start3A_563 = arith.constant 4 : i32
      %dma_start3A_564 = arith.constant 0 : i32
      %dma_start3A_565 = arith.constant 0 : i32
      %dma_start3A_566 = tpu.memref_slice %arg9[%dma_start3A_563, %dma_start3A_564, %dma_start3A_565] : memref<8x128x16xf32, #tpu.memory_space<vmem>> -> memref<1x128x16xf32, #tpu.memory_space<vmem>>
      %dma_start3A_567 = tpu.memref_squeeze %dma_start3A_566 : memref<1x128x16xf32, #tpu.memory_space<vmem>> -> memref<128x16xf32, #tpu.memory_space<vmem>>
      %dma_start3A_568 = arith.constant 0 : i32
      %dma_start3A_569 = tpu.memref_slice %arg7[%min3A, %dma_start3A_568] : memref<88x128xi32, #tpu.memory_space<vmem>> -> memref<1x128xi32, #tpu.memory_space<vmem>>
      %dma_start3A_570 = tpu.memref_squeeze %dma_start3A_569 : memref<1x128xi32, #tpu.memory_space<vmem>> -> memref<128xi32, #tpu.memory_space<vmem>>
      %dma_start3A_571 = arith.constant 0 : i32
      %dma_start3A_572 = arith.constant 0 : i32
      %dma_start3A_573 = tpu.memref_slice %arg4[%dma_start3A_571, %dma_start3A_572] : memref<10112x16xf32, #tpu.memory_space<hbm>> -> memref<10112x16xf32, #tpu.memory_space<hbm>>
      tpu.enqueue_indirect_dma source(%dma_start3A_573 : memref<10112x16xf32, #tpu.memory_space<hbm>>) target(%dma_start3A_567 : memref<128x16xf32, #tpu.memory_space<vmem>>) offsets(%dma_start3A_570 : memref<128xi32, #tpu.memory_space<vmem>>) semaphore(%arg11 : memref<!tpu.dma_semaphore, #tpu.memory_space<semaphore_mem>>)
      %mul3A_574 = arith.constant 8 : i32
      %mul3A_575 = arith.muli %while3A_520, %mul3A_574 : i32
      %add3A_576 = arith.constant 1 : i32
      %add3A_577 = arith.addi %mul3A_575, %add3A_576 : i32
      %dma_wait3A_578 = arith.constant 1 : i32
      %dma_wait3A_579 = arith.constant 0 : i32
      %dma_wait3A_580 = arith.constant 0 : i32
      %dma_wait3A_581 = tpu.memref_slice %arg9[%dma_wait3A_578, %dma_wait3A_579, %dma_wait3A_580] : memref<8x128x16xf32, #tpu.memory_space<vmem>> -> memref<1x128x16xf32, #tpu.memory_space<vmem>>
      %dma_wait3A_582 = tpu.memref_squeeze %dma_wait3A_581 : memref<1x128x16xf32, #tpu.memory_space<vmem>> -> memref<128x16xf32, #tpu.memory_space<vmem>>
      %dma_wait3A_583 = arith.constant 0 : i32
      %dma_wait3A_584 = tpu.memref_slice %arg7[%add3A_577, %dma_wait3A_583] : memref<88x128xi32, #tpu.memory_space<vmem>> -> memref<1x128xi32, #tpu.memory_space<vmem>>
      %dma_wait3A_585 = tpu.memref_squeeze %dma_wait3A_584 : memref<1x128xi32, #tpu.memory_space<vmem>> -> memref<128xi32, #tpu.memory_space<vmem>>
      %dma_wait3A_586 = arith.constant 0 : i32
      %dma_wait3A_587 = arith.constant 0 : i32
      %dma_wait3A_588 = tpu.memref_slice %arg4[%dma_wait3A_586, %dma_wait3A_587] : memref<10112x16xf32, #tpu.memory_space<hbm>> -> memref<10112x16xf32, #tpu.memory_space<hbm>>
      tpu.wait_indirect_dma semaphore(%arg11 : memref<!tpu.dma_semaphore, #tpu.memory_space<semaphore_mem>>) src(%dma_wait3A_588 : memref<10112x16xf32, #tpu.memory_space<hbm>>) dst(%dma_wait3A_582 : memref<128x16xf32, #tpu.memory_space<vmem>>)
      %dma_start3A_589 = arith.constant 1 : i32
      %dma_start3A_590 = arith.constant 0 : i32
      %dma_start3A_591 = arith.constant 0 : i32
      %dma_start3A_592 = tpu.memref_slice %arg9[%dma_start3A_589, %dma_start3A_590, %dma_start3A_591] : memref<8x128x16xf32, #tpu.memory_space<vmem>> -> memref<1x128x16xf32, #tpu.memory_space<vmem>>
      %dma_start3A_593 = tpu.memref_squeeze %dma_start3A_592 : memref<1x128x16xf32, #tpu.memory_space<vmem>> -> memref<128x16xf32, #tpu.memory_space<vmem>>
      %dma_start3A_594 = arith.constant 0 : i32
      %dma_start3A_595 = tpu.memref_slice %arg8[%add3A_577, %dma_start3A_594] : memref<88x128xi32, #tpu.memory_space<vmem>> -> memref<1x128xi32, #tpu.memory_space<vmem>>
      %dma_start3A_596 = tpu.memref_squeeze %dma_start3A_595 : memref<1x128xi32, #tpu.memory_space<vmem>> -> memref<128xi32, #tpu.memory_space<vmem>>
      %dma_start3A_597 = arith.constant 0 : i32
      %dma_start3A_598 = arith.constant 0 : i32
      %dma_start3A_599 = tpu.memref_slice %arg10[%dma_start3A_597, %dma_start3A_598] : memref<10112x16xf32, #tpu.memory_space<vmem_shared>> -> memref<10112x16xf32, #tpu.memory_space<vmem_shared>>
      tpu.enqueue_indirect_dma source(%dma_start3A_593 : memref<128x16xf32, #tpu.memory_space<vmem>>) target(%dma_start3A_599 : memref<10112x16xf32, #tpu.memory_space<vmem_shared>>) offsets(%dma_start3A_596 : memref<128xi32, #tpu.memory_space<vmem>>) semaphore(%arg12 : memref<!tpu.dma_semaphore, #tpu.memory_space<semaphore_mem>>) {add = true}
      %dma_wait3A_600 = arith.constant 5 : i32
      %dma_wait3A_601 = arith.constant 0 : i32
      %dma_wait3A_602 = arith.constant 0 : i32
      %dma_wait3A_603 = arith.constant 0 : i32
      %dma_wait3A_604 = tpu.memref_slice %arg9[%dma_wait3A_600, %dma_wait3A_602, %dma_wait3A_603] : memref<8x128x16xf32, #tpu.memory_space<vmem>> -> memref<1x128x16xf32, #tpu.memory_space<vmem>>
      %dma_wait3A_605 = tpu.memref_squeeze %dma_wait3A_604 : memref<1x128x16xf32, #tpu.memory_space<vmem>> -> memref<128x16xf32, #tpu.memory_space<vmem>>
      %dma_wait3A_606 = arith.constant 0 : i32
      %dma_wait3A_607 = tpu.memref_slice %arg8[%dma_wait3A_601, %dma_wait3A_606] : memref<88x128xi32, #tpu.memory_space<vmem>> -> memref<1x128xi32, #tpu.memory_space<vmem>>
      %dma_wait3A_608 = tpu.memref_squeeze %dma_wait3A_607 : memref<1x128xi32, #tpu.memory_space<vmem>> -> memref<128xi32, #tpu.memory_space<vmem>>
      %dma_wait3A_609 = arith.constant 0 : i32
      %dma_wait3A_610 = arith.constant 0 : i32
      %dma_wait3A_611 = tpu.memref_slice %arg10[%dma_wait3A_609, %dma_wait3A_610] : memref<10112x16xf32, #tpu.memory_space<vmem_shared>> -> memref<10112x16xf32, #tpu.memory_space<vmem_shared>>
      tpu.wait_indirect_dma semaphore(%arg12 : memref<!tpu.dma_semaphore, #tpu.memory_space<semaphore_mem>>) src(%dma_wait3A_605 : memref<128x16xf32, #tpu.memory_space<vmem>>) dst(%dma_wait3A_611 : memref<10112x16xf32, #tpu.memory_space<vmem_shared>>)
      %add3A_612 = arith.constant 4 : i32
      %add3A_613 = arith.addi %add3A_577, %add3A_612 : i32
      %sub3A_614 = arith.constant 1 : i32
      %sub3A_615 = arith.subi %select_n3A, %sub3A_614 : i32
      %min3A_616 = arith.minsi %add3A_613, %sub3A_615 : i32
      %dma_start3A_617 = arith.constant 5 : i32
      %dma_start3A_618 = arith.constant 0 : i32
      %dma_start3A_619 = arith.constant 0 : i32
      %dma_start3A_620 = tpu.memref_slice %arg9[%dma_start3A_617, %dma_start3A_618, %dma_start3A_619] : memref<8x128x16xf32, #tpu.memory_space<vmem>> -> memref<1x128x16xf32, #tpu.memory_space<vmem>>
      %dma_start3A_621 = tpu.memref_squeeze %dma_start3A_620 : memref<1x128x16xf32, #tpu.memory_space<vmem>> -> memref<128x16xf32, #tpu.memory_space<vmem>>
      %dma_start3A_622 = arith.constant 0 : i32
      %dma_start3A_623 = tpu.memref_slice %arg7[%min3A_616, %dma_start3A_622] : memref<88x128xi32, #tpu.memory_space<vmem>> -> memref<1x128xi32, #tpu.memory_space<vmem>>
      %dma_start3A_624 = tpu.memref_squeeze %dma_start3A_623 : memref<1x128xi32, #tpu.memory_space<vmem>> -> memref<128xi32, #tpu.memory_space<vmem>>
      %dma_start3A_625 = arith.constant 0 : i32
      %dma_start3A_626 = arith.constant 0 : i32
      %dma_start3A_627 = tpu.memref_slice %arg4[%dma_start3A_625, %dma_start3A_626] : memref<10112x16xf32, #tpu.memory_space<hbm>> -> memref<10112x16xf32, #tpu.memory_space<hbm>>
      tpu.enqueue_indirect_dma source(%dma_start3A_627 : memref<10112x16xf32, #tpu.memory_space<hbm>>) target(%dma_start3A_621 : memref<128x16xf32, #tpu.memory_space<vmem>>) offsets(%dma_start3A_624 : memref<128xi32, #tpu.memory_space<vmem>>) semaphore(%arg11 : memref<!tpu.dma_semaphore, #tpu.memory_space<semaphore_mem>>)
      %mul3A_628 = arith.constant 8 : i32
      %mul3A_629 = arith.muli %while3A_520, %mul3A_628 : i32
      %add3A_630 = arith.constant 2 : i32
      %add3A_631 = arith.addi %mul3A_629, %add3A_630 : i32
      %dma_wait3A_632 = arith.constant 2 : i32
      %dma_wait3A_633 = arith.constant 0 : i32
      %dma_wait3A_634 = arith.constant 0 : i32
      %dma_wait3A_635 = tpu.memref_slice %arg9[%dma_wait3A_632, %dma_wait3A_633, %dma_wait3A_634] : memref<8x128x16xf32, #tpu.memory_space<vmem>> -> memref<1x128x16xf32, #tpu.memory_space<vmem>>
      %dma_wait3A_636 = tpu.memref_squeeze %dma_wait3A_635 : memref<1x128x16xf32, #tpu.memory_space<vmem>> -> memref<128x16xf32, #tpu.memory_space<vmem>>
      %dma_wait3A_637 = arith.constant 0 : i32
      %dma_wait3A_638 = tpu.memref_slice %arg7[%add3A_631, %dma_wait3A_637] : memref<88x128xi32, #tpu.memory_space<vmem>> -> memref<1x128xi32, #tpu.memory_space<vmem>>
      %dma_wait3A_639 = tpu.memref_squeeze %dma_wait3A_638 : memref<1x128xi32, #tpu.memory_space<vmem>> -> memref<128xi32, #tpu.memory_space<vmem>>
      %dma_wait3A_640 = arith.constant 0 : i32
      %dma_wait3A_641 = arith.constant 0 : i32
      %dma_wait3A_642 = tpu.memref_slice %arg4[%dma_wait3A_640, %dma_wait3A_641] : memref<10112x16xf32, #tpu.memory_space<hbm>> -> memref<10112x16xf32, #tpu.memory_space<hbm>>
      tpu.wait_indirect_dma semaphore(%arg11 : memref<!tpu.dma_semaphore, #tpu.memory_space<semaphore_mem>>) src(%dma_wait3A_642 : memref<10112x16xf32, #tpu.memory_space<hbm>>) dst(%dma_wait3A_636 : memref<128x16xf32, #tpu.memory_space<vmem>>)
      %dma_start3A_643 = arith.constant 2 : i32
      %dma_start3A_644 = arith.constant 0 : i32
      %dma_start3A_645 = arith.constant 0 : i32
      %dma_start3A_646 = tpu.memref_slice %arg9[%dma_start3A_643, %dma_start3A_644, %dma_start3A_645] : memref<8x128x16xf32, #tpu.memory_space<vmem>> -> memref<1x128x16xf32, #tpu.memory_space<vmem>>
      %dma_start3A_647 = tpu.memref_squeeze %dma_start3A_646 : memref<1x128x16xf32, #tpu.memory_space<vmem>> -> memref<128x16xf32, #tpu.memory_space<vmem>>
      %dma_start3A_648 = arith.constant 0 : i32
      %dma_start3A_649 = tpu.memref_slice %arg8[%add3A_631, %dma_start3A_648] : memref<88x128xi32, #tpu.memory_space<vmem>> -> memref<1x128xi32, #tpu.memory_space<vmem>>
      %dma_start3A_650 = tpu.memref_squeeze %dma_start3A_649 : memref<1x128xi32, #tpu.memory_space<vmem>> -> memref<128xi32, #tpu.memory_space<vmem>>
      %dma_start3A_651 = arith.constant 0 : i32
      %dma_start3A_652 = arith.constant 0 : i32
      %dma_start3A_653 = tpu.memref_slice %arg10[%dma_start3A_651, %dma_start3A_652] : memref<10112x16xf32, #tpu.memory_space<vmem_shared>> -> memref<10112x16xf32, #tpu.memory_space<vmem_shared>>
      tpu.enqueue_indirect_dma source(%dma_start3A_647 : memref<128x16xf32, #tpu.memory_space<vmem>>) target(%dma_start3A_653 : memref<10112x16xf32, #tpu.memory_space<vmem_shared>>) offsets(%dma_start3A_650 : memref<128xi32, #tpu.memory_space<vmem>>) semaphore(%arg12 : memref<!tpu.dma_semaphore, #tpu.memory_space<semaphore_mem>>) {add = true}
      %dma_wait3A_654 = arith.constant 6 : i32
      %dma_wait3A_655 = arith.constant 0 : i32
      %dma_wait3A_656 = arith.constant 0 : i32
      %dma_wait3A_657 = arith.constant 0 : i32
      %dma_wait3A_658 = tpu.memref_slice %arg9[%dma_wait3A_654, %dma_wait3A_656, %dma_wait3A_657] : memref<8x128x16xf32, #tpu.memory_space<vmem>> -> memref<1x128x16xf32, #tpu.memory_space<vmem>>
      %dma_wait3A_659 = tpu.memref_squeeze %dma_wait3A_658 : memref<1x128x16xf32, #tpu.memory_space<vmem>> -> memref<128x16xf32, #tpu.memory_space<vmem>>
      %dma_wait3A_660 = arith.constant 0 : i32
      %dma_wait3A_661 = tpu.memref_slice %arg8[%dma_wait3A_655, %dma_wait3A_660] : memref<88x128xi32, #tpu.memory_space<vmem>> -> memref<1x128xi32, #tpu.memory_space<vmem>>
      %dma_wait3A_662 = tpu.memref_squeeze %dma_wait3A_661 : memref<1x128xi32, #tpu.memory_space<vmem>> -> memref<128xi32, #tpu.memory_space<vmem>>
      %dma_wait3A_663 = arith.constant 0 : i32
      %dma_wait3A_664 = arith.constant 0 : i32
      %dma_wait3A_665 = tpu.memref_slice %arg10[%dma_wait3A_663, %dma_wait3A_664] : memref<10112x16xf32, #tpu.memory_space<vmem_shared>> -> memref<10112x16xf32, #tpu.memory_space<vmem_shared>>
      tpu.wait_indirect_dma semaphore(%arg12 : memref<!tpu.dma_semaphore, #tpu.memory_space<semaphore_mem>>) src(%dma_wait3A_659 : memref<128x16xf32, #tpu.memory_space<vmem>>) dst(%dma_wait3A_665 : memref<10112x16xf32, #tpu.memory_space<vmem_shared>>)
      %add3A_666 = arith.constant 4 : i32
      %add3A_667 = arith.addi %add3A_631, %add3A_666 : i32
      %sub3A_668 = arith.constant 1 : i32
      %sub3A_669 = arith.subi %select_n3A, %sub3A_668 : i32
      %min3A_670 = arith.minsi %add3A_667, %sub3A_669 : i32
      %dma_start3A_671 = arith.constant 6 : i32
      %dma_start3A_672 = arith.constant 0 : i32
      %dma_start3A_673 = arith.constant 0 : i32
      %dma_start3A_674 = tpu.memref_slice %arg9[%dma_start3A_671, %dma_start3A_672, %dma_start3A_673] : memref<8x128x16xf32, #tpu.memory_space<vmem>> -> memref<1x128x16xf32, #tpu.memory_space<vmem>>
      %dma_start3A_675 = tpu.memref_squeeze %dma_start3A_674 : memref<1x128x16xf32, #tpu.memory_space<vmem>> -> memref<128x16xf32, #tpu.memory_space<vmem>>
      %dma_start3A_676 = arith.constant 0 : i32
      %dma_start3A_677 = tpu.memref_slice %arg7[%min3A_670, %dma_start3A_676] : memref<88x128xi32, #tpu.memory_space<vmem>> -> memref<1x128xi32, #tpu.memory_space<vmem>>
      %dma_start3A_678 = tpu.memref_squeeze %dma_start3A_677 : memref<1x128xi32, #tpu.memory_space<vmem>> -> memref<128xi32, #tpu.memory_space<vmem>>
      %dma_start3A_679 = arith.constant 0 : i32
      %dma_start3A_680 = arith.constant 0 : i32
      %dma_start3A_681 = tpu.memref_slice %arg4[%dma_start3A_679, %dma_start3A_680] : memref<10112x16xf32, #tpu.memory_space<hbm>> -> memref<10112x16xf32, #tpu.memory_space<hbm>>
      tpu.enqueue_indirect_dma source(%dma_start3A_681 : memref<10112x16xf32, #tpu.memory_space<hbm>>) target(%dma_start3A_675 : memref<128x16xf32, #tpu.memory_space<vmem>>) offsets(%dma_start3A_678 : memref<128xi32, #tpu.memory_space<vmem>>) semaphore(%arg11 : memref<!tpu.dma_semaphore, #tpu.memory_space<semaphore_mem>>)
      %mul3A_682 = arith.constant 8 : i32
      %mul3A_683 = arith.muli %while3A_520, %mul3A_682 : i32
      %add3A_684 = arith.constant 3 : i32
      %add3A_685 = arith.addi %mul3A_683, %add3A_684 : i32
      %dma_wait3A_686 = arith.constant 3 : i32
      %dma_wait3A_687 = arith.constant 0 : i32
      %dma_wait3A_688 = arith.constant 0 : i32
      %dma_wait3A_689 = tpu.memref_slice %arg9[%dma_wait3A_686, %dma_wait3A_687, %dma_wait3A_688] : memref<8x128x16xf32, #tpu.memory_space<vmem>> -> memref<1x128x16xf32, #tpu.memory_space<vmem>>
      %dma_wait3A_690 = tpu.memref_squeeze %dma_wait3A_689 : memref<1x128x16xf32, #tpu.memory_space<vmem>> -> memref<128x16xf32, #tpu.memory_space<vmem>>
      %dma_wait3A_691 = arith.constant 0 : i32
      %dma_wait3A_692 = tpu.memref_slice %arg7[%add3A_685, %dma_wait3A_691] : memref<88x128xi32, #tpu.memory_space<vmem>> -> memref<1x128xi32, #tpu.memory_space<vmem>>
      %dma_wait3A_693 = tpu.memref_squeeze %dma_wait3A_692 : memref<1x128xi32, #tpu.memory_space<vmem>> -> memref<128xi32, #tpu.memory_space<vmem>>
      %dma_wait3A_694 = arith.constant 0 : i32
      %dma_wait3A_695 = arith.constant 0 : i32
      %dma_wait3A_696 = tpu.memref_slice %arg4[%dma_wait3A_694, %dma_wait3A_695] : memref<10112x16xf32, #tpu.memory_space<hbm>> -> memref<10112x16xf32, #tpu.memory_space<hbm>>
      tpu.wait_indirect_dma semaphore(%arg11 : memref<!tpu.dma_semaphore, #tpu.memory_space<semaphore_mem>>) src(%dma_wait3A_696 : memref<10112x16xf32, #tpu.memory_space<hbm>>) dst(%dma_wait3A_690 : memref<128x16xf32, #tpu.memory_space<vmem>>)
      %dma_start3A_697 = arith.constant 3 : i32
      %dma_start3A_698 = arith.constant 0 : i32
      %dma_start3A_699 = arith.constant 0 : i32
      %dma_start3A_700 = tpu.memref_slice %arg9[%dma_start3A_697, %dma_start3A_698, %dma_start3A_699] : memref<8x128x16xf32, #tpu.memory_space<vmem>> -> memref<1x128x16xf32, #tpu.memory_space<vmem>>
      %dma_start3A_701 = tpu.memref_squeeze %dma_start3A_700 : memref<1x128x16xf32, #tpu.memory_space<vmem>> -> memref<128x16xf32, #tpu.memory_space<vmem>>
      %dma_start3A_702 = arith.constant 0 : i32
      %dma_start3A_703 = tpu.memref_slice %arg8[%add3A_685, %dma_start3A_702] : memref<88x128xi32, #tpu.memory_space<vmem>> -> memref<1x128xi32, #tpu.memory_space<vmem>>
      %dma_start3A_704 = tpu.memref_squeeze %dma_start3A_703 : memref<1x128xi32, #tpu.memory_space<vmem>> -> memref<128xi32, #tpu.memory_space<vmem>>
      %dma_start3A_705 = arith.constant 0 : i32
      %dma_start3A_706 = arith.constant 0 : i32
      %dma_start3A_707 = tpu.memref_slice %arg10[%dma_start3A_705, %dma_start3A_706] : memref<10112x16xf32, #tpu.memory_space<vmem_shared>> -> memref<10112x16xf32, #tpu.memory_space<vmem_shared>>
      tpu.enqueue_indirect_dma source(%dma_start3A_701 : memref<128x16xf32, #tpu.memory_space<vmem>>) target(%dma_start3A_707 : memref<10112x16xf32, #tpu.memory_space<vmem_shared>>) offsets(%dma_start3A_704 : memref<128xi32, #tpu.memory_space<vmem>>) semaphore(%arg12 : memref<!tpu.dma_semaphore, #tpu.memory_space<semaphore_mem>>) {add = true}
      %dma_wait3A_708 = arith.constant 7 : i32
      %dma_wait3A_709 = arith.constant 0 : i32
      %dma_wait3A_710 = arith.constant 0 : i32
      %dma_wait3A_711 = arith.constant 0 : i32
      %dma_wait3A_712 = tpu.memref_slice %arg9[%dma_wait3A_708, %dma_wait3A_710, %dma_wait3A_711] : memref<8x128x16xf32, #tpu.memory_space<vmem>> -> memref<1x128x16xf32, #tpu.memory_space<vmem>>
      %dma_wait3A_713 = tpu.memref_squeeze %dma_wait3A_712 : memref<1x128x16xf32, #tpu.memory_space<vmem>> -> memref<128x16xf32, #tpu.memory_space<vmem>>
      %dma_wait3A_714 = arith.constant 0 : i32
      %dma_wait3A_715 = tpu.memref_slice %arg8[%dma_wait3A_709, %dma_wait3A_714] : memref<88x128xi32, #tpu.memory_space<vmem>> -> memref<1x128xi32, #tpu.memory_space<vmem>>
      %dma_wait3A_716 = tpu.memref_squeeze %dma_wait3A_715 : memref<1x128xi32, #tpu.memory_space<vmem>> -> memref<128xi32, #tpu.memory_space<vmem>>
      %dma_wait3A_717 = arith.constant 0 : i32
      %dma_wait3A_718 = arith.constant 0 : i32
      %dma_wait3A_719 = tpu.memref_slice %arg10[%dma_wait3A_717, %dma_wait3A_718] : memref<10112x16xf32, #tpu.memory_space<vmem_shared>> -> memref<10112x16xf32, #tpu.memory_space<vmem_shared>>
      tpu.wait_indirect_dma semaphore(%arg12 : memref<!tpu.dma_semaphore, #tpu.memory_space<semaphore_mem>>) src(%dma_wait3A_713 : memref<128x16xf32, #tpu.memory_space<vmem>>) dst(%dma_wait3A_719 : memref<10112x16xf32, #tpu.memory_space<vmem_shared>>)
      %add3A_720 = arith.constant 4 : i32
      %add3A_721 = arith.addi %add3A_685, %add3A_720 : i32
      %sub3A_722 = arith.constant 1 : i32
      %sub3A_723 = arith.subi %select_n3A, %sub3A_722 : i32
      %min3A_724 = arith.minsi %add3A_721, %sub3A_723 : i32
      %dma_start3A_725 = arith.constant 7 : i32
      %dma_start3A_726 = arith.constant 0 : i32
      %dma_start3A_727 = arith.constant 0 : i32
      %dma_start3A_728 = tpu.memref_slice %arg9[%dma_start3A_725, %dma_start3A_726, %dma_start3A_727] : memref<8x128x16xf32, #tpu.memory_space<vmem>> -> memref<1x128x16xf32, #tpu.memory_space<vmem>>
      %dma_start3A_729 = tpu.memref_squeeze %dma_start3A_728 : memref<1x128x16xf32, #tpu.memory_space<vmem>> -> memref<128x16xf32, #tpu.memory_space<vmem>>
      %dma_start3A_730 = arith.constant 0 : i32
      %dma_start3A_731 = tpu.memref_slice %arg7[%min3A_724, %dma_start3A_730] : memref<88x128xi32, #tpu.memory_space<vmem>> -> memref<1x128xi32, #tpu.memory_space<vmem>>
      %dma_start3A_732 = tpu.memref_squeeze %dma_start3A_731 : memref<1x128xi32, #tpu.memory_space<vmem>> -> memref<128xi32, #tpu.memory_space<vmem>>
      %dma_start3A_733 = arith.constant 0 : i32
      %dma_start3A_734 = arith.constant 0 : i32
      %dma_start3A_735 = tpu.memref_slice %arg4[%dma_start3A_733, %dma_start3A_734] : memref<10112x16xf32, #tpu.memory_space<hbm>> -> memref<10112x16xf32, #tpu.memory_space<hbm>>
      tpu.enqueue_indirect_dma source(%dma_start3A_735 : memref<10112x16xf32, #tpu.memory_space<hbm>>) target(%dma_start3A_729 : memref<128x16xf32, #tpu.memory_space<vmem>>) offsets(%dma_start3A_732 : memref<128xi32, #tpu.memory_space<vmem>>) semaphore(%arg11 : memref<!tpu.dma_semaphore, #tpu.memory_space<semaphore_mem>>)
      %mul3A_736 = arith.constant 8 : i32
      %mul3A_737 = arith.muli %while3A_520, %mul3A_736 : i32
      %add3A_738 = arith.constant 4 : i32
      %add3A_739 = arith.addi %mul3A_737, %add3A_738 : i32
      %dma_wait3A_740 = arith.constant 4 : i32
      %dma_wait3A_741 = arith.constant 0 : i32
      %dma_wait3A_742 = arith.constant 0 : i32
      %dma_wait3A_743 = tpu.memref_slice %arg9[%dma_wait3A_740, %dma_wait3A_741, %dma_wait3A_742] : memref<8x128x16xf32, #tpu.memory_space<vmem>> -> memref<1x128x16xf32, #tpu.memory_space<vmem>>
      %dma_wait3A_744 = tpu.memref_squeeze %dma_wait3A_743 : memref<1x128x16xf32, #tpu.memory_space<vmem>> -> memref<128x16xf32, #tpu.memory_space<vmem>>
      %dma_wait3A_745 = arith.constant 0 : i32
      %dma_wait3A_746 = tpu.memref_slice %arg7[%add3A_739, %dma_wait3A_745] : memref<88x128xi32, #tpu.memory_space<vmem>> -> memref<1x128xi32, #tpu.memory_space<vmem>>
      %dma_wait3A_747 = tpu.memref_squeeze %dma_wait3A_746 : memref<1x128xi32, #tpu.memory_space<vmem>> -> memref<128xi32, #tpu.memory_space<vmem>>
      %dma_wait3A_748 = arith.constant 0 : i32
      %dma_wait3A_749 = arith.constant 0 : i32
      %dma_wait3A_750 = tpu.memref_slice %arg4[%dma_wait3A_748, %dma_wait3A_749] : memref<10112x16xf32, #tpu.memory_space<hbm>> -> memref<10112x16xf32, #tpu.memory_space<hbm>>
      tpu.wait_indirect_dma semaphore(%arg11 : memref<!tpu.dma_semaphore, #tpu.memory_space<semaphore_mem>>) src(%dma_wait3A_750 : memref<10112x16xf32, #tpu.memory_space<hbm>>) dst(%dma_wait3A_744 : memref<128x16xf32, #tpu.memory_space<vmem>>)
      %dma_start3A_751 = arith.constant 4 : i32
      %dma_start3A_752 = arith.constant 0 : i32
      %dma_start3A_753 = arith.constant 0 : i32
      %dma_start3A_754 = tpu.memref_slice %arg9[%dma_start3A_751, %dma_start3A_752, %dma_start3A_753] : memref<8x128x16xf32, #tpu.memory_space<vmem>> -> memref<1x128x16xf32, #tpu.memory_space<vmem>>
      %dma_start3A_755 = tpu.memref_squeeze %dma_start3A_754 : memref<1x128x16xf32, #tpu.memory_space<vmem>> -> memref<128x16xf32, #tpu.memory_space<vmem>>
      %dma_start3A_756 = arith.constant 0 : i32
      %dma_start3A_757 = tpu.memref_slice %arg8[%add3A_739, %dma_start3A_756] : memref<88x128xi32, #tpu.memory_space<vmem>> -> memref<1x128xi32, #tpu.memory_space<vmem>>
      %dma_start3A_758 = tpu.memref_squeeze %dma_start3A_757 : memref<1x128xi32, #tpu.memory_space<vmem>> -> memref<128xi32, #tpu.memory_space<vmem>>
      %dma_start3A_759 = arith.constant 0 : i32
      %dma_start3A_760 = arith.constant 0 : i32
      %dma_start3A_761 = tpu.memref_slice %arg10[%dma_start3A_759, %dma_start3A_760] : memref<10112x16xf32, #tpu.memory_space<vmem_shared>> -> memref<10112x16xf32, #tpu.memory_space<vmem_shared>>
      tpu.enqueue_indirect_dma source(%dma_start3A_755 : memref<128x16xf32, #tpu.memory_space<vmem>>) target(%dma_start3A_761 : memref<10112x16xf32, #tpu.memory_space<vmem_shared>>) offsets(%dma_start3A_758 : memref<128xi32, #tpu.memory_space<vmem>>) semaphore(%arg12 : memref<!tpu.dma_semaphore, #tpu.memory_space<semaphore_mem>>) {add = true}
      %dma_wait3A_762 = arith.constant 0 : i32
      %dma_wait3A_763 = arith.constant 0 : i32
      %dma_wait3A_764 = arith.constant 0 : i32
      %dma_wait3A_765 = arith.constant 0 : i32
      %dma_wait3A_766 = tpu.memref_slice %arg9[%dma_wait3A_762, %dma_wait3A_764, %dma_wait3A_765] : memref<8x128x16xf32, #tpu.memory_space<vmem>> -> memref<1x128x16xf32, #tpu.memory_space<vmem>>
      %dma_wait3A_767 = tpu.memref_squeeze %dma_wait3A_766 : memref<1x128x16xf32, #tpu.memory_space<vmem>> -> memref<128x16xf32, #tpu.memory_space<vmem>>
      %dma_wait3A_768 = arith.constant 0 : i32
      %dma_wait3A_769 = tpu.memref_slice %arg8[%dma_wait3A_763, %dma_wait3A_768] : memref<88x128xi32, #tpu.memory_space<vmem>> -> memref<1x128xi32, #tpu.memory_space<vmem>>
      %dma_wait3A_770 = tpu.memref_squeeze %dma_wait3A_769 : memref<1x128xi32, #tpu.memory_space<vmem>> -> memref<128xi32, #tpu.memory_space<vmem>>
      %dma_wait3A_771 = arith.constant 0 : i32
      %dma_wait3A_772 = arith.constant 0 : i32
      %dma_wait3A_773 = tpu.memref_slice %arg10[%dma_wait3A_771, %dma_wait3A_772] : memref<10112x16xf32, #tpu.memory_space<vmem_shared>> -> memref<10112x16xf32, #tpu.memory_space<vmem_shared>>
      tpu.wait_indirect_dma semaphore(%arg12 : memref<!tpu.dma_semaphore, #tpu.memory_space<semaphore_mem>>) src(%dma_wait3A_767 : memref<128x16xf32, #tpu.memory_space<vmem>>) dst(%dma_wait3A_773 : memref<10112x16xf32, #tpu.memory_space<vmem_shared>>)
      %add3A_774 = arith.constant 4 : i32
      %add3A_775 = arith.addi %add3A_739, %add3A_774 : i32
      %sub3A_776 = arith.constant 1 : i32
      %sub3A_777 = arith.subi %select_n3A, %sub3A_776 : i32
      %min3A_778 = arith.minsi %add3A_775, %sub3A_777 : i32
      %dma_start3A_779 = arith.constant 0 : i32
      %dma_start3A_780 = arith.constant 0 : i32
      %dma_start3A_781 = arith.constant 0 : i32
      %dma_start3A_782 = tpu.memref_slice %arg9[%dma_start3A_779, %dma_start3A_780, %dma_start3A_781] : memref<8x128x16xf32, #tpu.memory_space<vmem>> -> memref<1x128x16xf32, #tpu.memory_space<vmem>>
      %dma_start3A_783 = tpu.memref_squeeze %dma_start3A_782 : memref<1x128x16xf32, #tpu.memory_space<vmem>> -> memref<128x16xf32, #tpu.memory_space<vmem>>
      %dma_start3A_784 = arith.constant 0 : i32
      %dma_start3A_785 = tpu.memref_slice %arg7[%min3A_778, %dma_start3A_784] : memref<88x128xi32, #tpu.memory_space<vmem>> -> memref<1x128xi32, #tpu.memory_space<vmem>>
      %dma_start3A_786 = tpu.memref_squeeze %dma_start3A_785 : memref<1x128xi32, #tpu.memory_space<vmem>> -> memref<128xi32, #tpu.memory_space<vmem>>
      %dma_start3A_787 = arith.constant 0 : i32
      %dma_start3A_788 = arith.constant 0 : i32
      %dma_start3A_789 = tpu.memref_slice %arg4[%dma_start3A_787, %dma_start3A_788] : memref<10112x16xf32, #tpu.memory_space<hbm>> -> memref<10112x16xf32, #tpu.memory_space<hbm>>
      tpu.enqueue_indirect_dma source(%dma_start3A_789 : memref<10112x16xf32, #tpu.memory_space<hbm>>) target(%dma_start3A_783 : memref<128x16xf32, #tpu.memory_space<vmem>>) offsets(%dma_start3A_786 : memref<128xi32, #tpu.memory_space<vmem>>) semaphore(%arg11 : memref<!tpu.dma_semaphore, #tpu.memory_space<semaphore_mem>>)
      %mul3A_790 = arith.constant 8 : i32
      %mul3A_791 = arith.muli %while3A_520, %mul3A_790 : i32
      %add3A_792 = arith.constant 5 : i32
      %add3A_793 = arith.addi %mul3A_791, %add3A_792 : i32
      %dma_wait3A_794 = arith.constant 5 : i32
      %dma_wait3A_795 = arith.constant 0 : i32
      %dma_wait3A_796 = arith.constant 0 : i32
      %dma_wait3A_797 = tpu.memref_slice %arg9[%dma_wait3A_794, %dma_wait3A_795, %dma_wait3A_796] : memref<8x128x16xf32, #tpu.memory_space<vmem>> -> memref<1x128x16xf32, #tpu.memory_space<vmem>>
      %dma_wait3A_798 = tpu.memref_squeeze %dma_wait3A_797 : memref<1x128x16xf32, #tpu.memory_space<vmem>> -> memref<128x16xf32, #tpu.memory_space<vmem>>
      %dma_wait3A_799 = arith.constant 0 : i32
      %dma_wait3A_800 = tpu.memref_slice %arg7[%add3A_793, %dma_wait3A_799] : memref<88x128xi32, #tpu.memory_space<vmem>> -> memref<1x128xi32, #tpu.memory_space<vmem>>
      %dma_wait3A_801 = tpu.memref_squeeze %dma_wait3A_800 : memref<1x128xi32, #tpu.memory_space<vmem>> -> memref<128xi32, #tpu.memory_space<vmem>>
      %dma_wait3A_802 = arith.constant 0 : i32
      %dma_wait3A_803 = arith.constant 0 : i32
      %dma_wait3A_804 = tpu.memref_slice %arg4[%dma_wait3A_802, %dma_wait3A_803] : memref<10112x16xf32, #tpu.memory_space<hbm>> -> memref<10112x16xf32, #tpu.memory_space<hbm>>
      tpu.wait_indirect_dma semaphore(%arg11 : memref<!tpu.dma_semaphore, #tpu.memory_space<semaphore_mem>>) src(%dma_wait3A_804 : memref<10112x16xf32, #tpu.memory_space<hbm>>) dst(%dma_wait3A_798 : memref<128x16xf32, #tpu.memory_space<vmem>>)
      %dma_start3A_805 = arith.constant 5 : i32
      %dma_start3A_806 = arith.constant 0 : i32
      %dma_start3A_807 = arith.constant 0 : i32
      %dma_start3A_808 = tpu.memref_slice %arg9[%dma_start3A_805, %dma_start3A_806, %dma_start3A_807] : memref<8x128x16xf32, #tpu.memory_space<vmem>> -> memref<1x128x16xf32, #tpu.memory_space<vmem>>
      %dma_start3A_809 = tpu.memref_squeeze %dma_start3A_808 : memref<1x128x16xf32, #tpu.memory_space<vmem>> -> memref<128x16xf32, #tpu.memory_space<vmem>>
      %dma_start3A_810 = arith.constant 0 : i32
      %dma_start3A_811 = tpu.memref_slice %arg8[%add3A_793, %dma_start3A_810] : memref<88x128xi32, #tpu.memory_space<vmem>> -> memref<1x128xi32, #tpu.memory_space<vmem>>
      %dma_start3A_812 = tpu.memref_squeeze %dma_start3A_811 : memref<1x128xi32, #tpu.memory_space<vmem>> -> memref<128xi32, #tpu.memory_space<vmem>>
      %dma_start3A_813 = arith.constant 0 : i32
      %dma_start3A_814 = arith.constant 0 : i32
      %dma_start3A_815 = tpu.memref_slice %arg10[%dma_start3A_813, %dma_start3A_814] : memref<10112x16xf32, #tpu.memory_space<vmem_shared>> -> memref<10112x16xf32, #tpu.memory_space<vmem_shared>>
      tpu.enqueue_indirect_dma source(%dma_start3A_809 : memref<128x16xf32, #tpu.memory_space<vmem>>) target(%dma_start3A_815 : memref<10112x16xf32, #tpu.memory_space<vmem_shared>>) offsets(%dma_start3A_812 : memref<128xi32, #tpu.memory_space<vmem>>) semaphore(%arg12 : memref<!tpu.dma_semaphore, #tpu.memory_space<semaphore_mem>>) {add = true}
      %dma_wait3A_816 = arith.constant 1 : i32
      %dma_wait3A_817 = arith.constant 0 : i32
      %dma_wait3A_818 = arith.constant 0 : i32
      %dma_wait3A_819 = arith.constant 0 : i32
      %dma_wait3A_820 = tpu.memref_slice %arg9[%dma_wait3A_816, %dma_wait3A_818, %dma_wait3A_819] : memref<8x128x16xf32, #tpu.memory_space<vmem>> -> memref<1x128x16xf32, #tpu.memory_space<vmem>>
      %dma_wait3A_821 = tpu.memref_squeeze %dma_wait3A_820 : memref<1x128x16xf32, #tpu.memory_space<vmem>> -> memref<128x16xf32, #tpu.memory_space<vmem>>
      %dma_wait3A_822 = arith.constant 0 : i32
      %dma_wait3A_823 = tpu.memref_slice %arg8[%dma_wait3A_817, %dma_wait3A_822] : memref<88x128xi32, #tpu.memory_space<vmem>> -> memref<1x128xi32, #tpu.memory_space<vmem>>
      %dma_wait3A_824 = tpu.memref_squeeze %dma_wait3A_823 : memref<1x128xi32, #tpu.memory_space<vmem>> -> memref<128xi32, #tpu.memory_space<vmem>>
      %dma_wait3A_825 = arith.constant 0 : i32
      %dma_wait3A_826 = arith.constant 0 : i32
      %dma_wait3A_827 = tpu.memref_slice %arg10[%dma_wait3A_825, %dma_wait3A_826] : memref<10112x16xf32, #tpu.memory_space<vmem_shared>> -> memref<10112x16xf32, #tpu.memory_space<vmem_shared>>
      tpu.wait_indirect_dma semaphore(%arg12 : memref<!tpu.dma_semaphore, #tpu.memory_space<semaphore_mem>>) src(%dma_wait3A_821 : memref<128x16xf32, #tpu.memory_space<vmem>>) dst(%dma_wait3A_827 : memref<10112x16xf32, #tpu.memory_space<vmem_shared>>)
      %add3A_828 = arith.constant 4 : i32
      %add3A_829 = arith.addi %add3A_793, %add3A_828 : i32
      %sub3A_830 = arith.constant 1 : i32
      %sub3A_831 = arith.subi %select_n3A, %sub3A_830 : i32
      %min3A_832 = arith.minsi %add3A_829, %sub3A_831 : i32
      %dma_start3A_833 = arith.constant 1 : i32
      %dma_start3A_834 = arith.constant 0 : i32
      %dma_start3A_835 = arith.constant 0 : i32
      %dma_start3A_836 = tpu.memref_slice %arg9[%dma_start3A_833, %dma_start3A_834, %dma_start3A_835] : memref<8x128x16xf32, #tpu.memory_space<vmem>> -> memref<1x128x16xf32, #tpu.memory_space<vmem>>
      %dma_start3A_837 = tpu.memref_squeeze %dma_start3A_836 : memref<1x128x16xf32, #tpu.memory_space<vmem>> -> memref<128x16xf32, #tpu.memory_space<vmem>>
      %dma_start3A_838 = arith.constant 0 : i32
      %dma_start3A_839 = tpu.memref_slice %arg7[%min3A_832, %dma_start3A_838] : memref<88x128xi32, #tpu.memory_space<vmem>> -> memref<1x128xi32, #tpu.memory_space<vmem>>
      %dma_start3A_840 = tpu.memref_squeeze %dma_start3A_839 : memref<1x128xi32, #tpu.memory_space<vmem>> -> memref<128xi32, #tpu.memory_space<vmem>>
      %dma_start3A_841 = arith.constant 0 : i32
      %dma_start3A_842 = arith.constant 0 : i32
      %dma_start3A_843 = tpu.memref_slice %arg4[%dma_start3A_841, %dma_start3A_842] : memref<10112x16xf32, #tpu.memory_space<hbm>> -> memref<10112x16xf32, #tpu.memory_space<hbm>>
      tpu.enqueue_indirect_dma source(%dma_start3A_843 : memref<10112x16xf32, #tpu.memory_space<hbm>>) target(%dma_start3A_837 : memref<128x16xf32, #tpu.memory_space<vmem>>) offsets(%dma_start3A_840 : memref<128xi32, #tpu.memory_space<vmem>>) semaphore(%arg11 : memref<!tpu.dma_semaphore, #tpu.memory_space<semaphore_mem>>)
      %mul3A_844 = arith.constant 8 : i32
      %mul3A_845 = arith.muli %while3A_520, %mul3A_844 : i32
      %add3A_846 = arith.constant 6 : i32
      %add3A_847 = arith.addi %mul3A_845, %add3A_846 : i32
      %dma_wait3A_848 = arith.constant 6 : i32
      %dma_wait3A_849 = arith.constant 0 : i32
      %dma_wait3A_850 = arith.constant 0 : i32
      %dma_wait3A_851 = tpu.memref_slice %arg9[%dma_wait3A_848, %dma_wait3A_849, %dma_wait3A_850] : memref<8x128x16xf32, #tpu.memory_space<vmem>> -> memref<1x128x16xf32, #tpu.memory_space<vmem>>
      %dma_wait3A_852 = tpu.memref_squeeze %dma_wait3A_851 : memref<1x128x16xf32, #tpu.memory_space<vmem>> -> memref<128x16xf32, #tpu.memory_space<vmem>>
      %dma_wait3A_853 = arith.constant 0 : i32
      %dma_wait3A_854 = tpu.memref_slice %arg7[%add3A_847, %dma_wait3A_853] : memref<88x128xi32, #tpu.memory_space<vmem>> -> memref<1x128xi32, #tpu.memory_space<vmem>>
      %dma_wait3A_855 = tpu.memref_squeeze %dma_wait3A_854 : memref<1x128xi32, #tpu.memory_space<vmem>> -> memref<128xi32, #tpu.memory_space<vmem>>
      %dma_wait3A_856 = arith.constant 0 : i32
      %dma_wait3A_857 = arith.constant 0 : i32
      %dma_wait3A_858 = tpu.memref_slice %arg4[%dma_wait3A_856, %dma_wait3A_857] : memref<10112x16xf32, #tpu.memory_space<hbm>> -> memref<10112x16xf32, #tpu.memory_space<hbm>>
      tpu.wait_indirect_dma semaphore(%arg11 : memref<!tpu.dma_semaphore, #tpu.memory_space<semaphore_mem>>) src(%dma_wait3A_858 : memref<10112x16xf32, #tpu.memory_space<hbm>>) dst(%dma_wait3A_852 : memref<128x16xf32, #tpu.memory_space<vmem>>)
      %dma_start3A_859 = arith.constant 6 : i32
      %dma_start3A_860 = arith.constant 0 : i32
      %dma_start3A_861 = arith.constant 0 : i32
      %dma_start3A_862 = tpu.memref_slice %arg9[%dma_start3A_859, %dma_start3A_860, %dma_start3A_861] : memref<8x128x16xf32, #tpu.memory_space<vmem>> -> memref<1x128x16xf32, #tpu.memory_space<vmem>>
      %dma_start3A_863 = tpu.memref_squeeze %dma_start3A_862 : memref<1x128x16xf32, #tpu.memory_space<vmem>> -> memref<128x16xf32, #tpu.memory_space<vmem>>
      %dma_start3A_864 = arith.constant 0 : i32
      %dma_start3A_865 = tpu.memref_slice %arg8[%add3A_847, %dma_start3A_864] : memref<88x128xi32, #tpu.memory_space<vmem>> -> memref<1x128xi32, #tpu.memory_space<vmem>>
      %dma_start3A_866 = tpu.memref_squeeze %dma_start3A_865 : memref<1x128xi32, #tpu.memory_space<vmem>> -> memref<128xi32, #tpu.memory_space<vmem>>
      %dma_start3A_867 = arith.constant 0 : i32
      %dma_start3A_868 = arith.constant 0 : i32
      %dma_start3A_869 = tpu.memref_slice %arg10[%dma_start3A_867, %dma_start3A_868] : memref<10112x16xf32, #tpu.memory_space<vmem_shared>> -> memref<10112x16xf32, #tpu.memory_space<vmem_shared>>
      tpu.enqueue_indirect_dma source(%dma_start3A_863 : memref<128x16xf32, #tpu.memory_space<vmem>>) target(%dma_start3A_869 : memref<10112x16xf32, #tpu.memory_space<vmem_shared>>) offsets(%dma_start3A_866 : memref<128xi32, #tpu.memory_space<vmem>>) semaphore(%arg12 : memref<!tpu.dma_semaphore, #tpu.memory_space<semaphore_mem>>) {add = true}
      %dma_wait3A_870 = arith.constant 2 : i32
      %dma_wait3A_871 = arith.constant 0 : i32
      %dma_wait3A_872 = arith.constant 0 : i32
      %dma_wait3A_873 = arith.constant 0 : i32
      %dma_wait3A_874 = tpu.memref_slice %arg9[%dma_wait3A_870, %dma_wait3A_872, %dma_wait3A_873] : memref<8x128x16xf32, #tpu.memory_space<vmem>> -> memref<1x128x16xf32, #tpu.memory_space<vmem>>
      %dma_wait3A_875 = tpu.memref_squeeze %dma_wait3A_874 : memref<1x128x16xf32, #tpu.memory_space<vmem>> -> memref<128x16xf32, #tpu.memory_space<vmem>>
      %dma_wait3A_876 = arith.constant 0 : i32
      %dma_wait3A_877 = tpu.memref_slice %arg8[%dma_wait3A_871, %dma_wait3A_876] : memref<88x128xi32, #tpu.memory_space<vmem>> -> memref<1x128xi32, #tpu.memory_space<vmem>>
      %dma_wait3A_878 = tpu.memref_squeeze %dma_wait3A_877 : memref<1x128xi32, #tpu.memory_space<vmem>> -> memref<128xi32, #tpu.memory_space<vmem>>
      %dma_wait3A_879 = arith.constant 0 : i32
      %dma_wait3A_880 = arith.constant 0 : i32
      %dma_wait3A_881 = tpu.memref_slice %arg10[%dma_wait3A_879, %dma_wait3A_880] : memref<10112x16xf32, #tpu.memory_space<vmem_shared>> -> memref<10112x16xf32, #tpu.memory_space<vmem_shared>>
      tpu.wait_indirect_dma semaphore(%arg12 : memref<!tpu.dma_semaphore, #tpu.memory_space<semaphore_mem>>) src(%dma_wait3A_875 : memref<128x16xf32, #tpu.memory_space<vmem>>) dst(%dma_wait3A_881 : memref<10112x16xf32, #tpu.memory_space<vmem_shared>>)
      %add3A_882 = arith.constant 4 : i32
      %add3A_883 = arith.addi %add3A_847, %add3A_882 : i32
      %sub3A_884 = arith.constant 1 : i32
      %sub3A_885 = arith.subi %select_n3A, %sub3A_884 : i32
      %min3A_886 = arith.minsi %add3A_883, %sub3A_885 : i32
      %dma_start3A_887 = arith.constant 2 : i32
      %dma_start3A_888 = arith.constant 0 : i32
      %dma_start3A_889 = arith.constant 0 : i32
      %dma_start3A_890 = tpu.memref_slice %arg9[%dma_start3A_887, %dma_start3A_888, %dma_start3A_889] : memref<8x128x16xf32, #tpu.memory_space<vmem>> -> memref<1x128x16xf32, #tpu.memory_space<vmem>>
      %dma_start3A_891 = tpu.memref_squeeze %dma_start3A_890 : memref<1x128x16xf32, #tpu.memory_space<vmem>> -> memref<128x16xf32, #tpu.memory_space<vmem>>
      %dma_start3A_892 = arith.constant 0 : i32
      %dma_start3A_893 = tpu.memref_slice %arg7[%min3A_886, %dma_start3A_892] : memref<88x128xi32, #tpu.memory_space<vmem>> -> memref<1x128xi32, #tpu.memory_space<vmem>>
      %dma_start3A_894 = tpu.memref_squeeze %dma_start3A_893 : memref<1x128xi32, #tpu.memory_space<vmem>> -> memref<128xi32, #tpu.memory_space<vmem>>
      %dma_start3A_895 = arith.constant 0 : i32
      %dma_start3A_896 = arith.constant 0 : i32
      %dma_start3A_897 = tpu.memref_slice %arg4[%dma_start3A_895, %dma_start3A_896] : memref<10112x16xf32, #tpu.memory_space<hbm>> -> memref<10112x16xf32, #tpu.memory_space<hbm>>
      tpu.enqueue_indirect_dma source(%dma_start3A_897 : memref<10112x16xf32, #tpu.memory_space<hbm>>) target(%dma_start3A_891 : memref<128x16xf32, #tpu.memory_space<vmem>>) offsets(%dma_start3A_894 : memref<128xi32, #tpu.memory_space<vmem>>) semaphore(%arg11 : memref<!tpu.dma_semaphore, #tpu.memory_space<semaphore_mem>>)
      %mul3A_898 = arith.constant 8 : i32
      %mul3A_899 = arith.muli %while3A_520, %mul3A_898 : i32
      %add3A_900 = arith.constant 7 : i32
      %add3A_901 = arith.addi %mul3A_899, %add3A_900 : i32
      %dma_wait3A_902 = arith.constant 7 : i32
      %dma_wait3A_903 = arith.constant 0 : i32
      %dma_wait3A_904 = arith.constant 0 : i32
      %dma_wait3A_905 = tpu.memref_slice %arg9[%dma_wait3A_902, %dma_wait3A_903, %dma_wait3A_904] : memref<8x128x16xf32, #tpu.memory_space<vmem>> -> memref<1x128x16xf32, #tpu.memory_space<vmem>>
      %dma_wait3A_906 = tpu.memref_squeeze %dma_wait3A_905 : memref<1x128x16xf32, #tpu.memory_space<vmem>> -> memref<128x16xf32, #tpu.memory_space<vmem>>
      %dma_wait3A_907 = arith.constant 0 : i32
      %dma_wait3A_908 = tpu.memref_slice %arg7[%add3A_901, %dma_wait3A_907] : memref<88x128xi32, #tpu.memory_space<vmem>> -> memref<1x128xi32, #tpu.memory_space<vmem>>
      %dma_wait3A_909 = tpu.memref_squeeze %dma_wait3A_908 : memref<1x128xi32, #tpu.memory_space<vmem>> -> memref<128xi32, #tpu.memory_space<vmem>>
      %dma_wait3A_910 = arith.constant 0 : i32
      %dma_wait3A_911 = arith.constant 0 : i32
      %dma_wait3A_912 = tpu.memref_slice %arg4[%dma_wait3A_910, %dma_wait3A_911] : memref<10112x16xf32, #tpu.memory_space<hbm>> -> memref<10112x16xf32, #tpu.memory_space<hbm>>
      tpu.wait_indirect_dma semaphore(%arg11 : memref<!tpu.dma_semaphore, #tpu.memory_space<semaphore_mem>>) src(%dma_wait3A_912 : memref<10112x16xf32, #tpu.memory_space<hbm>>) dst(%dma_wait3A_906 : memref<128x16xf32, #tpu.memory_space<vmem>>)
      %dma_start3A_913 = arith.constant 7 : i32
      %dma_start3A_914 = arith.constant 0 : i32
      %dma_start3A_915 = arith.constant 0 : i32
      %dma_start3A_916 = tpu.memref_slice %arg9[%dma_start3A_913, %dma_start3A_914, %dma_start3A_915] : memref<8x128x16xf32, #tpu.memory_space<vmem>> -> memref<1x128x16xf32, #tpu.memory_space<vmem>>
      %dma_start3A_917 = tpu.memref_squeeze %dma_start3A_916 : memref<1x128x16xf32, #tpu.memory_space<vmem>> -> memref<128x16xf32, #tpu.memory_space<vmem>>
      %dma_start3A_918 = arith.constant 0 : i32
      %dma_start3A_919 = tpu.memref_slice %arg8[%add3A_901, %dma_start3A_918] : memref<88x128xi32, #tpu.memory_space<vmem>> -> memref<1x128xi32, #tpu.memory_space<vmem>>
      %dma_start3A_920 = tpu.memref_squeeze %dma_start3A_919 : memref<1x128xi32, #tpu.memory_space<vmem>> -> memref<128xi32, #tpu.memory_space<vmem>>
      %dma_start3A_921 = arith.constant 0 : i32
      %dma_start3A_922 = arith.constant 0 : i32
      %dma_start3A_923 = tpu.memref_slice %arg10[%dma_start3A_921, %dma_start3A_922] : memref<10112x16xf32, #tpu.memory_space<vmem_shared>> -> memref<10112x16xf32, #tpu.memory_space<vmem_shared>>
      tpu.enqueue_indirect_dma source(%dma_start3A_917 : memref<128x16xf32, #tpu.memory_space<vmem>>) target(%dma_start3A_923 : memref<10112x16xf32, #tpu.memory_space<vmem_shared>>) offsets(%dma_start3A_920 : memref<128xi32, #tpu.memory_space<vmem>>) semaphore(%arg12 : memref<!tpu.dma_semaphore, #tpu.memory_space<semaphore_mem>>) {add = true}
      %dma_wait3A_924 = arith.constant 3 : i32
      %dma_wait3A_925 = arith.constant 0 : i32
      %dma_wait3A_926 = arith.constant 0 : i32
      %dma_wait3A_927 = arith.constant 0 : i32
      %dma_wait3A_928 = tpu.memref_slice %arg9[%dma_wait3A_924, %dma_wait3A_926, %dma_wait3A_927] : memref<8x128x16xf32, #tpu.memory_space<vmem>> -> memref<1x128x16xf32, #tpu.memory_space<vmem>>
      %dma_wait3A_929 = tpu.memref_squeeze %dma_wait3A_928 : memref<1x128x16xf32, #tpu.memory_space<vmem>> -> memref<128x16xf32, #tpu.memory_space<vmem>>
      %dma_wait3A_930 = arith.constant 0 : i32
      %dma_wait3A_931 = tpu.memref_slice %arg8[%dma_wait3A_925, %dma_wait3A_930] : memref<88x128xi32, #tpu.memory_space<vmem>> -> memref<1x128xi32, #tpu.memory_space<vmem>>
      %dma_wait3A_932 = tpu.memref_squeeze %dma_wait3A_931 : memref<1x128xi32, #tpu.memory_space<vmem>> -> memref<128xi32, #tpu.memory_space<vmem>>
      %dma_wait3A_933 = arith.constant 0 : i32
      %dma_wait3A_934 = arith.constant 0 : i32
      %dma_wait3A_935 = tpu.memref_slice %arg10[%dma_wait3A_933, %dma_wait3A_934] : memref<10112x16xf32, #tpu.memory_space<vmem_shared>> -> memref<10112x16xf32, #tpu.memory_space<vmem_shared>>
      tpu.wait_indirect_dma semaphore(%arg12 : memref<!tpu.dma_semaphore, #tpu.memory_space<semaphore_mem>>) src(%dma_wait3A_929 : memref<128x16xf32, #tpu.memory_space<vmem>>) dst(%dma_wait3A_935 : memref<10112x16xf32, #tpu.memory_space<vmem_shared>>)
      %add3A_936 = arith.constant 4 : i32
      %add3A_937 = arith.addi %add3A_901, %add3A_936 : i32
      %sub3A_938 = arith.constant 1 : i32
      %sub3A_939 = arith.subi %select_n3A, %sub3A_938 : i32
      %min3A_940 = arith.minsi %add3A_937, %sub3A_939 : i32
      %dma_start3A_941 = arith.constant 3 : i32
      %dma_start3A_942 = arith.constant 0 : i32
      %dma_start3A_943 = arith.constant 0 : i32
      %dma_start3A_944 = tpu.memref_slice %arg9[%dma_start3A_941, %dma_start3A_942, %dma_start3A_943] : memref<8x128x16xf32, #tpu.memory_space<vmem>> -> memref<1x128x16xf32, #tpu.memory_space<vmem>>
      %dma_start3A_945 = tpu.memref_squeeze %dma_start3A_944 : memref<1x128x16xf32, #tpu.memory_space<vmem>> -> memref<128x16xf32, #tpu.memory_space<vmem>>
      %dma_start3A_946 = arith.constant 0 : i32
      %dma_start3A_947 = tpu.memref_slice %arg7[%min3A_940, %dma_start3A_946] : memref<88x128xi32, #tpu.memory_space<vmem>> -> memref<1x128xi32, #tpu.memory_space<vmem>>
      %dma_start3A_948 = tpu.memref_squeeze %dma_start3A_947 : memref<1x128xi32, #tpu.memory_space<vmem>> -> memref<128xi32, #tpu.memory_space<vmem>>
      %dma_start3A_949 = arith.constant 0 : i32
      %dma_start3A_950 = arith.constant 0 : i32
      %dma_start3A_951 = tpu.memref_slice %arg4[%dma_start3A_949, %dma_start3A_950] : memref<10112x16xf32, #tpu.memory_space<hbm>> -> memref<10112x16xf32, #tpu.memory_space<hbm>>
      tpu.enqueue_indirect_dma source(%dma_start3A_951 : memref<10112x16xf32, #tpu.memory_space<hbm>>) target(%dma_start3A_945 : memref<128x16xf32, #tpu.memory_space<vmem>>) offsets(%dma_start3A_948 : memref<128xi32, #tpu.memory_space<vmem>>) semaphore(%arg11 : memref<!tpu.dma_semaphore, #tpu.memory_space<semaphore_mem>>)
    }
    %dma_wait3A_419 = arith.constant 0 : i32
    %dma_wait3A_420 = arith.constant 0 : i32
    %dma_wait3A_421 = arith.constant 0 : i32
    %dma_wait3A_422 = arith.constant 0 : i32
    %dma_wait3A_423 = tpu.memref_slice %arg9[%dma_wait3A_419, %dma_wait3A_421, %dma_wait3A_422] : memref<8x128x16xf32, #tpu.memory_space<vmem>> -> memref<1x128x16xf32, #tpu.memory_space<vmem>>
    %dma_wait3A_424 = tpu.memref_squeeze %dma_wait3A_423 : memref<1x128x16xf32, #tpu.memory_space<vmem>> -> memref<128x16xf32, #tpu.memory_space<vmem>>
    %dma_wait3A_425 = arith.constant 0 : i32
    %dma_wait3A_426 = tpu.memref_slice %arg8[%dma_wait3A_420, %dma_wait3A_425] : memref<88x128xi32, #tpu.memory_space<vmem>> -> memref<1x128xi32, #tpu.memory_space<vmem>>
    %dma_wait3A_427 = tpu.memref_squeeze %dma_wait3A_426 : memref<1x128xi32, #tpu.memory_space<vmem>> -> memref<128xi32, #tpu.memory_space<vmem>>
    %dma_wait3A_428 = arith.constant 0 : i32
    %dma_wait3A_429 = arith.constant 0 : i32
    %dma_wait3A_430 = tpu.memref_slice %arg10[%dma_wait3A_428, %dma_wait3A_429] : memref<10112x16xf32, #tpu.memory_space<vmem_shared>> -> memref<10112x16xf32, #tpu.memory_space<vmem_shared>>
    tpu.wait_indirect_dma semaphore(%arg12 : memref<!tpu.dma_semaphore, #tpu.memory_space<semaphore_mem>>) src(%dma_wait3A_424 : memref<128x16xf32, #tpu.memory_space<vmem>>) dst(%dma_wait3A_430 : memref<10112x16xf32, #tpu.memory_space<vmem_shared>>)
    %dma_wait3A_431 = arith.constant 0 : i32
    %dma_wait3A_432 = arith.constant 0 : i32
    %dma_wait3A_433 = arith.constant 0 : i32
    %dma_wait3A_434 = arith.constant 0 : i32
    %dma_wait3A_435 = tpu.memref_slice %arg9[%dma_wait3A_432, %dma_wait3A_433, %dma_wait3A_434] : memref<8x128x16xf32, #tpu.memory_space<vmem>> -> memref<1x128x16xf32, #tpu.memory_space<vmem>>
    %dma_wait3A_436 = tpu.memref_squeeze %dma_wait3A_435 : memref<1x128x16xf32, #tpu.memory_space<vmem>> -> memref<128x16xf32, #tpu.memory_space<vmem>>
    %dma_wait3A_437 = arith.constant 0 : i32
    %dma_wait3A_438 = tpu.memref_slice %arg7[%dma_wait3A_431, %dma_wait3A_437] : memref<88x128xi32, #tpu.memory_space<vmem>> -> memref<1x128xi32, #tpu.memory_space<vmem>>
    %dma_wait3A_439 = tpu.memref_squeeze %dma_wait3A_438 : memref<1x128xi32, #tpu.memory_space<vmem>> -> memref<128xi32, #tpu.memory_space<vmem>>
    %dma_wait3A_440 = arith.constant 0 : i32
    %dma_wait3A_441 = arith.constant 0 : i32
    %dma_wait3A_442 = tpu.memref_slice %arg4[%dma_wait3A_440, %dma_wait3A_441] : memref<10112x16xf32, #tpu.memory_space<hbm>> -> memref<10112x16xf32, #tpu.memory_space<hbm>>
    tpu.wait_indirect_dma semaphore(%arg11 : memref<!tpu.dma_semaphore, #tpu.memory_space<semaphore_mem>>) src(%dma_wait3A_442 : memref<10112x16xf32, #tpu.memory_space<hbm>>) dst(%dma_wait3A_436 : memref<128x16xf32, #tpu.memory_space<vmem>>)
    %dma_wait3A_443 = arith.constant 1 : i32
    %dma_wait3A_444 = arith.constant 0 : i32
    %dma_wait3A_445 = arith.constant 0 : i32
    %dma_wait3A_446 = arith.constant 0 : i32
    %dma_wait3A_447 = tpu.memref_slice %arg9[%dma_wait3A_443, %dma_wait3A_445, %dma_wait3A_446] : memref<8x128x16xf32, #tpu.memory_space<vmem>> -> memref<1x128x16xf32, #tpu.memory_space<vmem>>
    %dma_wait3A_448 = tpu.memref_squeeze %dma_wait3A_447 : memref<1x128x16xf32, #tpu.memory_space<vmem>> -> memref<128x16xf32, #tpu.memory_space<vmem>>
    %dma_wait3A_449 = arith.constant 0 : i32
    %dma_wait3A_450 = tpu.memref_slice %arg8[%dma_wait3A_444, %dma_wait3A_449] : memref<88x128xi32, #tpu.memory_space<vmem>> -> memref<1x128xi32, #tpu.memory_space<vmem>>
    %dma_wait3A_451 = tpu.memref_squeeze %dma_wait3A_450 : memref<1x128xi32, #tpu.memory_space<vmem>> -> memref<128xi32, #tpu.memory_space<vmem>>
    %dma_wait3A_452 = arith.constant 0 : i32
    %dma_wait3A_453 = arith.constant 0 : i32
    %dma_wait3A_454 = tpu.memref_slice %arg10[%dma_wait3A_452, %dma_wait3A_453] : memref<10112x16xf32, #tpu.memory_space<vmem_shared>> -> memref<10112x16xf32, #tpu.memory_space<vmem_shared>>
    tpu.wait_indirect_dma semaphore(%arg12 : memref<!tpu.dma_semaphore, #tpu.memory_space<semaphore_mem>>) src(%dma_wait3A_448 : memref<128x16xf32, #tpu.memory_space<vmem>>) dst(%dma_wait3A_454 : memref<10112x16xf32, #tpu.memory_space<vmem_shared>>)
    %dma_wait3A_455 = arith.constant 0 : i32
    %dma_wait3A_456 = arith.constant 1 : i32
    %dma_wait3A_457 = arith.constant 0 : i32
    %dma_wait3A_458 = arith.constant 0 : i32
    %dma_wait3A_459 = tpu.memref_slice %arg9[%dma_wait3A_456, %dma_wait3A_457, %dma_wait3A_458] : memref<8x128x16xf32, #tpu.memory_space<vmem>> -> memref<1x128x16xf32, #tpu.memory_space<vmem>>
    %dma_wait3A_460 = tpu.memref_squeeze %dma_wait3A_459 : memref<1x128x16xf32, #tpu.memory_space<vmem>> -> memref<128x16xf32, #tpu.memory_space<vmem>>
    %dma_wait3A_461 = arith.constant 0 : i32
    %dma_wait3A_462 = tpu.memref_slice %arg7[%dma_wait3A_455, %dma_wait3A_461] : memref<88x128xi32, #tpu.memory_space<vmem>> -> memref<1x128xi32, #tpu.memory_space<vmem>>
    %dma_wait3A_463 = tpu.memref_squeeze %dma_wait3A_462 : memref<1x128xi32, #tpu.memory_space<vmem>> -> memref<128xi32, #tpu.memory_space<vmem>>
    %dma_wait3A_464 = arith.constant 0 : i32
    %dma_wait3A_465 = arith.constant 0 : i32
    %dma_wait3A_466 = tpu.memref_slice %arg4[%dma_wait3A_464, %dma_wait3A_465] : memref<10112x16xf32, #tpu.memory_space<hbm>> -> memref<10112x16xf32, #tpu.memory_space<hbm>>
    tpu.wait_indirect_dma semaphore(%arg11 : memref<!tpu.dma_semaphore, #tpu.memory_space<semaphore_mem>>) src(%dma_wait3A_466 : memref<10112x16xf32, #tpu.memory_space<hbm>>) dst(%dma_wait3A_460 : memref<128x16xf32, #tpu.memory_space<vmem>>)
    %dma_wait3A_467 = arith.constant 2 : i32
    %dma_wait3A_468 = arith.constant 0 : i32
    %dma_wait3A_469 = arith.constant 0 : i32
    %dma_wait3A_470 = arith.constant 0 : i32
    %dma_wait3A_471 = tpu.memref_slice %arg9[%dma_wait3A_467, %dma_wait3A_469, %dma_wait3A_470] : memref<8x128x16xf32, #tpu.memory_space<vmem>> -> memref<1x128x16xf32, #tpu.memory_space<vmem>>
    %dma_wait3A_472 = tpu.memref_squeeze %dma_wait3A_471 : memref<1x128x16xf32, #tpu.memory_space<vmem>> -> memref<128x16xf32, #tpu.memory_space<vmem>>
    %dma_wait3A_473 = arith.constant 0 : i32
    %dma_wait3A_474 = tpu.memref_slice %arg8[%dma_wait3A_468, %dma_wait3A_473] : memref<88x128xi32, #tpu.memory_space<vmem>> -> memref<1x128xi32, #tpu.memory_space<vmem>>
    %dma_wait3A_475 = tpu.memref_squeeze %dma_wait3A_474 : memref<1x128xi32, #tpu.memory_space<vmem>> -> memref<128xi32, #tpu.memory_space<vmem>>
    %dma_wait3A_476 = arith.constant 0 : i32
    %dma_wait3A_477 = arith.constant 0 : i32
    %dma_wait3A_478 = tpu.memref_slice %arg10[%dma_wait3A_476, %dma_wait3A_477] : memref<10112x16xf32, #tpu.memory_space<vmem_shared>> -> memref<10112x16xf32, #tpu.memory_space<vmem_shared>>
    tpu.wait_indirect_dma semaphore(%arg12 : memref<!tpu.dma_semaphore, #tpu.memory_space<semaphore_mem>>) src(%dma_wait3A_472 : memref<128x16xf32, #tpu.memory_space<vmem>>) dst(%dma_wait3A_478 : memref<10112x16xf32, #tpu.memory_space<vmem_shared>>)
    %dma_wait3A_479 = arith.constant 0 : i32
    %dma_wait3A_480 = arith.constant 2 : i32
    %dma_wait3A_481 = arith.constant 0 : i32
    %dma_wait3A_482 = arith.constant 0 : i32
    %dma_wait3A_483 = tpu.memref_slice %arg9[%dma_wait3A_480, %dma_wait3A_481, %dma_wait3A_482] : memref<8x128x16xf32, #tpu.memory_space<vmem>> -> memref<1x128x16xf32, #tpu.memory_space<vmem>>
    %dma_wait3A_484 = tpu.memref_squeeze %dma_wait3A_483 : memref<1x128x16xf32, #tpu.memory_space<vmem>> -> memref<128x16xf32, #tpu.memory_space<vmem>>
    %dma_wait3A_485 = arith.constant 0 : i32
    %dma_wait3A_486 = tpu.memref_slice %arg7[%dma_wait3A_479, %dma_wait3A_485] : memref<88x128xi32, #tpu.memory_space<vmem>> -> memref<1x128xi32, #tpu.memory_space<vmem>>
    %dma_wait3A_487 = tpu.memref_squeeze %dma_wait3A_486 : memref<1x128xi32, #tpu.memory_space<vmem>> -> memref<128xi32, #tpu.memory_space<vmem>>
    %dma_wait3A_488 = arith.constant 0 : i32
    %dma_wait3A_489 = arith.constant 0 : i32
    %dma_wait3A_490 = tpu.memref_slice %arg4[%dma_wait3A_488, %dma_wait3A_489] : memref<10112x16xf32, #tpu.memory_space<hbm>> -> memref<10112x16xf32, #tpu.memory_space<hbm>>
    tpu.wait_indirect_dma semaphore(%arg11 : memref<!tpu.dma_semaphore, #tpu.memory_space<semaphore_mem>>) src(%dma_wait3A_490 : memref<10112x16xf32, #tpu.memory_space<hbm>>) dst(%dma_wait3A_484 : memref<128x16xf32, #tpu.memory_space<vmem>>)
    %dma_wait3A_491 = arith.constant 3 : i32
    %dma_wait3A_492 = arith.constant 0 : i32
    %dma_wait3A_493 = arith.constant 0 : i32
    %dma_wait3A_494 = arith.constant 0 : i32
    %dma_wait3A_495 = tpu.memref_slice %arg9[%dma_wait3A_491, %dma_wait3A_493, %dma_wait3A_494] : memref<8x128x16xf32, #tpu.memory_space<vmem>> -> memref<1x128x16xf32, #tpu.memory_space<vmem>>
    %dma_wait3A_496 = tpu.memref_squeeze %dma_wait3A_495 : memref<1x128x16xf32, #tpu.memory_space<vmem>> -> memref<128x16xf32, #tpu.memory_space<vmem>>
    %dma_wait3A_497 = arith.constant 0 : i32
    %dma_wait3A_498 = tpu.memref_slice %arg8[%dma_wait3A_492, %dma_wait3A_497] : memref<88x128xi32, #tpu.memory_space<vmem>> -> memref<1x128xi32, #tpu.memory_space<vmem>>
    %dma_wait3A_499 = tpu.memref_squeeze %dma_wait3A_498 : memref<1x128xi32, #tpu.memory_space<vmem>> -> memref<128xi32, #tpu.memory_space<vmem>>
    %dma_wait3A_500 = arith.constant 0 : i32
    %dma_wait3A_501 = arith.constant 0 : i32
    %dma_wait3A_502 = tpu.memref_slice %arg10[%dma_wait3A_500, %dma_wait3A_501] : memref<10112x16xf32, #tpu.memory_space<vmem_shared>> -> memref<10112x16xf32, #tpu.memory_space<vmem_shared>>
    tpu.wait_indirect_dma semaphore(%arg12 : memref<!tpu.dma_semaphore, #tpu.memory_space<semaphore_mem>>) src(%dma_wait3A_496 : memref<128x16xf32, #tpu.memory_space<vmem>>) dst(%dma_wait3A_502 : memref<10112x16xf32, #tpu.memory_space<vmem_shared>>)
    %dma_wait3A_503 = arith.constant 0 : i32
    %dma_wait3A_504 = arith.constant 3 : i32
    %dma_wait3A_505 = arith.constant 0 : i32
    %dma_wait3A_506 = arith.constant 0 : i32
    %dma_wait3A_507 = tpu.memref_slice %arg9[%dma_wait3A_504, %dma_wait3A_505, %dma_wait3A_506] : memref<8x128x16xf32, #tpu.memory_space<vmem>> -> memref<1x128x16xf32, #tpu.memory_space<vmem>>
    %dma_wait3A_508 = tpu.memref_squeeze %dma_wait3A_507 : memref<1x128x16xf32, #tpu.memory_space<vmem>> -> memref<128x16xf32, #tpu.memory_space<vmem>>
    %dma_wait3A_509 = arith.constant 0 : i32
    %dma_wait3A_510 = tpu.memref_slice %arg7[%dma_wait3A_503, %dma_wait3A_509] : memref<88x128xi32, #tpu.memory_space<vmem>> -> memref<1x128xi32, #tpu.memory_space<vmem>>
    %dma_wait3A_511 = tpu.memref_squeeze %dma_wait3A_510 : memref<1x128xi32, #tpu.memory_space<vmem>> -> memref<128xi32, #tpu.memory_space<vmem>>
    %dma_wait3A_512 = arith.constant 0 : i32
    %dma_wait3A_513 = arith.constant 0 : i32
    %dma_wait3A_514 = tpu.memref_slice %arg4[%dma_wait3A_512, %dma_wait3A_513] : memref<10112x16xf32, #tpu.memory_space<hbm>> -> memref<10112x16xf32, #tpu.memory_space<hbm>>
    tpu.wait_indirect_dma semaphore(%arg11 : memref<!tpu.dma_semaphore, #tpu.memory_space<semaphore_mem>>) src(%dma_wait3A_514 : memref<10112x16xf32, #tpu.memory_space<hbm>>) dst(%dma_wait3A_508 : memref<128x16xf32, #tpu.memory_space<vmem>>)
    %barrier3A_515 = arith.constant 0 : index
    tpu.barrier barrier_id(%barrier3A_515)
    %mul3A_516 = arith.constant 632 : i32
    %mul3A_517 = arith.muli %arg1, %mul3A_516 : i32
    %mul3A_518 = arith.constant 632 : i32
    %mul3A_519 = arith.muli %arg1, %mul3A_518 : i32
    "tpu.region"() ({
      %run_scoped3A = tpu.sem_alloc : memref<!tpu.dma_semaphore, #tpu.memory_space<semaphore_mem>>
      %dma_start3A_520 = arith.constant 0 : i32
      %dma_start3A_521 = tpu.memref_slice %arg6[%arg0, %mul3A_519, %dma_start3A_520] : memref<2x10112x16xf32, #tpu.memory_space<hbm>> -> memref<1x632x16xf32, #tpu.memory_space<hbm>>
      %dma_start3A_522 = tpu.memref_squeeze %dma_start3A_521 : memref<1x632x16xf32, #tpu.memory_space<hbm>> -> memref<632x16xf32, #tpu.memory_space<hbm>>
      %dma_start3A_523 = arith.constant 0 : i32
      %dma_start3A_524 = tpu.memref_slice %arg10[%mul3A_517, %dma_start3A_523] : memref<10112x16xf32, #tpu.memory_space<vmem_shared>> -> memref<632x16xf32, #tpu.memory_space<vmem_shared>>
      tpu.enqueue_dma source(%dma_start3A_524 : memref<632x16xf32, #tpu.memory_space<vmem_shared>>) target(%dma_start3A_522 : memref<632x16xf32, #tpu.memory_space<hbm>>) target_semaphore(%run_scoped3A : memref<!tpu.dma_semaphore, #tpu.memory_space<semaphore_mem>>)
      %dma_wait3A_525 = arith.constant 0 : i32
      %dma_wait3A_526 = tpu.memref_slice %arg6[%arg0, %mul3A_519, %dma_wait3A_525] : memref<2x10112x16xf32, #tpu.memory_space<hbm>> -> memref<1x632x16xf32, #tpu.memory_space<hbm>>
      %dma_wait3A_527 = tpu.memref_squeeze %dma_wait3A_526 : memref<1x632x16xf32, #tpu.memory_space<hbm>> -> memref<632x16xf32, #tpu.memory_space<hbm>>
      %dma_wait3A_528 = arith.constant 0 : i32
      %dma_wait3A_529 = tpu.memref_slice %arg10[%mul3A_517, %dma_wait3A_528] : memref<10112x16xf32, #tpu.memory_space<vmem_shared>> -> memref<632x16xf32, #tpu.memory_space<vmem_shared>>
      tpu.wait_dma2 semaphore(%run_scoped3A : memref<!tpu.dma_semaphore, #tpu.memory_space<semaphore_mem>>) src(%dma_wait3A_529 : memref<632x16xf32, #tpu.memory_space<vmem_shared>>) dst(%dma_wait3A_527 : memref<632x16xf32, #tpu.memory_space<hbm>>)
      tpu.yield
    }) : () -> ()
    return
  }
}

#map = affine_map<(d0, d1) -> (0, 0)>
#map1 = affine_map<(d0, d1) -> (0, 0, 0)>
module attributes {stable_mosaic.version = 14 : i64} {
  func.func @deg_kernel(%arg0: i32, %arg1: i32, %arg2: memref<2560x128xi32, #tpu.memory_space<hbm>>, %arg3: memref<128x16xf32, #tpu.memory_space<hbm>>, %arg4: memref<10112x16xf32, #tpu.memory_space<hbm>>, %arg5: memref<2x10112x16xf32, #tpu.memory_space<hbm>>, %arg6: memref<88x128xi32, #tpu.memory_space<vmem>>, %arg7: memref<128x16xf32, #tpu.memory_space<vmem>>, %arg8: memref<10112x16xf32, #tpu.memory_space<vmem_shared>>, %arg9: memref<!tpu.dma_semaphore, #tpu.memory_space<semaphore_mem>>) attributes {dimension_semantics = [#tpu.dimension_semantics<core_parallel>, #tpu.dimension_semantics<subcore_parallel>], iteration_bounds = array<i64: 2, 16>, scalar_prefetch = 0 : i64, scratch_operands = 4 : i64, tpu.core_type = #tpu.core_type<sc_vector_subcore>, window_params = [{transform_indices = #map}, {transform_indices = #map}, {transform_indices = #map}, {transform_indices = #map1}]} {
    %eq3A = arith.constant 0 : i32
    %eq3A_0 = arith.cmpi eq, %arg0, %eq3A : i32
    %jit3A = arith.constant 88 : i32
    %jit3A_1 = arith.constant 72 : i32
    %select_n3A = arith.select %eq3A_0, %jit3A, %jit3A_1 : i32
    %mul3A = arith.constant 16 : i32
    %mul3A_2 = arith.muli %arg0, %mul3A : i32
    %mul3A_3 = arith.constant 88 : i32
    %mul3A_4 = arith.muli %mul3A_2, %mul3A_3 : i32
    %mul3A_5 = arith.muli %arg1, %select_n3A : i32
    %add3A = arith.addi %mul3A_4, %mul3A_5 : i32
    "tpu.region"() ({
      %run_scoped3A = tpu.sem_alloc : memref<!tpu.dma_semaphore, #tpu.memory_space<semaphore_mem>>
      %dma_start3A = arith.constant 0 : i32
      %dma_start3A_34 = tpu.memref_slice %arg2[%add3A, %dma_start3A] : memref<2560x128xi32, #tpu.memory_space<hbm>> -> memref<88x128xi32, #tpu.memory_space<hbm>>
      %dma_start3A_35 = arith.constant 0 : i32
      %dma_start3A_36 = tpu.memref_slice %arg2[%add3A, %dma_start3A_35] : memref<2560x128xi32, #tpu.memory_space<hbm>> -> memref<88x128xi32, #tpu.memory_space<hbm>>
      tpu.enqueue_dma source(%dma_start3A_36 : memref<88x128xi32, #tpu.memory_space<hbm>>) target(%arg6 : memref<88x128xi32, #tpu.memory_space<vmem>>) target_semaphore(%run_scoped3A : memref<!tpu.dma_semaphore, #tpu.memory_space<semaphore_mem>>)
      %dma_wait3A = arith.constant 0 : i32
      %dma_wait3A_37 = tpu.memref_slice %arg2[%add3A, %dma_wait3A] : memref<2560x128xi32, #tpu.memory_space<hbm>> -> memref<88x128xi32, #tpu.memory_space<hbm>>
      %dma_wait3A_38 = arith.constant 0 : i32
      %dma_wait3A_39 = tpu.memref_slice %arg2[%add3A, %dma_wait3A_38] : memref<2560x128xi32, #tpu.memory_space<hbm>> -> memref<88x128xi32, #tpu.memory_space<hbm>>
      tpu.wait_dma2 semaphore(%run_scoped3A : memref<!tpu.dma_semaphore, #tpu.memory_space<semaphore_mem>>) src(%dma_wait3A_39 : memref<88x128xi32, #tpu.memory_space<hbm>>) dst(%arg6 : memref<88x128xi32, #tpu.memory_space<vmem>>)
      tpu.yield
    }) : () -> ()
    "tpu.region"() ({
      %run_scoped3A = tpu.sem_alloc : memref<!tpu.dma_semaphore, #tpu.memory_space<semaphore_mem>>
      tpu.enqueue_dma source(%arg3 : memref<128x16xf32, #tpu.memory_space<hbm>>) target(%arg7 : memref<128x16xf32, #tpu.memory_space<vmem>>) target_semaphore(%run_scoped3A : memref<!tpu.dma_semaphore, #tpu.memory_space<semaphore_mem>>)
      tpu.wait_dma2 semaphore(%run_scoped3A : memref<!tpu.dma_semaphore, #tpu.memory_space<semaphore_mem>>) src(%arg3 : memref<128x16xf32, #tpu.memory_space<hbm>>) dst(%arg7 : memref<128x16xf32, #tpu.memory_space<vmem>>)
      tpu.yield
    }) : () -> ()
    %mul3A_6 = arith.constant 632 : i32
    %mul3A_7 = arith.muli %arg1, %mul3A_6 : i32
    %mul3A_8 = arith.constant 632 : i32
    %mul3A_9 = arith.muli %arg1, %mul3A_8 : i32
    "tpu.region"() ({
      %run_scoped3A = tpu.sem_alloc : memref<!tpu.dma_semaphore, #tpu.memory_space<semaphore_mem>>
      %dma_start3A = arith.constant 0 : i32
      %dma_start3A_34 = tpu.memref_slice %arg8[%mul3A_9, %dma_start3A] : memref<10112x16xf32, #tpu.memory_space<vmem_shared>> -> memref<632x16xf32, #tpu.memory_space<vmem_shared>>
      %dma_start3A_35 = arith.constant 0 : i32
      %dma_start3A_36 = tpu.memref_slice %arg4[%mul3A_7, %dma_start3A_35] : memref<10112x16xf32, #tpu.memory_space<hbm>> -> memref<632x16xf32, #tpu.memory_space<hbm>>
      tpu.enqueue_dma source(%dma_start3A_36 : memref<632x16xf32, #tpu.memory_space<hbm>>) target(%dma_start3A_34 : memref<632x16xf32, #tpu.memory_space<vmem_shared>>) target_semaphore(%run_scoped3A : memref<!tpu.dma_semaphore, #tpu.memory_space<semaphore_mem>>)
      %dma_wait3A = arith.constant 0 : i32
      %dma_wait3A_37 = tpu.memref_slice %arg8[%mul3A_9, %dma_wait3A] : memref<10112x16xf32, #tpu.memory_space<vmem_shared>> -> memref<632x16xf32, #tpu.memory_space<vmem_shared>>
      %dma_wait3A_38 = arith.constant 0 : i32
      %dma_wait3A_39 = tpu.memref_slice %arg4[%mul3A_7, %dma_wait3A_38] : memref<10112x16xf32, #tpu.memory_space<hbm>> -> memref<632x16xf32, #tpu.memory_space<hbm>>
      tpu.wait_dma2 semaphore(%run_scoped3A : memref<!tpu.dma_semaphore, #tpu.memory_space<semaphore_mem>>) src(%dma_wait3A_39 : memref<632x16xf32, #tpu.memory_space<hbm>>) dst(%dma_wait3A_37 : memref<632x16xf32, #tpu.memory_space<vmem_shared>>)
      tpu.yield
    }) : () -> ()
    %barrier3A = arith.constant 0 : index
    tpu.barrier barrier_id(%barrier3A)
    %while3A = arith.constant 0 : i32
    %while3A_10 = arith.constant 0 : i32
    %while3A_11 = arith.subi %select_n3A, %while3A_10 : i32
    %while3A_12 = arith.addi %while3A_10, %while3A_11 : i32
    %while3A_13 = arith.constant 1 : i32
    %while3A_14 = arith.divsi %while3A_11, %while3A_13 : i32
    %while3A_15 = arith.muli %while3A_14, %while3A_13 : i32
    %while3A_16 = arith.addi %while3A_10, %while3A_15 : i32
    %while3A_17 = arith.constant 1 : i32
    scf.for %while3A_34 = %while3A_10 to %while3A_16 step %while3A_17  : i32 {
      %dma_start3A = arith.constant 0 : i32
      %dma_start3A_35 = tpu.memref_slice %arg6[%while3A_34, %dma_start3A] : memref<88x128xi32, #tpu.memory_space<vmem>> -> memref<1x128xi32, #tpu.memory_space<vmem>>
      %dma_start3A_36 = tpu.memref_squeeze %dma_start3A_35 : memref<1x128xi32, #tpu.memory_space<vmem>> -> memref<128xi32, #tpu.memory_space<vmem>>
      %dma_start3A_37 = arith.constant 0 : i32
      %dma_start3A_38 = arith.constant 0 : i32
      %dma_start3A_39 = tpu.memref_slice %arg8[%dma_start3A_37, %dma_start3A_38] : memref<10112x16xf32, #tpu.memory_space<vmem_shared>> -> memref<10112x16xf32, #tpu.memory_space<vmem_shared>>
      tpu.enqueue_indirect_dma source(%arg7 : memref<128x16xf32, #tpu.memory_space<vmem>>) target(%dma_start3A_39 : memref<10112x16xf32, #tpu.memory_space<vmem_shared>>) offsets(%dma_start3A_36 : memref<128xi32, #tpu.memory_space<vmem>>) semaphore(%arg9 : memref<!tpu.dma_semaphore, #tpu.memory_space<semaphore_mem>>) {add = true}
    }
    %while3A_18 = arith.constant 1 : i32
    scf.for %while3A_34 = %while3A_16 to %while3A_12 step %while3A_18  : i32 {
      %dma_start3A = arith.constant 0 : i32
      %dma_start3A_35 = tpu.memref_slice %arg6[%while3A_34, %dma_start3A] : memref<88x128xi32, #tpu.memory_space<vmem>> -> memref<1x128xi32, #tpu.memory_space<vmem>>
      %dma_start3A_36 = tpu.memref_squeeze %dma_start3A_35 : memref<1x128xi32, #tpu.memory_space<vmem>> -> memref<128xi32, #tpu.memory_space<vmem>>
      %dma_start3A_37 = arith.constant 0 : i32
      %dma_start3A_38 = arith.constant 0 : i32
      %dma_start3A_39 = tpu.memref_slice %arg8[%dma_start3A_37, %dma_start3A_38] : memref<10112x16xf32, #tpu.memory_space<vmem_shared>> -> memref<10112x16xf32, #tpu.memory_space<vmem_shared>>
      tpu.enqueue_indirect_dma source(%arg7 : memref<128x16xf32, #tpu.memory_space<vmem>>) target(%dma_start3A_39 : memref<10112x16xf32, #tpu.memory_space<vmem_shared>>) offsets(%dma_start3A_36 : memref<128xi32, #tpu.memory_space<vmem>>) semaphore(%arg9 : memref<!tpu.dma_semaphore, #tpu.memory_space<semaphore_mem>>) {add = true}
    }
    %while3A_19 = arith.constant 0 : i32
    %while3A_20 = arith.constant 0 : i32
    %while3A_21 = arith.subi %select_n3A, %while3A_20 : i32
    %while3A_22 = arith.addi %while3A_20, %while3A_21 : i32
    %while3A_23 = arith.constant 1 : i32
    %while3A_24 = arith.divsi %while3A_21, %while3A_23 : i32
    %while3A_25 = arith.muli %while3A_24, %while3A_23 : i32
    %while3A_26 = arith.addi %while3A_20, %while3A_25 : i32
    %while3A_27 = arith.constant 1 : i32
    scf.for %while3A_34 = %while3A_20 to %while3A_26 step %while3A_27  : i32 {
      %dma_wait3A = arith.constant 0 : i32
      %dma_wait3A_35 = arith.constant 0 : i32
      %dma_wait3A_36 = tpu.memref_slice %arg6[%dma_wait3A, %dma_wait3A_35] : memref<88x128xi32, #tpu.memory_space<vmem>> -> memref<1x128xi32, #tpu.memory_space<vmem>>
      %dma_wait3A_37 = tpu.memref_squeeze %dma_wait3A_36 : memref<1x128xi32, #tpu.memory_space<vmem>> -> memref<128xi32, #tpu.memory_space<vmem>>
      %dma_wait3A_38 = arith.constant 0 : i32
      %dma_wait3A_39 = arith.constant 0 : i32
      %dma_wait3A_40 = tpu.memref_slice %arg8[%dma_wait3A_38, %dma_wait3A_39] : memref<10112x16xf32, #tpu.memory_space<vmem_shared>> -> memref<10112x16xf32, #tpu.memory_space<vmem_shared>>
      tpu.wait_indirect_dma semaphore(%arg9 : memref<!tpu.dma_semaphore, #tpu.memory_space<semaphore_mem>>) src(%arg7 : memref<128x16xf32, #tpu.memory_space<vmem>>) dst(%dma_wait3A_40 : memref<10112x16xf32, #tpu.memory_space<vmem_shared>>)
    }
    %while3A_28 = arith.constant 1 : i32
    scf.for %while3A_34 = %while3A_26 to %while3A_22 step %while3A_28  : i32 {
      %dma_wait3A = arith.constant 0 : i32
      %dma_wait3A_35 = arith.constant 0 : i32
      %dma_wait3A_36 = tpu.memref_slice %arg6[%dma_wait3A, %dma_wait3A_35] : memref<88x128xi32, #tpu.memory_space<vmem>> -> memref<1x128xi32, #tpu.memory_space<vmem>>
      %dma_wait3A_37 = tpu.memref_squeeze %dma_wait3A_36 : memref<1x128xi32, #tpu.memory_space<vmem>> -> memref<128xi32, #tpu.memory_space<vmem>>
      %dma_wait3A_38 = arith.constant 0 : i32
      %dma_wait3A_39 = arith.constant 0 : i32
      %dma_wait3A_40 = tpu.memref_slice %arg8[%dma_wait3A_38, %dma_wait3A_39] : memref<10112x16xf32, #tpu.memory_space<vmem_shared>> -> memref<10112x16xf32, #tpu.memory_space<vmem_shared>>
      tpu.wait_indirect_dma semaphore(%arg9 : memref<!tpu.dma_semaphore, #tpu.memory_space<semaphore_mem>>) src(%arg7 : memref<128x16xf32, #tpu.memory_space<vmem>>) dst(%dma_wait3A_40 : memref<10112x16xf32, #tpu.memory_space<vmem_shared>>)
    }
    %barrier3A_29 = arith.constant 0 : index
    tpu.barrier barrier_id(%barrier3A_29)
    %mul3A_30 = arith.constant 632 : i32
    %mul3A_31 = arith.muli %arg1, %mul3A_30 : i32
    %mul3A_32 = arith.constant 632 : i32
    %mul3A_33 = arith.muli %arg1, %mul3A_32 : i32
    "tpu.region"() ({
      %run_scoped3A = tpu.sem_alloc : memref<!tpu.dma_semaphore, #tpu.memory_space<semaphore_mem>>
      %dma_start3A = arith.constant 0 : i32
      %dma_start3A_34 = tpu.memref_slice %arg5[%arg0, %mul3A_33, %dma_start3A] : memref<2x10112x16xf32, #tpu.memory_space<hbm>> -> memref<1x632x16xf32, #tpu.memory_space<hbm>>
      %dma_start3A_35 = tpu.memref_squeeze %dma_start3A_34 : memref<1x632x16xf32, #tpu.memory_space<hbm>> -> memref<632x16xf32, #tpu.memory_space<hbm>>
      %dma_start3A_36 = arith.constant 0 : i32
      %dma_start3A_37 = tpu.memref_slice %arg8[%mul3A_31, %dma_start3A_36] : memref<10112x16xf32, #tpu.memory_space<vmem_shared>> -> memref<632x16xf32, #tpu.memory_space<vmem_shared>>
      tpu.enqueue_dma source(%dma_start3A_37 : memref<632x16xf32, #tpu.memory_space<vmem_shared>>) target(%dma_start3A_35 : memref<632x16xf32, #tpu.memory_space<hbm>>) target_semaphore(%run_scoped3A : memref<!tpu.dma_semaphore, #tpu.memory_space<semaphore_mem>>)
      %dma_wait3A = arith.constant 0 : i32
      %dma_wait3A_38 = tpu.memref_slice %arg5[%arg0, %mul3A_33, %dma_wait3A] : memref<2x10112x16xf32, #tpu.memory_space<hbm>> -> memref<1x632x16xf32, #tpu.memory_space<hbm>>
      %dma_wait3A_39 = tpu.memref_squeeze %dma_wait3A_38 : memref<1x632x16xf32, #tpu.memory_space<hbm>> -> memref<632x16xf32, #tpu.memory_space<hbm>>
      %dma_wait3A_40 = arith.constant 0 : i32
      %dma_wait3A_41 = tpu.memref_slice %arg8[%mul3A_31, %dma_wait3A_40] : memref<10112x16xf32, #tpu.memory_space<vmem_shared>> -> memref<632x16xf32, #tpu.memory_space<vmem_shared>>
      tpu.wait_dma2 semaphore(%run_scoped3A : memref<!tpu.dma_semaphore, #tpu.memory_space<semaphore_mem>>) src(%dma_wait3A_41 : memref<632x16xf32, #tpu.memory_space<vmem_shared>>) dst(%dma_wait3A_39 : memref<632x16xf32, #tpu.memory_space<hbm>>)
      tpu.yield
    }) : () -> ()
    return
  }
}

#map = affine_map<(d0, d1) -> (0, 0)>
#map1 = affine_map<(d0, d1) -> (0, 0, 0)>
module attributes {stable_mosaic.version = 14 : i64} {
  func.func @scat_kernel(%arg0: i32, %arg1: i32, %arg2: memref<2560x128xi32, #tpu.memory_space<hbm>>, %arg3: memref<2560x128xi32, #tpu.memory_space<hbm>>, %arg4: memref<10112x16xf32, #tpu.memory_space<hbm>>, %arg5: memref<10112x16xf32, #tpu.memory_space<hbm>>, %arg6: memref<2x10112x16xf32, #tpu.memory_space<hbm>>, %arg7: memref<88x128xi32, #tpu.memory_space<vmem>>, %arg8: memref<88x128xi32, #tpu.memory_space<vmem>>, %arg9: memref<8x128x16xf32, #tpu.memory_space<vmem>>, %arg10: memref<10112x16xf32, #tpu.memory_space<vmem_shared>>, %arg11: memref<!tpu.dma_semaphore, #tpu.memory_space<semaphore_mem>>, %arg12: memref<!tpu.dma_semaphore, #tpu.memory_space<semaphore_mem>>) attributes {dimension_semantics = [#tpu.dimension_semantics<core_parallel>, #tpu.dimension_semantics<subcore_parallel>], iteration_bounds = array<i64: 2, 16>, scalar_prefetch = 0 : i64, scratch_operands = 6 : i64, tpu.core_type = #tpu.core_type<sc_vector_subcore>, window_params = [{transform_indices = #map}, {transform_indices = #map}, {transform_indices = #map}, {transform_indices = #map}, {transform_indices = #map1}]} {
    %eq3A = arith.constant 0 : i32
    %eq3A_0 = arith.cmpi eq, %arg0, %eq3A : i32
    %jit3A = arith.constant 88 : i32
    %jit3A_1 = arith.constant 72 : i32
    %select_n3A = arith.select %eq3A_0, %jit3A, %jit3A_1 : i32
    %mul3A = arith.constant 16 : i32
    %mul3A_2 = arith.muli %arg0, %mul3A : i32
    %mul3A_3 = arith.constant 88 : i32
    %mul3A_4 = arith.muli %mul3A_2, %mul3A_3 : i32
    %mul3A_5 = arith.muli %arg1, %select_n3A : i32
    %add3A = arith.addi %mul3A_4, %mul3A_5 : i32
    "tpu.region"() ({
      %run_scoped3A = tpu.sem_alloc : memref<!tpu.dma_semaphore, #tpu.memory_space<semaphore_mem>>
      %dma_start3A_520 = arith.constant 0 : i32
      %dma_start3A_521 = tpu.memref_slice %arg2[%add3A, %dma_start3A_520] : memref<2560x128xi32, #tpu.memory_space<hbm>> -> memref<88x128xi32, #tpu.memory_space<hbm>>
      %dma_start3A_522 = arith.constant 0 : i32
      %dma_start3A_523 = tpu.memref_slice %arg2[%add3A, %dma_start3A_522] : memref<2560x128xi32, #tpu.memory_space<hbm>> -> memref<88x128xi32, #tpu.memory_space<hbm>>
      tpu.enqueue_dma source(%dma_start3A_523 : memref<88x128xi32, #tpu.memory_space<hbm>>) target(%arg7 : memref<88x128xi32, #tpu.memory_space<vmem>>) target_semaphore(%run_scoped3A : memref<!tpu.dma_semaphore, #tpu.memory_space<semaphore_mem>>)
      %dma_wait3A_524 = arith.constant 0 : i32
      %dma_wait3A_525 = tpu.memref_slice %arg2[%add3A, %dma_wait3A_524] : memref<2560x128xi32, #tpu.memory_space<hbm>> -> memref<88x128xi32, #tpu.memory_space<hbm>>
      %dma_wait3A_526 = arith.constant 0 : i32
      %dma_wait3A_527 = tpu.memref_slice %arg2[%add3A, %dma_wait3A_526] : memref<2560x128xi32, #tpu.memory_space<hbm>> -> memref<88x128xi32, #tpu.memory_space<hbm>>
      tpu.wait_dma2 semaphore(%run_scoped3A : memref<!tpu.dma_semaphore, #tpu.memory_space<semaphore_mem>>) src(%dma_wait3A_527 : memref<88x128xi32, #tpu.memory_space<hbm>>) dst(%arg7 : memref<88x128xi32, #tpu.memory_space<vmem>>)
      tpu.yield
    }) : () -> ()
    "tpu.region"() ({
      %run_scoped3A = tpu.sem_alloc : memref<!tpu.dma_semaphore, #tpu.memory_space<semaphore_mem>>
      %dma_start3A_520 = arith.constant 0 : i32
      %dma_start3A_521 = tpu.memref_slice %arg3[%add3A, %dma_start3A_520] : memref<2560x128xi32, #tpu.memory_space<hbm>> -> memref<88x128xi32, #tpu.memory_space<hbm>>
      %dma_start3A_522 = arith.constant 0 : i32
      %dma_start3A_523 = tpu.memref_slice %arg3[%add3A, %dma_start3A_522] : memref<2560x128xi32, #tpu.memory_space<hbm>> -> memref<88x128xi32, #tpu.memory_space<hbm>>
      tpu.enqueue_dma source(%dma_start3A_523 : memref<88x128xi32, #tpu.memory_space<hbm>>) target(%arg8 : memref<88x128xi32, #tpu.memory_space<vmem>>) target_semaphore(%run_scoped3A : memref<!tpu.dma_semaphore, #tpu.memory_space<semaphore_mem>>)
      %dma_wait3A_524 = arith.constant 0 : i32
      %dma_wait3A_525 = tpu.memref_slice %arg3[%add3A, %dma_wait3A_524] : memref<2560x128xi32, #tpu.memory_space<hbm>> -> memref<88x128xi32, #tpu.memory_space<hbm>>
      %dma_wait3A_526 = arith.constant 0 : i32
      %dma_wait3A_527 = tpu.memref_slice %arg3[%add3A, %dma_wait3A_526] : memref<2560x128xi32, #tpu.memory_space<hbm>> -> memref<88x128xi32, #tpu.memory_space<hbm>>
      tpu.wait_dma2 semaphore(%run_scoped3A : memref<!tpu.dma_semaphore, #tpu.memory_space<semaphore_mem>>) src(%dma_wait3A_527 : memref<88x128xi32, #tpu.memory_space<hbm>>) dst(%arg8 : memref<88x128xi32, #tpu.memory_space<vmem>>)
      tpu.yield
    }) : () -> ()
    %mul3A_6 = arith.constant 632 : i32
    %mul3A_7 = arith.muli %arg1, %mul3A_6 : i32
    %mul3A_8 = arith.constant 632 : i32
    %mul3A_9 = arith.muli %arg1, %mul3A_8 : i32
    "tpu.region"() ({
      %run_scoped3A = tpu.sem_alloc : memref<!tpu.dma_semaphore, #tpu.memory_space<semaphore_mem>>
      %dma_start3A_520 = arith.constant 0 : i32
      %dma_start3A_521 = tpu.memref_slice %arg10[%mul3A_9, %dma_start3A_520] : memref<10112x16xf32, #tpu.memory_space<vmem_shared>> -> memref<632x16xf32, #tpu.memory_space<vmem_shared>>
      %dma_start3A_522 = arith.constant 0 : i32
      %dma_start3A_523 = tpu.memref_slice %arg5[%mul3A_7, %dma_start3A_522] : memref<10112x16xf32, #tpu.memory_space<hbm>> -> memref<632x16xf32, #tpu.memory_space<hbm>>
      tpu.enqueue_dma source(%dma_start3A_523 : memref<632x16xf32, #tpu.memory_space<hbm>>) target(%dma_start3A_521 : memref<632x16xf32, #tpu.memory_space<vmem_shared>>) target_semaphore(%run_scoped3A : memref<!tpu.dma_semaphore, #tpu.memory_space<semaphore_mem>>)
      %dma_wait3A_524 = arith.constant 0 : i32
      %dma_wait3A_525 = tpu.memref_slice %arg10[%mul3A_9, %dma_wait3A_524] : memref<10112x16xf32, #tpu.memory_space<vmem_shared>> -> memref<632x16xf32, #tpu.memory_space<vmem_shared>>
      %dma_wait3A_526 = arith.constant 0 : i32
      %dma_wait3A_527 = tpu.memref_slice %arg5[%mul3A_7, %dma_wait3A_526] : memref<10112x16xf32, #tpu.memory_space<hbm>> -> memref<632x16xf32, #tpu.memory_space<hbm>>
      tpu.wait_dma2 semaphore(%run_scoped3A : memref<!tpu.dma_semaphore, #tpu.memory_space<semaphore_mem>>) src(%dma_wait3A_527 : memref<632x16xf32, #tpu.memory_space<hbm>>) dst(%dma_wait3A_525 : memref<632x16xf32, #tpu.memory_space<vmem_shared>>)
      tpu.yield
    }) : () -> ()
    %barrier3A = arith.constant 0 : index
    tpu.barrier barrier_id(%barrier3A)
    %dma_start3A = arith.constant 0 : i32
    %dma_start3A_10 = arith.constant 0 : i32
    %dma_start3A_11 = arith.constant 0 : i32
    %dma_start3A_12 = arith.constant 0 : i32
    %dma_start3A_13 = tpu.memref_slice %arg9[%dma_start3A_10, %dma_start3A_11, %dma_start3A_12] : memref<8x128x16xf32, #tpu.memory_space<vmem>> -> memref<1x128x16xf32, #tpu.memory_space<vmem>>
    %dma_start3A_14 = tpu.memref_squeeze %dma_start3A_13 : memref<1x128x16xf32, #tpu.memory_space<vmem>> -> memref<128x16xf32, #tpu.memory_space<vmem>>
    %dma_start3A_15 = arith.constant 0 : i32
    %dma_start3A_16 = tpu.memref_slice %arg7[%dma_start3A, %dma_start3A_15] : memref<88x128xi32, #tpu.memory_space<vmem>> -> memref<1x128xi32, #tpu.memory_space<vmem>>
    %dma_start3A_17 = tpu.memref_squeeze %dma_start3A_16 : memref<1x128xi32, #tpu.memory_space<vmem>> -> memref<128xi32, #tpu.memory_space<vmem>>
    %dma_start3A_18 = arith.constant 0 : i32
    %dma_start3A_19 = arith.constant 0 : i32
    %dma_start3A_20 = tpu.memref_slice %arg4[%dma_start3A_18, %dma_start3A_19] : memref<10112x16xf32, #tpu.memory_space<hbm>> -> memref<10112x16xf32, #tpu.memory_space<hbm>>
    tpu.enqueue_indirect_dma source(%dma_start3A_20 : memref<10112x16xf32, #tpu.memory_space<hbm>>) target(%dma_start3A_14 : memref<128x16xf32, #tpu.memory_space<vmem>>) offsets(%dma_start3A_17 : memref<128xi32, #tpu.memory_space<vmem>>) semaphore(%arg11 : memref<!tpu.dma_semaphore, #tpu.memory_space<semaphore_mem>>)
    %dma_start3A_21 = arith.constant 1 : i32
    %dma_start3A_22 = arith.constant 1 : i32
    %dma_start3A_23 = arith.constant 0 : i32
    %dma_start3A_24 = arith.constant 0 : i32
    %dma_start3A_25 = tpu.memref_slice %arg9[%dma_start3A_22, %dma_start3A_23, %dma_start3A_24] : memref<8x128x16xf32, #tpu.memory_space<vmem>> -> memref<1x128x16xf32, #tpu.memory_space<vmem>>
    %dma_start3A_26 = tpu.memref_squeeze %dma_start3A_25 : memref<1x128x16xf32, #tpu.memory_space<vmem>> -> memref<128x16xf32, #tpu.memory_space<vmem>>
    %dma_start3A_27 = arith.constant 0 : i32
    %dma_start3A_28 = tpu.memref_slice %arg7[%dma_start3A_21, %dma_start3A_27] : memref<88x128xi32, #tpu.memory_space<vmem>> -> memref<1x128xi32, #tpu.memory_space<vmem>>
    %dma_start3A_29 = tpu.memref_squeeze %dma_start3A_28 : memref<1x128xi32, #tpu.memory_space<vmem>> -> memref<128xi32, #tpu.memory_space<vmem>>
    %dma_start3A_30 = arith.constant 0 : i32
    %dma_start3A_31 = arith.constant 0 : i32
    %dma_start3A_32 = tpu.memref_slice %arg4[%dma_start3A_30, %dma_start3A_31] : memref<10112x16xf32, #tpu.memory_space<hbm>> -> memref<10112x16xf32, #tpu.memory_space<hbm>>
    tpu.enqueue_indirect_dma source(%dma_start3A_32 : memref<10112x16xf32, #tpu.memory_space<hbm>>) target(%dma_start3A_26 : memref<128x16xf32, #tpu.memory_space<vmem>>) offsets(%dma_start3A_29 : memref<128xi32, #tpu.memory_space<vmem>>) semaphore(%arg11 : memref<!tpu.dma_semaphore, #tpu.memory_space<semaphore_mem>>)
    %dma_start3A_33 = arith.constant 2 : i32
    %dma_start3A_34 = arith.constant 2 : i32
    %dma_start3A_35 = arith.constant 0 : i32
    %dma_start3A_36 = arith.constant 0 : i32
    %dma_start3A_37 = tpu.memref_slice %arg9[%dma_start3A_34, %dma_start3A_35, %dma_start3A_36] : memref<8x128x16xf32, #tpu.memory_space<vmem>> -> memref<1x128x16xf32, #tpu.memory_space<vmem>>
    %dma_start3A_38 = tpu.memref_squeeze %dma_start3A_37 : memref<1x128x16xf32, #tpu.memory_space<vmem>> -> memref<128x16xf32, #tpu.memory_space<vmem>>
    %dma_start3A_39 = arith.constant 0 : i32
    %dma_start3A_40 = tpu.memref_slice %arg7[%dma_start3A_33, %dma_start3A_39] : memref<88x128xi32, #tpu.memory_space<vmem>> -> memref<1x128xi32, #tpu.memory_space<vmem>>
    %dma_start3A_41 = tpu.memref_squeeze %dma_start3A_40 : memref<1x128xi32, #tpu.memory_space<vmem>> -> memref<128xi32, #tpu.memory_space<vmem>>
    %dma_start3A_42 = arith.constant 0 : i32
    %dma_start3A_43 = arith.constant 0 : i32
    %dma_start3A_44 = tpu.memref_slice %arg4[%dma_start3A_42, %dma_start3A_43] : memref<10112x16xf32, #tpu.memory_space<hbm>> -> memref<10112x16xf32, #tpu.memory_space<hbm>>
    tpu.enqueue_indirect_dma source(%dma_start3A_44 : memref<10112x16xf32, #tpu.memory_space<hbm>>) target(%dma_start3A_38 : memref<128x16xf32, #tpu.memory_space<vmem>>) offsets(%dma_start3A_41 : memref<128xi32, #tpu.memory_space<vmem>>) semaphore(%arg11 : memref<!tpu.dma_semaphore, #tpu.memory_space<semaphore_mem>>)
    %dma_start3A_45 = arith.constant 3 : i32
    %dma_start3A_46 = arith.constant 3 : i32
    %dma_start3A_47 = arith.constant 0 : i32
    %dma_start3A_48 = arith.constant 0 : i32
    %dma_start3A_49 = tpu.memref_slice %arg9[%dma_start3A_46, %dma_start3A_47, %dma_start3A_48] : memref<8x128x16xf32, #tpu.memory_space<vmem>> -> memref<1x128x16xf32, #tpu.memory_space<vmem>>
    %dma_start3A_50 = tpu.memref_squeeze %dma_start3A_49 : memref<1x128x16xf32, #tpu.memory_space<vmem>> -> memref<128x16xf32, #tpu.memory_space<vmem>>
    %dma_start3A_51 = arith.constant 0 : i32
    %dma_start3A_52 = tpu.memref_slice %arg7[%dma_start3A_45, %dma_start3A_51] : memref<88x128xi32, #tpu.memory_space<vmem>> -> memref<1x128xi32, #tpu.memory_space<vmem>>
    %dma_start3A_53 = tpu.memref_squeeze %dma_start3A_52 : memref<1x128xi32, #tpu.memory_space<vmem>> -> memref<128xi32, #tpu.memory_space<vmem>>
    %dma_start3A_54 = arith.constant 0 : i32
    %dma_start3A_55 = arith.constant 0 : i32
    %dma_start3A_56 = tpu.memref_slice %arg4[%dma_start3A_54, %dma_start3A_55] : memref<10112x16xf32, #tpu.memory_space<hbm>> -> memref<10112x16xf32, #tpu.memory_space<hbm>>
    tpu.enqueue_indirect_dma source(%dma_start3A_56 : memref<10112x16xf32, #tpu.memory_space<hbm>>) target(%dma_start3A_50 : memref<128x16xf32, #tpu.memory_space<vmem>>) offsets(%dma_start3A_53 : memref<128xi32, #tpu.memory_space<vmem>>) semaphore(%arg11 : memref<!tpu.dma_semaphore, #tpu.memory_space<semaphore_mem>>)
    %dma_wait3A = arith.constant 0 : i32
    %dma_wait3A_57 = arith.constant 0 : i32
    %dma_wait3A_58 = arith.constant 0 : i32
    %dma_wait3A_59 = arith.constant 0 : i32
    %dma_wait3A_60 = tpu.memref_slice %arg9[%dma_wait3A_57, %dma_wait3A_58, %dma_wait3A_59] : memref<8x128x16xf32, #tpu.memory_space<vmem>> -> memref<1x128x16xf32, #tpu.memory_space<vmem>>
    %dma_wait3A_61 = tpu.memref_squeeze %dma_wait3A_60 : memref<1x128x16xf32, #tpu.memory_space<vmem>> -> memref<128x16xf32, #tpu.memory_space<vmem>>
    %dma_wait3A_62 = arith.constant 0 : i32
    %dma_wait3A_63 = tpu.memref_slice %arg7[%dma_wait3A, %dma_wait3A_62] : memref<88x128xi32, #tpu.memory_space<vmem>> -> memref<1x128xi32, #tpu.memory_space<vmem>>
    %dma_wait3A_64 = tpu.memref_squeeze %dma_wait3A_63 : memref<1x128xi32, #tpu.memory_space<vmem>> -> memref<128xi32, #tpu.memory_space<vmem>>
    %dma_wait3A_65 = arith.constant 0 : i32
    %dma_wait3A_66 = arith.constant 0 : i32
    %dma_wait3A_67 = tpu.memref_slice %arg4[%dma_wait3A_65, %dma_wait3A_66] : memref<10112x16xf32, #tpu.memory_space<hbm>> -> memref<10112x16xf32, #tpu.memory_space<hbm>>
    tpu.wait_indirect_dma semaphore(%arg11 : memref<!tpu.dma_semaphore, #tpu.memory_space<semaphore_mem>>) src(%dma_wait3A_67 : memref<10112x16xf32, #tpu.memory_space<hbm>>) dst(%dma_wait3A_61 : memref<128x16xf32, #tpu.memory_space<vmem>>)
    %dma_start3A_68 = arith.constant 0 : i32
    %dma_start3A_69 = arith.constant 0 : i32
    %dma_start3A_70 = arith.constant 0 : i32
    %dma_start3A_71 = arith.constant 0 : i32
    %dma_start3A_72 = tpu.memref_slice %arg9[%dma_start3A_68, %dma_start3A_70, %dma_start3A_71] : memref<8x128x16xf32, #tpu.memory_space<vmem>> -> memref<1x128x16xf32, #tpu.memory_space<vmem>>
    %dma_start3A_73 = tpu.memref_squeeze %dma_start3A_72 : memref<1x128x16xf32, #tpu.memory_space<vmem>> -> memref<128x16xf32, #tpu.memory_space<vmem>>
    %dma_start3A_74 = arith.constant 0 : i32
    %dma_start3A_75 = tpu.memref_slice %arg8[%dma_start3A_69, %dma_start3A_74] : memref<88x128xi32, #tpu.memory_space<vmem>> -> memref<1x128xi32, #tpu.memory_space<vmem>>
    %dma_start3A_76 = tpu.memref_squeeze %dma_start3A_75 : memref<1x128xi32, #tpu.memory_space<vmem>> -> memref<128xi32, #tpu.memory_space<vmem>>
    %dma_start3A_77 = arith.constant 0 : i32
    %dma_start3A_78 = arith.constant 0 : i32
    %dma_start3A_79 = tpu.memref_slice %arg10[%dma_start3A_77, %dma_start3A_78] : memref<10112x16xf32, #tpu.memory_space<vmem_shared>> -> memref<10112x16xf32, #tpu.memory_space<vmem_shared>>
    tpu.enqueue_indirect_dma source(%dma_start3A_73 : memref<128x16xf32, #tpu.memory_space<vmem>>) target(%dma_start3A_79 : memref<10112x16xf32, #tpu.memory_space<vmem_shared>>) offsets(%dma_start3A_76 : memref<128xi32, #tpu.memory_space<vmem>>) semaphore(%arg12 : memref<!tpu.dma_semaphore, #tpu.memory_space<semaphore_mem>>) {add = true}
    %dma_start3A_80 = arith.constant 4 : i32
    %dma_start3A_81 = arith.constant 4 : i32
    %dma_start3A_82 = arith.constant 0 : i32
    %dma_start3A_83 = arith.constant 0 : i32
    %dma_start3A_84 = tpu.memref_slice %arg9[%dma_start3A_81, %dma_start3A_82, %dma_start3A_83] : memref<8x128x16xf32, #tpu.memory_space<vmem>> -> memref<1x128x16xf32, #tpu.memory_space<vmem>>
    %dma_start3A_85 = tpu.memref_squeeze %dma_start3A_84 : memref<1x128x16xf32, #tpu.memory_space<vmem>> -> memref<128x16xf32, #tpu.memory_space<vmem>>
    %dma_start3A_86 = arith.constant 0 : i32
    %dma_start3A_87 = tpu.memref_slice %arg7[%dma_start3A_80, %dma_start3A_86] : memref<88x128xi32, #tpu.memory_space<vmem>> -> memref<1x128xi32, #tpu.memory_space<vmem>>
    %dma_start3A_88 = tpu.memref_squeeze %dma_start3A_87 : memref<1x128xi32, #tpu.memory_space<vmem>> -> memref<128xi32, #tpu.memory_space<vmem>>
    %dma_start3A_89 = arith.constant 0 : i32
    %dma_start3A_90 = arith.constant 0 : i32
    %dma_start3A_91 = tpu.memref_slice %arg4[%dma_start3A_89, %dma_start3A_90] : memref<10112x16xf32, #tpu.memory_space<hbm>> -> memref<10112x16xf32, #tpu.memory_space<hbm>>
    tpu.enqueue_indirect_dma source(%dma_start3A_91 : memref<10112x16xf32, #tpu.memory_space<hbm>>) target(%dma_start3A_85 : memref<128x16xf32, #tpu.memory_space<vmem>>) offsets(%dma_start3A_88 : memref<128xi32, #tpu.memory_space<vmem>>) semaphore(%arg11 : memref<!tpu.dma_semaphore, #tpu.memory_space<semaphore_mem>>)
    %dma_wait3A_92 = arith.constant 1 : i32
    %dma_wait3A_93 = arith.constant 1 : i32
    %dma_wait3A_94 = arith.constant 0 : i32
    %dma_wait3A_95 = arith.constant 0 : i32
    %dma_wait3A_96 = tpu.memref_slice %arg9[%dma_wait3A_93, %dma_wait3A_94, %dma_wait3A_95] : memref<8x128x16xf32, #tpu.memory_space<vmem>> -> memref<1x128x16xf32, #tpu.memory_space<vmem>>
    %dma_wait3A_97 = tpu.memref_squeeze %dma_wait3A_96 : memref<1x128x16xf32, #tpu.memory_space<vmem>> -> memref<128x16xf32, #tpu.memory_space<vmem>>
    %dma_wait3A_98 = arith.constant 0 : i32
    %dma_wait3A_99 = tpu.memref_slice %arg7[%dma_wait3A_92, %dma_wait3A_98] : memref<88x128xi32, #tpu.memory_space<vmem>> -> memref<1x128xi32, #tpu.memory_space<vmem>>
    %dma_wait3A_100 = tpu.memref_squeeze %dma_wait3A_99 : memref<1x128xi32, #tpu.memory_space<vmem>> -> memref<128xi32, #tpu.memory_space<vmem>>
    %dma_wait3A_101 = arith.constant 0 : i32
    %dma_wait3A_102 = arith.constant 0 : i32
    %dma_wait3A_103 = tpu.memref_slice %arg4[%dma_wait3A_101, %dma_wait3A_102] : memref<10112x16xf32, #tpu.memory_space<hbm>> -> memref<10112x16xf32, #tpu.memory_space<hbm>>
    tpu.wait_indirect_dma semaphore(%arg11 : memref<!tpu.dma_semaphore, #tpu.memory_space<semaphore_mem>>) src(%dma_wait3A_103 : memref<10112x16xf32, #tpu.memory_space<hbm>>) dst(%dma_wait3A_97 : memref<128x16xf32, #tpu.memory_space<vmem>>)
    %dma_start3A_104 = arith.constant 1 : i32
    %dma_start3A_105 = arith.constant 1 : i32
    %dma_start3A_106 = arith.constant 0 : i32
    %dma_start3A_107 = arith.constant 0 : i32
    %dma_start3A_108 = tpu.memref_slice %arg9[%dma_start3A_104, %dma_start3A_106, %dma_start3A_107] : memref<8x128x16xf32, #tpu.memory_space<vmem>> -> memref<1x128x16xf32, #tpu.memory_space<vmem>>
    %dma_start3A_109 = tpu.memref_squeeze %dma_start3A_108 : memref<1x128x16xf32, #tpu.memory_space<vmem>> -> memref<128x16xf32, #tpu.memory_space<vmem>>
    %dma_start3A_110 = arith.constant 0 : i32
    %dma_start3A_111 = tpu.memref_slice %arg8[%dma_start3A_105, %dma_start3A_110] : memref<88x128xi32, #tpu.memory_space<vmem>> -> memref<1x128xi32, #tpu.memory_space<vmem>>
    %dma_start3A_112 = tpu.memref_squeeze %dma_start3A_111 : memref<1x128xi32, #tpu.memory_space<vmem>> -> memref<128xi32, #tpu.memory_space<vmem>>
    %dma_start3A_113 = arith.constant 0 : i32
    %dma_start3A_114 = arith.constant 0 : i32
    %dma_start3A_115 = tpu.memref_slice %arg10[%dma_start3A_113, %dma_start3A_114] : memref<10112x16xf32, #tpu.memory_space<vmem_shared>> -> memref<10112x16xf32, #tpu.memory_space<vmem_shared>>
    tpu.enqueue_indirect_dma source(%dma_start3A_109 : memref<128x16xf32, #tpu.memory_space<vmem>>) target(%dma_start3A_115 : memref<10112x16xf32, #tpu.memory_space<vmem_shared>>) offsets(%dma_start3A_112 : memref<128xi32, #tpu.memory_space<vmem>>) semaphore(%arg12 : memref<!tpu.dma_semaphore, #tpu.memory_space<semaphore_mem>>) {add = true}
    %dma_start3A_116 = arith.constant 5 : i32
    %dma_start3A_117 = arith.constant 5 : i32
    %dma_start3A_118 = arith.constant 0 : i32
    %dma_start3A_119 = arith.constant 0 : i32
    %dma_start3A_120 = tpu.memref_slice %arg9[%dma_start3A_117, %dma_start3A_118, %dma_start3A_119] : memref<8x128x16xf32, #tpu.memory_space<vmem>> -> memref<1x128x16xf32, #tpu.memory_space<vmem>>
    %dma_start3A_121 = tpu.memref_squeeze %dma_start3A_120 : memref<1x128x16xf32, #tpu.memory_space<vmem>> -> memref<128x16xf32, #tpu.memory_space<vmem>>
    %dma_start3A_122 = arith.constant 0 : i32
    %dma_start3A_123 = tpu.memref_slice %arg7[%dma_start3A_116, %dma_start3A_122] : memref<88x128xi32, #tpu.memory_space<vmem>> -> memref<1x128xi32, #tpu.memory_space<vmem>>
    %dma_start3A_124 = tpu.memref_squeeze %dma_start3A_123 : memref<1x128xi32, #tpu.memory_space<vmem>> -> memref<128xi32, #tpu.memory_space<vmem>>
    %dma_start3A_125 = arith.constant 0 : i32
    %dma_start3A_126 = arith.constant 0 : i32
    %dma_start3A_127 = tpu.memref_slice %arg4[%dma_start3A_125, %dma_start3A_126] : memref<10112x16xf32, #tpu.memory_space<hbm>> -> memref<10112x16xf32, #tpu.memory_space<hbm>>
    tpu.enqueue_indirect_dma source(%dma_start3A_127 : memref<10112x16xf32, #tpu.memory_space<hbm>>) target(%dma_start3A_121 : memref<128x16xf32, #tpu.memory_space<vmem>>) offsets(%dma_start3A_124 : memref<128xi32, #tpu.memory_space<vmem>>) semaphore(%arg11 : memref<!tpu.dma_semaphore, #tpu.memory_space<semaphore_mem>>)
    %dma_wait3A_128 = arith.constant 2 : i32
    %dma_wait3A_129 = arith.constant 2 : i32
    %dma_wait3A_130 = arith.constant 0 : i32
    %dma_wait3A_131 = arith.constant 0 : i32
    %dma_wait3A_132 = tpu.memref_slice %arg9[%dma_wait3A_129, %dma_wait3A_130, %dma_wait3A_131] : memref<8x128x16xf32, #tpu.memory_space<vmem>> -> memref<1x128x16xf32, #tpu.memory_space<vmem>>
    %dma_wait3A_133 = tpu.memref_squeeze %dma_wait3A_132 : memref<1x128x16xf32, #tpu.memory_space<vmem>> -> memref<128x16xf32, #tpu.memory_space<vmem>>
    %dma_wait3A_134 = arith.constant 0 : i32
    %dma_wait3A_135 = tpu.memref_slice %arg7[%dma_wait3A_128, %dma_wait3A_134] : memref<88x128xi32, #tpu.memory_space<vmem>> -> memref<1x128xi32, #tpu.memory_space<vmem>>
    %dma_wait3A_136 = tpu.memref_squeeze %dma_wait3A_135 : memref<1x128xi32, #tpu.memory_space<vmem>> -> memref<128xi32, #tpu.memory_space<vmem>>
    %dma_wait3A_137 = arith.constant 0 : i32
    %dma_wait3A_138 = arith.constant 0 : i32
    %dma_wait3A_139 = tpu.memref_slice %arg4[%dma_wait3A_137, %dma_wait3A_138] : memref<10112x16xf32, #tpu.memory_space<hbm>> -> memref<10112x16xf32, #tpu.memory_space<hbm>>
    tpu.wait_indirect_dma semaphore(%arg11 : memref<!tpu.dma_semaphore, #tpu.memory_space<semaphore_mem>>) src(%dma_wait3A_139 : memref<10112x16xf32, #tpu.memory_space<hbm>>) dst(%dma_wait3A_133 : memref<128x16xf32, #tpu.memory_space<vmem>>)
    %dma_start3A_140 = arith.constant 2 : i32
    %dma_start3A_141 = arith.constant 2 : i32
    %dma_start3A_142 = arith.constant 0 : i32
    %dma_start3A_143 = arith.constant 0 : i32
    %dma_start3A_144 = tpu.memref_slice %arg9[%dma_start3A_140, %dma_start3A_142, %dma_start3A_143] : memref<8x128x16xf32, #tpu.memory_space<vmem>> -> memref<1x128x16xf32, #tpu.memory_space<vmem>>
    %dma_start3A_145 = tpu.memref_squeeze %dma_start3A_144 : memref<1x128x16xf32, #tpu.memory_space<vmem>> -> memref<128x16xf32, #tpu.memory_space<vmem>>
    %dma_start3A_146 = arith.constant 0 : i32
    %dma_start3A_147 = tpu.memref_slice %arg8[%dma_start3A_141, %dma_start3A_146] : memref<88x128xi32, #tpu.memory_space<vmem>> -> memref<1x128xi32, #tpu.memory_space<vmem>>
    %dma_start3A_148 = tpu.memref_squeeze %dma_start3A_147 : memref<1x128xi32, #tpu.memory_space<vmem>> -> memref<128xi32, #tpu.memory_space<vmem>>
    %dma_start3A_149 = arith.constant 0 : i32
    %dma_start3A_150 = arith.constant 0 : i32
    %dma_start3A_151 = tpu.memref_slice %arg10[%dma_start3A_149, %dma_start3A_150] : memref<10112x16xf32, #tpu.memory_space<vmem_shared>> -> memref<10112x16xf32, #tpu.memory_space<vmem_shared>>
    tpu.enqueue_indirect_dma source(%dma_start3A_145 : memref<128x16xf32, #tpu.memory_space<vmem>>) target(%dma_start3A_151 : memref<10112x16xf32, #tpu.memory_space<vmem_shared>>) offsets(%dma_start3A_148 : memref<128xi32, #tpu.memory_space<vmem>>) semaphore(%arg12 : memref<!tpu.dma_semaphore, #tpu.memory_space<semaphore_mem>>) {add = true}
    %dma_start3A_152 = arith.constant 6 : i32
    %dma_start3A_153 = arith.constant 6 : i32
    %dma_start3A_154 = arith.constant 0 : i32
    %dma_start3A_155 = arith.constant 0 : i32
    %dma_start3A_156 = tpu.memref_slice %arg9[%dma_start3A_153, %dma_start3A_154, %dma_start3A_155] : memref<8x128x16xf32, #tpu.memory_space<vmem>> -> memref<1x128x16xf32, #tpu.memory_space<vmem>>
    %dma_start3A_157 = tpu.memref_squeeze %dma_start3A_156 : memref<1x128x16xf32, #tpu.memory_space<vmem>> -> memref<128x16xf32, #tpu.memory_space<vmem>>
    %dma_start3A_158 = arith.constant 0 : i32
    %dma_start3A_159 = tpu.memref_slice %arg7[%dma_start3A_152, %dma_start3A_158] : memref<88x128xi32, #tpu.memory_space<vmem>> -> memref<1x128xi32, #tpu.memory_space<vmem>>
    %dma_start3A_160 = tpu.memref_squeeze %dma_start3A_159 : memref<1x128xi32, #tpu.memory_space<vmem>> -> memref<128xi32, #tpu.memory_space<vmem>>
    %dma_start3A_161 = arith.constant 0 : i32
    %dma_start3A_162 = arith.constant 0 : i32
    %dma_start3A_163 = tpu.memref_slice %arg4[%dma_start3A_161, %dma_start3A_162] : memref<10112x16xf32, #tpu.memory_space<hbm>> -> memref<10112x16xf32, #tpu.memory_space<hbm>>
    tpu.enqueue_indirect_dma source(%dma_start3A_163 : memref<10112x16xf32, #tpu.memory_space<hbm>>) target(%dma_start3A_157 : memref<128x16xf32, #tpu.memory_space<vmem>>) offsets(%dma_start3A_160 : memref<128xi32, #tpu.memory_space<vmem>>) semaphore(%arg11 : memref<!tpu.dma_semaphore, #tpu.memory_space<semaphore_mem>>)
    %dma_wait3A_164 = arith.constant 3 : i32
    %dma_wait3A_165 = arith.constant 3 : i32
    %dma_wait3A_166 = arith.constant 0 : i32
    %dma_wait3A_167 = arith.constant 0 : i32
    %dma_wait3A_168 = tpu.memref_slice %arg9[%dma_wait3A_165, %dma_wait3A_166, %dma_wait3A_167] : memref<8x128x16xf32, #tpu.memory_space<vmem>> -> memref<1x128x16xf32, #tpu.memory_space<vmem>>
    %dma_wait3A_169 = tpu.memref_squeeze %dma_wait3A_168 : memref<1x128x16xf32, #tpu.memory_space<vmem>> -> memref<128x16xf32, #tpu.memory_space<vmem>>
    %dma_wait3A_170 = arith.constant 0 : i32
    %dma_wait3A_171 = tpu.memref_slice %arg7[%dma_wait3A_164, %dma_wait3A_170] : memref<88x128xi32, #tpu.memory_space<vmem>> -> memref<1x128xi32, #tpu.memory_space<vmem>>
    %dma_wait3A_172 = tpu.memref_squeeze %dma_wait3A_171 : memref<1x128xi32, #tpu.memory_space<vmem>> -> memref<128xi32, #tpu.memory_space<vmem>>
    %dma_wait3A_173 = arith.constant 0 : i32
    %dma_wait3A_174 = arith.constant 0 : i32
    %dma_wait3A_175 = tpu.memref_slice %arg4[%dma_wait3A_173, %dma_wait3A_174] : memref<10112x16xf32, #tpu.memory_space<hbm>> -> memref<10112x16xf32, #tpu.memory_space<hbm>>
    tpu.wait_indirect_dma semaphore(%arg11 : memref<!tpu.dma_semaphore, #tpu.memory_space<semaphore_mem>>) src(%dma_wait3A_175 : memref<10112x16xf32, #tpu.memory_space<hbm>>) dst(%dma_wait3A_169 : memref<128x16xf32, #tpu.memory_space<vmem>>)
    %dma_start3A_176 = arith.constant 3 : i32
    %dma_start3A_177 = arith.constant 3 : i32
    %dma_start3A_178 = arith.constant 0 : i32
    %dma_start3A_179 = arith.constant 0 : i32
    %dma_start3A_180 = tpu.memref_slice %arg9[%dma_start3A_176, %dma_start3A_178, %dma_start3A_179] : memref<8x128x16xf32, #tpu.memory_space<vmem>> -> memref<1x128x16xf32, #tpu.memory_space<vmem>>
    %dma_start3A_181 = tpu.memref_squeeze %dma_start3A_180 : memref<1x128x16xf32, #tpu.memory_space<vmem>> -> memref<128x16xf32, #tpu.memory_space<vmem>>
    %dma_start3A_182 = arith.constant 0 : i32
    %dma_start3A_183 = tpu.memref_slice %arg8[%dma_start3A_177, %dma_start3A_182] : memref<88x128xi32, #tpu.memory_space<vmem>> -> memref<1x128xi32, #tpu.memory_space<vmem>>
    %dma_start3A_184 = tpu.memref_squeeze %dma_start3A_183 : memref<1x128xi32, #tpu.memory_space<vmem>> -> memref<128xi32, #tpu.memory_space<vmem>>
    %dma_start3A_185 = arith.constant 0 : i32
    %dma_start3A_186 = arith.constant 0 : i32
    %dma_start3A_187 = tpu.memref_slice %arg10[%dma_start3A_185, %dma_start3A_186] : memref<10112x16xf32, #tpu.memory_space<vmem_shared>> -> memref<10112x16xf32, #tpu.memory_space<vmem_shared>>
    tpu.enqueue_indirect_dma source(%dma_start3A_181 : memref<128x16xf32, #tpu.memory_space<vmem>>) target(%dma_start3A_187 : memref<10112x16xf32, #tpu.memory_space<vmem_shared>>) offsets(%dma_start3A_184 : memref<128xi32, #tpu.memory_space<vmem>>) semaphore(%arg12 : memref<!tpu.dma_semaphore, #tpu.memory_space<semaphore_mem>>) {add = true}
    %dma_start3A_188 = arith.constant 7 : i32
    %dma_start3A_189 = arith.constant 7 : i32
    %dma_start3A_190 = arith.constant 0 : i32
    %dma_start3A_191 = arith.constant 0 : i32
    %dma_start3A_192 = tpu.memref_slice %arg9[%dma_start3A_189, %dma_start3A_190, %dma_start3A_191] : memref<8x128x16xf32, #tpu.memory_space<vmem>> -> memref<1x128x16xf32, #tpu.memory_space<vmem>>
    %dma_start3A_193 = tpu.memref_squeeze %dma_start3A_192 : memref<1x128x16xf32, #tpu.memory_space<vmem>> -> memref<128x16xf32, #tpu.memory_space<vmem>>
    %dma_start3A_194 = arith.constant 0 : i32
    %dma_start3A_195 = tpu.memref_slice %arg7[%dma_start3A_188, %dma_start3A_194] : memref<88x128xi32, #tpu.memory_space<vmem>> -> memref<1x128xi32, #tpu.memory_space<vmem>>
    %dma_start3A_196 = tpu.memref_squeeze %dma_start3A_195 : memref<1x128xi32, #tpu.memory_space<vmem>> -> memref<128xi32, #tpu.memory_space<vmem>>
    %dma_start3A_197 = arith.constant 0 : i32
    %dma_start3A_198 = arith.constant 0 : i32
    %dma_start3A_199 = tpu.memref_slice %arg4[%dma_start3A_197, %dma_start3A_198] : memref<10112x16xf32, #tpu.memory_space<hbm>> -> memref<10112x16xf32, #tpu.memory_space<hbm>>
    tpu.enqueue_indirect_dma source(%dma_start3A_199 : memref<10112x16xf32, #tpu.memory_space<hbm>>) target(%dma_start3A_193 : memref<128x16xf32, #tpu.memory_space<vmem>>) offsets(%dma_start3A_196 : memref<128xi32, #tpu.memory_space<vmem>>) semaphore(%arg11 : memref<!tpu.dma_semaphore, #tpu.memory_space<semaphore_mem>>)
    %dma_wait3A_200 = arith.constant 4 : i32
    %dma_wait3A_201 = arith.constant 4 : i32
    %dma_wait3A_202 = arith.constant 0 : i32
    %dma_wait3A_203 = arith.constant 0 : i32
    %dma_wait3A_204 = tpu.memref_slice %arg9[%dma_wait3A_201, %dma_wait3A_202, %dma_wait3A_203] : memref<8x128x16xf32, #tpu.memory_space<vmem>> -> memref<1x128x16xf32, #tpu.memory_space<vmem>>
    %dma_wait3A_205 = tpu.memref_squeeze %dma_wait3A_204 : memref<1x128x16xf32, #tpu.memory_space<vmem>> -> memref<128x16xf32, #tpu.memory_space<vmem>>
    %dma_wait3A_206 = arith.constant 0 : i32
    %dma_wait3A_207 = tpu.memref_slice %arg7[%dma_wait3A_200, %dma_wait3A_206] : memref<88x128xi32, #tpu.memory_space<vmem>> -> memref<1x128xi32, #tpu.memory_space<vmem>>
    %dma_wait3A_208 = tpu.memref_squeeze %dma_wait3A_207 : memref<1x128xi32, #tpu.memory_space<vmem>> -> memref<128xi32, #tpu.memory_space<vmem>>
    %dma_wait3A_209 = arith.constant 0 : i32
    %dma_wait3A_210 = arith.constant 0 : i32
    %dma_wait3A_211 = tpu.memref_slice %arg4[%dma_wait3A_209, %dma_wait3A_210] : memref<10112x16xf32, #tpu.memory_space<hbm>> -> memref<10112x16xf32, #tpu.memory_space<hbm>>
    tpu.wait_indirect_dma semaphore(%arg11 : memref<!tpu.dma_semaphore, #tpu.memory_space<semaphore_mem>>) src(%dma_wait3A_211 : memref<10112x16xf32, #tpu.memory_space<hbm>>) dst(%dma_wait3A_205 : memref<128x16xf32, #tpu.memory_space<vmem>>)
    %dma_start3A_212 = arith.constant 4 : i32
    %dma_start3A_213 = arith.constant 4 : i32
    %dma_start3A_214 = arith.constant 0 : i32
    %dma_start3A_215 = arith.constant 0 : i32
    %dma_start3A_216 = tpu.memref_slice %arg9[%dma_start3A_212, %dma_start3A_214, %dma_start3A_215] : memref<8x128x16xf32, #tpu.memory_space<vmem>> -> memref<1x128x16xf32, #tpu.memory_space<vmem>>
    %dma_start3A_217 = tpu.memref_squeeze %dma_start3A_216 : memref<1x128x16xf32, #tpu.memory_space<vmem>> -> memref<128x16xf32, #tpu.memory_space<vmem>>
    %dma_start3A_218 = arith.constant 0 : i32
    %dma_start3A_219 = tpu.memref_slice %arg8[%dma_start3A_213, %dma_start3A_218] : memref<88x128xi32, #tpu.memory_space<vmem>> -> memref<1x128xi32, #tpu.memory_space<vmem>>
    %dma_start3A_220 = tpu.memref_squeeze %dma_start3A_219 : memref<1x128xi32, #tpu.memory_space<vmem>> -> memref<128xi32, #tpu.memory_space<vmem>>
    %dma_start3A_221 = arith.constant 0 : i32
    %dma_start3A_222 = arith.constant 0 : i32
    %dma_start3A_223 = tpu.memref_slice %arg10[%dma_start3A_221, %dma_start3A_222] : memref<10112x16xf32, #tpu.memory_space<vmem_shared>> -> memref<10112x16xf32, #tpu.memory_space<vmem_shared>>
    tpu.enqueue_indirect_dma source(%dma_start3A_217 : memref<128x16xf32, #tpu.memory_space<vmem>>) target(%dma_start3A_223 : memref<10112x16xf32, #tpu.memory_space<vmem_shared>>) offsets(%dma_start3A_220 : memref<128xi32, #tpu.memory_space<vmem>>) semaphore(%arg12 : memref<!tpu.dma_semaphore, #tpu.memory_space<semaphore_mem>>) {add = true}
    %dma_wait3A_224 = arith.constant 0 : i32
    %dma_wait3A_225 = arith.constant 0 : i32
    %dma_wait3A_226 = arith.constant 0 : i32
    %dma_wait3A_227 = arith.constant 0 : i32
    %dma_wait3A_228 = tpu.memref_slice %arg9[%dma_wait3A_224, %dma_wait3A_226, %dma_wait3A_227] : memref<8x128x16xf32, #tpu.memory_space<vmem>> -> memref<1x128x16xf32, #tpu.memory_space<vmem>>
    %dma_wait3A_229 = tpu.memref_squeeze %dma_wait3A_228 : memref<1x128x16xf32, #tpu.memory_space<vmem>> -> memref<128x16xf32, #tpu.memory_space<vmem>>
    %dma_wait3A_230 = arith.constant 0 : i32
    %dma_wait3A_231 = tpu.memref_slice %arg8[%dma_wait3A_225, %dma_wait3A_230] : memref<88x128xi32, #tpu.memory_space<vmem>> -> memref<1x128xi32, #tpu.memory_space<vmem>>
    %dma_wait3A_232 = tpu.memref_squeeze %dma_wait3A_231 : memref<1x128xi32, #tpu.memory_space<vmem>> -> memref<128xi32, #tpu.memory_space<vmem>>
    %dma_wait3A_233 = arith.constant 0 : i32
    %dma_wait3A_234 = arith.constant 0 : i32
    %dma_wait3A_235 = tpu.memref_slice %arg10[%dma_wait3A_233, %dma_wait3A_234] : memref<10112x16xf32, #tpu.memory_space<vmem_shared>> -> memref<10112x16xf32, #tpu.memory_space<vmem_shared>>
    tpu.wait_indirect_dma semaphore(%arg12 : memref<!tpu.dma_semaphore, #tpu.memory_space<semaphore_mem>>) src(%dma_wait3A_229 : memref<128x16xf32, #tpu.memory_space<vmem>>) dst(%dma_wait3A_235 : memref<10112x16xf32, #tpu.memory_space<vmem_shared>>)
    %dma_start3A_236 = arith.constant 8 : i32
    %dma_start3A_237 = arith.constant 0 : i32
    %dma_start3A_238 = arith.constant 0 : i32
    %dma_start3A_239 = arith.constant 0 : i32
    %dma_start3A_240 = tpu.memref_slice %arg9[%dma_start3A_237, %dma_start3A_238, %dma_start3A_239] : memref<8x128x16xf32, #tpu.memory_space<vmem>> -> memref<1x128x16xf32, #tpu.memory_space<vmem>>
    %dma_start3A_241 = tpu.memref_squeeze %dma_start3A_240 : memref<1x128x16xf32, #tpu.memory_space<vmem>> -> memref<128x16xf32, #tpu.memory_space<vmem>>
    %dma_start3A_242 = arith.constant 0 : i32
    %dma_start3A_243 = tpu.memref_slice %arg7[%dma_start3A_236, %dma_start3A_242] : memref<88x128xi32, #tpu.memory_space<vmem>> -> memref<1x128xi32, #tpu.memory_space<vmem>>
    %dma_start3A_244 = tpu.memref_squeeze %dma_start3A_243 : memref<1x128xi32, #tpu.memory_space<vmem>> -> memref<128xi32, #tpu.memory_space<vmem>>
    %dma_start3A_245 = arith.constant 0 : i32
    %dma_start3A_246 = arith.constant 0 : i32
    %dma_start3A_247 = tpu.memref_slice %arg4[%dma_start3A_245, %dma_start3A_246] : memref<10112x16xf32, #tpu.memory_space<hbm>> -> memref<10112x16xf32, #tpu.memory_space<hbm>>
    tpu.enqueue_indirect_dma source(%dma_start3A_247 : memref<10112x16xf32, #tpu.memory_space<hbm>>) target(%dma_start3A_241 : memref<128x16xf32, #tpu.memory_space<vmem>>) offsets(%dma_start3A_244 : memref<128xi32, #tpu.memory_space<vmem>>) semaphore(%arg11 : memref<!tpu.dma_semaphore, #tpu.memory_space<semaphore_mem>>)
    %dma_wait3A_248 = arith.constant 5 : i32
    %dma_wait3A_249 = arith.constant 5 : i32
    %dma_wait3A_250 = arith.constant 0 : i32
    %dma_wait3A_251 = arith.constant 0 : i32
    %dma_wait3A_252 = tpu.memref_slice %arg9[%dma_wait3A_249, %dma_wait3A_250, %dma_wait3A_251] : memref<8x128x16xf32, #tpu.memory_space<vmem>> -> memref<1x128x16xf32, #tpu.memory_space<vmem>>
    %dma_wait3A_253 = tpu.memref_squeeze %dma_wait3A_252 : memref<1x128x16xf32, #tpu.memory_space<vmem>> -> memref<128x16xf32, #tpu.memory_space<vmem>>
    %dma_wait3A_254 = arith.constant 0 : i32
    %dma_wait3A_255 = tpu.memref_slice %arg7[%dma_wait3A_248, %dma_wait3A_254] : memref<88x128xi32, #tpu.memory_space<vmem>> -> memref<1x128xi32, #tpu.memory_space<vmem>>
    %dma_wait3A_256 = tpu.memref_squeeze %dma_wait3A_255 : memref<1x128xi32, #tpu.memory_space<vmem>> -> memref<128xi32, #tpu.memory_space<vmem>>
    %dma_wait3A_257 = arith.constant 0 : i32
    %dma_wait3A_258 = arith.constant 0 : i32
    %dma_wait3A_259 = tpu.memref_slice %arg4[%dma_wait3A_257, %dma_wait3A_258] : memref<10112x16xf32, #tpu.memory_space<hbm>> -> memref<10112x16xf32, #tpu.memory_space<hbm>>
    tpu.wait_indirect_dma semaphore(%arg11 : memref<!tpu.dma_semaphore, #tpu.memory_space<semaphore_mem>>) src(%dma_wait3A_259 : memref<10112x16xf32, #tpu.memory_space<hbm>>) dst(%dma_wait3A_253 : memref<128x16xf32, #tpu.memory_space<vmem>>)
    %dma_start3A_260 = arith.constant 5 : i32
    %dma_start3A_261 = arith.constant 5 : i32
    %dma_start3A_262 = arith.constant 0 : i32
    %dma_start3A_263 = arith.constant 0 : i32
    %dma_start3A_264 = tpu.memref_slice %arg9[%dma_start3A_260, %dma_start3A_262, %dma_start3A_263] : memref<8x128x16xf32, #tpu.memory_space<vmem>> -> memref<1x128x16xf32, #tpu.memory_space<vmem>>
    %dma_start3A_265 = tpu.memref_squeeze %dma_start3A_264 : memref<1x128x16xf32, #tpu.memory_space<vmem>> -> memref<128x16xf32, #tpu.memory_space<vmem>>
    %dma_start3A_266 = arith.constant 0 : i32
    %dma_start3A_267 = tpu.memref_slice %arg8[%dma_start3A_261, %dma_start3A_266] : memref<88x128xi32, #tpu.memory_space<vmem>> -> memref<1x128xi32, #tpu.memory_space<vmem>>
    %dma_start3A_268 = tpu.memref_squeeze %dma_start3A_267 : memref<1x128xi32, #tpu.memory_space<vmem>> -> memref<128xi32, #tpu.memory_space<vmem>>
    %dma_start3A_269 = arith.constant 0 : i32
    %dma_start3A_270 = arith.constant 0 : i32
    %dma_start3A_271 = tpu.memref_slice %arg10[%dma_start3A_269, %dma_start3A_270] : memref<10112x16xf32, #tpu.memory_space<vmem_shared>> -> memref<10112x16xf32, #tpu.memory_space<vmem_shared>>
    tpu.enqueue_indirect_dma source(%dma_start3A_265 : memref<128x16xf32, #tpu.memory_space<vmem>>) target(%dma_start3A_271 : memref<10112x16xf32, #tpu.memory_space<vmem_shared>>) offsets(%dma_start3A_268 : memref<128xi32, #tpu.memory_space<vmem>>) semaphore(%arg12 : memref<!tpu.dma_semaphore, #tpu.memory_space<semaphore_mem>>) {add = true}
    %dma_wait3A_272 = arith.constant 1 : i32
    %dma_wait3A_273 = arith.constant 0 : i32
    %dma_wait3A_274 = arith.constant 0 : i32
    %dma_wait3A_275 = arith.constant 0 : i32
    %dma_wait3A_276 = tpu.memref_slice %arg9[%dma_wait3A_272, %dma_wait3A_274, %dma_wait3A_275] : memref<8x128x16xf32, #tpu.memory_space<vmem>> -> memref<1x128x16xf32, #tpu.memory_space<vmem>>
    %dma_wait3A_277 = tpu.memref_squeeze %dma_wait3A_276 : memref<1x128x16xf32, #tpu.memory_space<vmem>> -> memref<128x16xf32, #tpu.memory_space<vmem>>
    %dma_wait3A_278 = arith.constant 0 : i32
    %dma_wait3A_279 = tpu.memref_slice %arg8[%dma_wait3A_273, %dma_wait3A_278] : memref<88x128xi32, #tpu.memory_space<vmem>> -> memref<1x128xi32, #tpu.memory_space<vmem>>
    %dma_wait3A_280 = tpu.memref_squeeze %dma_wait3A_279 : memref<1x128xi32, #tpu.memory_space<vmem>> -> memref<128xi32, #tpu.memory_space<vmem>>
    %dma_wait3A_281 = arith.constant 0 : i32
    %dma_wait3A_282 = arith.constant 0 : i32
    %dma_wait3A_283 = tpu.memref_slice %arg10[%dma_wait3A_281, %dma_wait3A_282] : memref<10112x16xf32, #tpu.memory_space<vmem_shared>> -> memref<10112x16xf32, #tpu.memory_space<vmem_shared>>
    tpu.wait_indirect_dma semaphore(%arg12 : memref<!tpu.dma_semaphore, #tpu.memory_space<semaphore_mem>>) src(%dma_wait3A_277 : memref<128x16xf32, #tpu.memory_space<vmem>>) dst(%dma_wait3A_283 : memref<10112x16xf32, #tpu.memory_space<vmem_shared>>)
    %dma_start3A_284 = arith.constant 9 : i32
    %dma_start3A_285 = arith.constant 1 : i32
    %dma_start3A_286 = arith.constant 0 : i32
    %dma_start3A_287 = arith.constant 0 : i32
    %dma_start3A_288 = tpu.memref_slice %arg9[%dma_start3A_285, %dma_start3A_286, %dma_start3A_287] : memref<8x128x16xf32, #tpu.memory_space<vmem>> -> memref<1x128x16xf32, #tpu.memory_space<vmem>>
    %dma_start3A_289 = tpu.memref_squeeze %dma_start3A_288 : memref<1x128x16xf32, #tpu.memory_space<vmem>> -> memref<128x16xf32, #tpu.memory_space<vmem>>
    %dma_start3A_290 = arith.constant 0 : i32
    %dma_start3A_291 = tpu.memref_slice %arg7[%dma_start3A_284, %dma_start3A_290] : memref<88x128xi32, #tpu.memory_space<vmem>> -> memref<1x128xi32, #tpu.memory_space<vmem>>
    %dma_start3A_292 = tpu.memref_squeeze %dma_start3A_291 : memref<1x128xi32, #tpu.memory_space<vmem>> -> memref<128xi32, #tpu.memory_space<vmem>>
    %dma_start3A_293 = arith.constant 0 : i32
    %dma_start3A_294 = arith.constant 0 : i32
    %dma_start3A_295 = tpu.memref_slice %arg4[%dma_start3A_293, %dma_start3A_294] : memref<10112x16xf32, #tpu.memory_space<hbm>> -> memref<10112x16xf32, #tpu.memory_space<hbm>>
    tpu.enqueue_indirect_dma source(%dma_start3A_295 : memref<10112x16xf32, #tpu.memory_space<hbm>>) target(%dma_start3A_289 : memref<128x16xf32, #tpu.memory_space<vmem>>) offsets(%dma_start3A_292 : memref<128xi32, #tpu.memory_space<vmem>>) semaphore(%arg11 : memref<!tpu.dma_semaphore, #tpu.memory_space<semaphore_mem>>)
    %dma_wait3A_296 = arith.constant 6 : i32
    %dma_wait3A_297 = arith.constant 6 : i32
    %dma_wait3A_298 = arith.constant 0 : i32
    %dma_wait3A_299 = arith.constant 0 : i32
    %dma_wait3A_300 = tpu.memref_slice %arg9[%dma_wait3A_297, %dma_wait3A_298, %dma_wait3A_299] : memref<8x128x16xf32, #tpu.memory_space<vmem>> -> memref<1x128x16xf32, #tpu.memory_space<vmem>>
    %dma_wait3A_301 = tpu.memref_squeeze %dma_wait3A_300 : memref<1x128x16xf32, #tpu.memory_space<vmem>> -> memref<128x16xf32, #tpu.memory_space<vmem>>
    %dma_wait3A_302 = arith.constant 0 : i32
    %dma_wait3A_303 = tpu.memref_slice %arg7[%dma_wait3A_296, %dma_wait3A_302] : memref<88x128xi32, #tpu.memory_space<vmem>> -> memref<1x128xi32, #tpu.memory_space<vmem>>
    %dma_wait3A_304 = tpu.memref_squeeze %dma_wait3A_303 : memref<1x128xi32, #tpu.memory_space<vmem>> -> memref<128xi32, #tpu.memory_space<vmem>>
    %dma_wait3A_305 = arith.constant 0 : i32
    %dma_wait3A_306 = arith.constant 0 : i32
    %dma_wait3A_307 = tpu.memref_slice %arg4[%dma_wait3A_305, %dma_wait3A_306] : memref<10112x16xf32, #tpu.memory_space<hbm>> -> memref<10112x16xf32, #tpu.memory_space<hbm>>
    tpu.wait_indirect_dma semaphore(%arg11 : memref<!tpu.dma_semaphore, #tpu.memory_space<semaphore_mem>>) src(%dma_wait3A_307 : memref<10112x16xf32, #tpu.memory_space<hbm>>) dst(%dma_wait3A_301 : memref<128x16xf32, #tpu.memory_space<vmem>>)
    %dma_start3A_308 = arith.constant 6 : i32
    %dma_start3A_309 = arith.constant 6 : i32
    %dma_start3A_310 = arith.constant 0 : i32
    %dma_start3A_311 = arith.constant 0 : i32
    %dma_start3A_312 = tpu.memref_slice %arg9[%dma_start3A_308, %dma_start3A_310, %dma_start3A_311] : memref<8x128x16xf32, #tpu.memory_space<vmem>> -> memref<1x128x16xf32, #tpu.memory_space<vmem>>
    %dma_start3A_313 = tpu.memref_squeeze %dma_start3A_312 : memref<1x128x16xf32, #tpu.memory_space<vmem>> -> memref<128x16xf32, #tpu.memory_space<vmem>>
    %dma_start3A_314 = arith.constant 0 : i32
    %dma_start3A_315 = tpu.memref_slice %arg8[%dma_start3A_309, %dma_start3A_314] : memref<88x128xi32, #tpu.memory_space<vmem>> -> memref<1x128xi32, #tpu.memory_space<vmem>>
    %dma_start3A_316 = tpu.memref_squeeze %dma_start3A_315 : memref<1x128xi32, #tpu.memory_space<vmem>> -> memref<128xi32, #tpu.memory_space<vmem>>
    %dma_start3A_317 = arith.constant 0 : i32
    %dma_start3A_318 = arith.constant 0 : i32
    %dma_start3A_319 = tpu.memref_slice %arg10[%dma_start3A_317, %dma_start3A_318] : memref<10112x16xf32, #tpu.memory_space<vmem_shared>> -> memref<10112x16xf32, #tpu.memory_space<vmem_shared>>
    tpu.enqueue_indirect_dma source(%dma_start3A_313 : memref<128x16xf32, #tpu.memory_space<vmem>>) target(%dma_start3A_319 : memref<10112x16xf32, #tpu.memory_space<vmem_shared>>) offsets(%dma_start3A_316 : memref<128xi32, #tpu.memory_space<vmem>>) semaphore(%arg12 : memref<!tpu.dma_semaphore, #tpu.memory_space<semaphore_mem>>) {add = true}
    %dma_wait3A_320 = arith.constant 2 : i32
    %dma_wait3A_321 = arith.constant 0 : i32
    %dma_wait3A_322 = arith.constant 0 : i32
    %dma_wait3A_323 = arith.constant 0 : i32
    %dma_wait3A_324 = tpu.memref_slice %arg9[%dma_wait3A_320, %dma_wait3A_322, %dma_wait3A_323] : memref<8x128x16xf32, #tpu.memory_space<vmem>> -> memref<1x128x16xf32, #tpu.memory_space<vmem>>
    %dma_wait3A_325 = tpu.memref_squeeze %dma_wait3A_324 : memref<1x128x16xf32, #tpu.memory_space<vmem>> -> memref<128x16xf32, #tpu.memory_space<vmem>>
    %dma_wait3A_326 = arith.constant 0 : i32
    %dma_wait3A_327 = tpu.memref_slice %arg8[%dma_wait3A_321, %dma_wait3A_326] : memref<88x128xi32, #tpu.memory_space<vmem>> -> memref<1x128xi32, #tpu.memory_space<vmem>>
    %dma_wait3A_328 = tpu.memref_squeeze %dma_wait3A_327 : memref<1x128xi32, #tpu.memory_space<vmem>> -> memref<128xi32, #tpu.memory_space<vmem>>
    %dma_wait3A_329 = arith.constant 0 : i32
    %dma_wait3A_330 = arith.constant 0 : i32
    %dma_wait3A_331 = tpu.memref_slice %arg10[%dma_wait3A_329, %dma_wait3A_330] : memref<10112x16xf32, #tpu.memory_space<vmem_shared>> -> memref<10112x16xf32, #tpu.memory_space<vmem_shared>>
    tpu.wait_indirect_dma semaphore(%arg12 : memref<!tpu.dma_semaphore, #tpu.memory_space<semaphore_mem>>) src(%dma_wait3A_325 : memref<128x16xf32, #tpu.memory_space<vmem>>) dst(%dma_wait3A_331 : memref<10112x16xf32, #tpu.memory_space<vmem_shared>>)
    %dma_start3A_332 = arith.constant 10 : i32
    %dma_start3A_333 = arith.constant 2 : i32
    %dma_start3A_334 = arith.constant 0 : i32
    %dma_start3A_335 = arith.constant 0 : i32
    %dma_start3A_336 = tpu.memref_slice %arg9[%dma_start3A_333, %dma_start3A_334, %dma_start3A_335] : memref<8x128x16xf32, #tpu.memory_space<vmem>> -> memref<1x128x16xf32, #tpu.memory_space<vmem>>
    %dma_start3A_337 = tpu.memref_squeeze %dma_start3A_336 : memref<1x128x16xf32, #tpu.memory_space<vmem>> -> memref<128x16xf32, #tpu.memory_space<vmem>>
    %dma_start3A_338 = arith.constant 0 : i32
    %dma_start3A_339 = tpu.memref_slice %arg7[%dma_start3A_332, %dma_start3A_338] : memref<88x128xi32, #tpu.memory_space<vmem>> -> memref<1x128xi32, #tpu.memory_space<vmem>>
    %dma_start3A_340 = tpu.memref_squeeze %dma_start3A_339 : memref<1x128xi32, #tpu.memory_space<vmem>> -> memref<128xi32, #tpu.memory_space<vmem>>
    %dma_start3A_341 = arith.constant 0 : i32
    %dma_start3A_342 = arith.constant 0 : i32
    %dma_start3A_343 = tpu.memref_slice %arg4[%dma_start3A_341, %dma_start3A_342] : memref<10112x16xf32, #tpu.memory_space<hbm>> -> memref<10112x16xf32, #tpu.memory_space<hbm>>
    tpu.enqueue_indirect_dma source(%dma_start3A_343 : memref<10112x16xf32, #tpu.memory_space<hbm>>) target(%dma_start3A_337 : memref<128x16xf32, #tpu.memory_space<vmem>>) offsets(%dma_start3A_340 : memref<128xi32, #tpu.memory_space<vmem>>) semaphore(%arg11 : memref<!tpu.dma_semaphore, #tpu.memory_space<semaphore_mem>>)
    %dma_wait3A_344 = arith.constant 7 : i32
    %dma_wait3A_345 = arith.constant 7 : i32
    %dma_wait3A_346 = arith.constant 0 : i32
    %dma_wait3A_347 = arith.constant 0 : i32
    %dma_wait3A_348 = tpu.memref_slice %arg9[%dma_wait3A_345, %dma_wait3A_346, %dma_wait3A_347] : memref<8x128x16xf32, #tpu.memory_space<vmem>> -> memref<1x128x16xf32, #tpu.memory_space<vmem>>
    %dma_wait3A_349 = tpu.memref_squeeze %dma_wait3A_348 : memref<1x128x16xf32, #tpu.memory_space<vmem>> -> memref<128x16xf32, #tpu.memory_space<vmem>>
    %dma_wait3A_350 = arith.constant 0 : i32
    %dma_wait3A_351 = tpu.memref_slice %arg7[%dma_wait3A_344, %dma_wait3A_350] : memref<88x128xi32, #tpu.memory_space<vmem>> -> memref<1x128xi32, #tpu.memory_space<vmem>>
    %dma_wait3A_352 = tpu.memref_squeeze %dma_wait3A_351 : memref<1x128xi32, #tpu.memory_space<vmem>> -> memref<128xi32, #tpu.memory_space<vmem>>
    %dma_wait3A_353 = arith.constant 0 : i32
    %dma_wait3A_354 = arith.constant 0 : i32
    %dma_wait3A_355 = tpu.memref_slice %arg4[%dma_wait3A_353, %dma_wait3A_354] : memref<10112x16xf32, #tpu.memory_space<hbm>> -> memref<10112x16xf32, #tpu.memory_space<hbm>>
    tpu.wait_indirect_dma semaphore(%arg11 : memref<!tpu.dma_semaphore, #tpu.memory_space<semaphore_mem>>) src(%dma_wait3A_355 : memref<10112x16xf32, #tpu.memory_space<hbm>>) dst(%dma_wait3A_349 : memref<128x16xf32, #tpu.memory_space<vmem>>)
    %dma_start3A_356 = arith.constant 7 : i32
    %dma_start3A_357 = arith.constant 7 : i32
    %dma_start3A_358 = arith.constant 0 : i32
    %dma_start3A_359 = arith.constant 0 : i32
    %dma_start3A_360 = tpu.memref_slice %arg9[%dma_start3A_356, %dma_start3A_358, %dma_start3A_359] : memref<8x128x16xf32, #tpu.memory_space<vmem>> -> memref<1x128x16xf32, #tpu.memory_space<vmem>>
    %dma_start3A_361 = tpu.memref_squeeze %dma_start3A_360 : memref<1x128x16xf32, #tpu.memory_space<vmem>> -> memref<128x16xf32, #tpu.memory_space<vmem>>
    %dma_start3A_362 = arith.constant 0 : i32
    %dma_start3A_363 = tpu.memref_slice %arg8[%dma_start3A_357, %dma_start3A_362] : memref<88x128xi32, #tpu.memory_space<vmem>> -> memref<1x128xi32, #tpu.memory_space<vmem>>
    %dma_start3A_364 = tpu.memref_squeeze %dma_start3A_363 : memref<1x128xi32, #tpu.memory_space<vmem>> -> memref<128xi32, #tpu.memory_space<vmem>>
    %dma_start3A_365 = arith.constant 0 : i32
    %dma_start3A_366 = arith.constant 0 : i32
    %dma_start3A_367 = tpu.memref_slice %arg10[%dma_start3A_365, %dma_start3A_366] : memref<10112x16xf32, #tpu.memory_space<vmem_shared>> -> memref<10112x16xf32, #tpu.memory_space<vmem_shared>>
    tpu.enqueue_indirect_dma source(%dma_start3A_361 : memref<128x16xf32, #tpu.memory_space<vmem>>) target(%dma_start3A_367 : memref<10112x16xf32, #tpu.memory_space<vmem_shared>>) offsets(%dma_start3A_364 : memref<128xi32, #tpu.memory_space<vmem>>) semaphore(%arg12 : memref<!tpu.dma_semaphore, #tpu.memory_space<semaphore_mem>>) {add = true}
    %dma_wait3A_368 = arith.constant 3 : i32
    %dma_wait3A_369 = arith.constant 0 : i32
    %dma_wait3A_370 = arith.constant 0 : i32
    %dma_wait3A_371 = arith.constant 0 : i32
    %dma_wait3A_372 = tpu.memref_slice %arg9[%dma_wait3A_368, %dma_wait3A_370, %dma_wait3A_371] : memref<8x128x16xf32, #tpu.memory_space<vmem>> -> memref<1x128x16xf32, #tpu.memory_space<vmem>>
    %dma_wait3A_373 = tpu.memref_squeeze %dma_wait3A_372 : memref<1x128x16xf32, #tpu.memory_space<vmem>> -> memref<128x16xf32, #tpu.memory_space<vmem>>
    %dma_wait3A_374 = arith.constant 0 : i32
    %dma_wait3A_375 = tpu.memref_slice %arg8[%dma_wait3A_369, %dma_wait3A_374] : memref<88x128xi32, #tpu.memory_space<vmem>> -> memref<1x128xi32, #tpu.memory_space<vmem>>
    %dma_wait3A_376 = tpu.memref_squeeze %dma_wait3A_375 : memref<1x128xi32, #tpu.memory_space<vmem>> -> memref<128xi32, #tpu.memory_space<vmem>>
    %dma_wait3A_377 = arith.constant 0 : i32
    %dma_wait3A_378 = arith.constant 0 : i32
    %dma_wait3A_379 = tpu.memref_slice %arg10[%dma_wait3A_377, %dma_wait3A_378] : memref<10112x16xf32, #tpu.memory_space<vmem_shared>> -> memref<10112x16xf32, #tpu.memory_space<vmem_shared>>
    tpu.wait_indirect_dma semaphore(%arg12 : memref<!tpu.dma_semaphore, #tpu.memory_space<semaphore_mem>>) src(%dma_wait3A_373 : memref<128x16xf32, #tpu.memory_space<vmem>>) dst(%dma_wait3A_379 : memref<10112x16xf32, #tpu.memory_space<vmem_shared>>)
    %dma_start3A_380 = arith.constant 11 : i32
    %dma_start3A_381 = arith.constant 3 : i32
    %dma_start3A_382 = arith.constant 0 : i32
    %dma_start3A_383 = arith.constant 0 : i32
    %dma_start3A_384 = tpu.memref_slice %arg9[%dma_start3A_381, %dma_start3A_382, %dma_start3A_383] : memref<8x128x16xf32, #tpu.memory_space<vmem>> -> memref<1x128x16xf32, #tpu.memory_space<vmem>>
    %dma_start3A_385 = tpu.memref_squeeze %dma_start3A_384 : memref<1x128x16xf32, #tpu.memory_space<vmem>> -> memref<128x16xf32, #tpu.memory_space<vmem>>
    %dma_start3A_386 = arith.constant 0 : i32
    %dma_start3A_387 = tpu.memref_slice %arg7[%dma_start3A_380, %dma_start3A_386] : memref<88x128xi32, #tpu.memory_space<vmem>> -> memref<1x128xi32, #tpu.memory_space<vmem>>
    %dma_start3A_388 = tpu.memref_squeeze %dma_start3A_387 : memref<1x128xi32, #tpu.memory_space<vmem>> -> memref<128xi32, #tpu.memory_space<vmem>>
    %dma_start3A_389 = arith.constant 0 : i32
    %dma_start3A_390 = arith.constant 0 : i32
    %dma_start3A_391 = tpu.memref_slice %arg4[%dma_start3A_389, %dma_start3A_390] : memref<10112x16xf32, #tpu.memory_space<hbm>> -> memref<10112x16xf32, #tpu.memory_space<hbm>>
    tpu.enqueue_indirect_dma source(%dma_start3A_391 : memref<10112x16xf32, #tpu.memory_space<hbm>>) target(%dma_start3A_385 : memref<128x16xf32, #tpu.memory_space<vmem>>) offsets(%dma_start3A_388 : memref<128xi32, #tpu.memory_space<vmem>>) semaphore(%arg11 : memref<!tpu.dma_semaphore, #tpu.memory_space<semaphore_mem>>)
    %jit3A_392 = arith.constant 8 : i32
    %div3A = arith.divsi %select_n3A, %jit3A_392 : i32
    %sign3A = arith.constant 0 : i32
    %sign3A_393 = arith.cmpi sgt, %select_n3A, %sign3A : i32
    %sign3A_394 = arith.extui %sign3A_393 : i1 to i32
    %sign3A_395 = arith.constant 0 : i32
    %sign3A_396 = arith.cmpi slt, %select_n3A, %sign3A_395 : i32
    %sign3A_397 = arith.extui %sign3A_396 : i1 to i32
    %sign3A_398 = arith.subi %sign3A_394, %sign3A_397 : i32
    %sign3A_399 = arith.constant 0 : i32
    %sign3A_400 = arith.cmpi sgt, %jit3A_392, %sign3A_399 : i32
    %sign3A_401 = arith.extui %sign3A_400 : i1 to i32
    %sign3A_402 = arith.constant 0 : i32
    %sign3A_403 = arith.cmpi slt, %jit3A_392, %sign3A_402 : i32
    %sign3A_404 = arith.extui %sign3A_403 : i1 to i32
    %sign3A_405 = arith.subi %sign3A_401, %sign3A_404 : i32
    %ne3A = arith.cmpi ne, %sign3A_398, %sign3A_405 : i32
    %rem3A = arith.remsi %select_n3A, %jit3A_392 : i32
    %ne3A_406 = arith.constant 0 : i32
    %ne3A_407 = arith.cmpi ne, %rem3A, %ne3A_406 : i32
    %and3A = arith.andi %ne3A, %ne3A_407 : i1
    %sub3A = arith.constant 1 : i32
    %sub3A_408 = arith.subi %div3A, %sub3A : i32
    %select_n3A_409 = arith.select %and3A, %sub3A_408, %div3A : i32
    %while3A = arith.constant 0 : i32
    %while3A_410 = arith.constant 1 : i32
    %while3A_411 = arith.subi %select_n3A_409, %while3A_410 : i32
    %while3A_412 = arith.addi %while3A_410, %while3A_411 : i32
    %while3A_413 = arith.constant 1 : i32
    %while3A_414 = arith.divsi %while3A_411, %while3A_413 : i32
    %while3A_415 = arith.muli %while3A_414, %while3A_413 : i32
    %while3A_416 = arith.addi %while3A_410, %while3A_415 : i32
    %while3A_417 = arith.constant 1 : i32
    scf.for %while3A_520 = %while3A_410 to %while3A_416 step %while3A_417  : i32 {
      %mul3A_521 = arith.constant 8 : i32
      %mul3A_522 = arith.muli %while3A_520, %mul3A_521 : i32
      %add3A_523 = arith.constant 0 : i32
      %add3A_524 = arith.addi %mul3A_522, %add3A_523 : i32
      %dma_wait3A_525 = arith.constant 0 : i32
      %dma_wait3A_526 = arith.constant 0 : i32
      %dma_wait3A_527 = arith.constant 0 : i32
      %dma_wait3A_528 = tpu.memref_slice %arg9[%dma_wait3A_525, %dma_wait3A_526, %dma_wait3A_527] : memref<8x128x16xf32, #tpu.memory_space<vmem>> -> memref<1x128x16xf32, #tpu.memory_space<vmem>>
      %dma_wait3A_529 = tpu.memref_squeeze %dma_wait3A_528 : memref<1x128x16xf32, #tpu.memory_space<vmem>> -> memref<128x16xf32, #tpu.memory_space<vmem>>
      %dma_wait3A_530 = arith.constant 0 : i32
      %dma_wait3A_531 = tpu.memref_slice %arg7[%add3A_524, %dma_wait3A_530] : memref<88x128xi32, #tpu.memory_space<vmem>> -> memref<1x128xi32, #tpu.memory_space<vmem>>
      %dma_wait3A_532 = tpu.memref_squeeze %dma_wait3A_531 : memref<1x128xi32, #tpu.memory_space<vmem>> -> memref<128xi32, #tpu.memory_space<vmem>>
      %dma_wait3A_533 = arith.constant 0 : i32
      %dma_wait3A_534 = arith.constant 0 : i32
      %dma_wait3A_535 = tpu.memref_slice %arg4[%dma_wait3A_533, %dma_wait3A_534] : memref<10112x16xf32, #tpu.memory_space<hbm>> -> memref<10112x16xf32, #tpu.memory_space<hbm>>
      tpu.wait_indirect_dma semaphore(%arg11 : memref<!tpu.dma_semaphore, #tpu.memory_space<semaphore_mem>>) src(%dma_wait3A_535 : memref<10112x16xf32, #tpu.memory_space<hbm>>) dst(%dma_wait3A_529 : memref<128x16xf32, #tpu.memory_space<vmem>>)
      %dma_start3A_536 = arith.constant 0 : i32
      %dma_start3A_537 = arith.constant 0 : i32
      %dma_start3A_538 = arith.constant 0 : i32
      %dma_start3A_539 = tpu.memref_slice %arg9[%dma_start3A_536, %dma_start3A_537, %dma_start3A_538] : memref<8x128x16xf32, #tpu.memory_space<vmem>> -> memref<1x128x16xf32, #tpu.memory_space<vmem>>
      %dma_start3A_540 = tpu.memref_squeeze %dma_start3A_539 : memref<1x128x16xf32, #tpu.memory_space<vmem>> -> memref<128x16xf32, #tpu.memory_space<vmem>>
      %dma_start3A_541 = arith.constant 0 : i32
      %dma_start3A_542 = tpu.memref_slice %arg8[%add3A_524, %dma_start3A_541] : memref<88x128xi32, #tpu.memory_space<vmem>> -> memref<1x128xi32, #tpu.memory_space<vmem>>
      %dma_start3A_543 = tpu.memref_squeeze %dma_start3A_542 : memref<1x128xi32, #tpu.memory_space<vmem>> -> memref<128xi32, #tpu.memory_space<vmem>>
      %dma_start3A_544 = arith.constant 0 : i32
      %dma_start3A_545 = arith.constant 0 : i32
      %dma_start3A_546 = tpu.memref_slice %arg10[%dma_start3A_544, %dma_start3A_545] : memref<10112x16xf32, #tpu.memory_space<vmem_shared>> -> memref<10112x16xf32, #tpu.memory_space<vmem_shared>>
      tpu.enqueue_indirect_dma source(%dma_start3A_540 : memref<128x16xf32, #tpu.memory_space<vmem>>) target(%dma_start3A_546 : memref<10112x16xf32, #tpu.memory_space<vmem_shared>>) offsets(%dma_start3A_543 : memref<128xi32, #tpu.memory_space<vmem>>) semaphore(%arg12 : memref<!tpu.dma_semaphore, #tpu.memory_space<semaphore_mem>>) {add = true}
      %dma_wait3A_547 = arith.constant 4 : i32
      %dma_wait3A_548 = arith.constant 0 : i32
      %dma_wait3A_549 = arith.constant 0 : i32
      %dma_wait3A_550 = arith.constant 0 : i32
      %dma_wait3A_551 = tpu.memref_slice %arg9[%dma_wait3A_547, %dma_wait3A_549, %dma_wait3A_550] : memref<8x128x16xf32, #tpu.memory_space<vmem>> -> memref<1x128x16xf32, #tpu.memory_space<vmem>>
      %dma_wait3A_552 = tpu.memref_squeeze %dma_wait3A_551 : memref<1x128x16xf32, #tpu.memory_space<vmem>> -> memref<128x16xf32, #tpu.memory_space<vmem>>
      %dma_wait3A_553 = arith.constant 0 : i32
      %dma_wait3A_554 = tpu.memref_slice %arg8[%dma_wait3A_548, %dma_wait3A_553] : memref<88x128xi32, #tpu.memory_space<vmem>> -> memref<1x128xi32, #tpu.memory_space<vmem>>
      %dma_wait3A_555 = tpu.memref_squeeze %dma_wait3A_554 : memref<1x128xi32, #tpu.memory_space<vmem>> -> memref<128xi32, #tpu.memory_space<vmem>>
      %dma_wait3A_556 = arith.constant 0 : i32
      %dma_wait3A_557 = arith.constant 0 : i32
      %dma_wait3A_558 = tpu.memref_slice %arg10[%dma_wait3A_556, %dma_wait3A_557] : memref<10112x16xf32, #tpu.memory_space<vmem_shared>> -> memref<10112x16xf32, #tpu.memory_space<vmem_shared>>
      tpu.wait_indirect_dma semaphore(%arg12 : memref<!tpu.dma_semaphore, #tpu.memory_space<semaphore_mem>>) src(%dma_wait3A_552 : memref<128x16xf32, #tpu.memory_space<vmem>>) dst(%dma_wait3A_558 : memref<10112x16xf32, #tpu.memory_space<vmem_shared>>)
      %add3A_559 = arith.constant 4 : i32
      %add3A_560 = arith.addi %add3A_524, %add3A_559 : i32
      %sub3A_561 = arith.constant 1 : i32
      %sub3A_562 = arith.subi %select_n3A, %sub3A_561 : i32
      %min3A = arith.minsi %add3A_560, %sub3A_562 : i32
      %dma_start3A_563 = arith.constant 4 : i32
      %dma_start3A_564 = arith.constant 0 : i32
      %dma_start3A_565 = arith.constant 0 : i32
      %dma_start3A_566 = tpu.memref_slice %arg9[%dma_start3A_563, %dma_start3A_564, %dma_start3A_565] : memref<8x128x16xf32, #tpu.memory_space<vmem>> -> memref<1x128x16xf32, #tpu.memory_space<vmem>>
      %dma_start3A_567 = tpu.memref_squeeze %dma_start3A_566 : memref<1x128x16xf32, #tpu.memory_space<vmem>> -> memref<128x16xf32, #tpu.memory_space<vmem>>
      %dma_start3A_568 = arith.constant 0 : i32
      %dma_start3A_569 = tpu.memref_slice %arg7[%min3A, %dma_start3A_568] : memref<88x128xi32, #tpu.memory_space<vmem>> -> memref<1x128xi32, #tpu.memory_space<vmem>>
      %dma_start3A_570 = tpu.memref_squeeze %dma_start3A_569 : memref<1x128xi32, #tpu.memory_space<vmem>> -> memref<128xi32, #tpu.memory_space<vmem>>
      %dma_start3A_571 = arith.constant 0 : i32
      %dma_start3A_572 = arith.constant 0 : i32
      %dma_start3A_573 = tpu.memref_slice %arg4[%dma_start3A_571, %dma_start3A_572] : memref<10112x16xf32, #tpu.memory_space<hbm>> -> memref<10112x16xf32, #tpu.memory_space<hbm>>
      tpu.enqueue_indirect_dma source(%dma_start3A_573 : memref<10112x16xf32, #tpu.memory_space<hbm>>) target(%dma_start3A_567 : memref<128x16xf32, #tpu.memory_space<vmem>>) offsets(%dma_start3A_570 : memref<128xi32, #tpu.memory_space<vmem>>) semaphore(%arg11 : memref<!tpu.dma_semaphore, #tpu.memory_space<semaphore_mem>>)
      %mul3A_574 = arith.constant 8 : i32
      %mul3A_575 = arith.muli %while3A_520, %mul3A_574 : i32
      %add3A_576 = arith.constant 1 : i32
      %add3A_577 = arith.addi %mul3A_575, %add3A_576 : i32
      %dma_wait3A_578 = arith.constant 1 : i32
      %dma_wait3A_579 = arith.constant 0 : i32
      %dma_wait3A_580 = arith.constant 0 : i32
      %dma_wait3A_581 = tpu.memref_slice %arg9[%dma_wait3A_578, %dma_wait3A_579, %dma_wait3A_580] : memref<8x128x16xf32, #tpu.memory_space<vmem>> -> memref<1x128x16xf32, #tpu.memory_space<vmem>>
      %dma_wait3A_582 = tpu.memref_squeeze %dma_wait3A_581 : memref<1x128x16xf32, #tpu.memory_space<vmem>> -> memref<128x16xf32, #tpu.memory_space<vmem>>
      %dma_wait3A_583 = arith.constant 0 : i32
      %dma_wait3A_584 = tpu.memref_slice %arg7[%add3A_577, %dma_wait3A_583] : memref<88x128xi32, #tpu.memory_space<vmem>> -> memref<1x128xi32, #tpu.memory_space<vmem>>
      %dma_wait3A_585 = tpu.memref_squeeze %dma_wait3A_584 : memref<1x128xi32, #tpu.memory_space<vmem>> -> memref<128xi32, #tpu.memory_space<vmem>>
      %dma_wait3A_586 = arith.constant 0 : i32
      %dma_wait3A_587 = arith.constant 0 : i32
      %dma_wait3A_588 = tpu.memref_slice %arg4[%dma_wait3A_586, %dma_wait3A_587] : memref<10112x16xf32, #tpu.memory_space<hbm>> -> memref<10112x16xf32, #tpu.memory_space<hbm>>
      tpu.wait_indirect_dma semaphore(%arg11 : memref<!tpu.dma_semaphore, #tpu.memory_space<semaphore_mem>>) src(%dma_wait3A_588 : memref<10112x16xf32, #tpu.memory_space<hbm>>) dst(%dma_wait3A_582 : memref<128x16xf32, #tpu.memory_space<vmem>>)
      %dma_start3A_589 = arith.constant 1 : i32
      %dma_start3A_590 = arith.constant 0 : i32
      %dma_start3A_591 = arith.constant 0 : i32
      %dma_start3A_592 = tpu.memref_slice %arg9[%dma_start3A_589, %dma_start3A_590, %dma_start3A_591] : memref<8x128x16xf32, #tpu.memory_space<vmem>> -> memref<1x128x16xf32, #tpu.memory_space<vmem>>
      %dma_start3A_593 = tpu.memref_squeeze %dma_start3A_592 : memref<1x128x16xf32, #tpu.memory_space<vmem>> -> memref<128x16xf32, #tpu.memory_space<vmem>>
      %dma_start3A_594 = arith.constant 0 : i32
      %dma_start3A_595 = tpu.memref_slice %arg8[%add3A_577, %dma_start3A_594] : memref<88x128xi32, #tpu.memory_space<vmem>> -> memref<1x128xi32, #tpu.memory_space<vmem>>
      %dma_start3A_596 = tpu.memref_squeeze %dma_start3A_595 : memref<1x128xi32, #tpu.memory_space<vmem>> -> memref<128xi32, #tpu.memory_space<vmem>>
      %dma_start3A_597 = arith.constant 0 : i32
      %dma_start3A_598 = arith.constant 0 : i32
      %dma_start3A_599 = tpu.memref_slice %arg10[%dma_start3A_597, %dma_start3A_598] : memref<10112x16xf32, #tpu.memory_space<vmem_shared>> -> memref<10112x16xf32, #tpu.memory_space<vmem_shared>>
      tpu.enqueue_indirect_dma source(%dma_start3A_593 : memref<128x16xf32, #tpu.memory_space<vmem>>) target(%dma_start3A_599 : memref<10112x16xf32, #tpu.memory_space<vmem_shared>>) offsets(%dma_start3A_596 : memref<128xi32, #tpu.memory_space<vmem>>) semaphore(%arg12 : memref<!tpu.dma_semaphore, #tpu.memory_space<semaphore_mem>>) {add = true}
      %dma_wait3A_600 = arith.constant 5 : i32
      %dma_wait3A_601 = arith.constant 0 : i32
      %dma_wait3A_602 = arith.constant 0 : i32
      %dma_wait3A_603 = arith.constant 0 : i32
      %dma_wait3A_604 = tpu.memref_slice %arg9[%dma_wait3A_600, %dma_wait3A_602, %dma_wait3A_603] : memref<8x128x16xf32, #tpu.memory_space<vmem>> -> memref<1x128x16xf32, #tpu.memory_space<vmem>>
      %dma_wait3A_605 = tpu.memref_squeeze %dma_wait3A_604 : memref<1x128x16xf32, #tpu.memory_space<vmem>> -> memref<128x16xf32, #tpu.memory_space<vmem>>
      %dma_wait3A_606 = arith.constant 0 : i32
      %dma_wait3A_607 = tpu.memref_slice %arg8[%dma_wait3A_601, %dma_wait3A_606] : memref<88x128xi32, #tpu.memory_space<vmem>> -> memref<1x128xi32, #tpu.memory_space<vmem>>
      %dma_wait3A_608 = tpu.memref_squeeze %dma_wait3A_607 : memref<1x128xi32, #tpu.memory_space<vmem>> -> memref<128xi32, #tpu.memory_space<vmem>>
      %dma_wait3A_609 = arith.constant 0 : i32
      %dma_wait3A_610 = arith.constant 0 : i32
      %dma_wait3A_611 = tpu.memref_slice %arg10[%dma_wait3A_609, %dma_wait3A_610] : memref<10112x16xf32, #tpu.memory_space<vmem_shared>> -> memref<10112x16xf32, #tpu.memory_space<vmem_shared>>
      tpu.wait_indirect_dma semaphore(%arg12 : memref<!tpu.dma_semaphore, #tpu.memory_space<semaphore_mem>>) src(%dma_wait3A_605 : memref<128x16xf32, #tpu.memory_space<vmem>>) dst(%dma_wait3A_611 : memref<10112x16xf32, #tpu.memory_space<vmem_shared>>)
      %add3A_612 = arith.constant 4 : i32
      %add3A_613 = arith.addi %add3A_577, %add3A_612 : i32
      %sub3A_614 = arith.constant 1 : i32
      %sub3A_615 = arith.subi %select_n3A, %sub3A_614 : i32
      %min3A_616 = arith.minsi %add3A_613, %sub3A_615 : i32
      %dma_start3A_617 = arith.constant 5 : i32
      %dma_start3A_618 = arith.constant 0 : i32
      %dma_start3A_619 = arith.constant 0 : i32
      %dma_start3A_620 = tpu.memref_slice %arg9[%dma_start3A_617, %dma_start3A_618, %dma_start3A_619] : memref<8x128x16xf32, #tpu.memory_space<vmem>> -> memref<1x128x16xf32, #tpu.memory_space<vmem>>
      %dma_start3A_621 = tpu.memref_squeeze %dma_start3A_620 : memref<1x128x16xf32, #tpu.memory_space<vmem>> -> memref<128x16xf32, #tpu.memory_space<vmem>>
      %dma_start3A_622 = arith.constant 0 : i32
      %dma_start3A_623 = tpu.memref_slice %arg7[%min3A_616, %dma_start3A_622] : memref<88x128xi32, #tpu.memory_space<vmem>> -> memref<1x128xi32, #tpu.memory_space<vmem>>
      %dma_start3A_624 = tpu.memref_squeeze %dma_start3A_623 : memref<1x128xi32, #tpu.memory_space<vmem>> -> memref<128xi32, #tpu.memory_space<vmem>>
      %dma_start3A_625 = arith.constant 0 : i32
      %dma_start3A_626 = arith.constant 0 : i32
      %dma_start3A_627 = tpu.memref_slice %arg4[%dma_start3A_625, %dma_start3A_626] : memref<10112x16xf32, #tpu.memory_space<hbm>> -> memref<10112x16xf32, #tpu.memory_space<hbm>>
      tpu.enqueue_indirect_dma source(%dma_start3A_627 : memref<10112x16xf32, #tpu.memory_space<hbm>>) target(%dma_start3A_621 : memref<128x16xf32, #tpu.memory_space<vmem>>) offsets(%dma_start3A_624 : memref<128xi32, #tpu.memory_space<vmem>>) semaphore(%arg11 : memref<!tpu.dma_semaphore, #tpu.memory_space<semaphore_mem>>)
      %mul3A_628 = arith.constant 8 : i32
      %mul3A_629 = arith.muli %while3A_520, %mul3A_628 : i32
      %add3A_630 = arith.constant 2 : i32
      %add3A_631 = arith.addi %mul3A_629, %add3A_630 : i32
      %dma_wait3A_632 = arith.constant 2 : i32
      %dma_wait3A_633 = arith.constant 0 : i32
      %dma_wait3A_634 = arith.constant 0 : i32
      %dma_wait3A_635 = tpu.memref_slice %arg9[%dma_wait3A_632, %dma_wait3A_633, %dma_wait3A_634] : memref<8x128x16xf32, #tpu.memory_space<vmem>> -> memref<1x128x16xf32, #tpu.memory_space<vmem>>
      %dma_wait3A_636 = tpu.memref_squeeze %dma_wait3A_635 : memref<1x128x16xf32, #tpu.memory_space<vmem>> -> memref<128x16xf32, #tpu.memory_space<vmem>>
      %dma_wait3A_637 = arith.constant 0 : i32
      %dma_wait3A_638 = tpu.memref_slice %arg7[%add3A_631, %dma_wait3A_637] : memref<88x128xi32, #tpu.memory_space<vmem>> -> memref<1x128xi32, #tpu.memory_space<vmem>>
      %dma_wait3A_639 = tpu.memref_squeeze %dma_wait3A_638 : memref<1x128xi32, #tpu.memory_space<vmem>> -> memref<128xi32, #tpu.memory_space<vmem>>
      %dma_wait3A_640 = arith.constant 0 : i32
      %dma_wait3A_641 = arith.constant 0 : i32
      %dma_wait3A_642 = tpu.memref_slice %arg4[%dma_wait3A_640, %dma_wait3A_641] : memref<10112x16xf32, #tpu.memory_space<hbm>> -> memref<10112x16xf32, #tpu.memory_space<hbm>>
      tpu.wait_indirect_dma semaphore(%arg11 : memref<!tpu.dma_semaphore, #tpu.memory_space<semaphore_mem>>) src(%dma_wait3A_642 : memref<10112x16xf32, #tpu.memory_space<hbm>>) dst(%dma_wait3A_636 : memref<128x16xf32, #tpu.memory_space<vmem>>)
      %dma_start3A_643 = arith.constant 2 : i32
      %dma_start3A_644 = arith.constant 0 : i32
      %dma_start3A_645 = arith.constant 0 : i32
      %dma_start3A_646 = tpu.memref_slice %arg9[%dma_start3A_643, %dma_start3A_644, %dma_start3A_645] : memref<8x128x16xf32, #tpu.memory_space<vmem>> -> memref<1x128x16xf32, #tpu.memory_space<vmem>>
      %dma_start3A_647 = tpu.memref_squeeze %dma_start3A_646 : memref<1x128x16xf32, #tpu.memory_space<vmem>> -> memref<128x16xf32, #tpu.memory_space<vmem>>
      %dma_start3A_648 = arith.constant 0 : i32
      %dma_start3A_649 = tpu.memref_slice %arg8[%add3A_631, %dma_start3A_648] : memref<88x128xi32, #tpu.memory_space<vmem>> -> memref<1x128xi32, #tpu.memory_space<vmem>>
      %dma_start3A_650 = tpu.memref_squeeze %dma_start3A_649 : memref<1x128xi32, #tpu.memory_space<vmem>> -> memref<128xi32, #tpu.memory_space<vmem>>
      %dma_start3A_651 = arith.constant 0 : i32
      %dma_start3A_652 = arith.constant 0 : i32
      %dma_start3A_653 = tpu.memref_slice %arg10[%dma_start3A_651, %dma_start3A_652] : memref<10112x16xf32, #tpu.memory_space<vmem_shared>> -> memref<10112x16xf32, #tpu.memory_space<vmem_shared>>
      tpu.enqueue_indirect_dma source(%dma_start3A_647 : memref<128x16xf32, #tpu.memory_space<vmem>>) target(%dma_start3A_653 : memref<10112x16xf32, #tpu.memory_space<vmem_shared>>) offsets(%dma_start3A_650 : memref<128xi32, #tpu.memory_space<vmem>>) semaphore(%arg12 : memref<!tpu.dma_semaphore, #tpu.memory_space<semaphore_mem>>) {add = true}
      %dma_wait3A_654 = arith.constant 6 : i32
      %dma_wait3A_655 = arith.constant 0 : i32
      %dma_wait3A_656 = arith.constant 0 : i32
      %dma_wait3A_657 = arith.constant 0 : i32
      %dma_wait3A_658 = tpu.memref_slice %arg9[%dma_wait3A_654, %dma_wait3A_656, %dma_wait3A_657] : memref<8x128x16xf32, #tpu.memory_space<vmem>> -> memref<1x128x16xf32, #tpu.memory_space<vmem>>
      %dma_wait3A_659 = tpu.memref_squeeze %dma_wait3A_658 : memref<1x128x16xf32, #tpu.memory_space<vmem>> -> memref<128x16xf32, #tpu.memory_space<vmem>>
      %dma_wait3A_660 = arith.constant 0 : i32
      %dma_wait3A_661 = tpu.memref_slice %arg8[%dma_wait3A_655, %dma_wait3A_660] : memref<88x128xi32, #tpu.memory_space<vmem>> -> memref<1x128xi32, #tpu.memory_space<vmem>>
      %dma_wait3A_662 = tpu.memref_squeeze %dma_wait3A_661 : memref<1x128xi32, #tpu.memory_space<vmem>> -> memref<128xi32, #tpu.memory_space<vmem>>
      %dma_wait3A_663 = arith.constant 0 : i32
      %dma_wait3A_664 = arith.constant 0 : i32
      %dma_wait3A_665 = tpu.memref_slice %arg10[%dma_wait3A_663, %dma_wait3A_664] : memref<10112x16xf32, #tpu.memory_space<vmem_shared>> -> memref<10112x16xf32, #tpu.memory_space<vmem_shared>>
      tpu.wait_indirect_dma semaphore(%arg12 : memref<!tpu.dma_semaphore, #tpu.memory_space<semaphore_mem>>) src(%dma_wait3A_659 : memref<128x16xf32, #tpu.memory_space<vmem>>) dst(%dma_wait3A_665 : memref<10112x16xf32, #tpu.memory_space<vmem_shared>>)
      %add3A_666 = arith.constant 4 : i32
      %add3A_667 = arith.addi %add3A_631, %add3A_666 : i32
      %sub3A_668 = arith.constant 1 : i32
      %sub3A_669 = arith.subi %select_n3A, %sub3A_668 : i32
      %min3A_670 = arith.minsi %add3A_667, %sub3A_669 : i32
      %dma_start3A_671 = arith.constant 6 : i32
      %dma_start3A_672 = arith.constant 0 : i32
      %dma_start3A_673 = arith.constant 0 : i32
      %dma_start3A_674 = tpu.memref_slice %arg9[%dma_start3A_671, %dma_start3A_672, %dma_start3A_673] : memref<8x128x16xf32, #tpu.memory_space<vmem>> -> memref<1x128x16xf32, #tpu.memory_space<vmem>>
      %dma_start3A_675 = tpu.memref_squeeze %dma_start3A_674 : memref<1x128x16xf32, #tpu.memory_space<vmem>> -> memref<128x16xf32, #tpu.memory_space<vmem>>
      %dma_start3A_676 = arith.constant 0 : i32
      %dma_start3A_677 = tpu.memref_slice %arg7[%min3A_670, %dma_start3A_676] : memref<88x128xi32, #tpu.memory_space<vmem>> -> memref<1x128xi32, #tpu.memory_space<vmem>>
      %dma_start3A_678 = tpu.memref_squeeze %dma_start3A_677 : memref<1x128xi32, #tpu.memory_space<vmem>> -> memref<128xi32, #tpu.memory_space<vmem>>
      %dma_start3A_679 = arith.constant 0 : i32
      %dma_start3A_680 = arith.constant 0 : i32
      %dma_start3A_681 = tpu.memref_slice %arg4[%dma_start3A_679, %dma_start3A_680] : memref<10112x16xf32, #tpu.memory_space<hbm>> -> memref<10112x16xf32, #tpu.memory_space<hbm>>
      tpu.enqueue_indirect_dma source(%dma_start3A_681 : memref<10112x16xf32, #tpu.memory_space<hbm>>) target(%dma_start3A_675 : memref<128x16xf32, #tpu.memory_space<vmem>>) offsets(%dma_start3A_678 : memref<128xi32, #tpu.memory_space<vmem>>) semaphore(%arg11 : memref<!tpu.dma_semaphore, #tpu.memory_space<semaphore_mem>>)
      %mul3A_682 = arith.constant 8 : i32
      %mul3A_683 = arith.muli %while3A_520, %mul3A_682 : i32
      %add3A_684 = arith.constant 3 : i32
      %add3A_685 = arith.addi %mul3A_683, %add3A_684 : i32
      %dma_wait3A_686 = arith.constant 3 : i32
      %dma_wait3A_687 = arith.constant 0 : i32
      %dma_wait3A_688 = arith.constant 0 : i32
      %dma_wait3A_689 = tpu.memref_slice %arg9[%dma_wait3A_686, %dma_wait3A_687, %dma_wait3A_688] : memref<8x128x16xf32, #tpu.memory_space<vmem>> -> memref<1x128x16xf32, #tpu.memory_space<vmem>>
      %dma_wait3A_690 = tpu.memref_squeeze %dma_wait3A_689 : memref<1x128x16xf32, #tpu.memory_space<vmem>> -> memref<128x16xf32, #tpu.memory_space<vmem>>
      %dma_wait3A_691 = arith.constant 0 : i32
      %dma_wait3A_692 = tpu.memref_slice %arg7[%add3A_685, %dma_wait3A_691] : memref<88x128xi32, #tpu.memory_space<vmem>> -> memref<1x128xi32, #tpu.memory_space<vmem>>
      %dma_wait3A_693 = tpu.memref_squeeze %dma_wait3A_692 : memref<1x128xi32, #tpu.memory_space<vmem>> -> memref<128xi32, #tpu.memory_space<vmem>>
      %dma_wait3A_694 = arith.constant 0 : i32
      %dma_wait3A_695 = arith.constant 0 : i32
      %dma_wait3A_696 = tpu.memref_slice %arg4[%dma_wait3A_694, %dma_wait3A_695] : memref<10112x16xf32, #tpu.memory_space<hbm>> -> memref<10112x16xf32, #tpu.memory_space<hbm>>
      tpu.wait_indirect_dma semaphore(%arg11 : memref<!tpu.dma_semaphore, #tpu.memory_space<semaphore_mem>>) src(%dma_wait3A_696 : memref<10112x16xf32, #tpu.memory_space<hbm>>) dst(%dma_wait3A_690 : memref<128x16xf32, #tpu.memory_space<vmem>>)
      %dma_start3A_697 = arith.constant 3 : i32
      %dma_start3A_698 = arith.constant 0 : i32
      %dma_start3A_699 = arith.constant 0 : i32
      %dma_start3A_700 = tpu.memref_slice %arg9[%dma_start3A_697, %dma_start3A_698, %dma_start3A_699] : memref<8x128x16xf32, #tpu.memory_space<vmem>> -> memref<1x128x16xf32, #tpu.memory_space<vmem>>
      %dma_start3A_701 = tpu.memref_squeeze %dma_start3A_700 : memref<1x128x16xf32, #tpu.memory_space<vmem>> -> memref<128x16xf32, #tpu.memory_space<vmem>>
      %dma_start3A_702 = arith.constant 0 : i32
      %dma_start3A_703 = tpu.memref_slice %arg8[%add3A_685, %dma_start3A_702] : memref<88x128xi32, #tpu.memory_space<vmem>> -> memref<1x128xi32, #tpu.memory_space<vmem>>
      %dma_start3A_704 = tpu.memref_squeeze %dma_start3A_703 : memref<1x128xi32, #tpu.memory_space<vmem>> -> memref<128xi32, #tpu.memory_space<vmem>>
      %dma_start3A_705 = arith.constant 0 : i32
      %dma_start3A_706 = arith.constant 0 : i32
      %dma_start3A_707 = tpu.memref_slice %arg10[%dma_start3A_705, %dma_start3A_706] : memref<10112x16xf32, #tpu.memory_space<vmem_shared>> -> memref<10112x16xf32, #tpu.memory_space<vmem_shared>>
      tpu.enqueue_indirect_dma source(%dma_start3A_701 : memref<128x16xf32, #tpu.memory_space<vmem>>) target(%dma_start3A_707 : memref<10112x16xf32, #tpu.memory_space<vmem_shared>>) offsets(%dma_start3A_704 : memref<128xi32, #tpu.memory_space<vmem>>) semaphore(%arg12 : memref<!tpu.dma_semaphore, #tpu.memory_space<semaphore_mem>>) {add = true}
      %dma_wait3A_708 = arith.constant 7 : i32
      %dma_wait3A_709 = arith.constant 0 : i32
      %dma_wait3A_710 = arith.constant 0 : i32
      %dma_wait3A_711 = arith.constant 0 : i32
      %dma_wait3A_712 = tpu.memref_slice %arg9[%dma_wait3A_708, %dma_wait3A_710, %dma_wait3A_711] : memref<8x128x16xf32, #tpu.memory_space<vmem>> -> memref<1x128x16xf32, #tpu.memory_space<vmem>>
      %dma_wait3A_713 = tpu.memref_squeeze %dma_wait3A_712 : memref<1x128x16xf32, #tpu.memory_space<vmem>> -> memref<128x16xf32, #tpu.memory_space<vmem>>
      %dma_wait3A_714 = arith.constant 0 : i32
      %dma_wait3A_715 = tpu.memref_slice %arg8[%dma_wait3A_709, %dma_wait3A_714] : memref<88x128xi32, #tpu.memory_space<vmem>> -> memref<1x128xi32, #tpu.memory_space<vmem>>
      %dma_wait3A_716 = tpu.memref_squeeze %dma_wait3A_715 : memref<1x128xi32, #tpu.memory_space<vmem>> -> memref<128xi32, #tpu.memory_space<vmem>>
      %dma_wait3A_717 = arith.constant 0 : i32
      %dma_wait3A_718 = arith.constant 0 : i32
      %dma_wait3A_719 = tpu.memref_slice %arg10[%dma_wait3A_717, %dma_wait3A_718] : memref<10112x16xf32, #tpu.memory_space<vmem_shared>> -> memref<10112x16xf32, #tpu.memory_space<vmem_shared>>
      tpu.wait_indirect_dma semaphore(%arg12 : memref<!tpu.dma_semaphore, #tpu.memory_space<semaphore_mem>>) src(%dma_wait3A_713 : memref<128x16xf32, #tpu.memory_space<vmem>>) dst(%dma_wait3A_719 : memref<10112x16xf32, #tpu.memory_space<vmem_shared>>)
      %add3A_720 = arith.constant 4 : i32
      %add3A_721 = arith.addi %add3A_685, %add3A_720 : i32
      %sub3A_722 = arith.constant 1 : i32
      %sub3A_723 = arith.subi %select_n3A, %sub3A_722 : i32
      %min3A_724 = arith.minsi %add3A_721, %sub3A_723 : i32
      %dma_start3A_725 = arith.constant 7 : i32
      %dma_start3A_726 = arith.constant 0 : i32
      %dma_start3A_727 = arith.constant 0 : i32
      %dma_start3A_728 = tpu.memref_slice %arg9[%dma_start3A_725, %dma_start3A_726, %dma_start3A_727] : memref<8x128x16xf32, #tpu.memory_space<vmem>> -> memref<1x128x16xf32, #tpu.memory_space<vmem>>
      %dma_start3A_729 = tpu.memref_squeeze %dma_start3A_728 : memref<1x128x16xf32, #tpu.memory_space<vmem>> -> memref<128x16xf32, #tpu.memory_space<vmem>>
      %dma_start3A_730 = arith.constant 0 : i32
      %dma_start3A_731 = tpu.memref_slice %arg7[%min3A_724, %dma_start3A_730] : memref<88x128xi32, #tpu.memory_space<vmem>> -> memref<1x128xi32, #tpu.memory_space<vmem>>
      %dma_start3A_732 = tpu.memref_squeeze %dma_start3A_731 : memref<1x128xi32, #tpu.memory_space<vmem>> -> memref<128xi32, #tpu.memory_space<vmem>>
      %dma_start3A_733 = arith.constant 0 : i32
      %dma_start3A_734 = arith.constant 0 : i32
      %dma_start3A_735 = tpu.memref_slice %arg4[%dma_start3A_733, %dma_start3A_734] : memref<10112x16xf32, #tpu.memory_space<hbm>> -> memref<10112x16xf32, #tpu.memory_space<hbm>>
      tpu.enqueue_indirect_dma source(%dma_start3A_735 : memref<10112x16xf32, #tpu.memory_space<hbm>>) target(%dma_start3A_729 : memref<128x16xf32, #tpu.memory_space<vmem>>) offsets(%dma_start3A_732 : memref<128xi32, #tpu.memory_space<vmem>>) semaphore(%arg11 : memref<!tpu.dma_semaphore, #tpu.memory_space<semaphore_mem>>)
      %mul3A_736 = arith.constant 8 : i32
      %mul3A_737 = arith.muli %while3A_520, %mul3A_736 : i32
      %add3A_738 = arith.constant 4 : i32
      %add3A_739 = arith.addi %mul3A_737, %add3A_738 : i32
      %dma_wait3A_740 = arith.constant 4 : i32
      %dma_wait3A_741 = arith.constant 0 : i32
      %dma_wait3A_742 = arith.constant 0 : i32
      %dma_wait3A_743 = tpu.memref_slice %arg9[%dma_wait3A_740, %dma_wait3A_741, %dma_wait3A_742] : memref<8x128x16xf32, #tpu.memory_space<vmem>> -> memref<1x128x16xf32, #tpu.memory_space<vmem>>
      %dma_wait3A_744 = tpu.memref_squeeze %dma_wait3A_743 : memref<1x128x16xf32, #tpu.memory_space<vmem>> -> memref<128x16xf32, #tpu.memory_space<vmem>>
      %dma_wait3A_745 = arith.constant 0 : i32
      %dma_wait3A_746 = tpu.memref_slice %arg7[%add3A_739, %dma_wait3A_745] : memref<88x128xi32, #tpu.memory_space<vmem>> -> memref<1x128xi32, #tpu.memory_space<vmem>>
      %dma_wait3A_747 = tpu.memref_squeeze %dma_wait3A_746 : memref<1x128xi32, #tpu.memory_space<vmem>> -> memref<128xi32, #tpu.memory_space<vmem>>
      %dma_wait3A_748 = arith.constant 0 : i32
      %dma_wait3A_749 = arith.constant 0 : i32
      %dma_wait3A_750 = tpu.memref_slice %arg4[%dma_wait3A_748, %dma_wait3A_749] : memref<10112x16xf32, #tpu.memory_space<hbm>> -> memref<10112x16xf32, #tpu.memory_space<hbm>>
      tpu.wait_indirect_dma semaphore(%arg11 : memref<!tpu.dma_semaphore, #tpu.memory_space<semaphore_mem>>) src(%dma_wait3A_750 : memref<10112x16xf32, #tpu.memory_space<hbm>>) dst(%dma_wait3A_744 : memref<128x16xf32, #tpu.memory_space<vmem>>)
      %dma_start3A_751 = arith.constant 4 : i32
      %dma_start3A_752 = arith.constant 0 : i32
      %dma_start3A_753 = arith.constant 0 : i32
      %dma_start3A_754 = tpu.memref_slice %arg9[%dma_start3A_751, %dma_start3A_752, %dma_start3A_753] : memref<8x128x16xf32, #tpu.memory_space<vmem>> -> memref<1x128x16xf32, #tpu.memory_space<vmem>>
      %dma_start3A_755 = tpu.memref_squeeze %dma_start3A_754 : memref<1x128x16xf32, #tpu.memory_space<vmem>> -> memref<128x16xf32, #tpu.memory_space<vmem>>
      %dma_start3A_756 = arith.constant 0 : i32
      %dma_start3A_757 = tpu.memref_slice %arg8[%add3A_739, %dma_start3A_756] : memref<88x128xi32, #tpu.memory_space<vmem>> -> memref<1x128xi32, #tpu.memory_space<vmem>>
      %dma_start3A_758 = tpu.memref_squeeze %dma_start3A_757 : memref<1x128xi32, #tpu.memory_space<vmem>> -> memref<128xi32, #tpu.memory_space<vmem>>
      %dma_start3A_759 = arith.constant 0 : i32
      %dma_start3A_760 = arith.constant 0 : i32
      %dma_start3A_761 = tpu.memref_slice %arg10[%dma_start3A_759, %dma_start3A_760] : memref<10112x16xf32, #tpu.memory_space<vmem_shared>> -> memref<10112x16xf32, #tpu.memory_space<vmem_shared>>
      tpu.enqueue_indirect_dma source(%dma_start3A_755 : memref<128x16xf32, #tpu.memory_space<vmem>>) target(%dma_start3A_761 : memref<10112x16xf32, #tpu.memory_space<vmem_shared>>) offsets(%dma_start3A_758 : memref<128xi32, #tpu.memory_space<vmem>>) semaphore(%arg12 : memref<!tpu.dma_semaphore, #tpu.memory_space<semaphore_mem>>) {add = true}
      %dma_wait3A_762 = arith.constant 0 : i32
      %dma_wait3A_763 = arith.constant 0 : i32
      %dma_wait3A_764 = arith.constant 0 : i32
      %dma_wait3A_765 = arith.constant 0 : i32
      %dma_wait3A_766 = tpu.memref_slice %arg9[%dma_wait3A_762, %dma_wait3A_764, %dma_wait3A_765] : memref<8x128x16xf32, #tpu.memory_space<vmem>> -> memref<1x128x16xf32, #tpu.memory_space<vmem>>
      %dma_wait3A_767 = tpu.memref_squeeze %dma_wait3A_766 : memref<1x128x16xf32, #tpu.memory_space<vmem>> -> memref<128x16xf32, #tpu.memory_space<vmem>>
      %dma_wait3A_768 = arith.constant 0 : i32
      %dma_wait3A_769 = tpu.memref_slice %arg8[%dma_wait3A_763, %dma_wait3A_768] : memref<88x128xi32, #tpu.memory_space<vmem>> -> memref<1x128xi32, #tpu.memory_space<vmem>>
      %dma_wait3A_770 = tpu.memref_squeeze %dma_wait3A_769 : memref<1x128xi32, #tpu.memory_space<vmem>> -> memref<128xi32, #tpu.memory_space<vmem>>
      %dma_wait3A_771 = arith.constant 0 : i32
      %dma_wait3A_772 = arith.constant 0 : i32
      %dma_wait3A_773 = tpu.memref_slice %arg10[%dma_wait3A_771, %dma_wait3A_772] : memref<10112x16xf32, #tpu.memory_space<vmem_shared>> -> memref<10112x16xf32, #tpu.memory_space<vmem_shared>>
      tpu.wait_indirect_dma semaphore(%arg12 : memref<!tpu.dma_semaphore, #tpu.memory_space<semaphore_mem>>) src(%dma_wait3A_767 : memref<128x16xf32, #tpu.memory_space<vmem>>) dst(%dma_wait3A_773 : memref<10112x16xf32, #tpu.memory_space<vmem_shared>>)
      %add3A_774 = arith.constant 4 : i32
      %add3A_775 = arith.addi %add3A_739, %add3A_774 : i32
      %sub3A_776 = arith.constant 1 : i32
      %sub3A_777 = arith.subi %select_n3A, %sub3A_776 : i32
      %min3A_778 = arith.minsi %add3A_775, %sub3A_777 : i32
      %dma_start3A_779 = arith.constant 0 : i32
      %dma_start3A_780 = arith.constant 0 : i32
      %dma_start3A_781 = arith.constant 0 : i32
      %dma_start3A_782 = tpu.memref_slice %arg9[%dma_start3A_779, %dma_start3A_780, %dma_start3A_781] : memref<8x128x16xf32, #tpu.memory_space<vmem>> -> memref<1x128x16xf32, #tpu.memory_space<vmem>>
      %dma_start3A_783 = tpu.memref_squeeze %dma_start3A_782 : memref<1x128x16xf32, #tpu.memory_space<vmem>> -> memref<128x16xf32, #tpu.memory_space<vmem>>
      %dma_start3A_784 = arith.constant 0 : i32
      %dma_start3A_785 = tpu.memref_slice %arg7[%min3A_778, %dma_start3A_784] : memref<88x128xi32, #tpu.memory_space<vmem>> -> memref<1x128xi32, #tpu.memory_space<vmem>>
      %dma_start3A_786 = tpu.memref_squeeze %dma_start3A_785 : memref<1x128xi32, #tpu.memory_space<vmem>> -> memref<128xi32, #tpu.memory_space<vmem>>
      %dma_start3A_787 = arith.constant 0 : i32
      %dma_start3A_788 = arith.constant 0 : i32
      %dma_start3A_789 = tpu.memref_slice %arg4[%dma_start3A_787, %dma_start3A_788] : memref<10112x16xf32, #tpu.memory_space<hbm>> -> memref<10112x16xf32, #tpu.memory_space<hbm>>
      tpu.enqueue_indirect_dma source(%dma_start3A_789 : memref<10112x16xf32, #tpu.memory_space<hbm>>) target(%dma_start3A_783 : memref<128x16xf32, #tpu.memory_space<vmem>>) offsets(%dma_start3A_786 : memref<128xi32, #tpu.memory_space<vmem>>) semaphore(%arg11 : memref<!tpu.dma_semaphore, #tpu.memory_space<semaphore_mem>>)
      %mul3A_790 = arith.constant 8 : i32
      %mul3A_791 = arith.muli %while3A_520, %mul3A_790 : i32
      %add3A_792 = arith.constant 5 : i32
      %add3A_793 = arith.addi %mul3A_791, %add3A_792 : i32
      %dma_wait3A_794 = arith.constant 5 : i32
      %dma_wait3A_795 = arith.constant 0 : i32
      %dma_wait3A_796 = arith.constant 0 : i32
      %dma_wait3A_797 = tpu.memref_slice %arg9[%dma_wait3A_794, %dma_wait3A_795, %dma_wait3A_796] : memref<8x128x16xf32, #tpu.memory_space<vmem>> -> memref<1x128x16xf32, #tpu.memory_space<vmem>>
      %dma_wait3A_798 = tpu.memref_squeeze %dma_wait3A_797 : memref<1x128x16xf32, #tpu.memory_space<vmem>> -> memref<128x16xf32, #tpu.memory_space<vmem>>
      %dma_wait3A_799 = arith.constant 0 : i32
      %dma_wait3A_800 = tpu.memref_slice %arg7[%add3A_793, %dma_wait3A_799] : memref<88x128xi32, #tpu.memory_space<vmem>> -> memref<1x128xi32, #tpu.memory_space<vmem>>
      %dma_wait3A_801 = tpu.memref_squeeze %dma_wait3A_800 : memref<1x128xi32, #tpu.memory_space<vmem>> -> memref<128xi32, #tpu.memory_space<vmem>>
      %dma_wait3A_802 = arith.constant 0 : i32
      %dma_wait3A_803 = arith.constant 0 : i32
      %dma_wait3A_804 = tpu.memref_slice %arg4[%dma_wait3A_802, %dma_wait3A_803] : memref<10112x16xf32, #tpu.memory_space<hbm>> -> memref<10112x16xf32, #tpu.memory_space<hbm>>
      tpu.wait_indirect_dma semaphore(%arg11 : memref<!tpu.dma_semaphore, #tpu.memory_space<semaphore_mem>>) src(%dma_wait3A_804 : memref<10112x16xf32, #tpu.memory_space<hbm>>) dst(%dma_wait3A_798 : memref<128x16xf32, #tpu.memory_space<vmem>>)
      %dma_start3A_805 = arith.constant 5 : i32
      %dma_start3A_806 = arith.constant 0 : i32
      %dma_start3A_807 = arith.constant 0 : i32
      %dma_start3A_808 = tpu.memref_slice %arg9[%dma_start3A_805, %dma_start3A_806, %dma_start3A_807] : memref<8x128x16xf32, #tpu.memory_space<vmem>> -> memref<1x128x16xf32, #tpu.memory_space<vmem>>
      %dma_start3A_809 = tpu.memref_squeeze %dma_start3A_808 : memref<1x128x16xf32, #tpu.memory_space<vmem>> -> memref<128x16xf32, #tpu.memory_space<vmem>>
      %dma_start3A_810 = arith.constant 0 : i32
      %dma_start3A_811 = tpu.memref_slice %arg8[%add3A_793, %dma_start3A_810] : memref<88x128xi32, #tpu.memory_space<vmem>> -> memref<1x128xi32, #tpu.memory_space<vmem>>
      %dma_start3A_812 = tpu.memref_squeeze %dma_start3A_811 : memref<1x128xi32, #tpu.memory_space<vmem>> -> memref<128xi32, #tpu.memory_space<vmem>>
      %dma_start3A_813 = arith.constant 0 : i32
      %dma_start3A_814 = arith.constant 0 : i32
      %dma_start3A_815 = tpu.memref_slice %arg10[%dma_start3A_813, %dma_start3A_814] : memref<10112x16xf32, #tpu.memory_space<vmem_shared>> -> memref<10112x16xf32, #tpu.memory_space<vmem_shared>>
      tpu.enqueue_indirect_dma source(%dma_start3A_809 : memref<128x16xf32, #tpu.memory_space<vmem>>) target(%dma_start3A_815 : memref<10112x16xf32, #tpu.memory_space<vmem_shared>>) offsets(%dma_start3A_812 : memref<128xi32, #tpu.memory_space<vmem>>) semaphore(%arg12 : memref<!tpu.dma_semaphore, #tpu.memory_space<semaphore_mem>>) {add = true}
      %dma_wait3A_816 = arith.constant 1 : i32
      %dma_wait3A_817 = arith.constant 0 : i32
      %dma_wait3A_818 = arith.constant 0 : i32
      %dma_wait3A_819 = arith.constant 0 : i32
      %dma_wait3A_820 = tpu.memref_slice %arg9[%dma_wait3A_816, %dma_wait3A_818, %dma_wait3A_819] : memref<8x128x16xf32, #tpu.memory_space<vmem>> -> memref<1x128x16xf32, #tpu.memory_space<vmem>>
      %dma_wait3A_821 = tpu.memref_squeeze %dma_wait3A_820 : memref<1x128x16xf32, #tpu.memory_space<vmem>> -> memref<128x16xf32, #tpu.memory_space<vmem>>
      %dma_wait3A_822 = arith.constant 0 : i32
      %dma_wait3A_823 = tpu.memref_slice %arg8[%dma_wait3A_817, %dma_wait3A_822] : memref<88x128xi32, #tpu.memory_space<vmem>> -> memref<1x128xi32, #tpu.memory_space<vmem>>
      %dma_wait3A_824 = tpu.memref_squeeze %dma_wait3A_823 : memref<1x128xi32, #tpu.memory_space<vmem>> -> memref<128xi32, #tpu.memory_space<vmem>>
      %dma_wait3A_825 = arith.constant 0 : i32
      %dma_wait3A_826 = arith.constant 0 : i32
      %dma_wait3A_827 = tpu.memref_slice %arg10[%dma_wait3A_825, %dma_wait3A_826] : memref<10112x16xf32, #tpu.memory_space<vmem_shared>> -> memref<10112x16xf32, #tpu.memory_space<vmem_shared>>
      tpu.wait_indirect_dma semaphore(%arg12 : memref<!tpu.dma_semaphore, #tpu.memory_space<semaphore_mem>>) src(%dma_wait3A_821 : memref<128x16xf32, #tpu.memory_space<vmem>>) dst(%dma_wait3A_827 : memref<10112x16xf32, #tpu.memory_space<vmem_shared>>)
      %add3A_828 = arith.constant 4 : i32
      %add3A_829 = arith.addi %add3A_793, %add3A_828 : i32
      %sub3A_830 = arith.constant 1 : i32
      %sub3A_831 = arith.subi %select_n3A, %sub3A_830 : i32
      %min3A_832 = arith.minsi %add3A_829, %sub3A_831 : i32
      %dma_start3A_833 = arith.constant 1 : i32
      %dma_start3A_834 = arith.constant 0 : i32
      %dma_start3A_835 = arith.constant 0 : i32
      %dma_start3A_836 = tpu.memref_slice %arg9[%dma_start3A_833, %dma_start3A_834, %dma_start3A_835] : memref<8x128x16xf32, #tpu.memory_space<vmem>> -> memref<1x128x16xf32, #tpu.memory_space<vmem>>
      %dma_start3A_837 = tpu.memref_squeeze %dma_start3A_836 : memref<1x128x16xf32, #tpu.memory_space<vmem>> -> memref<128x16xf32, #tpu.memory_space<vmem>>
      %dma_start3A_838 = arith.constant 0 : i32
      %dma_start3A_839 = tpu.memref_slice %arg7[%min3A_832, %dma_start3A_838] : memref<88x128xi32, #tpu.memory_space<vmem>> -> memref<1x128xi32, #tpu.memory_space<vmem>>
      %dma_start3A_840 = tpu.memref_squeeze %dma_start3A_839 : memref<1x128xi32, #tpu.memory_space<vmem>> -> memref<128xi32, #tpu.memory_space<vmem>>
      %dma_start3A_841 = arith.constant 0 : i32
      %dma_start3A_842 = arith.constant 0 : i32
      %dma_start3A_843 = tpu.memref_slice %arg4[%dma_start3A_841, %dma_start3A_842] : memref<10112x16xf32, #tpu.memory_space<hbm>> -> memref<10112x16xf32, #tpu.memory_space<hbm>>
      tpu.enqueue_indirect_dma source(%dma_start3A_843 : memref<10112x16xf32, #tpu.memory_space<hbm>>) target(%dma_start3A_837 : memref<128x16xf32, #tpu.memory_space<vmem>>) offsets(%dma_start3A_840 : memref<128xi32, #tpu.memory_space<vmem>>) semaphore(%arg11 : memref<!tpu.dma_semaphore, #tpu.memory_space<semaphore_mem>>)
      %mul3A_844 = arith.constant 8 : i32
      %mul3A_845 = arith.muli %while3A_520, %mul3A_844 : i32
      %add3A_846 = arith.constant 6 : i32
      %add3A_847 = arith.addi %mul3A_845, %add3A_846 : i32
      %dma_wait3A_848 = arith.constant 6 : i32
      %dma_wait3A_849 = arith.constant 0 : i32
      %dma_wait3A_850 = arith.constant 0 : i32
      %dma_wait3A_851 = tpu.memref_slice %arg9[%dma_wait3A_848, %dma_wait3A_849, %dma_wait3A_850] : memref<8x128x16xf32, #tpu.memory_space<vmem>> -> memref<1x128x16xf32, #tpu.memory_space<vmem>>
      %dma_wait3A_852 = tpu.memref_squeeze %dma_wait3A_851 : memref<1x128x16xf32, #tpu.memory_space<vmem>> -> memref<128x16xf32, #tpu.memory_space<vmem>>
      %dma_wait3A_853 = arith.constant 0 : i32
      %dma_wait3A_854 = tpu.memref_slice %arg7[%add3A_847, %dma_wait3A_853] : memref<88x128xi32, #tpu.memory_space<vmem>> -> memref<1x128xi32, #tpu.memory_space<vmem>>
      %dma_wait3A_855 = tpu.memref_squeeze %dma_wait3A_854 : memref<1x128xi32, #tpu.memory_space<vmem>> -> memref<128xi32, #tpu.memory_space<vmem>>
      %dma_wait3A_856 = arith.constant 0 : i32
      %dma_wait3A_857 = arith.constant 0 : i32
      %dma_wait3A_858 = tpu.memref_slice %arg4[%dma_wait3A_856, %dma_wait3A_857] : memref<10112x16xf32, #tpu.memory_space<hbm>> -> memref<10112x16xf32, #tpu.memory_space<hbm>>
      tpu.wait_indirect_dma semaphore(%arg11 : memref<!tpu.dma_semaphore, #tpu.memory_space<semaphore_mem>>) src(%dma_wait3A_858 : memref<10112x16xf32, #tpu.memory_space<hbm>>) dst(%dma_wait3A_852 : memref<128x16xf32, #tpu.memory_space<vmem>>)
      %dma_start3A_859 = arith.constant 6 : i32
      %dma_start3A_860 = arith.constant 0 : i32
      %dma_start3A_861 = arith.constant 0 : i32
      %dma_start3A_862 = tpu.memref_slice %arg9[%dma_start3A_859, %dma_start3A_860, %dma_start3A_861] : memref<8x128x16xf32, #tpu.memory_space<vmem>> -> memref<1x128x16xf32, #tpu.memory_space<vmem>>
      %dma_start3A_863 = tpu.memref_squeeze %dma_start3A_862 : memref<1x128x16xf32, #tpu.memory_space<vmem>> -> memref<128x16xf32, #tpu.memory_space<vmem>>
      %dma_start3A_864 = arith.constant 0 : i32
      %dma_start3A_865 = tpu.memref_slice %arg8[%add3A_847, %dma_start3A_864] : memref<88x128xi32, #tpu.memory_space<vmem>> -> memref<1x128xi32, #tpu.memory_space<vmem>>
      %dma_start3A_866 = tpu.memref_squeeze %dma_start3A_865 : memref<1x128xi32, #tpu.memory_space<vmem>> -> memref<128xi32, #tpu.memory_space<vmem>>
      %dma_start3A_867 = arith.constant 0 : i32
      %dma_start3A_868 = arith.constant 0 : i32
      %dma_start3A_869 = tpu.memref_slice %arg10[%dma_start3A_867, %dma_start3A_868] : memref<10112x16xf32, #tpu.memory_space<vmem_shared>> -> memref<10112x16xf32, #tpu.memory_space<vmem_shared>>
      tpu.enqueue_indirect_dma source(%dma_start3A_863 : memref<128x16xf32, #tpu.memory_space<vmem>>) target(%dma_start3A_869 : memref<10112x16xf32, #tpu.memory_space<vmem_shared>>) offsets(%dma_start3A_866 : memref<128xi32, #tpu.memory_space<vmem>>) semaphore(%arg12 : memref<!tpu.dma_semaphore, #tpu.memory_space<semaphore_mem>>) {add = true}
      %dma_wait3A_870 = arith.constant 2 : i32
      %dma_wait3A_871 = arith.constant 0 : i32
      %dma_wait3A_872 = arith.constant 0 : i32
      %dma_wait3A_873 = arith.constant 0 : i32
      %dma_wait3A_874 = tpu.memref_slice %arg9[%dma_wait3A_870, %dma_wait3A_872, %dma_wait3A_873] : memref<8x128x16xf32, #tpu.memory_space<vmem>> -> memref<1x128x16xf32, #tpu.memory_space<vmem>>
      %dma_wait3A_875 = tpu.memref_squeeze %dma_wait3A_874 : memref<1x128x16xf32, #tpu.memory_space<vmem>> -> memref<128x16xf32, #tpu.memory_space<vmem>>
      %dma_wait3A_876 = arith.constant 0 : i32
      %dma_wait3A_877 = tpu.memref_slice %arg8[%dma_wait3A_871, %dma_wait3A_876] : memref<88x128xi32, #tpu.memory_space<vmem>> -> memref<1x128xi32, #tpu.memory_space<vmem>>
      %dma_wait3A_878 = tpu.memref_squeeze %dma_wait3A_877 : memref<1x128xi32, #tpu.memory_space<vmem>> -> memref<128xi32, #tpu.memory_space<vmem>>
      %dma_wait3A_879 = arith.constant 0 : i32
      %dma_wait3A_880 = arith.constant 0 : i32
      %dma_wait3A_881 = tpu.memref_slice %arg10[%dma_wait3A_879, %dma_wait3A_880] : memref<10112x16xf32, #tpu.memory_space<vmem_shared>> -> memref<10112x16xf32, #tpu.memory_space<vmem_shared>>
      tpu.wait_indirect_dma semaphore(%arg12 : memref<!tpu.dma_semaphore, #tpu.memory_space<semaphore_mem>>) src(%dma_wait3A_875 : memref<128x16xf32, #tpu.memory_space<vmem>>) dst(%dma_wait3A_881 : memref<10112x16xf32, #tpu.memory_space<vmem_shared>>)
      %add3A_882 = arith.constant 4 : i32
      %add3A_883 = arith.addi %add3A_847, %add3A_882 : i32
      %sub3A_884 = arith.constant 1 : i32
      %sub3A_885 = arith.subi %select_n3A, %sub3A_884 : i32
      %min3A_886 = arith.minsi %add3A_883, %sub3A_885 : i32
      %dma_start3A_887 = arith.constant 2 : i32
      %dma_start3A_888 = arith.constant 0 : i32
      %dma_start3A_889 = arith.constant 0 : i32
      %dma_start3A_890 = tpu.memref_slice %arg9[%dma_start3A_887, %dma_start3A_888, %dma_start3A_889] : memref<8x128x16xf32, #tpu.memory_space<vmem>> -> memref<1x128x16xf32, #tpu.memory_space<vmem>>
      %dma_start3A_891 = tpu.memref_squeeze %dma_start3A_890 : memref<1x128x16xf32, #tpu.memory_space<vmem>> -> memref<128x16xf32, #tpu.memory_space<vmem>>
      %dma_start3A_892 = arith.constant 0 : i32
      %dma_start3A_893 = tpu.memref_slice %arg7[%min3A_886, %dma_start3A_892] : memref<88x128xi32, #tpu.memory_space<vmem>> -> memref<1x128xi32, #tpu.memory_space<vmem>>
      %dma_start3A_894 = tpu.memref_squeeze %dma_start3A_893 : memref<1x128xi32, #tpu.memory_space<vmem>> -> memref<128xi32, #tpu.memory_space<vmem>>
      %dma_start3A_895 = arith.constant 0 : i32
      %dma_start3A_896 = arith.constant 0 : i32
      %dma_start3A_897 = tpu.memref_slice %arg4[%dma_start3A_895, %dma_start3A_896] : memref<10112x16xf32, #tpu.memory_space<hbm>> -> memref<10112x16xf32, #tpu.memory_space<hbm>>
      tpu.enqueue_indirect_dma source(%dma_start3A_897 : memref<10112x16xf32, #tpu.memory_space<hbm>>) target(%dma_start3A_891 : memref<128x16xf32, #tpu.memory_space<vmem>>) offsets(%dma_start3A_894 : memref<128xi32, #tpu.memory_space<vmem>>) semaphore(%arg11 : memref<!tpu.dma_semaphore, #tpu.memory_space<semaphore_mem>>)
      %mul3A_898 = arith.constant 8 : i32
      %mul3A_899 = arith.muli %while3A_520, %mul3A_898 : i32
      %add3A_900 = arith.constant 7 : i32
      %add3A_901 = arith.addi %mul3A_899, %add3A_900 : i32
      %dma_wait3A_902 = arith.constant 7 : i32
      %dma_wait3A_903 = arith.constant 0 : i32
      %dma_wait3A_904 = arith.constant 0 : i32
      %dma_wait3A_905 = tpu.memref_slice %arg9[%dma_wait3A_902, %dma_wait3A_903, %dma_wait3A_904] : memref<8x128x16xf32, #tpu.memory_space<vmem>> -> memref<1x128x16xf32, #tpu.memory_space<vmem>>
      %dma_wait3A_906 = tpu.memref_squeeze %dma_wait3A_905 : memref<1x128x16xf32, #tpu.memory_space<vmem>> -> memref<128x16xf32, #tpu.memory_space<vmem>>
      %dma_wait3A_907 = arith.constant 0 : i32
      %dma_wait3A_908 = tpu.memref_slice %arg7[%add3A_901, %dma_wait3A_907] : memref<88x128xi32, #tpu.memory_space<vmem>> -> memref<1x128xi32, #tpu.memory_space<vmem>>
      %dma_wait3A_909 = tpu.memref_squeeze %dma_wait3A_908 : memref<1x128xi32, #tpu.memory_space<vmem>> -> memref<128xi32, #tpu.memory_space<vmem>>
      %dma_wait3A_910 = arith.constant 0 : i32
      %dma_wait3A_911 = arith.constant 0 : i32
      %dma_wait3A_912 = tpu.memref_slice %arg4[%dma_wait3A_910, %dma_wait3A_911] : memref<10112x16xf32, #tpu.memory_space<hbm>> -> memref<10112x16xf32, #tpu.memory_space<hbm>>
      tpu.wait_indirect_dma semaphore(%arg11 : memref<!tpu.dma_semaphore, #tpu.memory_space<semaphore_mem>>) src(%dma_wait3A_912 : memref<10112x16xf32, #tpu.memory_space<hbm>>) dst(%dma_wait3A_906 : memref<128x16xf32, #tpu.memory_space<vmem>>)
      %dma_start3A_913 = arith.constant 7 : i32
      %dma_start3A_914 = arith.constant 0 : i32
      %dma_start3A_915 = arith.constant 0 : i32
      %dma_start3A_916 = tpu.memref_slice %arg9[%dma_start3A_913, %dma_start3A_914, %dma_start3A_915] : memref<8x128x16xf32, #tpu.memory_space<vmem>> -> memref<1x128x16xf32, #tpu.memory_space<vmem>>
      %dma_start3A_917 = tpu.memref_squeeze %dma_start3A_916 : memref<1x128x16xf32, #tpu.memory_space<vmem>> -> memref<128x16xf32, #tpu.memory_space<vmem>>
      %dma_start3A_918 = arith.constant 0 : i32
      %dma_start3A_919 = tpu.memref_slice %arg8[%add3A_901, %dma_start3A_918] : memref<88x128xi32, #tpu.memory_space<vmem>> -> memref<1x128xi32, #tpu.memory_space<vmem>>
      %dma_start3A_920 = tpu.memref_squeeze %dma_start3A_919 : memref<1x128xi32, #tpu.memory_space<vmem>> -> memref<128xi32, #tpu.memory_space<vmem>>
      %dma_start3A_921 = arith.constant 0 : i32
      %dma_start3A_922 = arith.constant 0 : i32
      %dma_start3A_923 = tpu.memref_slice %arg10[%dma_start3A_921, %dma_start3A_922] : memref<10112x16xf32, #tpu.memory_space<vmem_shared>> -> memref<10112x16xf32, #tpu.memory_space<vmem_shared>>
      tpu.enqueue_indirect_dma source(%dma_start3A_917 : memref<128x16xf32, #tpu.memory_space<vmem>>) target(%dma_start3A_923 : memref<10112x16xf32, #tpu.memory_space<vmem_shared>>) offsets(%dma_start3A_920 : memref<128xi32, #tpu.memory_space<vmem>>) semaphore(%arg12 : memref<!tpu.dma_semaphore, #tpu.memory_space<semaphore_mem>>) {add = true}
      %dma_wait3A_924 = arith.constant 3 : i32
      %dma_wait3A_925 = arith.constant 0 : i32
      %dma_wait3A_926 = arith.constant 0 : i32
      %dma_wait3A_927 = arith.constant 0 : i32
      %dma_wait3A_928 = tpu.memref_slice %arg9[%dma_wait3A_924, %dma_wait3A_926, %dma_wait3A_927] : memref<8x128x16xf32, #tpu.memory_space<vmem>> -> memref<1x128x16xf32, #tpu.memory_space<vmem>>
      %dma_wait3A_929 = tpu.memref_squeeze %dma_wait3A_928 : memref<1x128x16xf32, #tpu.memory_space<vmem>> -> memref<128x16xf32, #tpu.memory_space<vmem>>
      %dma_wait3A_930 = arith.constant 0 : i32
      %dma_wait3A_931 = tpu.memref_slice %arg8[%dma_wait3A_925, %dma_wait3A_930] : memref<88x128xi32, #tpu.memory_space<vmem>> -> memref<1x128xi32, #tpu.memory_space<vmem>>
      %dma_wait3A_932 = tpu.memref_squeeze %dma_wait3A_931 : memref<1x128xi32, #tpu.memory_space<vmem>> -> memref<128xi32, #tpu.memory_space<vmem>>
      %dma_wait3A_933 = arith.constant 0 : i32
      %dma_wait3A_934 = arith.constant 0 : i32
      %dma_wait3A_935 = tpu.memref_slice %arg10[%dma_wait3A_933, %dma_wait3A_934] : memref<10112x16xf32, #tpu.memory_space<vmem_shared>> -> memref<10112x16xf32, #tpu.memory_space<vmem_shared>>
      tpu.wait_indirect_dma semaphore(%arg12 : memref<!tpu.dma_semaphore, #tpu.memory_space<semaphore_mem>>) src(%dma_wait3A_929 : memref<128x16xf32, #tpu.memory_space<vmem>>) dst(%dma_wait3A_935 : memref<10112x16xf32, #tpu.memory_space<vmem_shared>>)
      %add3A_936 = arith.constant 4 : i32
      %add3A_937 = arith.addi %add3A_901, %add3A_936 : i32
      %sub3A_938 = arith.constant 1 : i32
      %sub3A_939 = arith.subi %select_n3A, %sub3A_938 : i32
      %min3A_940 = arith.minsi %add3A_937, %sub3A_939 : i32
      %dma_start3A_941 = arith.constant 3 : i32
      %dma_start3A_942 = arith.constant 0 : i32
      %dma_start3A_943 = arith.constant 0 : i32
      %dma_start3A_944 = tpu.memref_slice %arg9[%dma_start3A_941, %dma_start3A_942, %dma_start3A_943] : memref<8x128x16xf32, #tpu.memory_space<vmem>> -> memref<1x128x16xf32, #tpu.memory_space<vmem>>
      %dma_start3A_945 = tpu.memref_squeeze %dma_start3A_944 : memref<1x128x16xf32, #tpu.memory_space<vmem>> -> memref<128x16xf32, #tpu.memory_space<vmem>>
      %dma_start3A_946 = arith.constant 0 : i32
      %dma_start3A_947 = tpu.memref_slice %arg7[%min3A_940, %dma_start3A_946] : memref<88x128xi32, #tpu.memory_space<vmem>> -> memref<1x128xi32, #tpu.memory_space<vmem>>
      %dma_start3A_948 = tpu.memref_squeeze %dma_start3A_947 : memref<1x128xi32, #tpu.memory_space<vmem>> -> memref<128xi32, #tpu.memory_space<vmem>>
      %dma_start3A_949 = arith.constant 0 : i32
      %dma_start3A_950 = arith.constant 0 : i32
      %dma_start3A_951 = tpu.memref_slice %arg4[%dma_start3A_949, %dma_start3A_950] : memref<10112x16xf32, #tpu.memory_space<hbm>> -> memref<10112x16xf32, #tpu.memory_space<hbm>>
      tpu.enqueue_indirect_dma source(%dma_start3A_951 : memref<10112x16xf32, #tpu.memory_space<hbm>>) target(%dma_start3A_945 : memref<128x16xf32, #tpu.memory_space<vmem>>) offsets(%dma_start3A_948 : memref<128xi32, #tpu.memory_space<vmem>>) semaphore(%arg11 : memref<!tpu.dma_semaphore, #tpu.memory_space<semaphore_mem>>)
    }
    %while3A_418 = arith.constant 1 : i32
    scf.for %while3A_520 = %while3A_416 to %while3A_412 step %while3A_418  : i32 {
      %mul3A_521 = arith.constant 8 : i32
      %mul3A_522 = arith.muli %while3A_520, %mul3A_521 : i32
      %add3A_523 = arith.constant 0 : i32
      %add3A_524 = arith.addi %mul3A_522, %add3A_523 : i32
      %dma_wait3A_525 = arith.constant 0 : i32
      %dma_wait3A_526 = arith.constant 0 : i32
      %dma_wait3A_527 = arith.constant 0 : i32
      %dma_wait3A_528 = tpu.memref_slice %arg9[%dma_wait3A_525, %dma_wait3A_526, %dma_wait3A_527] : memref<8x128x16xf32, #tpu.memory_space<vmem>> -> memref<1x128x16xf32, #tpu.memory_space<vmem>>
      %dma_wait3A_529 = tpu.memref_squeeze %dma_wait3A_528 : memref<1x128x16xf32, #tpu.memory_space<vmem>> -> memref<128x16xf32, #tpu.memory_space<vmem>>
      %dma_wait3A_530 = arith.constant 0 : i32
      %dma_wait3A_531 = tpu.memref_slice %arg7[%add3A_524, %dma_wait3A_530] : memref<88x128xi32, #tpu.memory_space<vmem>> -> memref<1x128xi32, #tpu.memory_space<vmem>>
      %dma_wait3A_532 = tpu.memref_squeeze %dma_wait3A_531 : memref<1x128xi32, #tpu.memory_space<vmem>> -> memref<128xi32, #tpu.memory_space<vmem>>
      %dma_wait3A_533 = arith.constant 0 : i32
      %dma_wait3A_534 = arith.constant 0 : i32
      %dma_wait3A_535 = tpu.memref_slice %arg4[%dma_wait3A_533, %dma_wait3A_534] : memref<10112x16xf32, #tpu.memory_space<hbm>> -> memref<10112x16xf32, #tpu.memory_space<hbm>>
      tpu.wait_indirect_dma semaphore(%arg11 : memref<!tpu.dma_semaphore, #tpu.memory_space<semaphore_mem>>) src(%dma_wait3A_535 : memref<10112x16xf32, #tpu.memory_space<hbm>>) dst(%dma_wait3A_529 : memref<128x16xf32, #tpu.memory_space<vmem>>)
      %dma_start3A_536 = arith.constant 0 : i32
      %dma_start3A_537 = arith.constant 0 : i32
      %dma_start3A_538 = arith.constant 0 : i32
      %dma_start3A_539 = tpu.memref_slice %arg9[%dma_start3A_536, %dma_start3A_537, %dma_start3A_538] : memref<8x128x16xf32, #tpu.memory_space<vmem>> -> memref<1x128x16xf32, #tpu.memory_space<vmem>>
      %dma_start3A_540 = tpu.memref_squeeze %dma_start3A_539 : memref<1x128x16xf32, #tpu.memory_space<vmem>> -> memref<128x16xf32, #tpu.memory_space<vmem>>
      %dma_start3A_541 = arith.constant 0 : i32
      %dma_start3A_542 = tpu.memref_slice %arg8[%add3A_524, %dma_start3A_541] : memref<88x128xi32, #tpu.memory_space<vmem>> -> memref<1x128xi32, #tpu.memory_space<vmem>>
      %dma_start3A_543 = tpu.memref_squeeze %dma_start3A_542 : memref<1x128xi32, #tpu.memory_space<vmem>> -> memref<128xi32, #tpu.memory_space<vmem>>
      %dma_start3A_544 = arith.constant 0 : i32
      %dma_start3A_545 = arith.constant 0 : i32
      %dma_start3A_546 = tpu.memref_slice %arg10[%dma_start3A_544, %dma_start3A_545] : memref<10112x16xf32, #tpu.memory_space<vmem_shared>> -> memref<10112x16xf32, #tpu.memory_space<vmem_shared>>
      tpu.enqueue_indirect_dma source(%dma_start3A_540 : memref<128x16xf32, #tpu.memory_space<vmem>>) target(%dma_start3A_546 : memref<10112x16xf32, #tpu.memory_space<vmem_shared>>) offsets(%dma_start3A_543 : memref<128xi32, #tpu.memory_space<vmem>>) semaphore(%arg12 : memref<!tpu.dma_semaphore, #tpu.memory_space<semaphore_mem>>) {add = true}
      %dma_wait3A_547 = arith.constant 4 : i32
      %dma_wait3A_548 = arith.constant 0 : i32
      %dma_wait3A_549 = arith.constant 0 : i32
      %dma_wait3A_550 = arith.constant 0 : i32
      %dma_wait3A_551 = tpu.memref_slice %arg9[%dma_wait3A_547, %dma_wait3A_549, %dma_wait3A_550] : memref<8x128x16xf32, #tpu.memory_space<vmem>> -> memref<1x128x16xf32, #tpu.memory_space<vmem>>
      %dma_wait3A_552 = tpu.memref_squeeze %dma_wait3A_551 : memref<1x128x16xf32, #tpu.memory_space<vmem>> -> memref<128x16xf32, #tpu.memory_space<vmem>>
      %dma_wait3A_553 = arith.constant 0 : i32
      %dma_wait3A_554 = tpu.memref_slice %arg8[%dma_wait3A_548, %dma_wait3A_553] : memref<88x128xi32, #tpu.memory_space<vmem>> -> memref<1x128xi32, #tpu.memory_space<vmem>>
      %dma_wait3A_555 = tpu.memref_squeeze %dma_wait3A_554 : memref<1x128xi32, #tpu.memory_space<vmem>> -> memref<128xi32, #tpu.memory_space<vmem>>
      %dma_wait3A_556 = arith.constant 0 : i32
      %dma_wait3A_557 = arith.constant 0 : i32
      %dma_wait3A_558 = tpu.memref_slice %arg10[%dma_wait3A_556, %dma_wait3A_557] : memref<10112x16xf32, #tpu.memory_space<vmem_shared>> -> memref<10112x16xf32, #tpu.memory_space<vmem_shared>>
      tpu.wait_indirect_dma semaphore(%arg12 : memref<!tpu.dma_semaphore, #tpu.memory_space<semaphore_mem>>) src(%dma_wait3A_552 : memref<128x16xf32, #tpu.memory_space<vmem>>) dst(%dma_wait3A_558 : memref<10112x16xf32, #tpu.memory_space<vmem_shared>>)
      %add3A_559 = arith.constant 4 : i32
      %add3A_560 = arith.addi %add3A_524, %add3A_559 : i32
      %sub3A_561 = arith.constant 1 : i32
      %sub3A_562 = arith.subi %select_n3A, %sub3A_561 : i32
      %min3A = arith.minsi %add3A_560, %sub3A_562 : i32
      %dma_start3A_563 = arith.constant 4 : i32
      %dma_start3A_564 = arith.constant 0 : i32
      %dma_start3A_565 = arith.constant 0 : i32
      %dma_start3A_566 = tpu.memref_slice %arg9[%dma_start3A_563, %dma_start3A_564, %dma_start3A_565] : memref<8x128x16xf32, #tpu.memory_space<vmem>> -> memref<1x128x16xf32, #tpu.memory_space<vmem>>
      %dma_start3A_567 = tpu.memref_squeeze %dma_start3A_566 : memref<1x128x16xf32, #tpu.memory_space<vmem>> -> memref<128x16xf32, #tpu.memory_space<vmem>>
      %dma_start3A_568 = arith.constant 0 : i32
      %dma_start3A_569 = tpu.memref_slice %arg7[%min3A, %dma_start3A_568] : memref<88x128xi32, #tpu.memory_space<vmem>> -> memref<1x128xi32, #tpu.memory_space<vmem>>
      %dma_start3A_570 = tpu.memref_squeeze %dma_start3A_569 : memref<1x128xi32, #tpu.memory_space<vmem>> -> memref<128xi32, #tpu.memory_space<vmem>>
      %dma_start3A_571 = arith.constant 0 : i32
      %dma_start3A_572 = arith.constant 0 : i32
      %dma_start3A_573 = tpu.memref_slice %arg4[%dma_start3A_571, %dma_start3A_572] : memref<10112x16xf32, #tpu.memory_space<hbm>> -> memref<10112x16xf32, #tpu.memory_space<hbm>>
      tpu.enqueue_indirect_dma source(%dma_start3A_573 : memref<10112x16xf32, #tpu.memory_space<hbm>>) target(%dma_start3A_567 : memref<128x16xf32, #tpu.memory_space<vmem>>) offsets(%dma_start3A_570 : memref<128xi32, #tpu.memory_space<vmem>>) semaphore(%arg11 : memref<!tpu.dma_semaphore, #tpu.memory_space<semaphore_mem>>)
      %mul3A_574 = arith.constant 8 : i32
      %mul3A_575 = arith.muli %while3A_520, %mul3A_574 : i32
      %add3A_576 = arith.constant 1 : i32
      %add3A_577 = arith.addi %mul3A_575, %add3A_576 : i32
      %dma_wait3A_578 = arith.constant 1 : i32
      %dma_wait3A_579 = arith.constant 0 : i32
      %dma_wait3A_580 = arith.constant 0 : i32
      %dma_wait3A_581 = tpu.memref_slice %arg9[%dma_wait3A_578, %dma_wait3A_579, %dma_wait3A_580] : memref<8x128x16xf32, #tpu.memory_space<vmem>> -> memref<1x128x16xf32, #tpu.memory_space<vmem>>
      %dma_wait3A_582 = tpu.memref_squeeze %dma_wait3A_581 : memref<1x128x16xf32, #tpu.memory_space<vmem>> -> memref<128x16xf32, #tpu.memory_space<vmem>>
      %dma_wait3A_583 = arith.constant 0 : i32
      %dma_wait3A_584 = tpu.memref_slice %arg7[%add3A_577, %dma_wait3A_583] : memref<88x128xi32, #tpu.memory_space<vmem>> -> memref<1x128xi32, #tpu.memory_space<vmem>>
      %dma_wait3A_585 = tpu.memref_squeeze %dma_wait3A_584 : memref<1x128xi32, #tpu.memory_space<vmem>> -> memref<128xi32, #tpu.memory_space<vmem>>
      %dma_wait3A_586 = arith.constant 0 : i32
      %dma_wait3A_587 = arith.constant 0 : i32
      %dma_wait3A_588 = tpu.memref_slice %arg4[%dma_wait3A_586, %dma_wait3A_587] : memref<10112x16xf32, #tpu.memory_space<hbm>> -> memref<10112x16xf32, #tpu.memory_space<hbm>>
      tpu.wait_indirect_dma semaphore(%arg11 : memref<!tpu.dma_semaphore, #tpu.memory_space<semaphore_mem>>) src(%dma_wait3A_588 : memref<10112x16xf32, #tpu.memory_space<hbm>>) dst(%dma_wait3A_582 : memref<128x16xf32, #tpu.memory_space<vmem>>)
      %dma_start3A_589 = arith.constant 1 : i32
      %dma_start3A_590 = arith.constant 0 : i32
      %dma_start3A_591 = arith.constant 0 : i32
      %dma_start3A_592 = tpu.memref_slice %arg9[%dma_start3A_589, %dma_start3A_590, %dma_start3A_591] : memref<8x128x16xf32, #tpu.memory_space<vmem>> -> memref<1x128x16xf32, #tpu.memory_space<vmem>>
      %dma_start3A_593 = tpu.memref_squeeze %dma_start3A_592 : memref<1x128x16xf32, #tpu.memory_space<vmem>> -> memref<128x16xf32, #tpu.memory_space<vmem>>
      %dma_start3A_594 = arith.constant 0 : i32
      %dma_start3A_595 = tpu.memref_slice %arg8[%add3A_577, %dma_start3A_594] : memref<88x128xi32, #tpu.memory_space<vmem>> -> memref<1x128xi32, #tpu.memory_space<vmem>>
      %dma_start3A_596 = tpu.memref_squeeze %dma_start3A_595 : memref<1x128xi32, #tpu.memory_space<vmem>> -> memref<128xi32, #tpu.memory_space<vmem>>
      %dma_start3A_597 = arith.constant 0 : i32
      %dma_start3A_598 = arith.constant 0 : i32
      %dma_start3A_599 = tpu.memref_slice %arg10[%dma_start3A_597, %dma_start3A_598] : memref<10112x16xf32, #tpu.memory_space<vmem_shared>> -> memref<10112x16xf32, #tpu.memory_space<vmem_shared>>
      tpu.enqueue_indirect_dma source(%dma_start3A_593 : memref<128x16xf32, #tpu.memory_space<vmem>>) target(%dma_start3A_599 : memref<10112x16xf32, #tpu.memory_space<vmem_shared>>) offsets(%dma_start3A_596 : memref<128xi32, #tpu.memory_space<vmem>>) semaphore(%arg12 : memref<!tpu.dma_semaphore, #tpu.memory_space<semaphore_mem>>) {add = true}
      %dma_wait3A_600 = arith.constant 5 : i32
      %dma_wait3A_601 = arith.constant 0 : i32
      %dma_wait3A_602 = arith.constant 0 : i32
      %dma_wait3A_603 = arith.constant 0 : i32
      %dma_wait3A_604 = tpu.memref_slice %arg9[%dma_wait3A_600, %dma_wait3A_602, %dma_wait3A_603] : memref<8x128x16xf32, #tpu.memory_space<vmem>> -> memref<1x128x16xf32, #tpu.memory_space<vmem>>
      %dma_wait3A_605 = tpu.memref_squeeze %dma_wait3A_604 : memref<1x128x16xf32, #tpu.memory_space<vmem>> -> memref<128x16xf32, #tpu.memory_space<vmem>>
      %dma_wait3A_606 = arith.constant 0 : i32
      %dma_wait3A_607 = tpu.memref_slice %arg8[%dma_wait3A_601, %dma_wait3A_606] : memref<88x128xi32, #tpu.memory_space<vmem>> -> memref<1x128xi32, #tpu.memory_space<vmem>>
      %dma_wait3A_608 = tpu.memref_squeeze %dma_wait3A_607 : memref<1x128xi32, #tpu.memory_space<vmem>> -> memref<128xi32, #tpu.memory_space<vmem>>
      %dma_wait3A_609 = arith.constant 0 : i32
      %dma_wait3A_610 = arith.constant 0 : i32
      %dma_wait3A_611 = tpu.memref_slice %arg10[%dma_wait3A_609, %dma_wait3A_610] : memref<10112x16xf32, #tpu.memory_space<vmem_shared>> -> memref<10112x16xf32, #tpu.memory_space<vmem_shared>>
      tpu.wait_indirect_dma semaphore(%arg12 : memref<!tpu.dma_semaphore, #tpu.memory_space<semaphore_mem>>) src(%dma_wait3A_605 : memref<128x16xf32, #tpu.memory_space<vmem>>) dst(%dma_wait3A_611 : memref<10112x16xf32, #tpu.memory_space<vmem_shared>>)
      %add3A_612 = arith.constant 4 : i32
      %add3A_613 = arith.addi %add3A_577, %add3A_612 : i32
      %sub3A_614 = arith.constant 1 : i32
      %sub3A_615 = arith.subi %select_n3A, %sub3A_614 : i32
      %min3A_616 = arith.minsi %add3A_613, %sub3A_615 : i32
      %dma_start3A_617 = arith.constant 5 : i32
      %dma_start3A_618 = arith.constant 0 : i32
      %dma_start3A_619 = arith.constant 0 : i32
      %dma_start3A_620 = tpu.memref_slice %arg9[%dma_start3A_617, %dma_start3A_618, %dma_start3A_619] : memref<8x128x16xf32, #tpu.memory_space<vmem>> -> memref<1x128x16xf32, #tpu.memory_space<vmem>>
      %dma_start3A_621 = tpu.memref_squeeze %dma_start3A_620 : memref<1x128x16xf32, #tpu.memory_space<vmem>> -> memref<128x16xf32, #tpu.memory_space<vmem>>
      %dma_start3A_622 = arith.constant 0 : i32
      %dma_start3A_623 = tpu.memref_slice %arg7[%min3A_616, %dma_start3A_622] : memref<88x128xi32, #tpu.memory_space<vmem>> -> memref<1x128xi32, #tpu.memory_space<vmem>>
      %dma_start3A_624 = tpu.memref_squeeze %dma_start3A_623 : memref<1x128xi32, #tpu.memory_space<vmem>> -> memref<128xi32, #tpu.memory_space<vmem>>
      %dma_start3A_625 = arith.constant 0 : i32
      %dma_start3A_626 = arith.constant 0 : i32
      %dma_start3A_627 = tpu.memref_slice %arg4[%dma_start3A_625, %dma_start3A_626] : memref<10112x16xf32, #tpu.memory_space<hbm>> -> memref<10112x16xf32, #tpu.memory_space<hbm>>
      tpu.enqueue_indirect_dma source(%dma_start3A_627 : memref<10112x16xf32, #tpu.memory_space<hbm>>) target(%dma_start3A_621 : memref<128x16xf32, #tpu.memory_space<vmem>>) offsets(%dma_start3A_624 : memref<128xi32, #tpu.memory_space<vmem>>) semaphore(%arg11 : memref<!tpu.dma_semaphore, #tpu.memory_space<semaphore_mem>>)
      %mul3A_628 = arith.constant 8 : i32
      %mul3A_629 = arith.muli %while3A_520, %mul3A_628 : i32
      %add3A_630 = arith.constant 2 : i32
      %add3A_631 = arith.addi %mul3A_629, %add3A_630 : i32
      %dma_wait3A_632 = arith.constant 2 : i32
      %dma_wait3A_633 = arith.constant 0 : i32
      %dma_wait3A_634 = arith.constant 0 : i32
      %dma_wait3A_635 = tpu.memref_slice %arg9[%dma_wait3A_632, %dma_wait3A_633, %dma_wait3A_634] : memref<8x128x16xf32, #tpu.memory_space<vmem>> -> memref<1x128x16xf32, #tpu.memory_space<vmem>>
      %dma_wait3A_636 = tpu.memref_squeeze %dma_wait3A_635 : memref<1x128x16xf32, #tpu.memory_space<vmem>> -> memref<128x16xf32, #tpu.memory_space<vmem>>
      %dma_wait3A_637 = arith.constant 0 : i32
      %dma_wait3A_638 = tpu.memref_slice %arg7[%add3A_631, %dma_wait3A_637] : memref<88x128xi32, #tpu.memory_space<vmem>> -> memref<1x128xi32, #tpu.memory_space<vmem>>
      %dma_wait3A_639 = tpu.memref_squeeze %dma_wait3A_638 : memref<1x128xi32, #tpu.memory_space<vmem>> -> memref<128xi32, #tpu.memory_space<vmem>>
      %dma_wait3A_640 = arith.constant 0 : i32
      %dma_wait3A_641 = arith.constant 0 : i32
      %dma_wait3A_642 = tpu.memref_slice %arg4[%dma_wait3A_640, %dma_wait3A_641] : memref<10112x16xf32, #tpu.memory_space<hbm>> -> memref<10112x16xf32, #tpu.memory_space<hbm>>
      tpu.wait_indirect_dma semaphore(%arg11 : memref<!tpu.dma_semaphore, #tpu.memory_space<semaphore_mem>>) src(%dma_wait3A_642 : memref<10112x16xf32, #tpu.memory_space<hbm>>) dst(%dma_wait3A_636 : memref<128x16xf32, #tpu.memory_space<vmem>>)
      %dma_start3A_643 = arith.constant 2 : i32
      %dma_start3A_644 = arith.constant 0 : i32
      %dma_start3A_645 = arith.constant 0 : i32
      %dma_start3A_646 = tpu.memref_slice %arg9[%dma_start3A_643, %dma_start3A_644, %dma_start3A_645] : memref<8x128x16xf32, #tpu.memory_space<vmem>> -> memref<1x128x16xf32, #tpu.memory_space<vmem>>
      %dma_start3A_647 = tpu.memref_squeeze %dma_start3A_646 : memref<1x128x16xf32, #tpu.memory_space<vmem>> -> memref<128x16xf32, #tpu.memory_space<vmem>>
      %dma_start3A_648 = arith.constant 0 : i32
      %dma_start3A_649 = tpu.memref_slice %arg8[%add3A_631, %dma_start3A_648] : memref<88x128xi32, #tpu.memory_space<vmem>> -> memref<1x128xi32, #tpu.memory_space<vmem>>
      %dma_start3A_650 = tpu.memref_squeeze %dma_start3A_649 : memref<1x128xi32, #tpu.memory_space<vmem>> -> memref<128xi32, #tpu.memory_space<vmem>>
      %dma_start3A_651 = arith.constant 0 : i32
      %dma_start3A_652 = arith.constant 0 : i32
      %dma_start3A_653 = tpu.memref_slice %arg10[%dma_start3A_651, %dma_start3A_652] : memref<10112x16xf32, #tpu.memory_space<vmem_shared>> -> memref<10112x16xf32, #tpu.memory_space<vmem_shared>>
      tpu.enqueue_indirect_dma source(%dma_start3A_647 : memref<128x16xf32, #tpu.memory_space<vmem>>) target(%dma_start3A_653 : memref<10112x16xf32, #tpu.memory_space<vmem_shared>>) offsets(%dma_start3A_650 : memref<128xi32, #tpu.memory_space<vmem>>) semaphore(%arg12 : memref<!tpu.dma_semaphore, #tpu.memory_space<semaphore_mem>>) {add = true}
      %dma_wait3A_654 = arith.constant 6 : i32
      %dma_wait3A_655 = arith.constant 0 : i32
      %dma_wait3A_656 = arith.constant 0 : i32
      %dma_wait3A_657 = arith.constant 0 : i32
      %dma_wait3A_658 = tpu.memref_slice %arg9[%dma_wait3A_654, %dma_wait3A_656, %dma_wait3A_657] : memref<8x128x16xf32, #tpu.memory_space<vmem>> -> memref<1x128x16xf32, #tpu.memory_space<vmem>>
      %dma_wait3A_659 = tpu.memref_squeeze %dma_wait3A_658 : memref<1x128x16xf32, #tpu.memory_space<vmem>> -> memref<128x16xf32, #tpu.memory_space<vmem>>
      %dma_wait3A_660 = arith.constant 0 : i32
      %dma_wait3A_661 = tpu.memref_slice %arg8[%dma_wait3A_655, %dma_wait3A_660] : memref<88x128xi32, #tpu.memory_space<vmem>> -> memref<1x128xi32, #tpu.memory_space<vmem>>
      %dma_wait3A_662 = tpu.memref_squeeze %dma_wait3A_661 : memref<1x128xi32, #tpu.memory_space<vmem>> -> memref<128xi32, #tpu.memory_space<vmem>>
      %dma_wait3A_663 = arith.constant 0 : i32
      %dma_wait3A_664 = arith.constant 0 : i32
      %dma_wait3A_665 = tpu.memref_slice %arg10[%dma_wait3A_663, %dma_wait3A_664] : memref<10112x16xf32, #tpu.memory_space<vmem_shared>> -> memref<10112x16xf32, #tpu.memory_space<vmem_shared>>
      tpu.wait_indirect_dma semaphore(%arg12 : memref<!tpu.dma_semaphore, #tpu.memory_space<semaphore_mem>>) src(%dma_wait3A_659 : memref<128x16xf32, #tpu.memory_space<vmem>>) dst(%dma_wait3A_665 : memref<10112x16xf32, #tpu.memory_space<vmem_shared>>)
      %add3A_666 = arith.constant 4 : i32
      %add3A_667 = arith.addi %add3A_631, %add3A_666 : i32
      %sub3A_668 = arith.constant 1 : i32
      %sub3A_669 = arith.subi %select_n3A, %sub3A_668 : i32
      %min3A_670 = arith.minsi %add3A_667, %sub3A_669 : i32
      %dma_start3A_671 = arith.constant 6 : i32
      %dma_start3A_672 = arith.constant 0 : i32
      %dma_start3A_673 = arith.constant 0 : i32
      %dma_start3A_674 = tpu.memref_slice %arg9[%dma_start3A_671, %dma_start3A_672, %dma_start3A_673] : memref<8x128x16xf32, #tpu.memory_space<vmem>> -> memref<1x128x16xf32, #tpu.memory_space<vmem>>
      %dma_start3A_675 = tpu.memref_squeeze %dma_start3A_674 : memref<1x128x16xf32, #tpu.memory_space<vmem>> -> memref<128x16xf32, #tpu.memory_space<vmem>>
      %dma_start3A_676 = arith.constant 0 : i32
      %dma_start3A_677 = tpu.memref_slice %arg7[%min3A_670, %dma_start3A_676] : memref<88x128xi32, #tpu.memory_space<vmem>> -> memref<1x128xi32, #tpu.memory_space<vmem>>
      %dma_start3A_678 = tpu.memref_squeeze %dma_start3A_677 : memref<1x128xi32, #tpu.memory_space<vmem>> -> memref<128xi32, #tpu.memory_space<vmem>>
      %dma_start3A_679 = arith.constant 0 : i32
      %dma_start3A_680 = arith.constant 0 : i32
      %dma_start3A_681 = tpu.memref_slice %arg4[%dma_start3A_679, %dma_start3A_680] : memref<10112x16xf32, #tpu.memory_space<hbm>> -> memref<10112x16xf32, #tpu.memory_space<hbm>>
      tpu.enqueue_indirect_dma source(%dma_start3A_681 : memref<10112x16xf32, #tpu.memory_space<hbm>>) target(%dma_start3A_675 : memref<128x16xf32, #tpu.memory_space<vmem>>) offsets(%dma_start3A_678 : memref<128xi32, #tpu.memory_space<vmem>>) semaphore(%arg11 : memref<!tpu.dma_semaphore, #tpu.memory_space<semaphore_mem>>)
      %mul3A_682 = arith.constant 8 : i32
      %mul3A_683 = arith.muli %while3A_520, %mul3A_682 : i32
      %add3A_684 = arith.constant 3 : i32
      %add3A_685 = arith.addi %mul3A_683, %add3A_684 : i32
      %dma_wait3A_686 = arith.constant 3 : i32
      %dma_wait3A_687 = arith.constant 0 : i32
      %dma_wait3A_688 = arith.constant 0 : i32
      %dma_wait3A_689 = tpu.memref_slice %arg9[%dma_wait3A_686, %dma_wait3A_687, %dma_wait3A_688] : memref<8x128x16xf32, #tpu.memory_space<vmem>> -> memref<1x128x16xf32, #tpu.memory_space<vmem>>
      %dma_wait3A_690 = tpu.memref_squeeze %dma_wait3A_689 : memref<1x128x16xf32, #tpu.memory_space<vmem>> -> memref<128x16xf32, #tpu.memory_space<vmem>>
      %dma_wait3A_691 = arith.constant 0 : i32
      %dma_wait3A_692 = tpu.memref_slice %arg7[%add3A_685, %dma_wait3A_691] : memref<88x128xi32, #tpu.memory_space<vmem>> -> memref<1x128xi32, #tpu.memory_space<vmem>>
      %dma_wait3A_693 = tpu.memref_squeeze %dma_wait3A_692 : memref<1x128xi32, #tpu.memory_space<vmem>> -> memref<128xi32, #tpu.memory_space<vmem>>
      %dma_wait3A_694 = arith.constant 0 : i32
      %dma_wait3A_695 = arith.constant 0 : i32
      %dma_wait3A_696 = tpu.memref_slice %arg4[%dma_wait3A_694, %dma_wait3A_695] : memref<10112x16xf32, #tpu.memory_space<hbm>> -> memref<10112x16xf32, #tpu.memory_space<hbm>>
      tpu.wait_indirect_dma semaphore(%arg11 : memref<!tpu.dma_semaphore, #tpu.memory_space<semaphore_mem>>) src(%dma_wait3A_696 : memref<10112x16xf32, #tpu.memory_space<hbm>>) dst(%dma_wait3A_690 : memref<128x16xf32, #tpu.memory_space<vmem>>)
      %dma_start3A_697 = arith.constant 3 : i32
      %dma_start3A_698 = arith.constant 0 : i32
      %dma_start3A_699 = arith.constant 0 : i32
      %dma_start3A_700 = tpu.memref_slice %arg9[%dma_start3A_697, %dma_start3A_698, %dma_start3A_699] : memref<8x128x16xf32, #tpu.memory_space<vmem>> -> memref<1x128x16xf32, #tpu.memory_space<vmem>>
      %dma_start3A_701 = tpu.memref_squeeze %dma_start3A_700 : memref<1x128x16xf32, #tpu.memory_space<vmem>> -> memref<128x16xf32, #tpu.memory_space<vmem>>
      %dma_start3A_702 = arith.constant 0 : i32
      %dma_start3A_703 = tpu.memref_slice %arg8[%add3A_685, %dma_start3A_702] : memref<88x128xi32, #tpu.memory_space<vmem>> -> memref<1x128xi32, #tpu.memory_space<vmem>>
      %dma_start3A_704 = tpu.memref_squeeze %dma_start3A_703 : memref<1x128xi32, #tpu.memory_space<vmem>> -> memref<128xi32, #tpu.memory_space<vmem>>
      %dma_start3A_705 = arith.constant 0 : i32
      %dma_start3A_706 = arith.constant 0 : i32
      %dma_start3A_707 = tpu.memref_slice %arg10[%dma_start3A_705, %dma_start3A_706] : memref<10112x16xf32, #tpu.memory_space<vmem_shared>> -> memref<10112x16xf32, #tpu.memory_space<vmem_shared>>
      tpu.enqueue_indirect_dma source(%dma_start3A_701 : memref<128x16xf32, #tpu.memory_space<vmem>>) target(%dma_start3A_707 : memref<10112x16xf32, #tpu.memory_space<vmem_shared>>) offsets(%dma_start3A_704 : memref<128xi32, #tpu.memory_space<vmem>>) semaphore(%arg12 : memref<!tpu.dma_semaphore, #tpu.memory_space<semaphore_mem>>) {add = true}
      %dma_wait3A_708 = arith.constant 7 : i32
      %dma_wait3A_709 = arith.constant 0 : i32
      %dma_wait3A_710 = arith.constant 0 : i32
      %dma_wait3A_711 = arith.constant 0 : i32
      %dma_wait3A_712 = tpu.memref_slice %arg9[%dma_wait3A_708, %dma_wait3A_710, %dma_wait3A_711] : memref<8x128x16xf32, #tpu.memory_space<vmem>> -> memref<1x128x16xf32, #tpu.memory_space<vmem>>
      %dma_wait3A_713 = tpu.memref_squeeze %dma_wait3A_712 : memref<1x128x16xf32, #tpu.memory_space<vmem>> -> memref<128x16xf32, #tpu.memory_space<vmem>>
      %dma_wait3A_714 = arith.constant 0 : i32
      %dma_wait3A_715 = tpu.memref_slice %arg8[%dma_wait3A_709, %dma_wait3A_714] : memref<88x128xi32, #tpu.memory_space<vmem>> -> memref<1x128xi32, #tpu.memory_space<vmem>>
      %dma_wait3A_716 = tpu.memref_squeeze %dma_wait3A_715 : memref<1x128xi32, #tpu.memory_space<vmem>> -> memref<128xi32, #tpu.memory_space<vmem>>
      %dma_wait3A_717 = arith.constant 0 : i32
      %dma_wait3A_718 = arith.constant 0 : i32
      %dma_wait3A_719 = tpu.memref_slice %arg10[%dma_wait3A_717, %dma_wait3A_718] : memref<10112x16xf32, #tpu.memory_space<vmem_shared>> -> memref<10112x16xf32, #tpu.memory_space<vmem_shared>>
      tpu.wait_indirect_dma semaphore(%arg12 : memref<!tpu.dma_semaphore, #tpu.memory_space<semaphore_mem>>) src(%dma_wait3A_713 : memref<128x16xf32, #tpu.memory_space<vmem>>) dst(%dma_wait3A_719 : memref<10112x16xf32, #tpu.memory_space<vmem_shared>>)
      %add3A_720 = arith.constant 4 : i32
      %add3A_721 = arith.addi %add3A_685, %add3A_720 : i32
      %sub3A_722 = arith.constant 1 : i32
      %sub3A_723 = arith.subi %select_n3A, %sub3A_722 : i32
      %min3A_724 = arith.minsi %add3A_721, %sub3A_723 : i32
      %dma_start3A_725 = arith.constant 7 : i32
      %dma_start3A_726 = arith.constant 0 : i32
      %dma_start3A_727 = arith.constant 0 : i32
      %dma_start3A_728 = tpu.memref_slice %arg9[%dma_start3A_725, %dma_start3A_726, %dma_start3A_727] : memref<8x128x16xf32, #tpu.memory_space<vmem>> -> memref<1x128x16xf32, #tpu.memory_space<vmem>>
      %dma_start3A_729 = tpu.memref_squeeze %dma_start3A_728 : memref<1x128x16xf32, #tpu.memory_space<vmem>> -> memref<128x16xf32, #tpu.memory_space<vmem>>
      %dma_start3A_730 = arith.constant 0 : i32
      %dma_start3A_731 = tpu.memref_slice %arg7[%min3A_724, %dma_start3A_730] : memref<88x128xi32, #tpu.memory_space<vmem>> -> memref<1x128xi32, #tpu.memory_space<vmem>>
      %dma_start3A_732 = tpu.memref_squeeze %dma_start3A_731 : memref<1x128xi32, #tpu.memory_space<vmem>> -> memref<128xi32, #tpu.memory_space<vmem>>
      %dma_start3A_733 = arith.constant 0 : i32
      %dma_start3A_734 = arith.constant 0 : i32
      %dma_start3A_735 = tpu.memref_slice %arg4[%dma_start3A_733, %dma_start3A_734] : memref<10112x16xf32, #tpu.memory_space<hbm>> -> memref<10112x16xf32, #tpu.memory_space<hbm>>
      tpu.enqueue_indirect_dma source(%dma_start3A_735 : memref<10112x16xf32, #tpu.memory_space<hbm>>) target(%dma_start3A_729 : memref<128x16xf32, #tpu.memory_space<vmem>>) offsets(%dma_start3A_732 : memref<128xi32, #tpu.memory_space<vmem>>) semaphore(%arg11 : memref<!tpu.dma_semaphore, #tpu.memory_space<semaphore_mem>>)
      %mul3A_736 = arith.constant 8 : i32
      %mul3A_737 = arith.muli %while3A_520, %mul3A_736 : i32
      %add3A_738 = arith.constant 4 : i32
      %add3A_739 = arith.addi %mul3A_737, %add3A_738 : i32
      %dma_wait3A_740 = arith.constant 4 : i32
      %dma_wait3A_741 = arith.constant 0 : i32
      %dma_wait3A_742 = arith.constant 0 : i32
      %dma_wait3A_743 = tpu.memref_slice %arg9[%dma_wait3A_740, %dma_wait3A_741, %dma_wait3A_742] : memref<8x128x16xf32, #tpu.memory_space<vmem>> -> memref<1x128x16xf32, #tpu.memory_space<vmem>>
      %dma_wait3A_744 = tpu.memref_squeeze %dma_wait3A_743 : memref<1x128x16xf32, #tpu.memory_space<vmem>> -> memref<128x16xf32, #tpu.memory_space<vmem>>
      %dma_wait3A_745 = arith.constant 0 : i32
      %dma_wait3A_746 = tpu.memref_slice %arg7[%add3A_739, %dma_wait3A_745] : memref<88x128xi32, #tpu.memory_space<vmem>> -> memref<1x128xi32, #tpu.memory_space<vmem>>
      %dma_wait3A_747 = tpu.memref_squeeze %dma_wait3A_746 : memref<1x128xi32, #tpu.memory_space<vmem>> -> memref<128xi32, #tpu.memory_space<vmem>>
      %dma_wait3A_748 = arith.constant 0 : i32
      %dma_wait3A_749 = arith.constant 0 : i32
      %dma_wait3A_750 = tpu.memref_slice %arg4[%dma_wait3A_748, %dma_wait3A_749] : memref<10112x16xf32, #tpu.memory_space<hbm>> -> memref<10112x16xf32, #tpu.memory_space<hbm>>
      tpu.wait_indirect_dma semaphore(%arg11 : memref<!tpu.dma_semaphore, #tpu.memory_space<semaphore_mem>>) src(%dma_wait3A_750 : memref<10112x16xf32, #tpu.memory_space<hbm>>) dst(%dma_wait3A_744 : memref<128x16xf32, #tpu.memory_space<vmem>>)
      %dma_start3A_751 = arith.constant 4 : i32
      %dma_start3A_752 = arith.constant 0 : i32
      %dma_start3A_753 = arith.constant 0 : i32
      %dma_start3A_754 = tpu.memref_slice %arg9[%dma_start3A_751, %dma_start3A_752, %dma_start3A_753] : memref<8x128x16xf32, #tpu.memory_space<vmem>> -> memref<1x128x16xf32, #tpu.memory_space<vmem>>
      %dma_start3A_755 = tpu.memref_squeeze %dma_start3A_754 : memref<1x128x16xf32, #tpu.memory_space<vmem>> -> memref<128x16xf32, #tpu.memory_space<vmem>>
      %dma_start3A_756 = arith.constant 0 : i32
      %dma_start3A_757 = tpu.memref_slice %arg8[%add3A_739, %dma_start3A_756] : memref<88x128xi32, #tpu.memory_space<vmem>> -> memref<1x128xi32, #tpu.memory_space<vmem>>
      %dma_start3A_758 = tpu.memref_squeeze %dma_start3A_757 : memref<1x128xi32, #tpu.memory_space<vmem>> -> memref<128xi32, #tpu.memory_space<vmem>>
      %dma_start3A_759 = arith.constant 0 : i32
      %dma_start3A_760 = arith.constant 0 : i32
      %dma_start3A_761 = tpu.memref_slice %arg10[%dma_start3A_759, %dma_start3A_760] : memref<10112x16xf32, #tpu.memory_space<vmem_shared>> -> memref<10112x16xf32, #tpu.memory_space<vmem_shared>>
      tpu.enqueue_indirect_dma source(%dma_start3A_755 : memref<128x16xf32, #tpu.memory_space<vmem>>) target(%dma_start3A_761 : memref<10112x16xf32, #tpu.memory_space<vmem_shared>>) offsets(%dma_start3A_758 : memref<128xi32, #tpu.memory_space<vmem>>) semaphore(%arg12 : memref<!tpu.dma_semaphore, #tpu.memory_space<semaphore_mem>>) {add = true}
      %dma_wait3A_762 = arith.constant 0 : i32
      %dma_wait3A_763 = arith.constant 0 : i32
      %dma_wait3A_764 = arith.constant 0 : i32
      %dma_wait3A_765 = arith.constant 0 : i32
      %dma_wait3A_766 = tpu.memref_slice %arg9[%dma_wait3A_762, %dma_wait3A_764, %dma_wait3A_765] : memref<8x128x16xf32, #tpu.memory_space<vmem>> -> memref<1x128x16xf32, #tpu.memory_space<vmem>>
      %dma_wait3A_767 = tpu.memref_squeeze %dma_wait3A_766 : memref<1x128x16xf32, #tpu.memory_space<vmem>> -> memref<128x16xf32, #tpu.memory_space<vmem>>
      %dma_wait3A_768 = arith.constant 0 : i32
      %dma_wait3A_769 = tpu.memref_slice %arg8[%dma_wait3A_763, %dma_wait3A_768] : memref<88x128xi32, #tpu.memory_space<vmem>> -> memref<1x128xi32, #tpu.memory_space<vmem>>
      %dma_wait3A_770 = tpu.memref_squeeze %dma_wait3A_769 : memref<1x128xi32, #tpu.memory_space<vmem>> -> memref<128xi32, #tpu.memory_space<vmem>>
      %dma_wait3A_771 = arith.constant 0 : i32
      %dma_wait3A_772 = arith.constant 0 : i32
      %dma_wait3A_773 = tpu.memref_slice %arg10[%dma_wait3A_771, %dma_wait3A_772] : memref<10112x16xf32, #tpu.memory_space<vmem_shared>> -> memref<10112x16xf32, #tpu.memory_space<vmem_shared>>
      tpu.wait_indirect_dma semaphore(%arg12 : memref<!tpu.dma_semaphore, #tpu.memory_space<semaphore_mem>>) src(%dma_wait3A_767 : memref<128x16xf32, #tpu.memory_space<vmem>>) dst(%dma_wait3A_773 : memref<10112x16xf32, #tpu.memory_space<vmem_shared>>)
      %add3A_774 = arith.constant 4 : i32
      %add3A_775 = arith.addi %add3A_739, %add3A_774 : i32
      %sub3A_776 = arith.constant 1 : i32
      %sub3A_777 = arith.subi %select_n3A, %sub3A_776 : i32
      %min3A_778 = arith.minsi %add3A_775, %sub3A_777 : i32
      %dma_start3A_779 = arith.constant 0 : i32
      %dma_start3A_780 = arith.constant 0 : i32
      %dma_start3A_781 = arith.constant 0 : i32
      %dma_start3A_782 = tpu.memref_slice %arg9[%dma_start3A_779, %dma_start3A_780, %dma_start3A_781] : memref<8x128x16xf32, #tpu.memory_space<vmem>> -> memref<1x128x16xf32, #tpu.memory_space<vmem>>
      %dma_start3A_783 = tpu.memref_squeeze %dma_start3A_782 : memref<1x128x16xf32, #tpu.memory_space<vmem>> -> memref<128x16xf32, #tpu.memory_space<vmem>>
      %dma_start3A_784 = arith.constant 0 : i32
      %dma_start3A_785 = tpu.memref_slice %arg7[%min3A_778, %dma_start3A_784] : memref<88x128xi32, #tpu.memory_space<vmem>> -> memref<1x128xi32, #tpu.memory_space<vmem>>
      %dma_start3A_786 = tpu.memref_squeeze %dma_start3A_785 : memref<1x128xi32, #tpu.memory_space<vmem>> -> memref<128xi32, #tpu.memory_space<vmem>>
      %dma_start3A_787 = arith.constant 0 : i32
      %dma_start3A_788 = arith.constant 0 : i32
      %dma_start3A_789 = tpu.memref_slice %arg4[%dma_start3A_787, %dma_start3A_788] : memref<10112x16xf32, #tpu.memory_space<hbm>> -> memref<10112x16xf32, #tpu.memory_space<hbm>>
      tpu.enqueue_indirect_dma source(%dma_start3A_789 : memref<10112x16xf32, #tpu.memory_space<hbm>>) target(%dma_start3A_783 : memref<128x16xf32, #tpu.memory_space<vmem>>) offsets(%dma_start3A_786 : memref<128xi32, #tpu.memory_space<vmem>>) semaphore(%arg11 : memref<!tpu.dma_semaphore, #tpu.memory_space<semaphore_mem>>)
      %mul3A_790 = arith.constant 8 : i32
      %mul3A_791 = arith.muli %while3A_520, %mul3A_790 : i32
      %add3A_792 = arith.constant 5 : i32
      %add3A_793 = arith.addi %mul3A_791, %add3A_792 : i32
      %dma_wait3A_794 = arith.constant 5 : i32
      %dma_wait3A_795 = arith.constant 0 : i32
      %dma_wait3A_796 = arith.constant 0 : i32
      %dma_wait3A_797 = tpu.memref_slice %arg9[%dma_wait3A_794, %dma_wait3A_795, %dma_wait3A_796] : memref<8x128x16xf32, #tpu.memory_space<vmem>> -> memref<1x128x16xf32, #tpu.memory_space<vmem>>
      %dma_wait3A_798 = tpu.memref_squeeze %dma_wait3A_797 : memref<1x128x16xf32, #tpu.memory_space<vmem>> -> memref<128x16xf32, #tpu.memory_space<vmem>>
      %dma_wait3A_799 = arith.constant 0 : i32
      %dma_wait3A_800 = tpu.memref_slice %arg7[%add3A_793, %dma_wait3A_799] : memref<88x128xi32, #tpu.memory_space<vmem>> -> memref<1x128xi32, #tpu.memory_space<vmem>>
      %dma_wait3A_801 = tpu.memref_squeeze %dma_wait3A_800 : memref<1x128xi32, #tpu.memory_space<vmem>> -> memref<128xi32, #tpu.memory_space<vmem>>
      %dma_wait3A_802 = arith.constant 0 : i32
      %dma_wait3A_803 = arith.constant 0 : i32
      %dma_wait3A_804 = tpu.memref_slice %arg4[%dma_wait3A_802, %dma_wait3A_803] : memref<10112x16xf32, #tpu.memory_space<hbm>> -> memref<10112x16xf32, #tpu.memory_space<hbm>>
      tpu.wait_indirect_dma semaphore(%arg11 : memref<!tpu.dma_semaphore, #tpu.memory_space<semaphore_mem>>) src(%dma_wait3A_804 : memref<10112x16xf32, #tpu.memory_space<hbm>>) dst(%dma_wait3A_798 : memref<128x16xf32, #tpu.memory_space<vmem>>)
      %dma_start3A_805 = arith.constant 5 : i32
      %dma_start3A_806 = arith.constant 0 : i32
      %dma_start3A_807 = arith.constant 0 : i32
      %dma_start3A_808 = tpu.memref_slice %arg9[%dma_start3A_805, %dma_start3A_806, %dma_start3A_807] : memref<8x128x16xf32, #tpu.memory_space<vmem>> -> memref<1x128x16xf32, #tpu.memory_space<vmem>>
      %dma_start3A_809 = tpu.memref_squeeze %dma_start3A_808 : memref<1x128x16xf32, #tpu.memory_space<vmem>> -> memref<128x16xf32, #tpu.memory_space<vmem>>
      %dma_start3A_810 = arith.constant 0 : i32
      %dma_start3A_811 = tpu.memref_slice %arg8[%add3A_793, %dma_start3A_810] : memref<88x128xi32, #tpu.memory_space<vmem>> -> memref<1x128xi32, #tpu.memory_space<vmem>>
      %dma_start3A_812 = tpu.memref_squeeze %dma_start3A_811 : memref<1x128xi32, #tpu.memory_space<vmem>> -> memref<128xi32, #tpu.memory_space<vmem>>
      %dma_start3A_813 = arith.constant 0 : i32
      %dma_start3A_814 = arith.constant 0 : i32
      %dma_start3A_815 = tpu.memref_slice %arg10[%dma_start3A_813, %dma_start3A_814] : memref<10112x16xf32, #tpu.memory_space<vmem_shared>> -> memref<10112x16xf32, #tpu.memory_space<vmem_shared>>
      tpu.enqueue_indirect_dma source(%dma_start3A_809 : memref<128x16xf32, #tpu.memory_space<vmem>>) target(%dma_start3A_815 : memref<10112x16xf32, #tpu.memory_space<vmem_shared>>) offsets(%dma_start3A_812 : memref<128xi32, #tpu.memory_space<vmem>>) semaphore(%arg12 : memref<!tpu.dma_semaphore, #tpu.memory_space<semaphore_mem>>) {add = true}
      %dma_wait3A_816 = arith.constant 1 : i32
      %dma_wait3A_817 = arith.constant 0 : i32
      %dma_wait3A_818 = arith.constant 0 : i32
      %dma_wait3A_819 = arith.constant 0 : i32
      %dma_wait3A_820 = tpu.memref_slice %arg9[%dma_wait3A_816, %dma_wait3A_818, %dma_wait3A_819] : memref<8x128x16xf32, #tpu.memory_space<vmem>> -> memref<1x128x16xf32, #tpu.memory_space<vmem>>
      %dma_wait3A_821 = tpu.memref_squeeze %dma_wait3A_820 : memref<1x128x16xf32, #tpu.memory_space<vmem>> -> memref<128x16xf32, #tpu.memory_space<vmem>>
      %dma_wait3A_822 = arith.constant 0 : i32
      %dma_wait3A_823 = tpu.memref_slice %arg8[%dma_wait3A_817, %dma_wait3A_822] : memref<88x128xi32, #tpu.memory_space<vmem>> -> memref<1x128xi32, #tpu.memory_space<vmem>>
      %dma_wait3A_824 = tpu.memref_squeeze %dma_wait3A_823 : memref<1x128xi32, #tpu.memory_space<vmem>> -> memref<128xi32, #tpu.memory_space<vmem>>
      %dma_wait3A_825 = arith.constant 0 : i32
      %dma_wait3A_826 = arith.constant 0 : i32
      %dma_wait3A_827 = tpu.memref_slice %arg10[%dma_wait3A_825, %dma_wait3A_826] : memref<10112x16xf32, #tpu.memory_space<vmem_shared>> -> memref<10112x16xf32, #tpu.memory_space<vmem_shared>>
      tpu.wait_indirect_dma semaphore(%arg12 : memref<!tpu.dma_semaphore, #tpu.memory_space<semaphore_mem>>) src(%dma_wait3A_821 : memref<128x16xf32, #tpu.memory_space<vmem>>) dst(%dma_wait3A_827 : memref<10112x16xf32, #tpu.memory_space<vmem_shared>>)
      %add3A_828 = arith.constant 4 : i32
      %add3A_829 = arith.addi %add3A_793, %add3A_828 : i32
      %sub3A_830 = arith.constant 1 : i32
      %sub3A_831 = arith.subi %select_n3A, %sub3A_830 : i32
      %min3A_832 = arith.minsi %add3A_829, %sub3A_831 : i32
      %dma_start3A_833 = arith.constant 1 : i32
      %dma_start3A_834 = arith.constant 0 : i32
      %dma_start3A_835 = arith.constant 0 : i32
      %dma_start3A_836 = tpu.memref_slice %arg9[%dma_start3A_833, %dma_start3A_834, %dma_start3A_835] : memref<8x128x16xf32, #tpu.memory_space<vmem>> -> memref<1x128x16xf32, #tpu.memory_space<vmem>>
      %dma_start3A_837 = tpu.memref_squeeze %dma_start3A_836 : memref<1x128x16xf32, #tpu.memory_space<vmem>> -> memref<128x16xf32, #tpu.memory_space<vmem>>
      %dma_start3A_838 = arith.constant 0 : i32
      %dma_start3A_839 = tpu.memref_slice %arg7[%min3A_832, %dma_start3A_838] : memref<88x128xi32, #tpu.memory_space<vmem>> -> memref<1x128xi32, #tpu.memory_space<vmem>>
      %dma_start3A_840 = tpu.memref_squeeze %dma_start3A_839 : memref<1x128xi32, #tpu.memory_space<vmem>> -> memref<128xi32, #tpu.memory_space<vmem>>
      %dma_start3A_841 = arith.constant 0 : i32
      %dma_start3A_842 = arith.constant 0 : i32
      %dma_start3A_843 = tpu.memref_slice %arg4[%dma_start3A_841, %dma_start3A_842] : memref<10112x16xf32, #tpu.memory_space<hbm>> -> memref<10112x16xf32, #tpu.memory_space<hbm>>
      tpu.enqueue_indirect_dma source(%dma_start3A_843 : memref<10112x16xf32, #tpu.memory_space<hbm>>) target(%dma_start3A_837 : memref<128x16xf32, #tpu.memory_space<vmem>>) offsets(%dma_start3A_840 : memref<128xi32, #tpu.memory_space<vmem>>) semaphore(%arg11 : memref<!tpu.dma_semaphore, #tpu.memory_space<semaphore_mem>>)
      %mul3A_844 = arith.constant 8 : i32
      %mul3A_845 = arith.muli %while3A_520, %mul3A_844 : i32
      %add3A_846 = arith.constant 6 : i32
      %add3A_847 = arith.addi %mul3A_845, %add3A_846 : i32
      %dma_wait3A_848 = arith.constant 6 : i32
      %dma_wait3A_849 = arith.constant 0 : i32
      %dma_wait3A_850 = arith.constant 0 : i32
      %dma_wait3A_851 = tpu.memref_slice %arg9[%dma_wait3A_848, %dma_wait3A_849, %dma_wait3A_850] : memref<8x128x16xf32, #tpu.memory_space<vmem>> -> memref<1x128x16xf32, #tpu.memory_space<vmem>>
      %dma_wait3A_852 = tpu.memref_squeeze %dma_wait3A_851 : memref<1x128x16xf32, #tpu.memory_space<vmem>> -> memref<128x16xf32, #tpu.memory_space<vmem>>
      %dma_wait3A_853 = arith.constant 0 : i32
      %dma_wait3A_854 = tpu.memref_slice %arg7[%add3A_847, %dma_wait3A_853] : memref<88x128xi32, #tpu.memory_space<vmem>> -> memref<1x128xi32, #tpu.memory_space<vmem>>
      %dma_wait3A_855 = tpu.memref_squeeze %dma_wait3A_854 : memref<1x128xi32, #tpu.memory_space<vmem>> -> memref<128xi32, #tpu.memory_space<vmem>>
      %dma_wait3A_856 = arith.constant 0 : i32
      %dma_wait3A_857 = arith.constant 0 : i32
      %dma_wait3A_858 = tpu.memref_slice %arg4[%dma_wait3A_856, %dma_wait3A_857] : memref<10112x16xf32, #tpu.memory_space<hbm>> -> memref<10112x16xf32, #tpu.memory_space<hbm>>
      tpu.wait_indirect_dma semaphore(%arg11 : memref<!tpu.dma_semaphore, #tpu.memory_space<semaphore_mem>>) src(%dma_wait3A_858 : memref<10112x16xf32, #tpu.memory_space<hbm>>) dst(%dma_wait3A_852 : memref<128x16xf32, #tpu.memory_space<vmem>>)
      %dma_start3A_859 = arith.constant 6 : i32
      %dma_start3A_860 = arith.constant 0 : i32
      %dma_start3A_861 = arith.constant 0 : i32
      %dma_start3A_862 = tpu.memref_slice %arg9[%dma_start3A_859, %dma_start3A_860, %dma_start3A_861] : memref<8x128x16xf32, #tpu.memory_space<vmem>> -> memref<1x128x16xf32, #tpu.memory_space<vmem>>
      %dma_start3A_863 = tpu.memref_squeeze %dma_start3A_862 : memref<1x128x16xf32, #tpu.memory_space<vmem>> -> memref<128x16xf32, #tpu.memory_space<vmem>>
      %dma_start3A_864 = arith.constant 0 : i32
      %dma_start3A_865 = tpu.memref_slice %arg8[%add3A_847, %dma_start3A_864] : memref<88x128xi32, #tpu.memory_space<vmem>> -> memref<1x128xi32, #tpu.memory_space<vmem>>
      %dma_start3A_866 = tpu.memref_squeeze %dma_start3A_865 : memref<1x128xi32, #tpu.memory_space<vmem>> -> memref<128xi32, #tpu.memory_space<vmem>>
      %dma_start3A_867 = arith.constant 0 : i32
      %dma_start3A_868 = arith.constant 0 : i32
      %dma_start3A_869 = tpu.memref_slice %arg10[%dma_start3A_867, %dma_start3A_868] : memref<10112x16xf32, #tpu.memory_space<vmem_shared>> -> memref<10112x16xf32, #tpu.memory_space<vmem_shared>>
      tpu.enqueue_indirect_dma source(%dma_start3A_863 : memref<128x16xf32, #tpu.memory_space<vmem>>) target(%dma_start3A_869 : memref<10112x16xf32, #tpu.memory_space<vmem_shared>>) offsets(%dma_start3A_866 : memref<128xi32, #tpu.memory_space<vmem>>) semaphore(%arg12 : memref<!tpu.dma_semaphore, #tpu.memory_space<semaphore_mem>>) {add = true}
      %dma_wait3A_870 = arith.constant 2 : i32
      %dma_wait3A_871 = arith.constant 0 : i32
      %dma_wait3A_872 = arith.constant 0 : i32
      %dma_wait3A_873 = arith.constant 0 : i32
      %dma_wait3A_874 = tpu.memref_slice %arg9[%dma_wait3A_870, %dma_wait3A_872, %dma_wait3A_873] : memref<8x128x16xf32, #tpu.memory_space<vmem>> -> memref<1x128x16xf32, #tpu.memory_space<vmem>>
      %dma_wait3A_875 = tpu.memref_squeeze %dma_wait3A_874 : memref<1x128x16xf32, #tpu.memory_space<vmem>> -> memref<128x16xf32, #tpu.memory_space<vmem>>
      %dma_wait3A_876 = arith.constant 0 : i32
      %dma_wait3A_877 = tpu.memref_slice %arg8[%dma_wait3A_871, %dma_wait3A_876] : memref<88x128xi32, #tpu.memory_space<vmem>> -> memref<1x128xi32, #tpu.memory_space<vmem>>
      %dma_wait3A_878 = tpu.memref_squeeze %dma_wait3A_877 : memref<1x128xi32, #tpu.memory_space<vmem>> -> memref<128xi32, #tpu.memory_space<vmem>>
      %dma_wait3A_879 = arith.constant 0 : i32
      %dma_wait3A_880 = arith.constant 0 : i32
      %dma_wait3A_881 = tpu.memref_slice %arg10[%dma_wait3A_879, %dma_wait3A_880] : memref<10112x16xf32, #tpu.memory_space<vmem_shared>> -> memref<10112x16xf32, #tpu.memory_space<vmem_shared>>
      tpu.wait_indirect_dma semaphore(%arg12 : memref<!tpu.dma_semaphore, #tpu.memory_space<semaphore_mem>>) src(%dma_wait3A_875 : memref<128x16xf32, #tpu.memory_space<vmem>>) dst(%dma_wait3A_881 : memref<10112x16xf32, #tpu.memory_space<vmem_shared>>)
      %add3A_882 = arith.constant 4 : i32
      %add3A_883 = arith.addi %add3A_847, %add3A_882 : i32
      %sub3A_884 = arith.constant 1 : i32
      %sub3A_885 = arith.subi %select_n3A, %sub3A_884 : i32
      %min3A_886 = arith.minsi %add3A_883, %sub3A_885 : i32
      %dma_start3A_887 = arith.constant 2 : i32
      %dma_start3A_888 = arith.constant 0 : i32
      %dma_start3A_889 = arith.constant 0 : i32
      %dma_start3A_890 = tpu.memref_slice %arg9[%dma_start3A_887, %dma_start3A_888, %dma_start3A_889] : memref<8x128x16xf32, #tpu.memory_space<vmem>> -> memref<1x128x16xf32, #tpu.memory_space<vmem>>
      %dma_start3A_891 = tpu.memref_squeeze %dma_start3A_890 : memref<1x128x16xf32, #tpu.memory_space<vmem>> -> memref<128x16xf32, #tpu.memory_space<vmem>>
      %dma_start3A_892 = arith.constant 0 : i32
      %dma_start3A_893 = tpu.memref_slice %arg7[%min3A_886, %dma_start3A_892] : memref<88x128xi32, #tpu.memory_space<vmem>> -> memref<1x128xi32, #tpu.memory_space<vmem>>
      %dma_start3A_894 = tpu.memref_squeeze %dma_start3A_893 : memref<1x128xi32, #tpu.memory_space<vmem>> -> memref<128xi32, #tpu.memory_space<vmem>>
      %dma_start3A_895 = arith.constant 0 : i32
      %dma_start3A_896 = arith.constant 0 : i32
      %dma_start3A_897 = tpu.memref_slice %arg4[%dma_start3A_895, %dma_start3A_896] : memref<10112x16xf32, #tpu.memory_space<hbm>> -> memref<10112x16xf32, #tpu.memory_space<hbm>>
      tpu.enqueue_indirect_dma source(%dma_start3A_897 : memref<10112x16xf32, #tpu.memory_space<hbm>>) target(%dma_start3A_891 : memref<128x16xf32, #tpu.memory_space<vmem>>) offsets(%dma_start3A_894 : memref<128xi32, #tpu.memory_space<vmem>>) semaphore(%arg11 : memref<!tpu.dma_semaphore, #tpu.memory_space<semaphore_mem>>)
      %mul3A_898 = arith.constant 8 : i32
      %mul3A_899 = arith.muli %while3A_520, %mul3A_898 : i32
      %add3A_900 = arith.constant 7 : i32
      %add3A_901 = arith.addi %mul3A_899, %add3A_900 : i32
      %dma_wait3A_902 = arith.constant 7 : i32
      %dma_wait3A_903 = arith.constant 0 : i32
      %dma_wait3A_904 = arith.constant 0 : i32
      %dma_wait3A_905 = tpu.memref_slice %arg9[%dma_wait3A_902, %dma_wait3A_903, %dma_wait3A_904] : memref<8x128x16xf32, #tpu.memory_space<vmem>> -> memref<1x128x16xf32, #tpu.memory_space<vmem>>
      %dma_wait3A_906 = tpu.memref_squeeze %dma_wait3A_905 : memref<1x128x16xf32, #tpu.memory_space<vmem>> -> memref<128x16xf32, #tpu.memory_space<vmem>>
      %dma_wait3A_907 = arith.constant 0 : i32
      %dma_wait3A_908 = tpu.memref_slice %arg7[%add3A_901, %dma_wait3A_907] : memref<88x128xi32, #tpu.memory_space<vmem>> -> memref<1x128xi32, #tpu.memory_space<vmem>>
      %dma_wait3A_909 = tpu.memref_squeeze %dma_wait3A_908 : memref<1x128xi32, #tpu.memory_space<vmem>> -> memref<128xi32, #tpu.memory_space<vmem>>
      %dma_wait3A_910 = arith.constant 0 : i32
      %dma_wait3A_911 = arith.constant 0 : i32
      %dma_wait3A_912 = tpu.memref_slice %arg4[%dma_wait3A_910, %dma_wait3A_911] : memref<10112x16xf32, #tpu.memory_space<hbm>> -> memref<10112x16xf32, #tpu.memory_space<hbm>>
      tpu.wait_indirect_dma semaphore(%arg11 : memref<!tpu.dma_semaphore, #tpu.memory_space<semaphore_mem>>) src(%dma_wait3A_912 : memref<10112x16xf32, #tpu.memory_space<hbm>>) dst(%dma_wait3A_906 : memref<128x16xf32, #tpu.memory_space<vmem>>)
      %dma_start3A_913 = arith.constant 7 : i32
      %dma_start3A_914 = arith.constant 0 : i32
      %dma_start3A_915 = arith.constant 0 : i32
      %dma_start3A_916 = tpu.memref_slice %arg9[%dma_start3A_913, %dma_start3A_914, %dma_start3A_915] : memref<8x128x16xf32, #tpu.memory_space<vmem>> -> memref<1x128x16xf32, #tpu.memory_space<vmem>>
      %dma_start3A_917 = tpu.memref_squeeze %dma_start3A_916 : memref<1x128x16xf32, #tpu.memory_space<vmem>> -> memref<128x16xf32, #tpu.memory_space<vmem>>
      %dma_start3A_918 = arith.constant 0 : i32
      %dma_start3A_919 = tpu.memref_slice %arg8[%add3A_901, %dma_start3A_918] : memref<88x128xi32, #tpu.memory_space<vmem>> -> memref<1x128xi32, #tpu.memory_space<vmem>>
      %dma_start3A_920 = tpu.memref_squeeze %dma_start3A_919 : memref<1x128xi32, #tpu.memory_space<vmem>> -> memref<128xi32, #tpu.memory_space<vmem>>
      %dma_start3A_921 = arith.constant 0 : i32
      %dma_start3A_922 = arith.constant 0 : i32
      %dma_start3A_923 = tpu.memref_slice %arg10[%dma_start3A_921, %dma_start3A_922] : memref<10112x16xf32, #tpu.memory_space<vmem_shared>> -> memref<10112x16xf32, #tpu.memory_space<vmem_shared>>
      tpu.enqueue_indirect_dma source(%dma_start3A_917 : memref<128x16xf32, #tpu.memory_space<vmem>>) target(%dma_start3A_923 : memref<10112x16xf32, #tpu.memory_space<vmem_shared>>) offsets(%dma_start3A_920 : memref<128xi32, #tpu.memory_space<vmem>>) semaphore(%arg12 : memref<!tpu.dma_semaphore, #tpu.memory_space<semaphore_mem>>) {add = true}
      %dma_wait3A_924 = arith.constant 3 : i32
      %dma_wait3A_925 = arith.constant 0 : i32
      %dma_wait3A_926 = arith.constant 0 : i32
      %dma_wait3A_927 = arith.constant 0 : i32
      %dma_wait3A_928 = tpu.memref_slice %arg9[%dma_wait3A_924, %dma_wait3A_926, %dma_wait3A_927] : memref<8x128x16xf32, #tpu.memory_space<vmem>> -> memref<1x128x16xf32, #tpu.memory_space<vmem>>
      %dma_wait3A_929 = tpu.memref_squeeze %dma_wait3A_928 : memref<1x128x16xf32, #tpu.memory_space<vmem>> -> memref<128x16xf32, #tpu.memory_space<vmem>>
      %dma_wait3A_930 = arith.constant 0 : i32
      %dma_wait3A_931 = tpu.memref_slice %arg8[%dma_wait3A_925, %dma_wait3A_930] : memref<88x128xi32, #tpu.memory_space<vmem>> -> memref<1x128xi32, #tpu.memory_space<vmem>>
      %dma_wait3A_932 = tpu.memref_squeeze %dma_wait3A_931 : memref<1x128xi32, #tpu.memory_space<vmem>> -> memref<128xi32, #tpu.memory_space<vmem>>
      %dma_wait3A_933 = arith.constant 0 : i32
      %dma_wait3A_934 = arith.constant 0 : i32
      %dma_wait3A_935 = tpu.memref_slice %arg10[%dma_wait3A_933, %dma_wait3A_934] : memref<10112x16xf32, #tpu.memory_space<vmem_shared>> -> memref<10112x16xf32, #tpu.memory_space<vmem_shared>>
      tpu.wait_indirect_dma semaphore(%arg12 : memref<!tpu.dma_semaphore, #tpu.memory_space<semaphore_mem>>) src(%dma_wait3A_929 : memref<128x16xf32, #tpu.memory_space<vmem>>) dst(%dma_wait3A_935 : memref<10112x16xf32, #tpu.memory_space<vmem_shared>>)
      %add3A_936 = arith.constant 4 : i32
      %add3A_937 = arith.addi %add3A_901, %add3A_936 : i32
      %sub3A_938 = arith.constant 1 : i32
      %sub3A_939 = arith.subi %select_n3A, %sub3A_938 : i32
      %min3A_940 = arith.minsi %add3A_937, %sub3A_939 : i32
      %dma_start3A_941 = arith.constant 3 : i32
      %dma_start3A_942 = arith.constant 0 : i32
      %dma_start3A_943 = arith.constant 0 : i32
      %dma_start3A_944 = tpu.memref_slice %arg9[%dma_start3A_941, %dma_start3A_942, %dma_start3A_943] : memref<8x128x16xf32, #tpu.memory_space<vmem>> -> memref<1x128x16xf32, #tpu.memory_space<vmem>>
      %dma_start3A_945 = tpu.memref_squeeze %dma_start3A_944 : memref<1x128x16xf32, #tpu.memory_space<vmem>> -> memref<128x16xf32, #tpu.memory_space<vmem>>
      %dma_start3A_946 = arith.constant 0 : i32
      %dma_start3A_947 = tpu.memref_slice %arg7[%min3A_940, %dma_start3A_946] : memref<88x128xi32, #tpu.memory_space<vmem>> -> memref<1x128xi32, #tpu.memory_space<vmem>>
      %dma_start3A_948 = tpu.memref_squeeze %dma_start3A_947 : memref<1x128xi32, #tpu.memory_space<vmem>> -> memref<128xi32, #tpu.memory_space<vmem>>
      %dma_start3A_949 = arith.constant 0 : i32
      %dma_start3A_950 = arith.constant 0 : i32
      %dma_start3A_951 = tpu.memref_slice %arg4[%dma_start3A_949, %dma_start3A_950] : memref<10112x16xf32, #tpu.memory_space<hbm>> -> memref<10112x16xf32, #tpu.memory_space<hbm>>
      tpu.enqueue_indirect_dma source(%dma_start3A_951 : memref<10112x16xf32, #tpu.memory_space<hbm>>) target(%dma_start3A_945 : memref<128x16xf32, #tpu.memory_space<vmem>>) offsets(%dma_start3A_948 : memref<128xi32, #tpu.memory_space<vmem>>) semaphore(%arg11 : memref<!tpu.dma_semaphore, #tpu.memory_space<semaphore_mem>>)
    }
    %dma_wait3A_419 = arith.constant 0 : i32
    %dma_wait3A_420 = arith.constant 0 : i32
    %dma_wait3A_421 = arith.constant 0 : i32
    %dma_wait3A_422 = arith.constant 0 : i32
    %dma_wait3A_423 = tpu.memref_slice %arg9[%dma_wait3A_419, %dma_wait3A_421, %dma_wait3A_422] : memref<8x128x16xf32, #tpu.memory_space<vmem>> -> memref<1x128x16xf32, #tpu.memory_space<vmem>>
    %dma_wait3A_424 = tpu.memref_squeeze %dma_wait3A_423 : memref<1x128x16xf32, #tpu.memory_space<vmem>> -> memref<128x16xf32, #tpu.memory_space<vmem>>
    %dma_wait3A_425 = arith.constant 0 : i32
    %dma_wait3A_426 = tpu.memref_slice %arg8[%dma_wait3A_420, %dma_wait3A_425] : memref<88x128xi32, #tpu.memory_space<vmem>> -> memref<1x128xi32, #tpu.memory_space<vmem>>
    %dma_wait3A_427 = tpu.memref_squeeze %dma_wait3A_426 : memref<1x128xi32, #tpu.memory_space<vmem>> -> memref<128xi32, #tpu.memory_space<vmem>>
    %dma_wait3A_428 = arith.constant 0 : i32
    %dma_wait3A_429 = arith.constant 0 : i32
    %dma_wait3A_430 = tpu.memref_slice %arg10[%dma_wait3A_428, %dma_wait3A_429] : memref<10112x16xf32, #tpu.memory_space<vmem_shared>> -> memref<10112x16xf32, #tpu.memory_space<vmem_shared>>
    tpu.wait_indirect_dma semaphore(%arg12 : memref<!tpu.dma_semaphore, #tpu.memory_space<semaphore_mem>>) src(%dma_wait3A_424 : memref<128x16xf32, #tpu.memory_space<vmem>>) dst(%dma_wait3A_430 : memref<10112x16xf32, #tpu.memory_space<vmem_shared>>)
    %dma_wait3A_431 = arith.constant 0 : i32
    %dma_wait3A_432 = arith.constant 0 : i32
    %dma_wait3A_433 = arith.constant 0 : i32
    %dma_wait3A_434 = arith.constant 0 : i32
    %dma_wait3A_435 = tpu.memref_slice %arg9[%dma_wait3A_432, %dma_wait3A_433, %dma_wait3A_434] : memref<8x128x16xf32, #tpu.memory_space<vmem>> -> memref<1x128x16xf32, #tpu.memory_space<vmem>>
    %dma_wait3A_436 = tpu.memref_squeeze %dma_wait3A_435 : memref<1x128x16xf32, #tpu.memory_space<vmem>> -> memref<128x16xf32, #tpu.memory_space<vmem>>
    %dma_wait3A_437 = arith.constant 0 : i32
    %dma_wait3A_438 = tpu.memref_slice %arg7[%dma_wait3A_431, %dma_wait3A_437] : memref<88x128xi32, #tpu.memory_space<vmem>> -> memref<1x128xi32, #tpu.memory_space<vmem>>
    %dma_wait3A_439 = tpu.memref_squeeze %dma_wait3A_438 : memref<1x128xi32, #tpu.memory_space<vmem>> -> memref<128xi32, #tpu.memory_space<vmem>>
    %dma_wait3A_440 = arith.constant 0 : i32
    %dma_wait3A_441 = arith.constant 0 : i32
    %dma_wait3A_442 = tpu.memref_slice %arg4[%dma_wait3A_440, %dma_wait3A_441] : memref<10112x16xf32, #tpu.memory_space<hbm>> -> memref<10112x16xf32, #tpu.memory_space<hbm>>
    tpu.wait_indirect_dma semaphore(%arg11 : memref<!tpu.dma_semaphore, #tpu.memory_space<semaphore_mem>>) src(%dma_wait3A_442 : memref<10112x16xf32, #tpu.memory_space<hbm>>) dst(%dma_wait3A_436 : memref<128x16xf32, #tpu.memory_space<vmem>>)
    %dma_wait3A_443 = arith.constant 1 : i32
    %dma_wait3A_444 = arith.constant 0 : i32
    %dma_wait3A_445 = arith.constant 0 : i32
    %dma_wait3A_446 = arith.constant 0 : i32
    %dma_wait3A_447 = tpu.memref_slice %arg9[%dma_wait3A_443, %dma_wait3A_445, %dma_wait3A_446] : memref<8x128x16xf32, #tpu.memory_space<vmem>> -> memref<1x128x16xf32, #tpu.memory_space<vmem>>
    %dma_wait3A_448 = tpu.memref_squeeze %dma_wait3A_447 : memref<1x128x16xf32, #tpu.memory_space<vmem>> -> memref<128x16xf32, #tpu.memory_space<vmem>>
    %dma_wait3A_449 = arith.constant 0 : i32
    %dma_wait3A_450 = tpu.memref_slice %arg8[%dma_wait3A_444, %dma_wait3A_449] : memref<88x128xi32, #tpu.memory_space<vmem>> -> memref<1x128xi32, #tpu.memory_space<vmem>>
    %dma_wait3A_451 = tpu.memref_squeeze %dma_wait3A_450 : memref<1x128xi32, #tpu.memory_space<vmem>> -> memref<128xi32, #tpu.memory_space<vmem>>
    %dma_wait3A_452 = arith.constant 0 : i32
    %dma_wait3A_453 = arith.constant 0 : i32
    %dma_wait3A_454 = tpu.memref_slice %arg10[%dma_wait3A_452, %dma_wait3A_453] : memref<10112x16xf32, #tpu.memory_space<vmem_shared>> -> memref<10112x16xf32, #tpu.memory_space<vmem_shared>>
    tpu.wait_indirect_dma semaphore(%arg12 : memref<!tpu.dma_semaphore, #tpu.memory_space<semaphore_mem>>) src(%dma_wait3A_448 : memref<128x16xf32, #tpu.memory_space<vmem>>) dst(%dma_wait3A_454 : memref<10112x16xf32, #tpu.memory_space<vmem_shared>>)
    %dma_wait3A_455 = arith.constant 0 : i32
    %dma_wait3A_456 = arith.constant 1 : i32
    %dma_wait3A_457 = arith.constant 0 : i32
    %dma_wait3A_458 = arith.constant 0 : i32
    %dma_wait3A_459 = tpu.memref_slice %arg9[%dma_wait3A_456, %dma_wait3A_457, %dma_wait3A_458] : memref<8x128x16xf32, #tpu.memory_space<vmem>> -> memref<1x128x16xf32, #tpu.memory_space<vmem>>
    %dma_wait3A_460 = tpu.memref_squeeze %dma_wait3A_459 : memref<1x128x16xf32, #tpu.memory_space<vmem>> -> memref<128x16xf32, #tpu.memory_space<vmem>>
    %dma_wait3A_461 = arith.constant 0 : i32
    %dma_wait3A_462 = tpu.memref_slice %arg7[%dma_wait3A_455, %dma_wait3A_461] : memref<88x128xi32, #tpu.memory_space<vmem>> -> memref<1x128xi32, #tpu.memory_space<vmem>>
    %dma_wait3A_463 = tpu.memref_squeeze %dma_wait3A_462 : memref<1x128xi32, #tpu.memory_space<vmem>> -> memref<128xi32, #tpu.memory_space<vmem>>
    %dma_wait3A_464 = arith.constant 0 : i32
    %dma_wait3A_465 = arith.constant 0 : i32
    %dma_wait3A_466 = tpu.memref_slice %arg4[%dma_wait3A_464, %dma_wait3A_465] : memref<10112x16xf32, #tpu.memory_space<hbm>> -> memref<10112x16xf32, #tpu.memory_space<hbm>>
    tpu.wait_indirect_dma semaphore(%arg11 : memref<!tpu.dma_semaphore, #tpu.memory_space<semaphore_mem>>) src(%dma_wait3A_466 : memref<10112x16xf32, #tpu.memory_space<hbm>>) dst(%dma_wait3A_460 : memref<128x16xf32, #tpu.memory_space<vmem>>)
    %dma_wait3A_467 = arith.constant 2 : i32
    %dma_wait3A_468 = arith.constant 0 : i32
    %dma_wait3A_469 = arith.constant 0 : i32
    %dma_wait3A_470 = arith.constant 0 : i32
    %dma_wait3A_471 = tpu.memref_slice %arg9[%dma_wait3A_467, %dma_wait3A_469, %dma_wait3A_470] : memref<8x128x16xf32, #tpu.memory_space<vmem>> -> memref<1x128x16xf32, #tpu.memory_space<vmem>>
    %dma_wait3A_472 = tpu.memref_squeeze %dma_wait3A_471 : memref<1x128x16xf32, #tpu.memory_space<vmem>> -> memref<128x16xf32, #tpu.memory_space<vmem>>
    %dma_wait3A_473 = arith.constant 0 : i32
    %dma_wait3A_474 = tpu.memref_slice %arg8[%dma_wait3A_468, %dma_wait3A_473] : memref<88x128xi32, #tpu.memory_space<vmem>> -> memref<1x128xi32, #tpu.memory_space<vmem>>
    %dma_wait3A_475 = tpu.memref_squeeze %dma_wait3A_474 : memref<1x128xi32, #tpu.memory_space<vmem>> -> memref<128xi32, #tpu.memory_space<vmem>>
    %dma_wait3A_476 = arith.constant 0 : i32
    %dma_wait3A_477 = arith.constant 0 : i32
    %dma_wait3A_478 = tpu.memref_slice %arg10[%dma_wait3A_476, %dma_wait3A_477] : memref<10112x16xf32, #tpu.memory_space<vmem_shared>> -> memref<10112x16xf32, #tpu.memory_space<vmem_shared>>
    tpu.wait_indirect_dma semaphore(%arg12 : memref<!tpu.dma_semaphore, #tpu.memory_space<semaphore_mem>>) src(%dma_wait3A_472 : memref<128x16xf32, #tpu.memory_space<vmem>>) dst(%dma_wait3A_478 : memref<10112x16xf32, #tpu.memory_space<vmem_shared>>)
    %dma_wait3A_479 = arith.constant 0 : i32
    %dma_wait3A_480 = arith.constant 2 : i32
    %dma_wait3A_481 = arith.constant 0 : i32
    %dma_wait3A_482 = arith.constant 0 : i32
    %dma_wait3A_483 = tpu.memref_slice %arg9[%dma_wait3A_480, %dma_wait3A_481, %dma_wait3A_482] : memref<8x128x16xf32, #tpu.memory_space<vmem>> -> memref<1x128x16xf32, #tpu.memory_space<vmem>>
    %dma_wait3A_484 = tpu.memref_squeeze %dma_wait3A_483 : memref<1x128x16xf32, #tpu.memory_space<vmem>> -> memref<128x16xf32, #tpu.memory_space<vmem>>
    %dma_wait3A_485 = arith.constant 0 : i32
    %dma_wait3A_486 = tpu.memref_slice %arg7[%dma_wait3A_479, %dma_wait3A_485] : memref<88x128xi32, #tpu.memory_space<vmem>> -> memref<1x128xi32, #tpu.memory_space<vmem>>
    %dma_wait3A_487 = tpu.memref_squeeze %dma_wait3A_486 : memref<1x128xi32, #tpu.memory_space<vmem>> -> memref<128xi32, #tpu.memory_space<vmem>>
    %dma_wait3A_488 = arith.constant 0 : i32
    %dma_wait3A_489 = arith.constant 0 : i32
    %dma_wait3A_490 = tpu.memref_slice %arg4[%dma_wait3A_488, %dma_wait3A_489] : memref<10112x16xf32, #tpu.memory_space<hbm>> -> memref<10112x16xf32, #tpu.memory_space<hbm>>
    tpu.wait_indirect_dma semaphore(%arg11 : memref<!tpu.dma_semaphore, #tpu.memory_space<semaphore_mem>>) src(%dma_wait3A_490 : memref<10112x16xf32, #tpu.memory_space<hbm>>) dst(%dma_wait3A_484 : memref<128x16xf32, #tpu.memory_space<vmem>>)
    %dma_wait3A_491 = arith.constant 3 : i32
    %dma_wait3A_492 = arith.constant 0 : i32
    %dma_wait3A_493 = arith.constant 0 : i32
    %dma_wait3A_494 = arith.constant 0 : i32
    %dma_wait3A_495 = tpu.memref_slice %arg9[%dma_wait3A_491, %dma_wait3A_493, %dma_wait3A_494] : memref<8x128x16xf32, #tpu.memory_space<vmem>> -> memref<1x128x16xf32, #tpu.memory_space<vmem>>
    %dma_wait3A_496 = tpu.memref_squeeze %dma_wait3A_495 : memref<1x128x16xf32, #tpu.memory_space<vmem>> -> memref<128x16xf32, #tpu.memory_space<vmem>>
    %dma_wait3A_497 = arith.constant 0 : i32
    %dma_wait3A_498 = tpu.memref_slice %arg8[%dma_wait3A_492, %dma_wait3A_497] : memref<88x128xi32, #tpu.memory_space<vmem>> -> memref<1x128xi32, #tpu.memory_space<vmem>>
    %dma_wait3A_499 = tpu.memref_squeeze %dma_wait3A_498 : memref<1x128xi32, #tpu.memory_space<vmem>> -> memref<128xi32, #tpu.memory_space<vmem>>
    %dma_wait3A_500 = arith.constant 0 : i32
    %dma_wait3A_501 = arith.constant 0 : i32
    %dma_wait3A_502 = tpu.memref_slice %arg10[%dma_wait3A_500, %dma_wait3A_501] : memref<10112x16xf32, #tpu.memory_space<vmem_shared>> -> memref<10112x16xf32, #tpu.memory_space<vmem_shared>>
    tpu.wait_indirect_dma semaphore(%arg12 : memref<!tpu.dma_semaphore, #tpu.memory_space<semaphore_mem>>) src(%dma_wait3A_496 : memref<128x16xf32, #tpu.memory_space<vmem>>) dst(%dma_wait3A_502 : memref<10112x16xf32, #tpu.memory_space<vmem_shared>>)
    %dma_wait3A_503 = arith.constant 0 : i32
    %dma_wait3A_504 = arith.constant 3 : i32
    %dma_wait3A_505 = arith.constant 0 : i32
    %dma_wait3A_506 = arith.constant 0 : i32
    %dma_wait3A_507 = tpu.memref_slice %arg9[%dma_wait3A_504, %dma_wait3A_505, %dma_wait3A_506] : memref<8x128x16xf32, #tpu.memory_space<vmem>> -> memref<1x128x16xf32, #tpu.memory_space<vmem>>
    %dma_wait3A_508 = tpu.memref_squeeze %dma_wait3A_507 : memref<1x128x16xf32, #tpu.memory_space<vmem>> -> memref<128x16xf32, #tpu.memory_space<vmem>>
    %dma_wait3A_509 = arith.constant 0 : i32
    %dma_wait3A_510 = tpu.memref_slice %arg7[%dma_wait3A_503, %dma_wait3A_509] : memref<88x128xi32, #tpu.memory_space<vmem>> -> memref<1x128xi32, #tpu.memory_space<vmem>>
    %dma_wait3A_511 = tpu.memref_squeeze %dma_wait3A_510 : memref<1x128xi32, #tpu.memory_space<vmem>> -> memref<128xi32, #tpu.memory_space<vmem>>
    %dma_wait3A_512 = arith.constant 0 : i32
    %dma_wait3A_513 = arith.constant 0 : i32
    %dma_wait3A_514 = tpu.memref_slice %arg4[%dma_wait3A_512, %dma_wait3A_513] : memref<10112x16xf32, #tpu.memory_space<hbm>> -> memref<10112x16xf32, #tpu.memory_space<hbm>>
    tpu.wait_indirect_dma semaphore(%arg11 : memref<!tpu.dma_semaphore, #tpu.memory_space<semaphore_mem>>) src(%dma_wait3A_514 : memref<10112x16xf32, #tpu.memory_space<hbm>>) dst(%dma_wait3A_508 : memref<128x16xf32, #tpu.memory_space<vmem>>)
    %barrier3A_515 = arith.constant 0 : index
    tpu.barrier barrier_id(%barrier3A_515)
    %mul3A_516 = arith.constant 632 : i32
    %mul3A_517 = arith.muli %arg1, %mul3A_516 : i32
    %mul3A_518 = arith.constant 632 : i32
    %mul3A_519 = arith.muli %arg1, %mul3A_518 : i32
    "tpu.region"() ({
      %run_scoped3A = tpu.sem_alloc : memref<!tpu.dma_semaphore, #tpu.memory_space<semaphore_mem>>
      %dma_start3A_520 = arith.constant 0 : i32
      %dma_start3A_521 = tpu.memref_slice %arg6[%arg0, %mul3A_519, %dma_start3A_520] : memref<2x10112x16xf32, #tpu.memory_space<hbm>> -> memref<1x632x16xf32, #tpu.memory_space<hbm>>
      %dma_start3A_522 = tpu.memref_squeeze %dma_start3A_521 : memref<1x632x16xf32, #tpu.memory_space<hbm>> -> memref<632x16xf32, #tpu.memory_space<hbm>>
      %dma_start3A_523 = arith.constant 0 : i32
      %dma_start3A_524 = tpu.memref_slice %arg10[%mul3A_517, %dma_start3A_523] : memref<10112x16xf32, #tpu.memory_space<vmem_shared>> -> memref<632x16xf32, #tpu.memory_space<vmem_shared>>
      tpu.enqueue_dma source(%dma_start3A_524 : memref<632x16xf32, #tpu.memory_space<vmem_shared>>) target(%dma_start3A_522 : memref<632x16xf32, #tpu.memory_space<hbm>>) target_semaphore(%run_scoped3A : memref<!tpu.dma_semaphore, #tpu.memory_space<semaphore_mem>>)
      %dma_wait3A_525 = arith.constant 0 : i32
      %dma_wait3A_526 = tpu.memref_slice %arg6[%arg0, %mul3A_519, %dma_wait3A_525] : memref<2x10112x16xf32, #tpu.memory_space<hbm>> -> memref<1x632x16xf32, #tpu.memory_space<hbm>>
      %dma_wait3A_527 = tpu.memref_squeeze %dma_wait3A_526 : memref<1x632x16xf32, #tpu.memory_space<hbm>> -> memref<632x16xf32, #tpu.memory_space<hbm>>
      %dma_wait3A_528 = arith.constant 0 : i32
      %dma_wait3A_529 = tpu.memref_slice %arg10[%mul3A_517, %dma_wait3A_528] : memref<10112x16xf32, #tpu.memory_space<vmem_shared>> -> memref<632x16xf32, #tpu.memory_space<vmem_shared>>
      tpu.wait_dma2 semaphore(%run_scoped3A : memref<!tpu.dma_semaphore, #tpu.memory_space<semaphore_mem>>) src(%dma_wait3A_529 : memref<632x16xf32, #tpu.memory_space<vmem_shared>>) dst(%dma_wait3A_527 : memref<632x16xf32, #tpu.memory_space<hbm>>)
      tpu.yield
    }) : () -> ()
    return
  }
}

module attributes {stable_mosaic.version = 14 : i64} {
  func.func @_tc0_body(%arg0: memref<10000x128xf32, #tpu.memory_space<vmem>>, %arg1: memref<128x16xf32, #tpu.memory_space<vmem>>, %arg2: memref<10112x16xf32, #tpu.memory_space<vmem>>) attributes {dimension_semantics = [], scalar_prefetch = 0 : i64, scratch_operands = 0 : i64, tpu.core_type = #tpu.core_type<tc>} {
    %get3A = arith.constant 0 : index
    %get3A_0 = arith.constant 0 : index
    %get3A_1 = vector.load %arg0[%get3A, %get3A_0] : memref<10000x128xf32, #tpu.memory_space<vmem>>, vector<10000x128xf32>
    %get3A_2 = arith.constant 0 : index
    %get3A_3 = arith.constant 0 : index
    %get3A_4 = vector.load %arg1[%get3A_2, %get3A_3] : memref<128x16xf32, #tpu.memory_space<vmem>>, vector<128x16xf32>
    %dot_general3A = arith.constant dense<0.000000e+00> : vector<10000x16xf32>
    %dot_general3A_5 = tpu.matmul %get3A_1, %get3A_4, %dot_general3A {dimension_numbers = #tpu.dot_dimension_numbers<[1], [0], [0], [1], [0, 0, 1, 1], [], []>, transpose_lhs_hint = false} : vector<10000x128xf32>, vector<128x16xf32>, vector<10000x16xf32> -> vector<10000x16xf32>
    %swap3A = arith.constant 0 : index
    %swap3A_6 = arith.constant 0 : index
    %swap3A_7 = vector.load %arg2[%swap3A, %swap3A_6] : memref<10112x16xf32, #tpu.memory_space<vmem>>, vector<10000x16xf32>
    tpu.vector_store %arg2[%swap3A, %swap3A_6], %dot_general3A_5 {strides = array<i32>} : memref<10112x16xf32, #tpu.memory_space<vmem>>, vector<10000x16xf32>,
    %broadcast_in_dim3A = arith.constant 0.000000e+00 : f32
    %broadcast_in_dim3A_8 = vector.broadcast %broadcast_in_dim3A : f32 to vector<112x16xf32>
    %swap3A_9 = arith.constant 10000 : index
    %swap3A_10 = arith.constant 0 : index
    %swap3A_11 = vector.load %arg2[%swap3A_9, %swap3A_10] : memref<10112x16xf32, #tpu.memory_space<vmem>>, vector<112x16xf32>
    tpu.vector_store %arg2[%swap3A_9, %swap3A_10], %broadcast_in_dim3A_8 {strides = array<i32>} : memref<10112x16xf32, #tpu.memory_space<vmem>>, vector<112x16xf32>,
    return
  }
}

module attributes {stable_mosaic.version = 14 : i64} {
  func.func @_tc1_body(%arg0: memref<2x10112x16xf32, #tpu.memory_space<vmem>>, %arg1: memref<10112x16xf32, #tpu.memory_space<vmem>>, %arg2: memref<10112x16xf32, #tpu.memory_space<vmem>>, %arg3: memref<10112x16xf32, #tpu.memory_space<vmem>>) attributes {dimension_semantics = [], scalar_prefetch = 0 : i64, scratch_operands = 0 : i64, tpu.core_type = #tpu.core_type<tc>} {
    %get3A = arith.constant 0 : index
    %get3A_0 = arith.constant 0 : index
    %get3A_1 = arith.constant 0 : index
    %get3A_2 = vector.load %arg0[%get3A, %get3A_0, %get3A_1] : memref<2x10112x16xf32, #tpu.memory_space<vmem>>, vector<1x10112x16xf32>
    %get3A_3 = vector.shape_cast %get3A_2 : vector<1x10112x16xf32> to vector<10112x16xf32>
    %get3A_4 = arith.constant 1 : index
    %get3A_5 = arith.constant 0 : index
    %get3A_6 = arith.constant 0 : index
    %get3A_7 = vector.load %arg0[%get3A_4, %get3A_5, %get3A_6] : memref<2x10112x16xf32, #tpu.memory_space<vmem>>, vector<1x10112x16xf32>
    %get3A_8 = vector.shape_cast %get3A_7 : vector<1x10112x16xf32> to vector<10112x16xf32>
    %add3A = arith.addf %get3A_3, %get3A_8 : vector<10112x16xf32>
    %add3A_9 = arith.constant 1.000000e+00 : f32
    %add3A_10 = vector.broadcast %add3A_9 : f32 to vector<10112x16xf32>
    %add3A_11 = arith.addf %add3A, %add3A_10 : vector<10112x16xf32>
    %rsqrt3A = math.rsqrt %add3A_11 : vector<10112x16xf32>
    %swap3A = arith.constant 0 : index
    %swap3A_12 = arith.constant 0 : index
    %swap3A_13 = vector.load %arg3[%swap3A, %swap3A_12] : memref<10112x16xf32, #tpu.memory_space<vmem>>, vector<10112x16xf32>
    tpu.vector_store %arg3[%swap3A, %swap3A_12], %rsqrt3A {strides = array<i32>} : memref<10112x16xf32, #tpu.memory_space<vmem>>, vector<10112x16xf32>,
    %get3A_14 = arith.constant 0 : index
    %get3A_15 = arith.constant 0 : index
    %get3A_16 = vector.load %arg1[%get3A_14, %get3A_15] : memref<10112x16xf32, #tpu.memory_space<vmem>>, vector<10112x16xf32>
    %mul3A = arith.mulf %get3A_16, %rsqrt3A : vector<10112x16xf32>
    %swap3A_17 = arith.constant 0 : index
    %swap3A_18 = arith.constant 0 : index
    %swap3A_19 = vector.load %arg2[%swap3A_17, %swap3A_18] : memref<10112x16xf32, #tpu.memory_space<vmem>>, vector<10112x16xf32>
    tpu.vector_store %arg2[%swap3A_17, %swap3A_18], %mul3A {strides = array<i32>} : memref<10112x16xf32, #tpu.memory_space<vmem>>, vector<10112x16xf32>,
    return
  }
}

module attributes {stable_mosaic.version = 14 : i64} {
  func.func @_tc2_body(%arg0: memref<2x10112x16xf32, #tpu.memory_space<vmem>>, %arg1: memref<10112x16xf32, #tpu.memory_space<vmem>>, %arg2: memref<10112x16xf32, #tpu.memory_space<vmem>>, %arg3: memref<1x16xf32, #tpu.memory_space<vmem>>, %arg4: memref<16x16xf32, #tpu.memory_space<vmem>>, %arg5: memref<10112x16xf32, #tpu.memory_space<vmem>>) attributes {dimension_semantics = [], scalar_prefetch = 0 : i64, scratch_operands = 0 : i64, tpu.core_type = #tpu.core_type<tc>} {
    %get3A = arith.constant 0 : index
    %get3A_0 = arith.constant 0 : index
    %get3A_1 = vector.load %arg2[%get3A, %get3A_0] : memref<10112x16xf32, #tpu.memory_space<vmem>>, vector<10112x16xf32>
    %get3A_2 = arith.constant 0 : index
    %get3A_3 = arith.constant 0 : index
    %get3A_4 = arith.constant 0 : index
    %get3A_5 = vector.load %arg0[%get3A_2, %get3A_3, %get3A_4] : memref<2x10112x16xf32, #tpu.memory_space<vmem>>, vector<1x10112x16xf32>
    %get3A_6 = vector.shape_cast %get3A_5 : vector<1x10112x16xf32> to vector<10112x16xf32>
    %get3A_7 = arith.constant 1 : index
    %get3A_8 = arith.constant 0 : index
    %get3A_9 = arith.constant 0 : index
    %get3A_10 = vector.load %arg0[%get3A_7, %get3A_8, %get3A_9] : memref<2x10112x16xf32, #tpu.memory_space<vmem>>, vector<1x10112x16xf32>
    %get3A_11 = vector.shape_cast %get3A_10 : vector<1x10112x16xf32> to vector<10112x16xf32>
    %add3A = arith.addf %get3A_6, %get3A_11 : vector<10112x16xf32>
    %get3A_12 = arith.constant 0 : index
    %get3A_13 = arith.constant 0 : index
    %get3A_14 = vector.load %arg1[%get3A_12, %get3A_13] : memref<10112x16xf32, #tpu.memory_space<vmem>>, vector<10112x16xf32>
    %add3A_15 = arith.addf %add3A, %get3A_14 : vector<10112x16xf32>
    %mul3A = arith.mulf %get3A_1, %add3A_15 : vector<10112x16xf32>
    %get3A_16 = arith.constant 0 : index
    %get3A_17 = arith.constant 0 : index
    %get3A_18 = vector.load %arg3[%get3A_16, %get3A_17] : memref<1x16xf32, #tpu.memory_space<vmem>>, vector<1x16xf32>
    %add3A_19 = vector.broadcast %get3A_18 : vector<1x16xf32> to vector<10112x16xf32>
    %add3A_20 = arith.addf %mul3A, %add3A_19 : vector<10112x16xf32>
    %max3A = arith.constant 0.000000e+00 : f32
    %max3A_21 = vector.broadcast %max3A : f32 to vector<10112x16xf32>
    %max3A_22 = arith.maximumf %add3A_20, %max3A_21 : vector<10112x16xf32>
    %get3A_23 = arith.constant 0 : index
    %get3A_24 = arith.constant 0 : index
    %get3A_25 = vector.load %arg4[%get3A_23, %get3A_24] : memref<16x16xf32, #tpu.memory_space<vmem>>, vector<16x16xf32>
    %dot_general3A = arith.constant dense<0.000000e+00> : vector<10112x16xf32>
    %dot_general3A_26 = tpu.matmul %max3A_22, %get3A_25, %dot_general3A {dimension_numbers = #tpu.dot_dimension_numbers<[1], [0], [0], [1], [0, 0, 1, 1], [], []>, transpose_lhs_hint = false} : vector<10112x16xf32>, vector<16x16xf32>, vector<10112x16xf32> -> vector<10112x16xf32>
    %get3A_27 = arith.constant 0 : index
    %get3A_28 = arith.constant 0 : index
    %get3A_29 = vector.load %arg2[%get3A_27, %get3A_28] : memref<10112x16xf32, #tpu.memory_space<vmem>>, vector<10112x16xf32>
    %mul3A_30 = arith.mulf %dot_general3A_26, %get3A_29 : vector<10112x16xf32>
    %swap3A = arith.constant 0 : index
    %swap3A_31 = arith.constant 0 : index
    %swap3A_32 = vector.load %arg5[%swap3A, %swap3A_31] : memref<10112x16xf32, #tpu.memory_space<vmem>>, vector<10112x16xf32>
    tpu.vector_store %arg5[%swap3A, %swap3A_31], %mul3A_30 {strides = array<i32>} : memref<10112x16xf32, #tpu.memory_space<vmem>>, vector<10112x16xf32>,
    return
  }
}

module attributes {stable_mosaic.version = 14 : i64} {
  func.func @_tc3_body(%arg0: memref<2x10112x16xf32, #tpu.memory_space<vmem>>, %arg1: memref<10112x16xf32, #tpu.memory_space<vmem>>, %arg2: memref<10112x16xf32, #tpu.memory_space<vmem>>, %arg3: memref<1x16xf32, #tpu.memory_space<vmem>>, %arg4: memref<10000x16xf32, #tpu.memory_space<vmem>>) attributes {dimension_semantics = [], scalar_prefetch = 0 : i64, scratch_operands = 0 : i64, tpu.core_type = #tpu.core_type<tc>} {
    %get3A = arith.constant 0 : index
    %get3A_0 = arith.constant 0 : index
    %get3A_1 = vector.load %arg2[%get3A, %get3A_0] : memref<10112x16xf32, #tpu.memory_space<vmem>>, vector<10000x16xf32>
    %get3A_2 = arith.constant 0 : index
    %get3A_3 = arith.constant 0 : index
    %get3A_4 = arith.constant 0 : index
    %get3A_5 = vector.load %arg0[%get3A_2, %get3A_3, %get3A_4] : memref<2x10112x16xf32, #tpu.memory_space<vmem>>, vector<1x10000x16xf32>
    %get3A_6 = vector.shape_cast %get3A_5 : vector<1x10000x16xf32> to vector<10000x16xf32>
    %get3A_7 = arith.constant 1 : index
    %get3A_8 = arith.constant 0 : index
    %get3A_9 = arith.constant 0 : index
    %get3A_10 = vector.load %arg0[%get3A_7, %get3A_8, %get3A_9] : memref<2x10112x16xf32, #tpu.memory_space<vmem>>, vector<1x10000x16xf32>
    %get3A_11 = vector.shape_cast %get3A_10 : vector<1x10000x16xf32> to vector<10000x16xf32>
    %add3A = arith.addf %get3A_6, %get3A_11 : vector<10000x16xf32>
    %get3A_12 = arith.constant 0 : index
    %get3A_13 = arith.constant 0 : index
    %get3A_14 = vector.load %arg1[%get3A_12, %get3A_13] : memref<10112x16xf32, #tpu.memory_space<vmem>>, vector<10000x16xf32>
    %add3A_15 = arith.addf %add3A, %get3A_14 : vector<10000x16xf32>
    %mul3A = arith.mulf %get3A_1, %add3A_15 : vector<10000x16xf32>
    %get3A_16 = arith.constant 0 : index
    %get3A_17 = arith.constant 0 : index
    %get3A_18 = vector.load %arg3[%get3A_16, %get3A_17] : memref<1x16xf32, #tpu.memory_space<vmem>>, vector<1x16xf32>
    %add3A_19 = vector.broadcast %get3A_18 : vector<1x16xf32> to vector<10000x16xf32>
    %add3A_20 = arith.addf %mul3A, %add3A_19 : vector<10000x16xf32>
    %reduce_max3A = arith.constant dense<0xFF800000> : vector<10000xf32>
    %reduce_max3A_21 = vector.multi_reduction <maximumf>, %add3A_20, %reduce_max3A [1] : vector<10000x16xf32> to vector<10000xf32>
    %broadcast_in_dim3A = vector.shape_cast %reduce_max3A_21 : vector<10000xf32> to vector<10000x1xf32>
    %sub3A = vector.broadcast %broadcast_in_dim3A : vector<10000x1xf32> to vector<10000x16xf32>
    %sub3A_22 = arith.subf %add3A_20, %sub3A : vector<10000x16xf32>
    %exp3A = math.exp %sub3A_22 : vector<10000x16xf32>
    %reduce_sum3A = arith.constant dense<0.000000e+00> : vector<10000xf32>
    %reduce_sum3A_23 = vector.multi_reduction <add>, %exp3A, %reduce_sum3A [1] : vector<10000x16xf32> to vector<10000xf32>
    %broadcast_in_dim3A_24 = vector.shape_cast %reduce_sum3A_23 : vector<10000xf32> to vector<10000x1xf32>
    %log3A = math.log %broadcast_in_dim3A_24 : vector<10000x1xf32>
    %add3A_25 = arith.addf %log3A, %broadcast_in_dim3A : vector<10000x1xf32>
    %sub3A_26 = vector.broadcast %add3A_25 : vector<10000x1xf32> to vector<10000x16xf32>
    %sub3A_27 = arith.subf %add3A_20, %sub3A_26 : vector<10000x16xf32>
    %swap3A = arith.constant 0 : index
    %swap3A_28 = arith.constant 0 : index
    %swap3A_29 = vector.load %arg4[%swap3A, %swap3A_28] : memref<10000x16xf32, #tpu.memory_space<vmem>>, vector<10000x16xf32>
    tpu.vector_store %arg4[%swap3A, %swap3A_28], %sub3A_27 {strides = array<i32>} : memref<10000x16xf32, #tpu.memory_space<vmem>>, vector<10000x16xf32>,
    return
  }
}

</mosaic_0001>

<sc_bundles>
// kernel: kernel.12.cloned.1.call-start
scs
__scs_entry_jumppad:
0x0: {  	(pc) =	sbr.rel $0x88, $3  }
0x1: {  	(tag) =	ssettag $0x0;
	lr =	simm.s32 $0x1  }
0x2: {  	[smem:$0x3F9B] =	sst lr;
	_ =	strace $0xD0000000  }
0x3: {  	_ = 	snop  }
0x4: {  	_ = 	snop  }
0x5: {  	_ = 	snop  }
0x6: {  	_ = 	snop  }
0x7: {  	_ = 	snop  }
__scs_overlays_trampoline_lowered:
0x8: {  	[smem:$0x3FAA] =	sst s0  }
0x9: {  	[smem:$0x3FAB] =	sst s1  }
0xa: {  	[smem:$0x3FAC] =	sst s2  }
0xb: {  	[smem:$0x3FAD] =	sst s3  }
0xc: {  	[smem:$0x3FAE] =	sst s4  }
0xd: {  	[smem:$0x3FAF] =	sst s5  }
0xe: {  	[smem:$0x3FB0] =	sst s6  }
0xf: {  	[smem:$0x3FB1] =	sst s7  }
0x10: {  	[smem:$0x3FB2] =	sst s8  }
0x11: {  	[smem:$0x3FB3] =	sst s9;
	s0 =	simm.s32 @!p0 $0x0  }
0x12: {  	s1 =	sld [smem:$0x3F99];
	s0 =	simm.s32 @p0 $0x1  }
0x13: {  	[smem:$0x3FB4] =	sst s0;
	s0 =	simm.s32 @!p1 $0x0  }
0x14: {  	s2 =	sld [smem:$0x3F98];
	s0 =	simm.s32 @p1 $0x1  }
0x15: {  	[smem:$0x3FB5] =	sst s0;
	s0 =	simm.s32 @!p2 $0x0  }
0x16: {  	s3 =	sld [smem:$0x3FDB];
	s0 =	simm.s32 @p2 $0x1  }
0x17: {  	s4 =	simm.s32 $0x1BF5;
	[smem:$0x3FB7] =	sst s0  }
0x18: {  	s0 =	sld [smem:$0x3F9A];
	_ =	swait.ge [sflag:s4], $0x0  }
0x19: {  	s7 =	sld [smem:$0x3F9B]  }
0x1a: {  	s8 =	sadd.s32 $0xFFFFE003, lr  }
0x1b: {  	s9 =	sadd.s32 $0xFFFFFEF7, lr;
	s5 =	simm.s32 $0xFFFFFFFF;
	p2 =	slt.u32 s8, $0xFFFFF086  }
0x1c: {  	p1 =	slt.u32 s9, $0xF7A;
	s5 =	simm.s32 @!p2 $0x0  }
0x1d: {  	s5 =	simm.s32 @p1 $0x1;
	p0 =	seq.s32 s7, s2  }
0x1e: {  	s7 =	smul.u32 @!p0 $0xF7A, s2;
	p2 =	seq.s32 @!p0 s5, $0x0  }
0x1f: {  	s9 =	smul.u32 $0xF7A, s1;
	s8 =	simm.s32 @!p0 $0x1BF5;
	p2 =	por !p2, p0  }
0x20: {  	[sflag:s8] =	ssyncset.s32 @!p0 $0xFFFFF086;
	s6 =	sadd.s32 @!p0 s3, s7;
	s7 =	simm.s32 @!p0 $0x108  }
0x21: {  	s3 =	sadd.s32 s3, s9;
	s6 =	sadd.s32 @!p0 $0x88, s6;
	s7 =	simm.s32 @p2 $0x1082  }
0x22: {  	[simem:s7], [sflag:s8] =	dma.local @!p0 [hbm:s6], $0xF7A  }
0x23: {  	s9 =	sor.u32 $0xD0000000, s2;
	s6 =	simm.s32 $0x108;
	_ =	swait.ge @!p0 [sflag:s8], $0x0  }
0x24: {  	s3 =	sadd.s32 $0x88, s3;
	s6 =	simm.s32 @!p1 $0x1082;
	[sflag:s4] =	ssyncset.s32 $0xFFFFF086  }
0x25: {  	[simem:s6], [sflag:s4] =	dma.local [hbm:s3], $0xF7A  }
0x26: {  	[smem:$0x3F9B] =	sst s1;
	(tag) =	ssettag s2;
	_ =	strace s9  }
0x27: {  	s1 =	sld [smem:$0x3FAB]  }
0x28: {  	s2 =	sld [smem:$0x3FAC]  }
0x29: {  	s4 =	sld [smem:$0x3FAE]  }
0x2a: {  	p0 =	seq.s32 s5, $0x0;
	s5 =	sld [smem:$0x3FAF]  }
0x2b: {  	s6 =	sld [smem:$0x3FB0]  }
0x2c: {  	s7 =	sld [smem:$0x3FB1]  }
0x2d: {  	s3 =	simm.s32 $0x108;
	s8 =	sld [smem:$0x3FB2]  }
0x2e: {  	s3 =	simm.s32 @!p0 $0x1082;
	s9 =	sld [smem:$0x3FB3]  }
0x2f: {  	lr =	sadd.s32 s0, s3;
	s0 =	sld [smem:$0x3FAA]  }
0x30: {  	s3 =	sld [smem:$0x3FAD]  }
0x31: {  	[smem:$0x3FB6] =	sst s10  }
0x32: {  	s10 =	sld [smem:$0x3FB4];
	_ =	sdelay $0x3  }
0x33: {  	p0 =	seq.s32 s10, $0x1;
	s10 =	sld [smem:$0x3FB6];
	_ =	sdelay $0x3  }
0x34: {  	[smem:$0x3FB6] =	sst s10  }
0x35: {  	s10 =	sld [smem:$0x3FB5];
	_ =	sdelay $0x3  }
0x36: {  	p1 =	seq.s32 s10, $0x1;
	s10 =	sld [smem:$0x3FB6];
	_ =	sdelay $0x3  }
0x37: {  	[smem:$0x3FB6] =	sst s10  }
0x38: {  	s10 =	sld [smem:$0x3FB7]  }
0x39: {  	_ = 	snop;
	(pc) =	sbr.ind lr, $3  }
0x3a: {  	_ = 	snop  }
0x3b: {  	_ = 	snop  }
0x3c: {  	p2 =	seq.s32 s10, $0x1;
	s10 =	sld [smem:$0x3FB6]  }
0x3d: {  	_ =	shalt  }
0x3e: {  	_ =	shalt  }
0x3f: {  	_ =	shalt  }
0x40: {  	_ =	shalt  }
0x41: {  	_ =	shalt  }
0x42: {  	_ =	shalt  }
0x43: {  	_ =	shalt  }
0x44: {  	_ =	shalt  }
0x45: {  	_ =	shalt  }
0x46: {  	_ =	shalt  }
0x47: {  	_ =	shalt  }
0x48: {  	_ =	shalt  }
0x49: {  	_ =	shalt  }
0x4a: {  	_ =	shalt  }
0x4b: {  	_ =	shalt  }
0x4c: {  	_ =	shalt  }
0x4d: {  	_ =	shalt  }
0x4e: {  	_ =	shalt  }
0x4f: {  	_ =	shalt  }
0x50: {  	_ =	shalt  }
0x51: {  	_ =	shalt  }
0x52: {  	_ =	shalt  }
0x53: {  	_ =	shalt  }
0x54: {  	_ =	shalt  }
0x55: {  	_ =	shalt  }
0x56: {  	_ =	shalt  }
0x57: {  	_ =	shalt  }
0x58: {  	_ =	shalt  }
0x59: {  	_ =	shalt  }
0x5a: {  	_ =	shalt  }
0x5b: {  	_ =	shalt  }
0x5c: {  	_ =	shalt  }
0x5d: {  	_ =	shalt  }
0x5e: {  	_ =	shalt  }
0x5f: {  	_ =	shalt  }
0x60: {  	_ =	shalt  }
0x61: {  	_ =	shalt  }
0x62: {  	_ =	shalt  }
0x63: {  	_ =	shalt  }
0x64: {  	_ =	shalt  }
0x65: {  	_ =	shalt  }
0x66: {  	_ =	shalt  }
0x67: {  	_ =	shalt  }
0x68: {  	_ =	shalt  }
0x69: {  	_ =	shalt  }
0x6a: {  	_ =	shalt  }
0x6b: {  	_ =	shalt  }
0x6c: {  	_ =	shalt  }
0x6d: {  	_ =	shalt  }
0x6e: {  	_ =	shalt  }
0x6f: {  	_ =	shalt  }
0x70: {  	_ =	shalt  }
0x71: {  	_ =	shalt  }
0x72: {  	_ =	shalt  }
0x73: {  	_ =	shalt  }
0x74: {  	_ =	shalt  }
0x75: {  	_ =	shalt  }
0x76: {  	_ =	shalt  }
0x77: {  	_ =	shalt  }
0x78: {  	_ =	shalt  }
0x79: {  	_ =	shalt  }
0x7a: {  	_ =	shalt  }
0x7b: {  	_ =	shalt  }
0x7c: {  	_ =	shalt  }
0x7d: {  	_ =	shalt  }
0x7e: {  	_ =	shalt  }
0x7f: {  	_ =	shalt  }
0x80: {  	_ =	shalt  }
0x81: {  	_ =	shalt  }
0x82: {  	_ =	shalt  }
0x83: {  	_ =	shalt  }
0x84: {  	_ =	shalt  }
0x85: {  	_ =	shalt  }
0x86: {  	_ =	shalt  }
0x87: {  	_ =	shalt  }
.Lfunc_end0:
.L_simem_size_0:
called_computation.1_lowered:
.L_overlay_start_0:
0x88: {  	s2 =	sld [smem:$0x3FD9]  }
0x89: {  	s3 =	sld [smem:$0x3FFE];
	_ =	sdelay $0x1  }
0x8a: {  	s1 =	srdreg.scid  }
0x8b: {  	s0 =	sand.u32 $0x1, s1  }
0x8c: {  	s17 =	sshll.u32 s0, $0xA;
	s2 =	sadd.s32 s3, s2  }
0x8d: {  	s2 =	sadd.s32 s2, s17  }
0x8e: {  	[smem:$0x3FC2] =	sst s2  }
0x8f: {  	_ = 	snop  }
0x90: {  	s2 =	sld [smem:$0x3FD0];
	(tm) =	ssettm $0x1  }
0x91: {  	s18 =	sld [smem:$0x3FFB];
	_ =	sdelay $0x3  }
0x92: {  	_ =	strace s18  }
0x93: {  	s3 =	sld [smem:$0x3FFC];
	_ =	sdelay $0x3  }
0x94: {  	_ =	strace s3  }
0x95: {  	s3 =	sld [smem:$0x3FFD];
	_ =	sdelay $0x3  }
0x96: {  	_ =	strace s3  }
0x97: {  	_ =	strace $0x8FFFFFFF  }
0x98: {  	s19 =	sld [smem:$0x3FDB];
	_ =	sdelay $0x1  }
0x99: {  	s4 =	simm.s32 $_scs_section_size  }
0x9a: {  	s5 =	simm.s32 $_size__tile_overlayer_lowered;
	s6 =	simm.s32 $_tile_overlayer_lowered  }
0x9b: {  	s22 =	simm.s32 $0x1BFF;
	s21 =	sshll.u32 s6, $0x1;
	s3 =	sadd.s32 s4, s19  }
0x9c: {  	s7 =	simm.s32 $0x0;
	s20 =	sshll.u32 s5, $0x1;
	s5 =	sadd.s32 s21, s3  }
0x9d: {  	[timem:s7], [sflag:s22] =	dma.local [hbm:s5], s20  }
0x9e: {  	_ =	swait.ge [sflag:s22], s20  }
0x9f: {  	s4 =	ssub.s32 $0x0, s20;
	[sflag:s22] =	ssyncset.done $0x0  }
0xa0: {  	[sflag:s22] =	ssyncadd.s32 s4;
	_ =	sdelay $0x1  }
0xa1: {  	s23 =	simm.s32 $0x1B8B  }
0xa2: {  	_ =	swait.ge [sflag:s23], $0x1  }
0xa3: {  	[sflag:s23] =	ssyncset.done $0x0  }
0xa4: {  	s25 =	simm.s32 $0x1B8E;
	s24 =	sld [smem:$0x3FFE];
	[sflag:s23] =	ssyncadd.s32 $0xFFFFFFFF  }
0xa5: {  	s26 =	simm.s32 $execute0_lowered;
	[smem:$0x3FD2] =	sst s25  }
0xa6: {  	s5 =	sshll.u32 s26, $0x1;
	_ =	strace $0x80000049;
	[dreg:$0x1] =	wrdreg $0xFFFFFFFF  }
0xa7: {  	s28 =	simm.s32 $_size_execute0_lowered;
	s3 =	sadd.s32 s3, s5;
	[dreg:$0x0] =	wrdreg $0x0  }
0xa8: {  	s5 =	sshll.u32 s28, $0x1;
	[dreg:$0x2] =	wrdreg s3  }
0xa9: {  	[dreg:$0x3] =	wrdreg s5  }
0xaa: {  	[dreg:$0x4] =	wrdreg $0xC0  }
0xab: {  	_ =	task [dreg:s7], $0x5FFFF  }
0xac: {  	[dreg:$0x1] =	wrdreg $0xFFFFFFFF  }
0xad: {  	[dreg:$0x0] =	wrdreg $0x60  }
0xae: {  	[dreg:$0x2] =	wrdreg s24  }
0xaf: {  	[dreg:$0x3] =	wrdreg s2  }
0xb0: {  	[dreg:$0x4] =	wrdreg $0x98000  }
0xb1: {  	[dreg:$0x5] =	wrdreg $0x9  }
0xb2: {  	_ =	task.clear_ibuf [dreg:s7], $0x6FFFF;
	_ =	strace $0x90000049  }
0xb3: {  	s29 =	simm.s32 $0x9;
	_ =	strace $0x8000004B  }
0xb4: {  	_ =	swait.ge [sflag:s29], $0x1  }
0xb5: {  	[sflag:s29] =	ssyncadd.s32 $0xFFFFFFFF  }
0xb6: {  	_ =	strace $0x9000004B  }
0xb7: {  	_ =	sfence  }
0xb8: {  	s30 =	sld [smem:$0x0];
	_ =	sdelay $0x2  }
0xb9: {  	s31 =	sshll.u32 s1, $0xD;
	s1 =	sshrl.u32 s1, $0x2  }
0xba: {  	s3 =	sand.u32 $0x4000, s31;
	s1 =	sadd.s32 s1, s30  }
0xbb: {  	s0 =	sor.u32 s3, s0;
	s1 =	sshll.u32 s1, $0x11  }
0xbc: {  	s0 =	sor.u32 s1, s0  }
0xbd: {  	s0 =	sadd.s32 $0x8F2B, s0  }
0xbe: {  	[sflag:s0] =	ssyncadd.remote.s32 $0x1  }
0xbf: {  	_ =	sfence.sel $0xFFFF  }
0xc0: {  	[dreg:$0x0] =	wrdreg $0xFFFFFFFF;
	(pc) =	sbr.abs _section_cstart, $3  }
0xc1: {  	[dreg:$0x1] =	wrdreg $0xFFFFFFFF  }
0xc2: {  	_ =	task.clear_ibuf [dreg:s7], $0x2FFFF;
	_ =	strace $0x9FFFFFFF  }
0xc3: {  	(tm) =	ssettm $0x7FFFFFFF  }
tec
execute0_lowered:
.L_overlay_start_1:
0x0: {  	(tag) =	ssettag $0x1  }
0x1: {  	s0 =	rddreg [dreg:$0x0];
	s1 =	srdreg.scid  }
0x2: {  	s7 =	rddreg [dreg:$0x1];
	s11 =	stileid.u32  }
0x3: {  	s8 =	simm.s32 $0x58;
	s2 =	rddreg [dreg:$0x2];
	s3 =	simm.s32 $0x0  }
0x4: {  	s12 =	simm.s32 $0x2C00;
	s15 =	simm.s32 $0x80;
	s16 =	simm.s32 $0x5800  }
0x5: {  	s17 =	simm.s32 $0x6000;
	s19 =	simm.s32 $0x6800;
	s21 =	simm.s32 $0x7000  }
0x6: {  	s22 =	simm.s32 $0x1;
	s28 =	simm.s32 $0x8000;
	s31 =	simm.s32 $0x8800  }
0x7: {  	s18 =	simm.s32 $0x9000;
	s1 =	sand.u32 $0x1, s1;
	s9 =	smul.u32 $0x2780, s11  }
0x8: {  	[smem:$0x7FF] =	sst s3;
	s30 =	sshll.u32 s11, $0x6;
	s4 =	smul.u32 $0x580, s1  }
0x9: {  	p0 =	seq.s32 s1, $0x0;
	s6 =	smul.u32 $0x27800, s1;
	_ =	strace $0x8000004A  }
0xa: {  	s1 =	ssub.s32 $0x2, s1;
	s13 =	sor.u32 $0x1C03, s30;
	s8 =	simm.s32 @!p0 $0x48  }
0xb: {  	s10 =	sshrl.u32 s1, $0x1;
	s25 =	sshrl.u32 s9, $0x3;
	s14 =	sadd.s32 s9, s2  }
0xc: {  	s5 =	smul.u32 s11, s8;
	s23 =	sadd.s32 s9, s6;
	s1 =	ssub.s32 s1, s10  }
0xd: {  	s7 =	sadd.s32 s7, s25;
	s26 =	sshll.u32 s8, $0x9;
	s20 =	sadd.s32 $0xFFFFFFFF, s8  }
0xe: {  	s11 =	simm.s32 $0x3;
	s14 =	sshrl.u32 s14, $0x3;
	s25 =	simm.s32 $0x0  }
0xf: {  	s29 =	sadd.s32 $0xFFFFF000, s26;
	s10 =	smax.u32 s1, $0x1;
	s4 =	sadd.s32 s4, s5  }
0x10: {  	s5 =	sshrl.u32 s23, $0x3;
	[dreg:$0x4] =	wrdreg s29;
	s4 =	sshll.u32 s4, $0x4  }
0x11: {  	s23 =	simm.s32 $0x2;
	s24 =	sadd.s32 s4, s0;
	s4 =	sadd.s32 $0xB600, s0  }
0x12: {  	s0 =	sadd.s32 s5, s0;
	s5 =	sadd.s32 $0x15600, s24;
	s6 =	sadd.s32 $0x1600, s24  }
0x13: {  	s9 =	sadd.s32 $0x1F600, s0;
	s24 =	simm.s32 $0x7800;
	s0 =	simm.s32 $0x580  }
.LBB2_1:
0x14: {  	[tilespmem:s3], [sflag:$0x3] =	stream.linear.gather [hbm4b:s5+s3], $0x2C00, $0x38;
	[tilespmem:$0xBF80] =	vst v63  }
0x15: {  	_ =	swait.ge [sflag:s11], $0x2C00  }
0x16: {  	[sflag:s11] =	ssyncset.done $0x0  }
0x17: {  	[sflag:s11] =	ssyncadd.s32 $0xFFFFD400  }
0x18: {  	[tilespmem:s12], [sflag:$0x3] =	stream.linear.gather [hbm4b:s6+s3], $0x2C00, $0x38;
	[tilespmem:$0xBF80] =	vst v63  }
0x19: {  	_ =	swait.ge [sflag:s11], $0x2C00  }
0x1a: {  	[sflag:s11] =	ssyncset.done $0x0  }
0x1b: {  	[sflag:s11] =	ssyncadd.s32 $0xFFFFD400  }
0x1c: {  	[spmem:s14], [sflag:s13] =	dma.local [hbm:s7], $0x4F0  }
0x1d: {  	_ =	swait.ge [sflag:s11], $0x4F0  }
0x1e: {  	[sflag:s11] =	ssyncset.done $0x0  }
0x1f: {  	[sflag:s11] =	ssyncadd.s32 $0xFFFFFB10  }
0x20: {  	[bflag:$0x0] =	sbarrier.arrive $0xFFFF  }
0x21: {  	[tilespmem:s16], [sflag:$0x1] =	stream.indirect.gather [hbm4b:s4+s15], $0x10, s3, s15, $0xb8;
	[tilespmem:$0xBF80] =	vst v63  }
0x22: {  	_ = 	snop  }
0x23: {  	[tilespmem:s17], [sflag:$0x1] =	stream.indirect.gather [hbm4b:s4+s15], $0x10, s15, s15, $0xb8;
	[tilespmem:$0xBF80] =	vst v63  }
0x24: {  	s1 =	simm.s32 $0x100  }
0x25: {  	[tilespmem:s19], [sflag:$0x1] =	stream.indirect.gather [hbm4b:s4+s15], $0x10, s1, s15, $0xb8;
	[tilespmem:$0xBF80] =	vst v63  }
0x26: {  	s8 =	simm.s32 $0x180  }
0x27: {  	[tilespmem:s21], [sflag:$0x1] =	stream.indirect.gather [hbm4b:s4+s15], $0x10, s8, s15, $0xb8;
	[tilespmem:$0xBF80] =	vst v63  }
0x28: {  	_ =	swait.ge [sflag:s22], $0x800  }
0x29: {  	[sflag:s22] =	ssyncset.done $0x0  }
0x2a: {  	[sflag:s22] =	ssyncadd.s32 $0xFFFFF800  }
0x2b: {  	[spmem:s2] =	stream.indirect.scatter.add.f32 [tilespmem:s16], [sflag:$0x2], $0x10, s12, s15, $0xb8;
	[tilespmem:$0xBF80] =	vst v63  }
0x2c: {  	s26 =	simm.s32 $0x200  }
0x2d: {  	[tilespmem:s24], [sflag:$0x1] =	stream.indirect.gather [hbm4b:s4+s15], $0x10, s26, s15, $0xb8;
	[tilespmem:$0xBF80] =	vst v63  }
0x2e: {  	_ =	swait.ge [sflag:s22], $0x800  }
0x2f: {  	[sflag:s22] =	ssyncset.done $0x0  }
0x30: {  	s30 =	simm.s32 $0x2C80;
	[sflag:s22] =	ssyncadd.s32 $0xFFFFF800  }
0x31: {  	[spmem:s2] =	stream.indirect.scatter.add.f32 [tilespmem:s17], [sflag:$0x2], $0x10, s30, s15, $0xb8;
	[tilespmem:$0xBF80] =	vst v63  }
0x32: {  	s8 =	simm.s32 $0x280  }
0x33: {  	[tilespmem:s28], [sflag:$0x1] =	stream.indirect.gather [hbm4b:s4+s15], $0x10, s8, s15, $0xb8;
	[tilespmem:$0xBF80] =	vst v63  }
0x34: {  	_ =	swait.ge [sflag:s22], $0x800  }
0x35: {  	[sflag:s22] =	ssyncset.done $0x0  }
0x36: {  	s26 =	simm.s32 $0x2D00;
	[sflag:s22] =	ssyncadd.s32 $0xFFFFF800  }
0x37: {  	[spmem:s2] =	stream.indirect.scatter.add.f32 [tilespmem:s19], [sflag:$0x2], $0x10, s26, s15, $0xb8;
	[tilespmem:$0xBF80] =	vst v63  }
0x38: {  	s30 =	simm.s32 $0x300  }
0x39: {  	[tilespmem:s31], [sflag:$0x1] =	stream.indirect.gather [hbm4b:s4+s15], $0x10, s30, s15, $0xb8;
	[tilespmem:$0xBF80] =	vst v63  }
0x3a: {  	_ =	swait.ge [sflag:s22], $0x800  }
0x3b: {  	[sflag:s22] =	ssyncset.done $0x0  }
0x3c: {  	s8 =	simm.s32 $0x2D80;
	[sflag:s22] =	ssyncadd.s32 $0xFFFFF800  }
0x3d: {  	[spmem:s2] =	stream.indirect.scatter.add.f32 [tilespmem:s21], [sflag:$0x2], $0x10, s8, s15, $0xb8;
	[tilespmem:$0xBF80] =	vst v63  }
0x3e: {  	s26 =	simm.s32 $0x380  }
0x3f: {  	[tilespmem:s18], [sflag:$0x1] =	stream.indirect.gather [hbm4b:s4+s15], $0x10, s26, s15, $0xb8;
	[tilespmem:$0xBF80] =	vst v63  }
0x40: {  	_ =	swait.ge [sflag:s22], $0x800  }
0x41: {  	[sflag:s22] =	ssyncset.done $0x0  }
0x42: {  	s30 =	simm.s32 $0x2E00;
	[sflag:s22] =	ssyncadd.s32 $0xFFFFF800  }
0x43: {  	[spmem:s2] =	stream.indirect.scatter.add.f32 [tilespmem:s24], [sflag:$0x2], $0x10, s30, s15, $0xb8;
	[tilespmem:$0xBF80] =	vst v63  }
0x44: {  	_ =	swait.ge [sflag:s23], $0x800  }
0x45: {  	[sflag:s23] =	ssyncset.done $0x0  }
0x46: {  	s8 =	simm.s32 $0x400;
	[sflag:s23] =	ssyncadd.s32 $0xFFFFF800  }
0x47: {  	[tilespmem:s16], [sflag:$0x1] =	stream.indirect.gather [hbm4b:s4+s15], $0x10, s8, s15, $0xb8;
	[tilespmem:$0xBF80] =	vst v63  }
0x48: {  	_ =	swait.ge [sflag:s22], $0x800  }
0x49: {  	[sflag:s22] =	ssyncset.done $0x0  }
0x4a: {  	s26 =	simm.s32 $0x2E80;
	[sflag:s22] =	ssyncadd.s32 $0xFFFFF800  }
0x4b: {  	[spmem:s2] =	stream.indirect.scatter.add.f32 [tilespmem:s28], [sflag:$0x2], $0x10, s26, s15, $0xb8;
	[tilespmem:$0xBF80] =	vst v63  }
0x4c: {  	_ =	swait.ge [sflag:s23], $0x800  }
0x4d: {  	[sflag:s23] =	ssyncset.done $0x0  }
0x4e: {  	s30 =	simm.s32 $0x480;
	[sflag:s23] =	ssyncadd.s32 $0xFFFFF800  }
0x4f: {  	[tilespmem:s17], [sflag:$0x1] =	stream.indirect.gather [hbm4b:s4+s15], $0x10, s30, s15, $0xb8;
	[tilespmem:$0xBF80] =	vst v63  }
0x50: {  	_ =	swait.ge [sflag:s22], $0x800  }
0x51: {  	[sflag:s22] =	ssyncset.done $0x0  }
0x52: {  	s8 =	simm.s32 $0x2F00;
	[sflag:s22] =	ssyncadd.s32 $0xFFFFF800  }
0x53: {  	[spmem:s2] =	stream.indirect.scatter.add.f32 [tilespmem:s31], [sflag:$0x2], $0x10, s8, s15, $0xb8;
	[tilespmem:$0xBF80] =	vst v63  }
0x54: {  	_ =	swait.ge [sflag:s23], $0x800  }
0x55: {  	[sflag:s23] =	ssyncset.done $0x0  }
0x56: {  	s26 =	simm.s32 $0x500;
	[sflag:s23] =	ssyncadd.s32 $0xFFFFF800  }
0x57: {  	[tilespmem:s19], [sflag:$0x1] =	stream.indirect.gather [hbm4b:s4+s15], $0x10, s26, s15, $0xb8;
	[tilespmem:$0xBF80] =	vst v63  }
0x58: {  	_ =	swait.ge [sflag:s22], $0x800  }
0x59: {  	[sflag:s22] =	ssyncset.done $0x0  }
0x5a: {  	s30 =	simm.s32 $0x2F80;
	[sflag:s22] =	ssyncadd.s32 $0xFFFFF800  }
0x5b: {  	[spmem:s2] =	stream.indirect.scatter.add.f32 [tilespmem:s18], [sflag:$0x2], $0x10, s30, s15, $0xb8;
	[tilespmem:$0xBF80] =	vst v63  }
0x5c: {  	_ =	swait.ge [sflag:s23], $0x800  }
0x5d: {  	[sflag:s23] =	ssyncset.done $0x0  }
0x5e: {  	s29 =	simm.s32 $0x0;
	s26 =	simm.s32 $0x13;
	[sflag:s23] =	ssyncadd.s32 $0xFFFFF800  }
0x5f: {  	[tilespmem:s21], [sflag:$0x1] =	stream.indirect.gather [hbm4b:s4+s15], $0x10, s0, s15, $0xb8;
	[tilespmem:$0xBF80] =	vst v63  }
.LBB2_2:
0x60: {  	_ =	swait.ge [sflag:s22], $0x800  }
0x61: {  	s30 =	sshra.s32 s29, $0x2;
	[sflag:s22] =	ssyncset.done $0x0  }
0x62: {  	s1 =	sadd.s32 $0x3000, s30;
	[sflag:s22] =	ssyncadd.s32 $0xFFFFF800  }
0x63: {  	[spmem:s2] =	stream.indirect.scatter.add.f32 [tilespmem:s16], [sflag:$0x2], $0x10, s1, s15, $0xb8;
	[tilespmem:$0xBF80] =	vst v63  }
0x64: {  	s1 =	sadd.s32 $0xFFFFFFF9, s26  }
0x65: {  	s8 =	smov.u32 s20;
	p0 =	slt.s32 s1, s20  }
0x66: {  	_ =	swait.ge [sflag:s23], $0x800;
	s8 =	smov.u32 @p0 s1  }
0x67: {  	[sflag:s23] =	ssyncset.done $0x0;
	s1 =	sshll.u32 s8, $0x9  }
0x68: {  	[sflag:s23] =	ssyncadd.s32 $0xFFFFF800;
	s1 =	sshra.s32 s1, $0x2  }
0x69: {  	[tilespmem:s24], [sflag:$0x1] =	stream.indirect.gather [hbm4b:s4+s15], $0x10, s1, s15, $0xb8;
	[tilespmem:$0xBF80] =	vst v63  }
0x6a: {  	_ =	swait.ge [sflag:s22], $0x800  }
0x6b: {  	[sflag:s22] =	ssyncset.done $0x0  }
0x6c: {  	s8 =	sadd.s32 $0x3080, s30;
	s1 =	sadd.s32 $0xFFFFFFFA, s26;
	[sflag:s22] =	ssyncadd.s32 $0xFFFFF800  }
0x6d: {  	[spmem:s2] =	stream.indirect.scatter.add.f32 [tilespmem:s17], [sflag:$0x2], $0x10, s8, s15, $0xb8;
	[tilespmem:$0xBF80] =	vst v63  }
0x6e: {  	p0 =	slt.s32 s1, s20;
	s8 =	smov.u32 s20  }
0x6f: {  	_ =	swait.ge [sflag:s23], $0x800;
	s8 =	smov.u32 @p0 s1  }
0x70: {  	[sflag:s23] =	ssyncset.done $0x0;
	s1 =	sshll.u32 s8, $0x9  }
0x71: {  	[sflag:s23] =	ssyncadd.s32 $0xFFFFF800;
	s1 =	sshra.s32 s1, $0x2  }
0x72: {  	[tilespmem:s28], [sflag:$0x1] =	stream.indirect.gather [hbm4b:s4+s15], $0x10, s1, s15, $0xb8;
	[tilespmem:$0xBF80] =	vst v63  }
0x73: {  	_ =	swait.ge [sflag:s22], $0x800  }
0x74: {  	[sflag:s22] =	ssyncset.done $0x0  }
0x75: {  	s8 =	sadd.s32 $0x3100, s30;
	s1 =	sadd.s32 $0xFFFFFFFB, s26;
	[sflag:s22] =	ssyncadd.s32 $0xFFFFF800  }
0x76: {  	[spmem:s2] =	stream.indirect.scatter.add.f32 [tilespmem:s19], [sflag:$0x2], $0x10, s8, s15, $0xb8;
	[tilespmem:$0xBF80] =	vst v63  }
0x77: {  	p0 =	slt.s32 s1, s20;
	s8 =	smov.u32 s20  }
0x78: {  	_ =	swait.ge [sflag:s23], $0x800;
	s8 =	smov.u32 @p0 s1  }
0x79: {  	[sflag:s23] =	ssyncset.done $0x0;
	s1 =	sshll.u32 s8, $0x9  }
0x7a: {  	[sflag:s23] =	ssyncadd.s32 $0xFFFFF800;
	s1 =	sshra.s32 s1, $0x2  }
0x7b: {  	[tilespmem:s31], [sflag:$0x1] =	stream.indirect.gather [hbm4b:s4+s15], $0x10, s1, s15, $0xb8;
	[tilespmem:$0xBF80] =	vst v63  }
0x7c: {  	_ =	swait.ge [sflag:s22], $0x800  }
0x7d: {  	[sflag:s22] =	ssyncset.done $0x0  }
0x7e: {  	s8 =	sadd.s32 $0x3180, s30;
	s1 =	sadd.s32 $0xFFFFFFFC, s26;
	[sflag:s22] =	ssyncadd.s32 $0xFFFFF800  }
0x7f: {  	[spmem:s2] =	stream.indirect.scatter.add.f32 [tilespmem:s21], [sflag:$0x2], $0x10, s8, s15, $0xb8;
	[tilespmem:$0xBF80] =	vst v63  }
0x80: {  	p0 =	slt.s32 s1, s20;
	s8 =	smov.u32 s20  }
0x81: {  	_ =	swait.ge [sflag:s23], $0x800;
	s8 =	smov.u32 @p0 s1  }
0x82: {  	[sflag:s23] =	ssyncset.done $0x0;
	s1 =	sshll.u32 s8, $0x9  }
0x83: {  	[sflag:s23] =	ssyncadd.s32 $0xFFFFF800;
	s1 =	sshra.s32 s1, $0x2  }
0x84: {  	[tilespmem:s18], [sflag:$0x1] =	stream.indirect.gather [hbm4b:s4+s15], $0x10, s1, s15, $0xb8;
	[tilespmem:$0xBF80] =	vst v63  }
0x85: {  	_ =	swait.ge [sflag:s22], $0x800  }
0x86: {  	[sflag:s22] =	ssyncset.done $0x0  }
0x87: {  	s8 =	sadd.s32 $0x3200, s30;
	s1 =	sadd.s32 $0xFFFFFFFD, s26;
	[sflag:s22] =	ssyncadd.s32 $0xFFFFF800  }
0x88: {  	[spmem:s2] =	stream.indirect.scatter.add.f32 [tilespmem:s24], [sflag:$0x2], $0x10, s8, s15, $0xb8;
	[tilespmem:$0xBF80] =	vst v63  }
0x89: {  	p0 =	slt.s32 s1, s20;
	s8 =	smov.u32 s20  }
0x8a: {  	_ =	swait.ge [sflag:s23], $0x800;
	s8 =	smov.u32 @p0 s1  }
0x8b: {  	[sflag:s23] =	ssyncset.done $0x0;
	s1 =	sshll.u32 s8, $0x9  }
0x8c: {  	[sflag:s23] =	ssyncadd.s32 $0xFFFFF800;
	s1 =	sshra.s32 s1, $0x2  }
0x8d: {  	[tilespmem:s16], [sflag:$0x1] =	stream.indirect.gather [hbm4b:s4+s15], $0x10, s1, s15, $0xb8;
	[tilespmem:$0xBF80] =	vst v63  }
0x8e: {  	_ =	swait.ge [sflag:s22], $0x800  }
0x8f: {  	[sflag:s22] =	ssyncset.done $0x0  }
0x90: {  	s8 =	sadd.s32 $0x3280, s30;
	s1 =	sadd.s32 $0xFFFFFFFE, s26;
	[sflag:s22] =	ssyncadd.s32 $0xFFFFF800  }
0x91: {  	[spmem:s2] =	stream.indirect.scatter.add.f32 [tilespmem:s28], [sflag:$0x2], $0x10, s8, s15, $0xb8;
	[tilespmem:$0xBF80] =	vst v63  }
0x92: {  	p0 =	slt.s32 s1, s20;
	s8 =	smov.u32 s20  }
0x93: {  	_ =	swait.ge [sflag:s23], $0x800;
	s8 =	smov.u32 @p0 s1  }
0x94: {  	[sflag:s23] =	ssyncset.done $0x0;
	s1 =	sshll.u32 s8, $0x9  }
0x95: {  	[sflag:s23] =	ssyncadd.s32 $0xFFFFF800;
	s1 =	sshra.s32 s1, $0x2  }
0x96: {  	[tilespmem:s17], [sflag:$0x1] =	stream.indirect.gather [hbm4b:s4+s15], $0x10, s1, s15, $0xb8;
	[tilespmem:$0xBF80] =	vst v63  }
0x97: {  	_ =	swait.ge [sflag:s22], $0x800  }
0x98: {  	[sflag:s22] =	ssyncset.done $0x0  }
0x99: {  	s8 =	sadd.s32 $0x3300, s30;
	s1 =	sadd.s32 $0xFFFFFFFF, s26;
	[sflag:s22] =	ssyncadd.s32 $0xFFFFF800  }
0x9a: {  	[spmem:s2] =	stream.indirect.scatter.add.f32 [tilespmem:s31], [sflag:$0x2], $0x10, s8, s15, $0xb8;
	[tilespmem:$0xBF80] =	vst v63  }
0x9b: {  	p0 =	slt.s32 s1, s20;
	s8 =	smov.u32 s20  }
0x9c: {  	_ =	swait.ge [sflag:s23], $0x800;
	s8 =	smov.u32 @p0 s1  }
0x9d: {  	[sflag:s23] =	ssyncset.done $0x0;
	s1 =	sshll.u32 s8, $0x9  }
0x9e: {  	[sflag:s23] =	ssyncadd.s32 $0xFFFFF800;
	s1 =	sshra.s32 s1, $0x2  }
0x9f: {  	[tilespmem:s19], [sflag:$0x1] =	stream.indirect.gather [hbm4b:s4+s15], $0x10, s1, s15, $0xb8;
	[tilespmem:$0xBF80] =	vst v63  }
0xa0: {  	_ =	swait.ge [sflag:s22], $0x800  }
0xa1: {  	[sflag:s22] =	ssyncset.done $0x0  }
0xa2: {  	s8 =	sadd.s32 $0x3380, s30;
	[sflag:s22] =	ssyncadd.s32 $0xFFFFF800  }
0xa3: {  	[spmem:s2] =	stream.indirect.scatter.add.f32 [tilespmem:s18], [sflag:$0x2], $0x10, s8, s15, $0xb8;
	[tilespmem:$0xBF80] =	vst v63  }
0xa4: {  	s29 =	sadd.s32 $0x1000, s29;
	_ =	swait.ge [sflag:s23], $0x800  }
0xa5: {  	p0 =	slt.s32 s26, s20;
	s1 =	smov.u32 s20;
	s30 =	rddreg [dreg:$0x4]  }
0xa6: {  	s1 =	smov.u32 @p0 s26;
	p0 =	sne.s32 s30, s29  }
.Ltmp0:
0xa7: {  	_ = 	snop;
	(pc) =	sbr.rel @p0 .LBB2_2-.Ltmp0, $4  }
0xa8: {  	_ = 	snop  }
0xa9: {  	s1 =	sshll.u32 s1, $0x9;
	[sflag:s23] =	ssyncset.done $0x0  }
0xaa: {  	s26 =	sadd.s32 $0x8, s26;
	s1 =	sshra.s32 s1, $0x2;
	[sflag:s23] =	ssyncadd.s32 $0xFFFFF800  }
0xab: {  	[tilespmem:s21], [sflag:$0x1] =	stream.indirect.gather [hbm4b:s4+s15], $0x10, s1, s15, $0xb8;
	[tilespmem:$0xBF80] =	vst v63  }
0xac: {  	_ =	swait.ge [sflag:s23], $0x800  }
0xad: {  	[sflag:s23] =	ssyncset.done $0x0  }
0xae: {  	[sflag:s23] =	ssyncadd.s32 $0xFFFFF800  }
0xaf: {  	_ =	swait.ge [sflag:s22], $0x800  }
0xb0: {  	[sflag:s22] =	ssyncset.done $0x0  }
0xb1: {  	[sflag:s22] =	ssyncadd.s32 $0xFFFFF800  }
0xb2: {  	_ =	swait.ge [sflag:s23], $0x800  }
0xb3: {  	[sflag:s23] =	ssyncset.done $0x0  }
0xb4: {  	[sflag:s23] =	ssyncadd.s32 $0xFFFFF800  }
0xb5: {  	_ =	swait.ge [sflag:s22], $0x800  }
0xb6: {  	[sflag:s22] =	ssyncset.done $0x0  }
0xb7: {  	[sflag:s22] =	ssyncadd.s32 $0xFFFFF800  }
0xb8: {  	_ =	swait.ge [sflag:s23], $0x800  }
0xb9: {  	[sflag:s23] =	ssyncset.done $0x0  }
0xba: {  	[sflag:s23] =	ssyncadd.s32 $0xFFFFF800  }
0xbb: {  	_ =	swait.ge [sflag:s22], $0x800  }
0xbc: {  	[sflag:s22] =	ssyncset.done $0x0  }
0xbd: {  	[sflag:s22] =	ssyncadd.s32 $0xFFFFF800  }
0xbe: {  	_ =	swait.ge [sflag:s23], $0x800  }
0xbf: {  	[sflag:s23] =	ssyncset.done $0x0  }
0xc0: {  	[sflag:s23] =	ssyncadd.s32 $0xFFFFF800  }
0xc1: {  	_ =	swait.ge [sflag:s22], $0x800  }
0xc2: {  	s25 =	sadd.s32 $0x1, s25;
	[sflag:s22] =	ssyncset.done $0x0  }
0xc3: {  	p0 =	sne.s32 s25, s10;
	[sflag:s22] =	ssyncadd.s32 $0xFFFFF800  }
.Ltmp1:
0xc4: {  	[bflag:$0x0] =	sbarrier.arrive $0xFFFF;
	(pc) =	sbr.rel @p0 .LBB2_1-.Ltmp1, $4  }
0xc5: {  	[hbm:s9], [sflag:s13] =	dma.local [spmem:s14], $0x4F0  }
0xc6: {  	_ =	swait.ge [sflag:s11], $0x4F0  }
0xc7: {  	[sflag:s11] =	ssyncset.done $0x0  }
0xc8: {  	[sflag:s11] =	ssyncadd.s32 $0xFFFFFB10  }
0xc9: {  	_ =	sfence.sel $0x180000  }
0xca: {  	[bflag:$0x0] =	sbarrier.arrive $0xFFFF  }
0xcb: {  	_ =	strace $0x9000004A  }
0xcc: {  	s0 =	stileid.u32;
	[bflag:$0x2] =	sbarrier.arrive $0xFFFF  }
0xcd: {  	p0 =	sne.s32 s0, $0x0;
	s0 =	rddreg [dreg:$0x3]  }
0xce: {  	s0 =	sadd.s32 @!p0 $0x100000, s0  }
0xcf: {  	[sflag:s0] =	ssyncadd.tile.s32 @!p0 $0x1;
	_ =	shalt  }
.Lfunc_end2:
_tile_overlayer_lowered:
.L_overlay_start_2:
0xd0: {  	(tag) =	ssettag $0x2  }
0xd1: {  	s0 =	rddreg [dreg:$0x0];
	s2 =	stileid.u32  }
0xd2: {  	s1 =	rddreg [dreg:$0x1];
	p0 =	sne.s32 s2, $0x0  }
0xd3: {  	s3 =	rddreg [dreg:$0x2];
	[bflag:$0x3] =	sbarrier.arrive $0xFFFF;
	s2 =	simm.s32 @!p0 $0x1C03  }
0xd4: {  	[timem:s3], [sflag:s2] =	dma.local @!p0 [hbm:s0], s1  }
0xd5: {  	s0 =	simm.s32 @!p0 $0x3  }
0xd6: {  	_ =	swait.ge @!p0 [sflag:s0], s1  }
0xd7: {  	s1 =	ssub.s32 @!p0 $0x0, s1;
	[sflag:s0] =	ssyncset.done @!p0 $0x0  }
0xd8: {  	[sflag:s0] =	ssyncadd.s32 @!p0 s1  }
0xd9: {  	[bflag:$0x3] =	sbarrier.arrive $0xFFFF  }
0xda: {  	_ =	shalt  }

// kernel: kernel.15.cloned.1.call-start
scs
__scs_entry_jumppad:
0x0: {  	(pc) =	sbr.rel $0x88, $3  }
0x1: {  	(tag) =	ssettag $0x0;
	lr =	simm.s32 $0x1  }
0x2: {  	[smem:$0x3F9B] =	sst lr;
	_ =	strace $0xD0000000  }
0x3: {  	_ = 	snop  }
0x4: {  	_ = 	snop  }
0x5: {  	_ = 	snop  }
0x6: {  	_ = 	snop  }
0x7: {  	_ = 	snop  }
__scs_overlays_trampoline_lowered:
0x8: {  	[smem:$0x3FAA] =	sst s0  }
0x9: {  	[smem:$0x3FAB] =	sst s1  }
0xa: {  	[smem:$0x3FAC] =	sst s2  }
0xb: {  	[smem:$0x3FAD] =	sst s3  }
0xc: {  	[smem:$0x3FAE] =	sst s4  }
0xd: {  	[smem:$0x3FAF] =	sst s5  }
0xe: {  	[smem:$0x3FB0] =	sst s6  }
0xf: {  	[smem:$0x3FB1] =	sst s7  }
0x10: {  	[smem:$0x3FB2] =	sst s8  }
0x11: {  	[smem:$0x3FB3] =	sst s9;
	s0 =	simm.s32 @!p0 $0x0  }
0x12: {  	s1 =	sld [smem:$0x3F99];
	s0 =	simm.s32 @p0 $0x1  }
0x13: {  	[smem:$0x3FB4] =	sst s0;
	s0 =	simm.s32 @!p1 $0x0  }
0x14: {  	s2 =	sld [smem:$0x3F98];
	s0 =	simm.s32 @p1 $0x1  }
0x15: {  	[smem:$0x3FB5] =	sst s0;
	s0 =	simm.s32 @!p2 $0x0  }
0x16: {  	s3 =	sld [smem:$0x3FDB];
	s0 =	simm.s32 @p2 $0x1  }
0x17: {  	s4 =	simm.s32 $0x1BF5;
	[smem:$0x3FB7] =	sst s0  }
0x18: {  	s0 =	sld [smem:$0x3F9A];
	_ =	swait.ge [sflag:s4], $0x0  }
0x19: {  	s7 =	sld [smem:$0x3F9B]  }
0x1a: {  	s8 =	sadd.s32 $0xFFFFE003, lr  }
0x1b: {  	s9 =	sadd.s32 $0xFFFFFEF7, lr;
	s5 =	simm.s32 $0xFFFFFFFF;
	p2 =	slt.u32 s8, $0xFFFFF086  }
0x1c: {  	p1 =	slt.u32 s9, $0xF7A;
	s5 =	simm.s32 @!p2 $0x0  }
0x1d: {  	s5 =	simm.s32 @p1 $0x1;
	p0 =	seq.s32 s7, s2  }
0x1e: {  	s7 =	smul.u32 @!p0 $0xF7A, s2;
	p2 =	seq.s32 @!p0 s5, $0x0  }
0x1f: {  	s9 =	smul.u32 $0xF7A, s1;
	s8 =	simm.s32 @!p0 $0x1BF5;
	p2 =	por !p2, p0  }
0x20: {  	[sflag:s8] =	ssyncset.s32 @!p0 $0xFFFFF086;
	s6 =	sadd.s32 @!p0 s3, s7;
	s7 =	simm.s32 @!p0 $0x108  }
0x21: {  	s3 =	sadd.s32 s3, s9;
	s6 =	sadd.s32 @!p0 $0x88, s6;
	s7 =	simm.s32 @p2 $0x1082  }
0x22: {  	[simem:s7], [sflag:s8] =	dma.local @!p0 [hbm:s6], $0xF7A  }
0x23: {  	s9 =	sor.u32 $0xD0000000, s2;
	s6 =	simm.s32 $0x108;
	_ =	swait.ge @!p0 [sflag:s8], $0x0  }
0x24: {  	s3 =	sadd.s32 $0x88, s3;
	s6 =	simm.s32 @!p1 $0x1082;
	[sflag:s4] =	ssyncset.s32 $0xFFFFF086  }
0x25: {  	[simem:s6], [sflag:s4] =	dma.local [hbm:s3], $0xF7A  }
0x26: {  	[smem:$0x3F9B] =	sst s1;
	(tag) =	ssettag s2;
	_ =	strace s9  }
0x27: {  	s1 =	sld [smem:$0x3FAB]  }
0x28: {  	s2 =	sld [smem:$0x3FAC]  }
0x29: {  	s4 =	sld [smem:$0x3FAE]  }
0x2a: {  	p0 =	seq.s32 s5, $0x0;
	s5 =	sld [smem:$0x3FAF]  }
0x2b: {  	s6 =	sld [smem:$0x3FB0]  }
0x2c: {  	s7 =	sld [smem:$0x3FB1]  }
0x2d: {  	s3 =	simm.s32 $0x108;
	s8 =	sld [smem:$0x3FB2]  }
0x2e: {  	s3 =	simm.s32 @!p0 $0x1082;
	s9 =	sld [smem:$0x3FB3]  }
0x2f: {  	lr =	sadd.s32 s0, s3;
	s0 =	sld [smem:$0x3FAA]  }
0x30: {  	s3 =	sld [smem:$0x3FAD]  }
0x31: {  	[smem:$0x3FB6] =	sst s10  }
0x32: {  	s10 =	sld [smem:$0x3FB4];
	_ =	sdelay $0x3  }
0x33: {  	p0 =	seq.s32 s10, $0x1;
	s10 =	sld [smem:$0x3FB6];
	_ =	sdelay $0x3  }
0x34: {  	[smem:$0x3FB6] =	sst s10  }
0x35: {  	s10 =	sld [smem:$0x3FB5];
	_ =	sdelay $0x3  }
0x36: {  	p1 =	seq.s32 s10, $0x1;
	s10 =	sld [smem:$0x3FB6];
	_ =	sdelay $0x3  }
0x37: {  	[smem:$0x3FB6] =	sst s10  }
0x38: {  	s10 =	sld [smem:$0x3FB7]  }
0x39: {  	_ = 	snop;
	(pc) =	sbr.ind lr, $3  }
0x3a: {  	_ = 	snop  }
0x3b: {  	_ = 	snop  }
0x3c: {  	p2 =	seq.s32 s10, $0x1;
	s10 =	sld [smem:$0x3FB6]  }
0x3d: {  	_ =	shalt  }
0x3e: {  	_ =	shalt  }
0x3f: {  	_ =	shalt  }
0x40: {  	_ =	shalt  }
0x41: {  	_ =	shalt  }
0x42: {  	_ =	shalt  }
0x43: {  	_ =	shalt  }
0x44: {  	_ =	shalt  }
0x45: {  	_ =	shalt  }
0x46: {  	_ =	shalt  }
0x47: {  	_ =	shalt  }
0x48: {  	_ =	shalt  }
0x49: {  	_ =	shalt  }
0x4a: {  	_ =	shalt  }
0x4b: {  	_ =	shalt  }
0x4c: {  	_ =	shalt  }
0x4d: {  	_ =	shalt  }
0x4e: {  	_ =	shalt  }
0x4f: {  	_ =	shalt  }
0x50: {  	_ =	shalt  }
0x51: {  	_ =	shalt  }
0x52: {  	_ =	shalt  }
0x53: {  	_ =	shalt  }
0x54: {  	_ =	shalt  }
0x55: {  	_ =	shalt  }
0x56: {  	_ =	shalt  }
0x57: {  	_ =	shalt  }
0x58: {  	_ =	shalt  }
0x59: {  	_ =	shalt  }
0x5a: {  	_ =	shalt  }
0x5b: {  	_ =	shalt  }
0x5c: {  	_ =	shalt  }
0x5d: {  	_ =	shalt  }
0x5e: {  	_ =	shalt  }
0x5f: {  	_ =	shalt  }
0x60: {  	_ =	shalt  }
0x61: {  	_ =	shalt  }
0x62: {  	_ =	shalt  }
0x63: {  	_ =	shalt  }
0x64: {  	_ =	shalt  }
0x65: {  	_ =	shalt  }
0x66: {  	_ =	shalt  }
0x67: {  	_ =	shalt  }
0x68: {  	_ =	shalt  }
0x69: {  	_ =	shalt  }
0x6a: {  	_ =	shalt  }
0x6b: {  	_ =	shalt  }
0x6c: {  	_ =	shalt  }
0x6d: {  	_ =	shalt  }
0x6e: {  	_ =	shalt  }
0x6f: {  	_ =	shalt  }
0x70: {  	_ =	shalt  }
0x71: {  	_ =	shalt  }
0x72: {  	_ =	shalt  }
0x73: {  	_ =	shalt  }
0x74: {  	_ =	shalt  }
0x75: {  	_ =	shalt  }
0x76: {  	_ =	shalt  }
0x77: {  	_ =	shalt  }
0x78: {  	_ =	shalt  }
0x79: {  	_ =	shalt  }
0x7a: {  	_ =	shalt  }
0x7b: {  	_ =	shalt  }
0x7c: {  	_ =	shalt  }
0x7d: {  	_ =	shalt  }
0x7e: {  	_ =	shalt  }
0x7f: {  	_ =	shalt  }
0x80: {  	_ =	shalt  }
0x81: {  	_ =	shalt  }
0x82: {  	_ =	shalt  }
0x83: {  	_ =	shalt  }
0x84: {  	_ =	shalt  }
0x85: {  	_ =	shalt  }
0x86: {  	_ =	shalt  }
0x87: {  	_ =	shalt  }
.Lfunc_end0:
.L_simem_size_0:
called_computation.2_lowered:
.L_overlay_start_0:
0x88: {  	s2 =	sld [smem:$0x3FD9]  }
0x89: {  	s3 =	sld [smem:$0x3FFE];
	_ =	sdelay $0x1  }
0x8a: {  	s1 =	srdreg.scid  }
0x8b: {  	s0 =	sand.u32 $0x1, s1  }
0x8c: {  	s17 =	sshll.u32 s0, $0xA;
	s2 =	sadd.s32 s3, s2  }
0x8d: {  	s2 =	sadd.s32 s2, s17  }
0x8e: {  	[smem:$0x3FC2] =	sst s2  }
0x8f: {  	_ = 	snop  }
0x90: {  	s2 =	sld [smem:$0x3FD0];
	(tm) =	ssettm $0x1  }
0x91: {  	s18 =	sld [smem:$0x3FFB];
	_ =	sdelay $0x3  }
0x92: {  	_ =	strace s18  }
0x93: {  	s3 =	sld [smem:$0x3FFC];
	_ =	sdelay $0x3  }
0x94: {  	_ =	strace s3  }
0x95: {  	s3 =	sld [smem:$0x3FFD];
	_ =	sdelay $0x3  }
0x96: {  	_ =	strace s3  }
0x97: {  	_ =	strace $0x8FFFFFFF  }
0x98: {  	s19 =	sld [smem:$0x3FDB];
	_ =	sdelay $0x1  }
0x99: {  	s4 =	simm.s32 $_scs_section_size  }
0x9a: {  	s5 =	simm.s32 $_size__tile_overlayer_lowered;
	s6 =	simm.s32 $_tile_overlayer_lowered  }
0x9b: {  	s22 =	simm.s32 $0x1BFF;
	s21 =	sshll.u32 s6, $0x1;
	s3 =	sadd.s32 s4, s19  }
0x9c: {  	s7 =	simm.s32 $0x0;
	s20 =	sshll.u32 s5, $0x1;
	s5 =	sadd.s32 s21, s3  }
0x9d: {  	[timem:s7], [sflag:s22] =	dma.local [hbm:s5], s20  }
0x9e: {  	_ =	swait.ge [sflag:s22], s20  }
0x9f: {  	s4 =	ssub.s32 $0x0, s20;
	[sflag:s22] =	ssyncset.done $0x0  }
0xa0: {  	[sflag:s22] =	ssyncadd.s32 s4;
	_ =	sdelay $0x1  }
0xa1: {  	s23 =	simm.s32 $0x1B8B  }
0xa2: {  	_ =	swait.ge [sflag:s23], $0x1  }
0xa3: {  	[sflag:s23] =	ssyncset.done $0x0  }
0xa4: {  	s25 =	simm.s32 $0x1B8E;
	s24 =	sld [smem:$0x3FFE];
	[sflag:s23] =	ssyncadd.s32 $0xFFFFFFFF  }
0xa5: {  	s26 =	simm.s32 $execute0_lowered;
	[smem:$0x3FD2] =	sst s25  }
0xa6: {  	s5 =	sshll.u32 s26, $0x1;
	_ =	strace $0x8000004C;
	[dreg:$0x1] =	wrdreg $0xFFFFFFFF  }
0xa7: {  	s28 =	simm.s32 $_size_execute0_lowered;
	s3 =	sadd.s32 s3, s5;
	[dreg:$0x0] =	wrdreg $0x0  }
0xa8: {  	s5 =	sshll.u32 s28, $0x1;
	[dreg:$0x2] =	wrdreg s3  }
0xa9: {  	[dreg:$0x3] =	wrdreg s5  }
0xaa: {  	[dreg:$0x4] =	wrdreg $0xC0  }
0xab: {  	_ =	task [dreg:s7], $0x5FFFF  }
0xac: {  	[dreg:$0x1] =	wrdreg $0xFFFFFFFF  }
0xad: {  	[dreg:$0x0] =	wrdreg $0x60  }
0xae: {  	[dreg:$0x2] =	wrdreg s24  }
0xaf: {  	[dreg:$0x3] =	wrdreg s2  }
0xb0: {  	[dreg:$0x4] =	wrdreg $0x98000  }
0xb1: {  	[dreg:$0x5] =	wrdreg $0x9  }
0xb2: {  	_ =	task.clear_ibuf [dreg:s7], $0x6FFFF;
	_ =	strace $0x9000004C  }
0xb3: {  	s29 =	simm.s32 $0x9;
	_ =	strace $0x8000004E  }
0xb4: {  	_ =	swait.ge [sflag:s29], $0x1  }
0xb5: {  	[sflag:s29] =	ssyncadd.s32 $0xFFFFFFFF  }
0xb6: {  	_ =	strace $0x9000004E  }
0xb7: {  	_ =	sfence  }
0xb8: {  	s30 =	sld [smem:$0x0];
	_ =	sdelay $0x2  }
0xb9: {  	s31 =	sshll.u32 s1, $0xD;
	s1 =	sshrl.u32 s1, $0x2  }
0xba: {  	s3 =	sand.u32 $0x4000, s31;
	s1 =	sadd.s32 s1, s30  }
0xbb: {  	s0 =	sor.u32 s3, s0;
	s1 =	sshll.u32 s1, $0x11  }
0xbc: {  	s0 =	sor.u32 s1, s0  }
0xbd: {  	s0 =	sadd.s32 $0x8F2B, s0  }
0xbe: {  	[sflag:s0] =	ssyncadd.remote.s32 $0x1  }
0xbf: {  	_ =	sfence.sel $0xFFFF  }
0xc0: {  	[dreg:$0x0] =	wrdreg $0xFFFFFFFF;
	(pc) =	sbr.abs _section_cstart, $3  }
0xc1: {  	[dreg:$0x1] =	wrdreg $0xFFFFFFFF  }
0xc2: {  	_ =	task.clear_ibuf [dreg:s7], $0x2FFFF;
	_ =	strace $0x9FFFFFFF  }
0xc3: {  	(tm) =	ssettm $0x7FFFFFFF  }
tec
execute0_lowered:
.L_overlay_start_1:
0x0: {  	(tag) =	ssettag $0x1  }
0x1: {  	s0 =	rddreg [dreg:$0x0];
	s1 =	srdreg.scid  }
0x2: {  	s7 =	rddreg [dreg:$0x1];
	s11 =	stileid.u32  }
0x3: {  	s8 =	simm.s32 $0x58;
	s2 =	rddreg [dreg:$0x2];
	s3 =	simm.s32 $0x0  }
0x4: {  	s12 =	simm.s32 $0x2C00;
	s15 =	simm.s32 $0x80;
	s16 =	simm.s32 $0x5800  }
0x5: {  	s17 =	simm.s32 $0x6000;
	s19 =	simm.s32 $0x6800;
	s21 =	simm.s32 $0x7000  }
0x6: {  	s22 =	simm.s32 $0x1;
	s28 =	simm.s32 $0x8000;
	s31 =	simm.s32 $0x8800  }
0x7: {  	s18 =	simm.s32 $0x9000;
	s1 =	sand.u32 $0x1, s1;
	s9 =	smul.u32 $0x2780, s11  }
0x8: {  	[smem:$0x7FF] =	sst s3;
	s30 =	sshll.u32 s11, $0x6;
	s4 =	smul.u32 $0x580, s1  }
0x9: {  	p0 =	seq.s32 s1, $0x0;
	s6 =	smul.u32 $0x27800, s1;
	_ =	strace $0x8000004D  }
0xa: {  	s1 =	ssub.s32 $0x2, s1;
	s13 =	sor.u32 $0x1C03, s30;
	s8 =	simm.s32 @!p0 $0x48  }
0xb: {  	s10 =	sshrl.u32 s1, $0x1;
	s25 =	sshrl.u32 s9, $0x3;
	s14 =	sadd.s32 s9, s2  }
0xc: {  	s5 =	smul.u32 s11, s8;
	s23 =	sadd.s32 s9, s6;
	s1 =	ssub.s32 s1, s10  }
0xd: {  	s7 =	sadd.s32 s7, s25;
	s26 =	sshll.u32 s8, $0x9;
	s20 =	sadd.s32 $0xFFFFFFFF, s8  }
0xe: {  	s11 =	simm.s32 $0x3;
	s14 =	sshrl.u32 s14, $0x3;
	s25 =	simm.s32 $0x0  }
0xf: {  	s29 =	sadd.s32 $0xFFFFF000, s26;
	s10 =	smax.u32 s1, $0x1;
	s4 =	sadd.s32 s4, s5  }
0x10: {  	s5 =	sshrl.u32 s23, $0x3;
	[dreg:$0x4] =	wrdreg s29;
	s4 =	sshll.u32 s4, $0x4  }
0x11: {  	s23 =	simm.s32 $0x2;
	s24 =	sadd.s32 s4, s0;
	s4 =	sadd.s32 $0xB600, s0  }
0x12: {  	s0 =	sadd.s32 s5, s0;
	s5 =	sadd.s32 $0x15600, s24;
	s6 =	sadd.s32 $0x1600, s24  }
0x13: {  	s9 =	sadd.s32 $0x1F600, s0;
	s24 =	simm.s32 $0x7800;
	s0 =	simm.s32 $0x580  }
.LBB2_1:
0x14: {  	[tilespmem:s3], [sflag:$0x3] =	stream.linear.gather [hbm4b:s5+s3], $0x2C00, $0x38;
	[tilespmem:$0xBF80] =	vst v63  }
0x15: {  	_ =	swait.ge [sflag:s11], $0x2C00  }
0x16: {  	[sflag:s11] =	ssyncset.done $0x0  }
0x17: {  	[sflag:s11] =	ssyncadd.s32 $0xFFFFD400  }
0x18: {  	[tilespmem:s12], [sflag:$0x3] =	stream.linear.gather [hbm4b:s6+s3], $0x2C00, $0x38;
	[tilespmem:$0xBF80] =	vst v63  }
0x19: {  	_ =	swait.ge [sflag:s11], $0x2C00  }
0x1a: {  	[sflag:s11] =	ssyncset.done $0x0  }
0x1b: {  	[sflag:s11] =	ssyncadd.s32 $0xFFFFD400  }
0x1c: {  	[spmem:s14], [sflag:s13] =	dma.local [hbm:s7], $0x4F0  }
0x1d: {  	_ =	swait.ge [sflag:s11], $0x4F0  }
0x1e: {  	[sflag:s11] =	ssyncset.done $0x0  }
0x1f: {  	[sflag:s11] =	ssyncadd.s32 $0xFFFFFB10  }
0x20: {  	[bflag:$0x0] =	sbarrier.arrive $0xFFFF  }
0x21: {  	[tilespmem:s16], [sflag:$0x1] =	stream.indirect.gather [hbm4b:s4+s15], $0x10, s3, s15, $0xb8;
	[tilespmem:$0xBF80] =	vst v63  }
0x22: {  	_ = 	snop  }
0x23: {  	[tilespmem:s17], [sflag:$0x1] =	stream.indirect.gather [hbm4b:s4+s15], $0x10, s15, s15, $0xb8;
	[tilespmem:$0xBF80] =	vst v63  }
0x24: {  	s1 =	simm.s32 $0x100  }
0x25: {  	[tilespmem:s19], [sflag:$0x1] =	stream.indirect.gather [hbm4b:s4+s15], $0x10, s1, s15, $0xb8;
	[tilespmem:$0xBF80] =	vst v63  }
0x26: {  	s8 =	simm.s32 $0x180  }
0x27: {  	[tilespmem:s21], [sflag:$0x1] =	stream.indirect.gather [hbm4b:s4+s15], $0x10, s8, s15, $0xb8;
	[tilespmem:$0xBF80] =	vst v63  }
0x28: {  	_ =	swait.ge [sflag:s22], $0x800  }
0x29: {  	[sflag:s22] =	ssyncset.done $0x0  }
0x2a: {  	[sflag:s22] =	ssyncadd.s32 $0xFFFFF800  }
0x2b: {  	[spmem:s2] =	stream.indirect.scatter.add.f32 [tilespmem:s16], [sflag:$0x2], $0x10, s12, s15, $0xb8;
	[tilespmem:$0xBF80] =	vst v63  }
0x2c: {  	s26 =	simm.s32 $0x200  }
0x2d: {  	[tilespmem:s24], [sflag:$0x1] =	stream.indirect.gather [hbm4b:s4+s15], $0x10, s26, s15, $0xb8;
	[tilespmem:$0xBF80] =	vst v63  }
0x2e: {  	_ =	swait.ge [sflag:s22], $0x800  }
0x2f: {  	[sflag:s22] =	ssyncset.done $0x0  }
0x30: {  	s30 =	simm.s32 $0x2C80;
	[sflag:s22] =	ssyncadd.s32 $0xFFFFF800  }
0x31: {  	[spmem:s2] =	stream.indirect.scatter.add.f32 [tilespmem:s17], [sflag:$0x2], $0x10, s30, s15, $0xb8;
	[tilespmem:$0xBF80] =	vst v63  }
0x32: {  	s8 =	simm.s32 $0x280  }
0x33: {  	[tilespmem:s28], [sflag:$0x1] =	stream.indirect.gather [hbm4b:s4+s15], $0x10, s8, s15, $0xb8;
	[tilespmem:$0xBF80] =	vst v63  }
0x34: {  	_ =	swait.ge [sflag:s22], $0x800  }
0x35: {  	[sflag:s22] =	ssyncset.done $0x0  }
0x36: {  	s26 =	simm.s32 $0x2D00;
	[sflag:s22] =	ssyncadd.s32 $0xFFFFF800  }
0x37: {  	[spmem:s2] =	stream.indirect.scatter.add.f32 [tilespmem:s19], [sflag:$0x2], $0x10, s26, s15, $0xb8;
	[tilespmem:$0xBF80] =	vst v63  }
0x38: {  	s30 =	simm.s32 $0x300  }
0x39: {  	[tilespmem:s31], [sflag:$0x1] =	stream.indirect.gather [hbm4b:s4+s15], $0x10, s30, s15, $0xb8;
	[tilespmem:$0xBF80] =	vst v63  }
0x3a: {  	_ =	swait.ge [sflag:s22], $0x800  }
0x3b: {  	[sflag:s22] =	ssyncset.done $0x0  }
0x3c: {  	s8 =	simm.s32 $0x2D80;
	[sflag:s22] =	ssyncadd.s32 $0xFFFFF800  }
0x3d: {  	[spmem:s2] =	stream.indirect.scatter.add.f32 [tilespmem:s21], [sflag:$0x2], $0x10, s8, s15, $0xb8;
	[tilespmem:$0xBF80] =	vst v63  }
0x3e: {  	s26 =	simm.s32 $0x380  }
0x3f: {  	[tilespmem:s18], [sflag:$0x1] =	stream.indirect.gather [hbm4b:s4+s15], $0x10, s26, s15, $0xb8;
	[tilespmem:$0xBF80] =	vst v63  }
0x40: {  	_ =	swait.ge [sflag:s22], $0x800  }
0x41: {  	[sflag:s22] =	ssyncset.done $0x0  }
0x42: {  	s30 =	simm.s32 $0x2E00;
	[sflag:s22] =	ssyncadd.s32 $0xFFFFF800  }
0x43: {  	[spmem:s2] =	stream.indirect.scatter.add.f32 [tilespmem:s24], [sflag:$0x2], $0x10, s30, s15, $0xb8;
	[tilespmem:$0xBF80] =	vst v63  }
0x44: {  	_ =	swait.ge [sflag:s23], $0x800  }
0x45: {  	[sflag:s23] =	ssyncset.done $0x0  }
0x46: {  	s8 =	simm.s32 $0x400;
	[sflag:s23] =	ssyncadd.s32 $0xFFFFF800  }
0x47: {  	[tilespmem:s16], [sflag:$0x1] =	stream.indirect.gather [hbm4b:s4+s15], $0x10, s8, s15, $0xb8;
	[tilespmem:$0xBF80] =	vst v63  }
0x48: {  	_ =	swait.ge [sflag:s22], $0x800  }
0x49: {  	[sflag:s22] =	ssyncset.done $0x0  }
0x4a: {  	s26 =	simm.s32 $0x2E80;
	[sflag:s22] =	ssyncadd.s32 $0xFFFFF800  }
0x4b: {  	[spmem:s2] =	stream.indirect.scatter.add.f32 [tilespmem:s28], [sflag:$0x2], $0x10, s26, s15, $0xb8;
	[tilespmem:$0xBF80] =	vst v63  }
0x4c: {  	_ =	swait.ge [sflag:s23], $0x800  }
0x4d: {  	[sflag:s23] =	ssyncset.done $0x0  }
0x4e: {  	s30 =	simm.s32 $0x480;
	[sflag:s23] =	ssyncadd.s32 $0xFFFFF800  }
0x4f: {  	[tilespmem:s17], [sflag:$0x1] =	stream.indirect.gather [hbm4b:s4+s15], $0x10, s30, s15, $0xb8;
	[tilespmem:$0xBF80] =	vst v63  }
0x50: {  	_ =	swait.ge [sflag:s22], $0x800  }
0x51: {  	[sflag:s22] =	ssyncset.done $0x0  }
0x52: {  	s8 =	simm.s32 $0x2F00;
	[sflag:s22] =	ssyncadd.s32 $0xFFFFF800  }
0x53: {  	[spmem:s2] =	stream.indirect.scatter.add.f32 [tilespmem:s31], [sflag:$0x2], $0x10, s8, s15, $0xb8;
	[tilespmem:$0xBF80] =	vst v63  }
0x54: {  	_ =	swait.ge [sflag:s23], $0x800  }
0x55: {  	[sflag:s23] =	ssyncset.done $0x0  }
0x56: {  	s26 =	simm.s32 $0x500;
	[sflag:s23] =	ssyncadd.s32 $0xFFFFF800  }
0x57: {  	[tilespmem:s19], [sflag:$0x1] =	stream.indirect.gather [hbm4b:s4+s15], $0x10, s26, s15, $0xb8;
	[tilespmem:$0xBF80] =	vst v63  }
0x58: {  	_ =	swait.ge [sflag:s22], $0x800  }
0x59: {  	[sflag:s22] =	ssyncset.done $0x0  }
0x5a: {  	s30 =	simm.s32 $0x2F80;
	[sflag:s22] =	ssyncadd.s32 $0xFFFFF800  }
0x5b: {  	[spmem:s2] =	stream.indirect.scatter.add.f32 [tilespmem:s18], [sflag:$0x2], $0x10, s30, s15, $0xb8;
	[tilespmem:$0xBF80] =	vst v63  }
0x5c: {  	_ =	swait.ge [sflag:s23], $0x800  }
0x5d: {  	[sflag:s23] =	ssyncset.done $0x0  }
0x5e: {  	s29 =	simm.s32 $0x0;
	s26 =	simm.s32 $0x13;
	[sflag:s23] =	ssyncadd.s32 $0xFFFFF800  }
0x5f: {  	[tilespmem:s21], [sflag:$0x1] =	stream.indirect.gather [hbm4b:s4+s15], $0x10, s0, s15, $0xb8;
	[tilespmem:$0xBF80] =	vst v63  }
.LBB2_2:
0x60: {  	_ =	swait.ge [sflag:s22], $0x800  }
0x61: {  	s30 =	sshra.s32 s29, $0x2;
	[sflag:s22] =	ssyncset.done $0x0  }
0x62: {  	s1 =	sadd.s32 $0x3000, s30;
	[sflag:s22] =	ssyncadd.s32 $0xFFFFF800  }
0x63: {  	[spmem:s2] =	stream.indirect.scatter.add.f32 [tilespmem:s16], [sflag:$0x2], $0x10, s1, s15, $0xb8;
	[tilespmem:$0xBF80] =	vst v63  }
0x64: {  	s1 =	sadd.s32 $0xFFFFFFF9, s26  }
0x65: {  	s8 =	smov.u32 s20;
	p0 =	slt.s32 s1, s20  }
0x66: {  	_ =	swait.ge [sflag:s23], $0x800;
	s8 =	smov.u32 @p0 s1  }
0x67: {  	[sflag:s23] =	ssyncset.done $0x0;
	s1 =	sshll.u32 s8, $0x9  }
0x68: {  	[sflag:s23] =	ssyncadd.s32 $0xFFFFF800;
	s1 =	sshra.s32 s1, $0x2  }
0x69: {  	[tilespmem:s24], [sflag:$0x1] =	stream.indirect.gather [hbm4b:s4+s15], $0x10, s1, s15, $0xb8;
	[tilespmem:$0xBF80] =	vst v63  }
0x6a: {  	_ =	swait.ge [sflag:s22], $0x800  }
0x6b: {  	[sflag:s22] =	ssyncset.done $0x0  }
0x6c: {  	s8 =	sadd.s32 $0x3080, s30;
	s1 =	sadd.s32 $0xFFFFFFFA, s26;
	[sflag:s22] =	ssyncadd.s32 $0xFFFFF800  }
0x6d: {  	[spmem:s2] =	stream.indirect.scatter.add.f32 [tilespmem:s17], [sflag:$0x2], $0x10, s8, s15, $0xb8;
	[tilespmem:$0xBF80] =	vst v63  }
0x6e: {  	p0 =	slt.s32 s1, s20;
	s8 =	smov.u32 s20  }
0x6f: {  	_ =	swait.ge [sflag:s23], $0x800;
	s8 =	smov.u32 @p0 s1  }
0x70: {  	[sflag:s23] =	ssyncset.done $0x0;
	s1 =	sshll.u32 s8, $0x9  }
0x71: {  	[sflag:s23] =	ssyncadd.s32 $0xFFFFF800;
	s1 =	sshra.s32 s1, $0x2  }
0x72: {  	[tilespmem:s28], [sflag:$0x1] =	stream.indirect.gather [hbm4b:s4+s15], $0x10, s1, s15, $0xb8;
	[tilespmem:$0xBF80] =	vst v63  }
0x73: {  	_ =	swait.ge [sflag:s22], $0x800  }
0x74: {  	[sflag:s22] =	ssyncset.done $0x0  }
0x75: {  	s8 =	sadd.s32 $0x3100, s30;
	s1 =	sadd.s32 $0xFFFFFFFB, s26;
	[sflag:s22] =	ssyncadd.s32 $0xFFFFF800  }
0x76: {  	[spmem:s2] =	stream.indirect.scatter.add.f32 [tilespmem:s19], [sflag:$0x2], $0x10, s8, s15, $0xb8;
	[tilespmem:$0xBF80] =	vst v63  }
0x77: {  	p0 =	slt.s32 s1, s20;
	s8 =	smov.u32 s20  }
0x78: {  	_ =	swait.ge [sflag:s23], $0x800;
	s8 =	smov.u32 @p0 s1  }
0x79: {  	[sflag:s23] =	ssyncset.done $0x0;
	s1 =	sshll.u32 s8, $0x9  }
0x7a: {  	[sflag:s23] =	ssyncadd.s32 $0xFFFFF800;
	s1 =	sshra.s32 s1, $0x2  }
0x7b: {  	[tilespmem:s31], [sflag:$0x1] =	stream.indirect.gather [hbm4b:s4+s15], $0x10, s1, s15, $0xb8;
	[tilespmem:$0xBF80] =	vst v63  }
0x7c: {  	_ =	swait.ge [sflag:s22], $0x800  }
0x7d: {  	[sflag:s22] =	ssyncset.done $0x0  }
0x7e: {  	s8 =	sadd.s32 $0x3180, s30;
	s1 =	sadd.s32 $0xFFFFFFFC, s26;
	[sflag:s22] =	ssyncadd.s32 $0xFFFFF800  }
0x7f: {  	[spmem:s2] =	stream.indirect.scatter.add.f32 [tilespmem:s21], [sflag:$0x2], $0x10, s8, s15, $0xb8;
	[tilespmem:$0xBF80] =	vst v63  }
0x80: {  	p0 =	slt.s32 s1, s20;
	s8 =	smov.u32 s20  }
0x81: {  	_ =	swait.ge [sflag:s23], $0x800;
	s8 =	smov.u32 @p0 s1  }
0x82: {  	[sflag:s23] =	ssyncset.done $0x0;
	s1 =	sshll.u32 s8, $0x9  }
0x83: {  	[sflag:s23] =	ssyncadd.s32 $0xFFFFF800;
	s1 =	sshra.s32 s1, $0x2  }
0x84: {  	[tilespmem:s18], [sflag:$0x1] =	stream.indirect.gather [hbm4b:s4+s15], $0x10, s1, s15, $0xb8;
	[tilespmem:$0xBF80] =	vst v63  }
0x85: {  	_ =	swait.ge [sflag:s22], $0x800  }
0x86: {  	[sflag:s22] =	ssyncset.done $0x0  }
0x87: {  	s8 =	sadd.s32 $0x3200, s30;
	s1 =	sadd.s32 $0xFFFFFFFD, s26;
	[sflag:s22] =	ssyncadd.s32 $0xFFFFF800  }
0x88: {  	[spmem:s2] =	stream.indirect.scatter.add.f32 [tilespmem:s24], [sflag:$0x2], $0x10, s8, s15, $0xb8;
	[tilespmem:$0xBF80] =	vst v63  }
0x89: {  	p0 =	slt.s32 s1, s20;
	s8 =	smov.u32 s20  }
0x8a: {  	_ =	swait.ge [sflag:s23], $0x800;
	s8 =	smov.u32 @p0 s1  }
0x8b: {  	[sflag:s23] =	ssyncset.done $0x0;
	s1 =	sshll.u32 s8, $0x9  }
0x8c: {  	[sflag:s23] =	ssyncadd.s32 $0xFFFFF800;
	s1 =	sshra.s32 s1, $0x2  }
0x8d: {  	[tilespmem:s16], [sflag:$0x1] =	stream.indirect.gather [hbm4b:s4+s15], $0x10, s1, s15, $0xb8;
	[tilespmem:$0xBF80] =	vst v63  }
0x8e: {  	_ =	swait.ge [sflag:s22], $0x800  }
0x8f: {  	[sflag:s22] =	ssyncset.done $0x0  }
0x90: {  	s8 =	sadd.s32 $0x3280, s30;
	s1 =	sadd.s32 $0xFFFFFFFE, s26;
	[sflag:s22] =	ssyncadd.s32 $0xFFFFF800  }
0x91: {  	[spmem:s2] =	stream.indirect.scatter.add.f32 [tilespmem:s28], [sflag:$0x2], $0x10, s8, s15, $0xb8;
	[tilespmem:$0xBF80] =	vst v63  }
0x92: {  	p0 =	slt.s32 s1, s20;
	s8 =	smov.u32 s20  }
0x93: {  	_ =	swait.ge [sflag:s23], $0x800;
	s8 =	smov.u32 @p0 s1  }
0x94: {  	[sflag:s23] =	ssyncset.done $0x0;
	s1 =	sshll.u32 s8, $0x9  }
0x95: {  	[sflag:s23] =	ssyncadd.s32 $0xFFFFF800;
	s1 =	sshra.s32 s1, $0x2  }
0x96: {  	[tilespmem:s17], [sflag:$0x1] =	stream.indirect.gather [hbm4b:s4+s15], $0x10, s1, s15, $0xb8;
	[tilespmem:$0xBF80] =	vst v63  }
0x97: {  	_ =	swait.ge [sflag:s22], $0x800  }
0x98: {  	[sflag:s22] =	ssyncset.done $0x0  }
0x99: {  	s8 =	sadd.s32 $0x3300, s30;
	s1 =	sadd.s32 $0xFFFFFFFF, s26;
	[sflag:s22] =	ssyncadd.s32 $0xFFFFF800  }
0x9a: {  	[spmem:s2] =	stream.indirect.scatter.add.f32 [tilespmem:s31], [sflag:$0x2], $0x10, s8, s15, $0xb8;
	[tilespmem:$0xBF80] =	vst v63  }
0x9b: {  	p0 =	slt.s32 s1, s20;
	s8 =	smov.u32 s20  }
0x9c: {  	_ =	swait.ge [sflag:s23], $0x800;
	s8 =	smov.u32 @p0 s1  }
0x9d: {  	[sflag:s23] =	ssyncset.done $0x0;
	s1 =	sshll.u32 s8, $0x9  }
0x9e: {  	[sflag:s23] =	ssyncadd.s32 $0xFFFFF800;
	s1 =	sshra.s32 s1, $0x2  }
0x9f: {  	[tilespmem:s19], [sflag:$0x1] =	stream.indirect.gather [hbm4b:s4+s15], $0x10, s1, s15, $0xb8;
	[tilespmem:$0xBF80] =	vst v63  }
0xa0: {  	_ =	swait.ge [sflag:s22], $0x800  }
0xa1: {  	[sflag:s22] =	ssyncset.done $0x0  }
0xa2: {  	s8 =	sadd.s32 $0x3380, s30;
	[sflag:s22] =	ssyncadd.s32 $0xFFFFF800  }
0xa3: {  	[spmem:s2] =	stream.indirect.scatter.add.f32 [tilespmem:s18], [sflag:$0x2], $0x10, s8, s15, $0xb8;
	[tilespmem:$0xBF80] =	vst v63  }
0xa4: {  	s29 =	sadd.s32 $0x1000, s29;
	_ =	swait.ge [sflag:s23], $0x800  }
0xa5: {  	p0 =	slt.s32 s26, s20;
	s1 =	smov.u32 s20;
	s30 =	rddreg [dreg:$0x4]  }
0xa6: {  	s1 =	smov.u32 @p0 s26;
	p0 =	sne.s32 s30, s29  }
.Ltmp0:
0xa7: {  	_ = 	snop;
	(pc) =	sbr.rel @p0 .LBB2_2-.Ltmp0, $4  }
0xa8: {  	_ = 	snop  }
0xa9: {  	s1 =	sshll.u32 s1, $0x9;
	[sflag:s23] =	ssyncset.done $0x0  }
0xaa: {  	s26 =	sadd.s32 $0x8, s26;
	s1 =	sshra.s32 s1, $0x2;
	[sflag:s23] =	ssyncadd.s32 $0xFFFFF800  }
0xab: {  	[tilespmem:s21], [sflag:$0x1] =	stream.indirect.gather [hbm4b:s4+s15], $0x10, s1, s15, $0xb8;
	[tilespmem:$0xBF80] =	vst v63  }
0xac: {  	_ =	swait.ge [sflag:s23], $0x800  }
0xad: {  	[sflag:s23] =	ssyncset.done $0x0  }
0xae: {  	[sflag:s23] =	ssyncadd.s32 $0xFFFFF800  }
0xaf: {  	_ =	swait.ge [sflag:s22], $0x800  }
0xb0: {  	[sflag:s22] =	ssyncset.done $0x0  }
0xb1: {  	[sflag:s22] =	ssyncadd.s32 $0xFFFFF800  }
0xb2: {  	_ =	swait.ge [sflag:s23], $0x800  }
0xb3: {  	[sflag:s23] =	ssyncset.done $0x0  }
0xb4: {  	[sflag:s23] =	ssyncadd.s32 $0xFFFFF800  }
0xb5: {  	_ =	swait.ge [sflag:s22], $0x800  }
0xb6: {  	[sflag:s22] =	ssyncset.done $0x0  }
0xb7: {  	[sflag:s22] =	ssyncadd.s32 $0xFFFFF800  }
0xb8: {  	_ =	swait.ge [sflag:s23], $0x800  }
0xb9: {  	[sflag:s23] =	ssyncset.done $0x0  }
0xba: {  	[sflag:s23] =	ssyncadd.s32 $0xFFFFF800  }
0xbb: {  	_ =	swait.ge [sflag:s22], $0x800  }
0xbc: {  	[sflag:s22] =	ssyncset.done $0x0  }
0xbd: {  	[sflag:s22] =	ssyncadd.s32 $0xFFFFF800  }
0xbe: {  	_ =	swait.ge [sflag:s23], $0x800  }
0xbf: {  	[sflag:s23] =	ssyncset.done $0x0  }
0xc0: {  	[sflag:s23] =	ssyncadd.s32 $0xFFFFF800  }
0xc1: {  	_ =	swait.ge [sflag:s22], $0x800  }
0xc2: {  	s25 =	sadd.s32 $0x1, s25;
	[sflag:s22] =	ssyncset.done $0x0  }
0xc3: {  	p0 =	sne.s32 s25, s10;
	[sflag:s22] =	ssyncadd.s32 $0xFFFFF800  }
.Ltmp1:
0xc4: {  	[bflag:$0x0] =	sbarrier.arrive $0xFFFF;
	(pc) =	sbr.rel @p0 .LBB2_1-.Ltmp1, $4  }
0xc5: {  	[hbm:s9], [sflag:s13] =	dma.local [spmem:s14], $0x4F0  }
0xc6: {  	_ =	swait.ge [sflag:s11], $0x4F0  }
0xc7: {  	[sflag:s11] =	ssyncset.done $0x0  }
0xc8: {  	[sflag:s11] =	ssyncadd.s32 $0xFFFFFB10  }
0xc9: {  	_ =	sfence.sel $0x180000  }
0xca: {  	[bflag:$0x0] =	sbarrier.arrive $0xFFFF  }
0xcb: {  	_ =	strace $0x9000004D  }
0xcc: {  	s0 =	stileid.u32;
	[bflag:$0x2] =	sbarrier.arrive $0xFFFF  }
0xcd: {  	p0 =	sne.s32 s0, $0x0;
	s0 =	rddreg [dreg:$0x3]  }
0xce: {  	s0 =	sadd.s32 @!p0 $0x100000, s0  }
0xcf: {  	[sflag:s0] =	ssyncadd.tile.s32 @!p0 $0x1;
	_ =	shalt  }
.Lfunc_end2:
_tile_overlayer_lowered:
.L_overlay_start_2:
0xd0: {  	(tag) =	ssettag $0x2  }
0xd1: {  	s0 =	rddreg [dreg:$0x0];
	s2 =	stileid.u32  }
0xd2: {  	s1 =	rddreg [dreg:$0x1];
	p0 =	sne.s32 s2, $0x0  }
0xd3: {  	s3 =	rddreg [dreg:$0x2];
	[bflag:$0x3] =	sbarrier.arrive $0xFFFF;
	s2 =	simm.s32 @!p0 $0x1C03  }
0xd4: {  	[timem:s3], [sflag:s2] =	dma.local @!p0 [hbm:s0], s1  }
0xd5: {  	s0 =	simm.s32 @!p0 $0x3  }
0xd6: {  	_ =	swait.ge @!p0 [sflag:s0], s1  }
0xd7: {  	s1 =	ssub.s32 @!p0 $0x0, s1;
	[sflag:s0] =	ssyncset.done @!p0 $0x0  }
0xd8: {  	[sflag:s0] =	ssyncadd.s32 @!p0 s1  }
0xd9: {  	[bflag:$0x3] =	sbarrier.arrive $0xFFFF  }
0xda: {  	_ =	shalt  }

// kernel: kernel.9.cloned.1.call-start
scs
__scs_entry_jumppad:
0x0: {  	(pc) =	sbr.rel $0x88, $3  }
0x1: {  	(tag) =	ssettag $0x0;
	lr =	simm.s32 $0x1  }
0x2: {  	[smem:$0x3F9B] =	sst lr;
	_ =	strace $0xD0000000  }
0x3: {  	_ = 	snop  }
0x4: {  	_ = 	snop  }
0x5: {  	_ = 	snop  }
0x6: {  	_ = 	snop  }
0x7: {  	_ = 	snop  }
__scs_overlays_trampoline_lowered:
0x8: {  	[smem:$0x3FAA] =	sst s0  }
0x9: {  	[smem:$0x3FAB] =	sst s1  }
0xa: {  	[smem:$0x3FAC] =	sst s2  }
0xb: {  	[smem:$0x3FAD] =	sst s3  }
0xc: {  	[smem:$0x3FAE] =	sst s4  }
0xd: {  	[smem:$0x3FAF] =	sst s5  }
0xe: {  	[smem:$0x3FB0] =	sst s6  }
0xf: {  	[smem:$0x3FB1] =	sst s7  }
0x10: {  	[smem:$0x3FB2] =	sst s8  }
0x11: {  	[smem:$0x3FB3] =	sst s9;
	s0 =	simm.s32 @!p0 $0x0  }
0x12: {  	s1 =	sld [smem:$0x3F99];
	s0 =	simm.s32 @p0 $0x1  }
0x13: {  	[smem:$0x3FB4] =	sst s0;
	s0 =	simm.s32 @!p1 $0x0  }
0x14: {  	s2 =	sld [smem:$0x3F98];
	s0 =	simm.s32 @p1 $0x1  }
0x15: {  	[smem:$0x3FB5] =	sst s0;
	s0 =	simm.s32 @!p2 $0x0  }
0x16: {  	s3 =	sld [smem:$0x3FDB];
	s0 =	simm.s32 @p2 $0x1  }
0x17: {  	s4 =	simm.s32 $0x1BF5;
	[smem:$0x3FB7] =	sst s0  }
0x18: {  	s0 =	sld [smem:$0x3F9A];
	_ =	swait.ge [sflag:s4], $0x0  }
0x19: {  	s7 =	sld [smem:$0x3F9B]  }
0x1a: {  	s8 =	sadd.s32 $0xFFFFE003, lr  }
0x1b: {  	s9 =	sadd.s32 $0xFFFFFEF7, lr;
	s5 =	simm.s32 $0xFFFFFFFF;
	p2 =	slt.u32 s8, $0xFFFFF086  }
0x1c: {  	p1 =	slt.u32 s9, $0xF7A;
	s5 =	simm.s32 @!p2 $0x0  }
0x1d: {  	s5 =	simm.s32 @p1 $0x1;
	p0 =	seq.s32 s7, s2  }
0x1e: {  	s7 =	smul.u32 @!p0 $0xF7A, s2;
	p2 =	seq.s32 @!p0 s5, $0x0  }
0x1f: {  	s9 =	smul.u32 $0xF7A, s1;
	s8 =	simm.s32 @!p0 $0x1BF5;
	p2 =	por !p2, p0  }
0x20: {  	[sflag:s8] =	ssyncset.s32 @!p0 $0xFFFFF086;
	s6 =	sadd.s32 @!p0 s3, s7;
	s7 =	simm.s32 @!p0 $0x108  }
0x21: {  	s3 =	sadd.s32 s3, s9;
	s6 =	sadd.s32 @!p0 $0x88, s6;
	s7 =	simm.s32 @p2 $0x1082  }
0x22: {  	[simem:s7], [sflag:s8] =	dma.local @!p0 [hbm:s6], $0xF7A  }
0x23: {  	s9 =	sor.u32 $0xD0000000, s2;
	s6 =	simm.s32 $0x108;
	_ =	swait.ge @!p0 [sflag:s8], $0x0  }
0x24: {  	s3 =	sadd.s32 $0x88, s3;
	s6 =	simm.s32 @!p1 $0x1082;
	[sflag:s4] =	ssyncset.s32 $0xFFFFF086  }
0x25: {  	[simem:s6], [sflag:s4] =	dma.local [hbm:s3], $0xF7A  }
0x26: {  	[smem:$0x3F9B] =	sst s1;
	(tag) =	ssettag s2;
	_ =	strace s9  }
0x27: {  	s1 =	sld [smem:$0x3FAB]  }
0x28: {  	s2 =	sld [smem:$0x3FAC]  }
0x29: {  	s4 =	sld [smem:$0x3FAE]  }
0x2a: {  	p0 =	seq.s32 s5, $0x0;
	s5 =	sld [smem:$0x3FAF]  }
0x2b: {  	s6 =	sld [smem:$0x3FB0]  }
0x2c: {  	s7 =	sld [smem:$0x3FB1]  }
0x2d: {  	s3 =	simm.s32 $0x108;
	s8 =	sld [smem:$0x3FB2]  }
0x2e: {  	s3 =	simm.s32 @!p0 $0x1082;
	s9 =	sld [smem:$0x3FB3]  }
0x2f: {  	lr =	sadd.s32 s0, s3;
	s0 =	sld [smem:$0x3FAA]  }
0x30: {  	s3 =	sld [smem:$0x3FAD]  }
0x31: {  	[smem:$0x3FB6] =	sst s10  }
0x32: {  	s10 =	sld [smem:$0x3FB4];
	_ =	sdelay $0x3  }
0x33: {  	p0 =	seq.s32 s10, $0x1;
	s10 =	sld [smem:$0x3FB6];
	_ =	sdelay $0x3  }
0x34: {  	[smem:$0x3FB6] =	sst s10  }
0x35: {  	s10 =	sld [smem:$0x3FB5];
	_ =	sdelay $0x3  }
0x36: {  	p1 =	seq.s32 s10, $0x1;
	s10 =	sld [smem:$0x3FB6];
	_ =	sdelay $0x3  }
0x37: {  	[smem:$0x3FB6] =	sst s10  }
0x38: {  	s10 =	sld [smem:$0x3FB7]  }
0x39: {  	_ = 	snop;
	(pc) =	sbr.ind lr, $3  }
0x3a: {  	_ = 	snop  }
0x3b: {  	_ = 	snop  }
0x3c: {  	p2 =	seq.s32 s10, $0x1;
	s10 =	sld [smem:$0x3FB6]  }
0x3d: {  	_ =	shalt  }
0x3e: {  	_ =	shalt  }
0x3f: {  	_ =	shalt  }
0x40: {  	_ =	shalt  }
0x41: {  	_ =	shalt  }
0x42: {  	_ =	shalt  }
0x43: {  	_ =	shalt  }
0x44: {  	_ =	shalt  }
0x45: {  	_ =	shalt  }
0x46: {  	_ =	shalt  }
0x47: {  	_ =	shalt  }
0x48: {  	_ =	shalt  }
0x49: {  	_ =	shalt  }
0x4a: {  	_ =	shalt  }
0x4b: {  	_ =	shalt  }
0x4c: {  	_ =	shalt  }
0x4d: {  	_ =	shalt  }
0x4e: {  	_ =	shalt  }
0x4f: {  	_ =	shalt  }
0x50: {  	_ =	shalt  }
0x51: {  	_ =	shalt  }
0x52: {  	_ =	shalt  }
0x53: {  	_ =	shalt  }
0x54: {  	_ =	shalt  }
0x55: {  	_ =	shalt  }
0x56: {  	_ =	shalt  }
0x57: {  	_ =	shalt  }
0x58: {  	_ =	shalt  }
0x59: {  	_ =	shalt  }
0x5a: {  	_ =	shalt  }
0x5b: {  	_ =	shalt  }
0x5c: {  	_ =	shalt  }
0x5d: {  	_ =	shalt  }
0x5e: {  	_ =	shalt  }
0x5f: {  	_ =	shalt  }
0x60: {  	_ =	shalt  }
0x61: {  	_ =	shalt  }
0x62: {  	_ =	shalt  }
0x63: {  	_ =	shalt  }
0x64: {  	_ =	shalt  }
0x65: {  	_ =	shalt  }
0x66: {  	_ =	shalt  }
0x67: {  	_ =	shalt  }
0x68: {  	_ =	shalt  }
0x69: {  	_ =	shalt  }
0x6a: {  	_ =	shalt  }
0x6b: {  	_ =	shalt  }
0x6c: {  	_ =	shalt  }
0x6d: {  	_ =	shalt  }
0x6e: {  	_ =	shalt  }
0x6f: {  	_ =	shalt  }
0x70: {  	_ =	shalt  }
0x71: {  	_ =	shalt  }
0x72: {  	_ =	shalt  }
0x73: {  	_ =	shalt  }
0x74: {  	_ =	shalt  }
0x75: {  	_ =	shalt  }
0x76: {  	_ =	shalt  }
0x77: {  	_ =	shalt  }
0x78: {  	_ =	shalt  }
0x79: {  	_ =	shalt  }
0x7a: {  	_ =	shalt  }
0x7b: {  	_ =	shalt  }
0x7c: {  	_ =	shalt  }
0x7d: {  	_ =	shalt  }
0x7e: {  	_ =	shalt  }
0x7f: {  	_ =	shalt  }
0x80: {  	_ =	shalt  }
0x81: {  	_ =	shalt  }
0x82: {  	_ =	shalt  }
0x83: {  	_ =	shalt  }
0x84: {  	_ =	shalt  }
0x85: {  	_ =	shalt  }
0x86: {  	_ =	shalt  }
0x87: {  	_ =	shalt  }
.Lfunc_end0:
.L_simem_size_0:
called_computation_lowered:
.L_overlay_start_0:
0x88: {  	s2 =	sld [smem:$0x3FD9]  }
0x89: {  	s3 =	sld [smem:$0x3FFE];
	_ =	sdelay $0x1  }
0x8a: {  	s1 =	srdreg.scid  }
0x8b: {  	s0 =	sand.u32 $0x1, s1  }
0x8c: {  	s17 =	sshll.u32 s0, $0xA;
	s2 =	sadd.s32 s3, s2  }
0x8d: {  	s2 =	sadd.s32 s2, s17  }
0x8e: {  	[smem:$0x3FC2] =	sst s2  }
0x8f: {  	_ = 	snop  }
0x90: {  	s2 =	sld [smem:$0x3FD0];
	(tm) =	ssettm $0x1  }
0x91: {  	s18 =	sld [smem:$0x3FFB];
	_ =	sdelay $0x3  }
0x92: {  	_ =	strace s18  }
0x93: {  	s3 =	sld [smem:$0x3FFC];
	_ =	sdelay $0x3  }
0x94: {  	_ =	strace s3  }
0x95: {  	s3 =	sld [smem:$0x3FFD];
	_ =	sdelay $0x3  }
0x96: {  	_ =	strace s3  }
0x97: {  	_ =	strace $0x8FFFFFFF  }
0x98: {  	s19 =	sld [smem:$0x3FDB];
	_ =	sdelay $0x1  }
0x99: {  	s4 =	simm.s32 $_scs_section_size  }
0x9a: {  	s5 =	simm.s32 $_size__tile_overlayer_lowered;
	s6 =	simm.s32 $_tile_overlayer_lowered  }
0x9b: {  	s22 =	simm.s32 $0x1BFF;
	s21 =	sshll.u32 s6, $0x1;
	s3 =	sadd.s32 s4, s19  }
0x9c: {  	s7 =	simm.s32 $0x0;
	s20 =	sshll.u32 s5, $0x1;
	s5 =	sadd.s32 s21, s3  }
0x9d: {  	[timem:s7], [sflag:s22] =	dma.local [hbm:s5], s20  }
0x9e: {  	_ =	swait.ge [sflag:s22], s20  }
0x9f: {  	s4 =	ssub.s32 $0x0, s20;
	[sflag:s22] =	ssyncset.done $0x0  }
0xa0: {  	[sflag:s22] =	ssyncadd.s32 s4;
	_ =	sdelay $0x1  }
0xa1: {  	s23 =	simm.s32 $0x1B8B  }
0xa2: {  	_ =	swait.ge [sflag:s23], $0x1  }
0xa3: {  	[sflag:s23] =	ssyncset.done $0x0  }
0xa4: {  	s25 =	simm.s32 $0x1B8E;
	s24 =	sld [smem:$0x3FFE];
	[sflag:s23] =	ssyncadd.s32 $0xFFFFFFFF  }
0xa5: {  	s26 =	simm.s32 $execute0_lowered;
	[smem:$0x3FD2] =	sst s25  }
0xa6: {  	s5 =	sshll.u32 s26, $0x1;
	_ =	strace $0x80000046;
	[dreg:$0x1] =	wrdreg $0xFFFFFFFF  }
0xa7: {  	s28 =	simm.s32 $_size_execute0_lowered;
	s3 =	sadd.s32 s3, s5;
	[dreg:$0x0] =	wrdreg $0x0  }
0xa8: {  	s5 =	sshll.u32 s28, $0x1;
	[dreg:$0x2] =	wrdreg s3  }
0xa9: {  	[dreg:$0x3] =	wrdreg s5  }
0xaa: {  	[dreg:$0x4] =	wrdreg $0xC0  }
0xab: {  	_ =	task [dreg:s7], $0x5FFFF  }
0xac: {  	[dreg:$0x1] =	wrdreg $0xFFFFFFFF  }
0xad: {  	[dreg:$0x0] =	wrdreg $0x60  }
0xae: {  	[dreg:$0x2] =	wrdreg s24  }
0xaf: {  	[dreg:$0x3] =	wrdreg s2  }
0xb0: {  	[dreg:$0x4] =	wrdreg $0x34000  }
0xb1: {  	[dreg:$0x5] =	wrdreg $0x9  }
0xb2: {  	_ =	task.clear_ibuf [dreg:s7], $0x6FFFF;
	_ =	strace $0x90000046  }
0xb3: {  	s29 =	simm.s32 $0x9;
	_ =	strace $0x80000048  }
0xb4: {  	_ =	swait.ge [sflag:s29], $0x1  }
0xb5: {  	[sflag:s29] =	ssyncadd.s32 $0xFFFFFFFF  }
0xb6: {  	_ =	strace $0x90000048  }
0xb7: {  	_ =	sfence  }
0xb8: {  	s30 =	sld [smem:$0x0];
	_ =	sdelay $0x2  }
0xb9: {  	s31 =	sshll.u32 s1, $0xD;
	s1 =	sshrl.u32 s1, $0x2  }
0xba: {  	s3 =	sand.u32 $0x4000, s31;
	s1 =	sadd.s32 s1, s30  }
0xbb: {  	s0 =	sor.u32 s3, s0;
	s1 =	sshll.u32 s1, $0x11  }
0xbc: {  	s0 =	sor.u32 s1, s0  }
0xbd: {  	s0 =	sadd.s32 $0x8F2B, s0  }
0xbe: {  	[sflag:s0] =	ssyncadd.remote.s32 $0x1  }
0xbf: {  	_ =	sfence.sel $0xFFFF  }
0xc0: {  	[dreg:$0x0] =	wrdreg $0xFFFFFFFF;
	(pc) =	sbr.abs _section_cstart, $3  }
0xc1: {  	[dreg:$0x1] =	wrdreg $0xFFFFFFFF  }
0xc2: {  	_ =	task.clear_ibuf [dreg:s7], $0x2FFFF;
	_ =	strace $0x9FFFFFFF  }
0xc3: {  	(tm) =	ssettm $0x7FFFFFFF  }
tec
execute0_lowered:
.L_overlay_start_1:
0x0: {  	(tag) =	ssettag $0x1  }
0x1: {  	s6 =	rddreg [dreg:$0x0]  }
0x2: {  	s8 =	rddreg [dreg:$0x1]  }
0x3: {  	s0 =	srdreg.scid;
	s1 =	simm.s32 $0x58;
	s3 =	rddreg [dreg:$0x2]  }
0x4: {  	s2 =	rddreg [dreg:$0x3];
	s4 =	simm.s32 $0x0;
	s5 =	sand.u32 $0x1, s0  }
0x5: {  	s14 =	simm.s32 $0x80;
	s0 =	stileid.u32;
	s7 =	smul.u32 $0x5800, s5  }
0x6: {  	s15 =	simm.s32 $0x1;
	s16 =	simm.s32 $0x0;
	s10 =	smul.u32 $0x2780, s0  }
0x7: {  	[smem:$0x7FF] =	sst s4;
	p0 =	seq.s32 s5, $0x0;
	s11 =	smul.u32 $0x27800, s5  }
0x8: {  	_ =	strace $0x80000047;
	s29 =	ssub.s32 $0x2, s5;
	s1 =	simm.s32 @!p0 $0x48  }
0x9: {  	s5 =	sadd.s32 $0xB600, s6;
	s12 =	sshll.u32 s0, $0x6;
	s9 =	smul.u32 s1, s0  }
0xa: {  	s30 =	sshrl.u32 s29, $0x1;
	s12 =	sor.u32 $0x1C02, s12;
	s28 =	sadd.s32 s10, s11  }
0xb: {  	s11 =	ssub.s32 s29, s30;
	s31 =	sshrl.u32 s10, $0x3;
	s9 =	sshll.u32 s9, $0x4  }
0xc: {  	s13 =	sadd.s32 s10, s3;
	s10 =	simm.s32 $0x2;
	s7 =	sadd.s32 s7, s9  }
0xd: {  	s13 =	sshrl.u32 s13, $0x3;
	s9 =	sshrl.u32 s28, $0x3;
	s7 =	sadd.s32 s7, s6  }
0xe: {  	s9 =	sadd.s32 s9, s6;
	s6 =	sadd.s32 $0x1600, s7;
	s7 =	sadd.s32 s8, s31  }
0xf: {  	s8 =	sadd.s32 $0xB800, s9;
	s9 =	smax.u32 s11, $0x1;
	s11 =	simm.s32 $0x2C00  }
.LBB2_1:
0x10: {  	[tilespmem:s4], [sflag:$0x2] =	stream.linear.gather [hbm4b:s6+s4], $0x2C00, $0x38;
	[tilespmem:$0x5B80] =	vst v63  }
0x11: {  	_ =	swait.ge [sflag:s10], $0x2C00  }
0x12: {  	[sflag:s10] =	ssyncset.done $0x0  }
0x13: {  	[sflag:s10] =	ssyncadd.s32 $0xFFFFD400  }
0x14: {  	[tilespmem:s11], [sflag:$0x2] =	stream.linear.gather [hbm4b:s5+s4], $0x800, $0x38;
	[tilespmem:$0x5B80] =	vst v63  }
0x15: {  	_ =	swait.ge [sflag:s10], $0x800  }
0x16: {  	[sflag:s10] =	ssyncset.done $0x0  }
0x17: {  	p0 =	sne.s32 s1, $0x1;
	[sflag:s10] =	ssyncadd.s32 $0xFFFFF800  }
0x18: {  	[spmem:s13], [sflag:s12] =	dma.local [hbm:s7], $0x4F0  }
.Ltmp0:
0x19: {  	_ =	swait.ge [sflag:s10], $0x4F0;
	(pc) =	sbr.rel @!p0 .LBB2_3-.Ltmp0, $4  }
0x1a: {  	[sflag:s10] =	ssyncset.done $0x0  }
0x1b: {  	[sflag:s10] =	ssyncadd.s32 $0xFFFFFB10  }
0x1c: {  	s17 =	sadd.s32 $0xFFFFFFFF, s1;
	s18 =	simm.s32 $0x0;
	[bflag:$0x0] =	sbarrier.arrive $0xFFFF  }
0x1d: {  	[spmem:s3] =	stream.indirect.scatter.add.f32 [tilespmem:s11], [sflag:$0x1], $0x10, s4, s14, $0xb8;
	[tilespmem:$0x5B80] =	vst v63  }
.LBB2_2:
0x1e: {  	p1 =	sne.s32 s17, $0x1  }
.Ltmp1:
0x1f: {  	_ = 	snop;
	(pc) =	sbr.rel @p1 .LBB2_2-.Ltmp1, $3  }
0x20: {  	_ = 	snop  }
0x21: {  	s17 =	sadd.s32 $0xFFFFFFFF, s17;
	s18 =	sadd.s32 $0x80, s18;
	_ =	sdelay $0x1  }
0x22: {  	[spmem:s3] =	stream.indirect.scatter.add.f32 [tilespmem:s11], [sflag:$0x1], $0x10, s18, s14, $0xb8;
	[tilespmem:$0x5B80] =	vst v63  }
.LBB2_3:
.Ltmp2:
0x23: {  	(pc) =	sbr.rel @!p0 .LBB2_5-.Ltmp2, $3  }
0x24: {  	_ =	sdelay $0x1  }
0x25: {  	_ =	swait.ge [sflag:s15], $0x800  }
0x26: {  	s17 =	sadd.s32 $0xFFFFFFFF, s1;
	[sflag:s15] =	ssyncset.done $0x0  }
.LBB2_4:
0x27: {  	p0 =	sne.s32 s17, $0x1;
	s17 =	sadd.s32 $0xFFFFFFFF, s17;
	[sflag:s15] =	ssyncadd.s32 $0xFFFFF800  }
.Ltmp3:
0x28: {  	(pc) =	sbr.rel @p0 .LBB2_4-.Ltmp3, $3  }
0x29: {  	_ =	sdelay $0x1  }
0x2a: {  	_ =	swait.ge [sflag:s15], $0x800  }
0x2b: {  	[sflag:s15] =	ssyncset.done $0x0  }
.LBB2_5:
0x2c: {  	s16 =	sadd.s32 $0x1, s16  }
0x2d: {  	[sflag:s15] =	ssyncadd.s32 $0xFFFFF800;
	p0 =	sne.s32 s16, s9  }
.Ltmp4:
0x2e: {  	[bflag:$0x0] =	sbarrier.arrive $0xFFFF;
	(pc) =	sbr.rel @p0 .LBB2_1-.Ltmp4, $4  }
0x2f: {  	[hbm:s8], [sflag:s12] =	dma.local [spmem:s13], $0x4F0  }
0x30: {  	_ =	swait.ge [sflag:s10], $0x4F0  }
0x31: {  	[sflag:s10] =	ssyncset.done $0x0  }
0x32: {  	[sflag:s10] =	ssyncadd.s32 $0xFFFFFB10  }
0x33: {  	_ =	sfence.sel $0x180000  }
0x34: {  	[bflag:$0x0] =	sbarrier.arrive $0xFFFF  }
0x35: {  	p0 =	sne.s32 s0, $0x0;
	_ =	strace $0x90000047  }
0x36: {  	s0 =	sadd.s32 @!p0 $0x100000, s2;
	[bflag:$0x2] =	sbarrier.arrive $0xFFFF  }
0x37: {  	[sflag:s0] =	ssyncadd.tile.s32 @!p0 $0x1;
	_ =	shalt  }
.Lfunc_end2:
_tile_overlayer_lowered:
.L_overlay_start_2:
0x38: {  	(tag) =	ssettag $0x2  }
0x39: {  	s0 =	rddreg [dreg:$0x0];
	s2 =	stileid.u32  }
0x3a: {  	s1 =	rddreg [dreg:$0x1];
	p0 =	sne.s32 s2, $0x0  }
0x3b: {  	s3 =	rddreg [dreg:$0x2];
	[bflag:$0x3] =	sbarrier.arrive $0xFFFF;
	s2 =	simm.s32 @!p0 $0x1C02  }
0x3c: {  	[timem:s3], [sflag:s2] =	dma.local @!p0 [hbm:s0], s1  }
0x3d: {  	s0 =	simm.s32 @!p0 $0x2  }
0x3e: {  	_ =	swait.ge @!p0 [sflag:s0], s1  }
0x3f: {  	s1 =	ssub.s32 @!p0 $0x0, s1;
	[sflag:s0] =	ssyncset.done @!p0 $0x0  }
0x40: {  	[sflag:s0] =	ssyncadd.s32 @!p0 s1  }
0x41: {  	[bflag:$0x3] =	sbarrier.arrive $0xFFFF  }
0x42: {  	_ =	shalt  }

</sc_bundles>
